<compile_context>
chip_gen: v7x
topology: tpu7x:2x2x1
jax: 0.10.2.dev20260603
libtpu: 0.0.44.dev20260713+nightly
codegen_flags: <defaults>
</compile_context>

<pallas_src>
import functools

import numpy as np
import jax
import jax.numpy as jnp
from jax import lax
from jax.experimental import pallas as pl
from jax.experimental.pallas import tpu as pltpu
from jax.experimental.pallas import tpu_sc as plsc

_BN_DIV = np.sqrt(1.0 + 1e-5)
_F32 = jnp.float32


def _fps_body(xa_ref, xb_ref, sa_ref, sb_ref, na_ref, nb_ref, da_ref, db_ref,
              *, n, npoint):
    n8 = n // 8
    xa = xa_ref[0]
    ya = xa_ref[1]
    za = xa_ref[2]
    xb = xb_ref[0]
    yb = xb_ref[1]
    zb = xb_ref[2]
    rowi = lax.broadcasted_iota(jnp.int32, (8, n8), 0)
    coli = lax.broadcasted_iota(jnp.int32, (8, n8), 1)
    flat = rowi * n8 + coli
    da_ref[...] = jnp.full((8, n8), 1e10, _F32)
    db_ref[...] = jnp.full((8, n8), 1e10, _F32)

    def body(i, fs):
        fa, fb = fs
        fa3 = fa * 3
        fb3 = fb * 3
        cxa = sa_ref[fa3]
        cya = sa_ref[fa3 + 1]
        cza = sa_ref[fa3 + 2]
        cxb = sb_ref[fb3]
        cyb = sb_ref[fb3 + 1]
        czb = sb_ref[fb3 + 2]
        dxa = xa - cxa
        dya = ya - cya
        dza = za - cza
        dxb = xb - cxb
        dyb = yb - cyb
        dzb = zb - czb
        dista = (dxa * dxa + dza * dza) + dya * dya
        distb = (dxb * dxb + dzb * dzb) + dyb * dyb
        da = jnp.minimum(da_ref[...], dista)
        db = jnp.minimum(db_ref[...], distb)
        da_ref[...] = da
        db_ref[...] = db
        ma = jnp.max(da)
        mb = jnp.max(db)
        fna = jnp.min(jnp.where(da == ma, flat, jnp.int32(n)))
        fnb = jnp.min(jnp.where(db == mb, flat, jnp.int32(n)))
        na_ref[pl.ds(i, 1), :] = jnp.stack([cxa, cya, cza]).reshape(1, 3)
        nb_ref[pl.ds(i, 1), :] = jnp.stack([cxb, cyb, czb]).reshape(1, 3)
        return (fna, fnb)

    lax.fori_loop(0, npoint, body, (jnp.int32(0), jnp.int32(0)))


def _fps2(xa3, xb3, xar, xbr, npoint):
    n = xa3.shape[1]
    ra = xa3.reshape(3, 8, n // 8)
    rb = xb3.reshape(3, 8, n // 8)
    return pl.pallas_call(
        functools.partial(_fps_body, n=n, npoint=npoint),
        in_specs=[
            pl.BlockSpec((3, 8, n // 8), lambda: (0, 0, 0)),
            pl.BlockSpec((3, 8, n // 8), lambda: (0, 0, 0)),
            pl.BlockSpec(memory_space=pltpu.SMEM),
            pl.BlockSpec(memory_space=pltpu.SMEM),
        ],
        out_shape=[
            jax.ShapeDtypeStruct((npoint, 3), _F32),
            jax.ShapeDtypeStruct((npoint, 3), _F32),
        ],
        scratch_shapes=[pltpu.VMEM((8, n // 8), _F32),
                        pltpu.VMEM((8, n // 8), _F32)],
    )(ra, rb, xar.reshape(-1), xbr.reshape(-1))


def _ballq_body(new_ref, xyz_ref, idx_ref, *, n, r2, ns):
    ts = new_ref.shape[0]
    c = new_ref[...]
    x3 = xyz_ref[...]
    x = x3[0:1, :]
    y = x3[1:2, :]
    z = x3[2:3, :]
    cx = c[:, 0:1]
    cy = c[:, 1:2]
    cz = c[:, 2:3]
    ssx = (x * x + z * z) + y * y
    ssc = (cx * cx + cz * cz) + cy * cy
    dot = lax.dot_general(c, x3, (((1,), (0,)), ((), ())))
    d2 = ssc + ssx - 2.0 * dot
    col = lax.broadcasted_iota(jnp.int32, (ts, n), 1)
    key = jnp.where(d2 <= r2, col, jnp.int32(n))
    prev = jnp.full((ts, 1), -1, jnp.int32)
    first = None
    for k in range(ns):
        cand = jnp.where(key > prev, key, jnp.int32(n))
        mk = jnp.min(cand, axis=1, keepdims=True)
        if k == 0:
            first = mk
            outk = mk
        else:
            outk = jnp.where(mk == n, first, mk)
        idx_ref[:, k:k + 1] = jnp.minimum(outk, n - 1)
        prev = mk


def _ballq(new_r, xyz3, r2, ns, ts):
    s = new_r.shape[0]
    n = xyz3.shape[1]
    return pl.pallas_call(
        functools.partial(_ballq_body, n=n, r2=r2, ns=ns),
        grid=(s // ts,),
        in_specs=[
            pl.BlockSpec((ts, 3), lambda t: (t, 0)),
            pl.BlockSpec((3, n), lambda t: (0, 0)),
        ],
        out_specs=pl.BlockSpec((ts, ns), lambda t: (t, 0)),
        out_shape=jax.ShapeDtypeStruct((s, ns), jnp.int32),
    )(new_r, xyz3)


def _knn_body(cent_ref, cand_ref, val_ref, idx_ref, *, m, k):
    ts = cent_ref.shape[0]
    c = cent_ref[...]
    x3 = cand_ref[...]
    x = x3[0:1, :]
    y = x3[1:2, :]
    z = x3[2:3, :]
    cx = c[:, 0:1]
    cy = c[:, 1:2]
    cz = c[:, 2:3]
    ssx = (x * x + z * z) + y * y
    ssc = (cx * cx + cz * cz) + cy * cy
    dot = lax.dot_general(c, x3, (((1,), (0,)), ((), ())))
    cur = ssc + ssx - 2.0 * dot
    col = lax.broadcasted_iota(jnp.int32, (ts, m), 1)
    big = _F32(3.0e38)
    for kk in range(k):
        mv = jnp.min(cur, axis=1, keepdims=True)
        jk = jnp.min(jnp.where(cur == mv, col, jnp.int32(m)), axis=1,
                     keepdims=True)
        val_ref[:, kk:kk + 1] = mv
        idx_ref[:, kk:kk + 1] = jk
        cur = jnp.where(col == jk, big, cur)


def _knn(cent_r, cand3, k, ts):
    s = cent_r.shape[0]
    m = cand3.shape[1]
    return pl.pallas_call(
        functools.partial(_knn_body, m=m, k=k),
        grid=(s // ts,),
        in_specs=[
            pl.BlockSpec((ts, 3), lambda t: (t, 0)),
            pl.BlockSpec((3, m), lambda t: (0, 0)),
        ],
        out_specs=[
            pl.BlockSpec((ts, k), lambda t: (t, 0)),
            pl.BlockSpec((ts, k), lambda t: (t, 0)),
        ],
        out_shape=[
            jax.ShapeDtypeStruct((s, k), _F32),
            jax.ShapeDtypeStruct((s, k), jnp.int32),
        ],
    )(cent_r, cand3)


def _sc_gather(table, idx):
    b = idx.shape[0]
    d = table.shape[1]
    nw = 32
    bpw = b // nw
    mesh = plsc.VectorSubcoreMesh(core_axis_name="c", subcore_axis_name="s")

    @functools.partial(
        pl.kernel,
        mesh=mesh,
        compiler_params=pltpu.CompilerParams(use_tc_tiling_on_sc=False),
        out_type=jax.ShapeDtypeStruct((b, d), _F32),
        scratch_types=[
            pltpu.VMEM((bpw,), jnp.int32),
            pltpu.VMEM((bpw, d), _F32),
            pltpu.SemaphoreType.DMA,
        ],
    )
    def k(table_hbm, idx_hbm, out_hbm, idx_v, rows_v, sem):
        wid = lax.axis_index("s") * 2 + lax.axis_index("c")
        base = wid * bpw
        pltpu.sync_copy(idx_hbm.at[pl.ds(base, bpw)], idx_v)
        pltpu.async_copy(table_hbm.at[idx_v], rows_v, sem).wait()
        pltpu.sync_copy(rows_v, out_hbm.at[pl.ds(base, bpw)])

    return k(table, idx)


def _sa_body(g_ref, c_ref, w1_ref, w2_ref, o_ref, *, k, dp, d2):
    ts = c_ref.shape[0]
    c = c_ref[...]
    sub = jnp.concatenate([c, jnp.zeros((ts, dp - 3), _F32)], axis=1)
    h = g_ref[...] - sub[None, :, :]
    a = jnp.maximum(
        lax.dot_general(h.reshape(k * ts, dp), w1_ref[...],
                        (((1,), (1,)), ((), ()))) / _BN_DIV, 0.0)
    b = jnp.maximum(
        lax.dot_general(a, w2_ref[...],
                        (((1,), (1,)), ((), ()))) / _BN_DIV, 0.0)
    o_ref[...] = jnp.max(b.reshape(k, ts, d2), axis=0)


def _sa_mlp(g3, cent_r, w1p, w2, ts):
    k, s, dp = g3.shape
    d2 = w2.shape[0]
    return pl.pallas_call(
        functools.partial(_sa_body, k=k, dp=dp, d2=d2),
        grid=(s // ts,),
        in_specs=[
            pl.BlockSpec((k, ts, dp), lambda t: (0, t, 0)),
            pl.BlockSpec((ts, 3), lambda t: (t, 0)),
            pl.BlockSpec(w1p.shape, lambda t: (0, 0)),
            pl.BlockSpec(w2.shape, lambda t: (0, 0)),
        ],
        out_specs=pl.BlockSpec((ts, d2), lambda t: (t, 0)),
        out_shape=jax.ShapeDtypeStruct((s, d2), _F32),
    )(g3, cent_r, w1p, w2)


def _upconv_body(g_ref, c_ref, f1_ref, wg_ref, wf_ref, o_ref, *, k, dp, df):
    ts = c_ref.shape[0]
    c = c_ref[...]
    sub = jnp.concatenate(
        [jnp.zeros((ts, df), _F32), c, jnp.zeros((ts, dp - df - 3), _F32)],
        axis=1)
    h = g_ref[...] - sub[None, :, :]
    a = jnp.maximum(
        lax.dot_general(h.reshape(k * ts, dp), wg_ref[...],
                        (((1,), (1,)), ((), ()))) / _BN_DIV, 0.0)
    hm = jnp.max(a.reshape(k, ts, 32), axis=0)
    h2 = jnp.concatenate([hm, f1_ref[...]], axis=1)
    o = lax.dot_general(h2, wf_ref[...], (((1,), (1,)), ((), ())))
    o_ref[...] = jnp.maximum(o / _BN_DIV, 0.0)


def _upconv(g3, cent_r, f1, wgp, wf, ts):
    k, s, dp = g3.shape
    df = 64
    return pl.pallas_call(
        functools.partial(_upconv_body, k=k, dp=dp, df=df),
        grid=(s // ts,),
        in_specs=[
            pl.BlockSpec((k, ts, dp), lambda t: (0, t, 0)),
            pl.BlockSpec((ts, 3), lambda t: (t, 0)),
            pl.BlockSpec((ts, 32), lambda t: (t, 0)),
            pl.BlockSpec(wgp.shape, lambda t: (0, 0)),
            pl.BlockSpec(wf.shape, lambda t: (0, 0)),
        ],
        out_specs=pl.BlockSpec((ts, 32), lambda t: (t, 0)),
        out_shape=jax.ShapeDtypeStruct((s, 32), _F32),
    )(g3, cent_r, f1, wgp, wf)


def _fp_body(g_ref, w_ref, fea_ref, wp_ref, cw_ref, cb_ref, o_ref, *, dpad):
    ts = w_ref.shape[0]
    g = g_ref[...]
    w = w_ref[...]
    t0 = w[:, 0:1] * g[0]
    t1 = w[:, 1:2] * g[1]
    t2 = w[:, 2:3] * g[2]
    interp = (t0 + t1) + t2
    hcat = jnp.concatenate(
        [interp, fea_ref[...], jnp.zeros((ts, dpad), _F32)], axis=1)
    l0 = jnp.maximum(
        lax.dot_general(hcat, wp_ref[...], (((1,), (1,)), ((), ()))) / _BN_DIV,
        0.0)
    xv = jnp.maximum(l0 / _BN_DIV, 0.0)
    f = lax.dot_general(xv, cw_ref[...], (((1,), (1,)), ((), ()))) + cb_ref[...]
    o_ref[...] = f


def _fp_final(g3, w3, fea, wpp, cw, cb, ts):
    _, s, d = g3.shape
    do = cw.shape[0]
    cb2 = cb.reshape(1, do)
    dpad = wpp.shape[1] - d - fea.shape[1]
    return pl.pallas_call(
        functools.partial(_fp_body, dpad=dpad),
        grid=(s // ts,),
        in_specs=[
            pl.BlockSpec((3, ts, d), lambda t: (0, t, 0)),
            pl.BlockSpec((ts, 3), lambda t: (t, 0)),
            pl.BlockSpec((ts, fea.shape[1]), lambda t: (t, 0)),
            pl.BlockSpec(wpp.shape, lambda t: (0, 0)),
            pl.BlockSpec(cw.shape, lambda t: (0, 0)),
            pl.BlockSpec((1, do), lambda t: (0, 0)),
        ],
        out_specs=pl.BlockSpec((ts, do), lambda t: (t, 0)),
        out_shape=jax.ShapeDtypeStruct((s, do), _F32),
    )(g3, w3, fea, wpp, cw, cb2)


def _padw(w, cols):
    o, c = w.shape
    return jnp.concatenate([w, jnp.zeros((o, cols - c), _F32)], axis=1)


def _sa1_stage(pc, fea, new1r, prm):
    bq1 = _ballq(new1r, pc.T, 1.0, 32, ts=128)
    t1 = jnp.concatenate([pc, fea, jnp.zeros((8192, 3), _F32)], axis=1)
    g1 = _sc_gather(t1, bq1.T.reshape(-1))
    return _sa_mlp(g1.reshape(32, 4096, 16), new1r,
                   _padw(prm['sa1_w1'], 16), prm['sa1_w2'], ts=512)


def _tail_stage(pc, fea, new1r, new2r, l1_f, prm):
    bq2 = _ballq(new2r, new1r.T, 4.0, 32, ts=128)
    t2 = jnp.concatenate([new1r, l1_f, jnp.zeros((4096, 13), _F32)], axis=1)
    g2 = _sc_gather(t2, bq2.T.reshape(-1))
    l2_f = _sa_mlp(g2.reshape(32, 1024, 48), new2r,
                   _padw(prm['sa2_w1'], 48), prm['sa2_w2'], ts=256)

    _, su_idx = _knn(new1r, new2r.T, 8, ts=512)
    tg = jnp.concatenate([l2_f, new2r, jnp.zeros((1024, 13), _F32)], axis=1)
    gg = _sc_gather(tg, su_idx.T.reshape(-1))
    l1_fnew = _upconv(gg.reshape(8, 4096, 80), new1r, l1_f,
                      _padw(prm['su1_wg'], 80), prm['su1_wf'], ts=512)

    d3, fp_idx = _knn(pc, new1r.T, 3, ts=256)
    dist_recip = 1.0 / (d3 + 1e-8)
    w3 = dist_recip / jnp.sum(dist_recip, axis=-1, keepdims=True)
    gf = _sc_gather(l1_fnew, fp_idx.T.reshape(-1))
    f = _fp_final(gf.reshape(3, 8192, 32), w3, fea, _padw(prm['fp_w'], 48),
                  prm['conv2_w'], prm['conv2_b'], ts=1024)
    return jnp.concatenate([pc, f], axis=-1)


def kernel(pc1, fea1, weights1, pc2, fea2, weights2, params):
    pa, fa = pc1[0], fea1[0]
    pb, fb = pc2[0], fea2[0]
    new1a, new1b = _fps2(pa.T, pb.T, pa, pb, 4096)
    l1fa = _sa1_stage(pa, fa, new1a, params)
    l1fb = _sa1_stage(pb, fb, new1b, params)
    new2a, new2b = _fps2(new1a.T, new1b.T, new1a, new1b, 1024)
    sf = _tail_stage(pa, fa, new1a, new2a, l1fa, params)
    tf = _tail_stage(pb, fb, new1b, new2b, l1fb, params)
    return (sf[None], tf[None])

# --- scband reference (transcript-rebuilt; emitter-appended) ---
"""Pipeline reference for scband-point-net2-fea-extractor-9474697855456 (READ-ONLY COPY).

The authoritative reference and input builder live on the scoring server;
editing this copy changes nothing except your own understanding.
"""

import jax, jax.numpy as jnp
import numpy as np

B, N, C_IN = 1, 8192, 10
NP1, NS1, R1 = 4096, 32, 1.0
NP2, NS2, R2 = 1024, 32, 2.0
SU_NS = 8
BN_EPS = 1e-5


def bn(x):
    # eval-mode BatchNorm with default running stats (mean=0, var=1, gamma=1, beta=0)
    return x / np.sqrt(1.0 + BN_EPS)


def square_distance(src, dst):
    return (jnp.sum(src ** 2, -1)[:, :, None] + jnp.sum(dst ** 2, -1)[:, None, :]
            - 2.0 * jnp.einsum('bnd,bmd->bnm', src, dst))


def index_points(points, idx):
    return jax.vmap(lambda p, i: p[i])(points, idx)


def farthest_point_sample(xyz, npoint):
    xyz = jax.lax.stop_gradient(xyz)
    b, n, _ = xyz.shape

    def body(i, state):
        centroids, distance, farthest = state
        centroids = centroids.at[:, i].set(farthest)
        centroid = xyz[jnp.arange(b)[:, None], farthest[:, None]]
        dist = jnp.sum((xyz - centroid) ** 2, axis=-1)
        distance = jnp.minimum(distance, dist)
        farthest = jnp.argmax(distance, axis=-1).astype(jnp.int32)
        return (centroids, distance, farthest)

    init = (jnp.zeros((b, npoint), jnp.int32),
            jnp.full((b, n), 1e10, jnp.float32),
            jnp.zeros((b,), jnp.int32))
    centroids, _, _ = jax.lax.fori_loop(0, npoint, body, init)
    return centroids


def query_ball_point(radius, nsample, xyz, new_xyz):
    b, s, _ = new_xyz.shape
    n = xyz.shape[1]
    sqrdists = jax.lax.stop_gradient(square_distance(new_xyz, xyz))
    group_idx = jnp.broadcast_to(jnp.arange(n, dtype=jnp.int32), (b, s, n))
    group_idx = jnp.where(sqrdists > radius ** 2, n, group_idx)
    group_idx = jnp.sort(group_idx, axis=-1)[:, :, :nsample]
    group_first = jnp.broadcast_to(group_idx[:, :, :1], group_idx.shape)
    group_idx = jnp.where(group_idx == n, group_first, group_idx)
    return jnp.minimum(group_idx, n - 1)


def set_abstraction(xyz, feat, npoint, radius, nsample, mlp_ws):
    fps_idx = farthest_point_sample(xyz, npoint)
    new_xyz = index_points(xyz, fps_idx)
    idx = query_ball_point(radius, nsample, xyz, new_xyz)
    grouped_xyz = index_points(xyz, idx) - new_xyz[:, :, None, :]
    grouped_feat = index_points(feat, idx)
    h = jnp.concatenate([grouped_xyz, grouped_feat], axis=-1)
    for W in mlp_ws:
        h = jax.nn.relu(bn(jnp.einsum('bskc,oc->bsko', h, W)))
    return new_xyz, jnp.max(h, axis=2)


def set_upconv(pos1, pos2, feat1, feat2, Wg, Wf, nsample):
    d = square_distance(pos1, pos2)
    _, idx = jax.lax.top_k(-d, nsample)
    pos_diff = index_points(pos2, idx) - pos1[:, :, None, :]
    feat2_g = index_points(feat2, idx)
    h = jnp.concatenate([feat2_g, pos_diff], axis=-1)
    h = jax.nn.relu(bn(jnp.einsum('bnkc,oc->bnko', h, Wg)))
    h = jnp.max(h, axis=2)
    h = jnp.concatenate([h, feat1], axis=-1)
    return jax.nn.relu(bn(jnp.einsum('bnc,oc->bno', h, Wf)))


def feature_propagation(pos1, pos2, feat1, feat2, W):
    d = square_distance(pos1, pos2)
    neg_d3, idx = jax.lax.top_k(-d, 3)
    dist_recip = 1.0 / (-neg_d3 + 1e-8)
    w = dist_recip / jnp.sum(dist_recip, axis=-1, keepdims=True)
    interp = jnp.sum(index_points(feat2, idx) * w[..., None], axis=2)
    h = jnp.concatenate([interp, feat1], axis=-1)
    return jax.nn.relu(bn(jnp.einsum('bnc,oc->bno', h, W)))


def branch(pc, fea, params):
    l1_xyz, l1_f = set_abstraction(pc, fea, NP1, R1, NS1, [params['sa1_w1'], params['sa1_w2']])
    l2_xyz, l2_f = set_abstraction(l1_xyz, l1_f, NP2, R2, NS2, [params['sa2_w1'], params['sa2_w2']])
    l1_fnew = set_upconv(l1_xyz, l2_xyz, l1_f, l2_f, params['su1_wg'], params['su1_wf'], SU_NS)
    l0 = feature_propagation(pc, l1_xyz, fea, l1_fnew, params['fp_w'])
    x = jax.nn.relu(bn(l0))
    f = jnp.einsum('bnc,oc->bno', x, params['conv2_w']) + params['conv2_b']
    return jnp.concatenate([pc, f], axis=-1)  # include_pos_in_final_feature


def setup_inputs(seed: int = 0):
    key = jax.random.key(seed)
    ks = jax.random.split(key, 16)

    def w(k, o, c):
        return jax.random.normal(k, (o, c), jnp.float32) * (1.0 / np.sqrt(c))

    params = {
        'sa1_w1': w(ks[6], 16, 13), 'sa1_w2': w(ks[7], 32, 16),
        'sa2_w1': w(ks[8], 32, 35), 'sa2_w2': w(ks[9], 64, 32),
        'su1_wg': w(ks[10], 32, 67), 'su1_wf': w(ks[11], 32, 64),
        'fp_w': w(ks[12], 32, 42),
        'conv2_w': w(ks[13], 12, 32), 'conv2_b': jnp.zeros((12,), jnp.float32),
    }
    return {
        'pc1': jax.random.normal(ks[0], (B, N, 3), jnp.float32),
        'fea1': jax.random.normal(ks[1], (B, N, C_IN), jnp.float32),
        'weights1': jax.random.uniform(ks[2], (B, N, 1), dtype=jnp.float32),
        'pc2': jax.random.normal(ks[3], (B, N, 3), jnp.float32),
        'fea2': jax.random.normal(ks[4], (B, N, C_IN), jnp.float32),
        'weights2': jax.random.uniform(ks[5], (B, N, 1), dtype=jnp.float32),
        'params': params,
    }


def reference(pc1, fea1, weights1, pc2, fea2, weights2, params):
    sf = branch(pc1, fea1, params)
    tf = branch(pc2, fea2, params)
    return (sf, tf)

if __name__ == "__main__":
    import jax
    _d = setup_inputs()
    print(jax.jit(kernel)(*tuple(_d.values())))

</pallas_src>

<mosaic_0001>
#map = affine_map<(d0, d1) -> (0, 0)>
#map1 = affine_map<(d0, d1) -> (0)>
module attributes {stable_mosaic.version = 14 : i64} {
  func.func @k(%arg0: i32, %arg1: i32, %arg2: memref<4096x48xf32, #tpu.memory_space<hbm>>, %arg3: memref<32768xi32, #tpu.memory_space<hbm>>, %arg4: memref<32768x48xf32, #tpu.memory_space<hbm>>, %arg5: memref<1024xi32, #tpu.memory_space<vmem>>, %arg6: memref<1024x48xf32, #tpu.memory_space<vmem>>, %arg7: memref<!tpu.dma_semaphore, #tpu.memory_space<semaphore_mem>>) attributes {dimension_semantics = [#tpu.dimension_semantics<core_parallel>, #tpu.dimension_semantics<subcore_parallel>], iteration_bounds = array<i64: 2, 16>, scalar_prefetch = 0 : i64, scratch_operands = 3 : i64, tpu.core_type = #tpu.core_type<sc_vector_subcore>, window_params = [{transform_indices = #map}, {transform_indices = #map1}, {transform_indices = #map}]} {
    %mul3A = arith.constant 2 : i32
    %mul3A_0 = arith.muli %arg1, %mul3A : i32
    %add3A = arith.addi %mul3A_0, %arg0 : i32
    %mul3A_1 = arith.constant 1024 : i32
    %mul3A_2 = arith.muli %add3A, %mul3A_1 : i32
    "tpu.region"() ({
      %run_scoped3A = tpu.sem_alloc : memref<!tpu.dma_semaphore, #tpu.memory_space<semaphore_mem>>
      %dma_start3A_7 = tpu.memref_slice %arg3[%mul3A_2] : memref<32768xi32, #tpu.memory_space<hbm>> -> memref<1024xi32, #tpu.memory_space<hbm>>
      %dma_start3A_8 = tpu.memref_slice %arg3[%mul3A_2] : memref<32768xi32, #tpu.memory_space<hbm>> -> memref<1024xi32, #tpu.memory_space<hbm>>
      tpu.enqueue_dma source(%dma_start3A_8 : memref<1024xi32, #tpu.memory_space<hbm>>) target(%arg5 : memref<1024xi32, #tpu.memory_space<vmem>>) target_semaphore(%run_scoped3A : memref<!tpu.dma_semaphore, #tpu.memory_space<semaphore_mem>>)
      %dma_wait3A_9 = tpu.memref_slice %arg3[%mul3A_2] : memref<32768xi32, #tpu.memory_space<hbm>> -> memref<1024xi32, #tpu.memory_space<hbm>>
      %dma_wait3A_10 = tpu.memref_slice %arg3[%mul3A_2] : memref<32768xi32, #tpu.memory_space<hbm>> -> memref<1024xi32, #tpu.memory_space<hbm>>
      tpu.wait_dma2 semaphore(%run_scoped3A : memref<!tpu.dma_semaphore, #tpu.memory_space<semaphore_mem>>) src(%dma_wait3A_10 : memref<1024xi32, #tpu.memory_space<hbm>>) dst(%arg5 : memref<1024xi32, #tpu.memory_space<vmem>>)
      tpu.yield
    }) : () -> ()
    %dma_start3A = arith.constant 0 : i32
    %dma_start3A_3 = arith.constant 0 : i32
    %dma_start3A_4 = tpu.memref_slice %arg2[%dma_start3A, %dma_start3A_3] : memref<4096x48xf32, #tpu.memory_space<hbm>> -> memref<4096x48xf32, #tpu.memory_space<hbm>>
    tpu.enqueue_indirect_dma source(%dma_start3A_4 : memref<4096x48xf32, #tpu.memory_space<hbm>>) target(%arg6 : memref<1024x48xf32, #tpu.memory_space<vmem>>) offsets(%arg5 : memref<1024xi32, #tpu.memory_space<vmem>>) semaphore(%arg7 : memref<!tpu.dma_semaphore, #tpu.memory_space<semaphore_mem>>)
    %dma_wait3A = arith.constant 0 : i32
    %dma_wait3A_5 = arith.constant 0 : i32
    %dma_wait3A_6 = tpu.memref_slice %arg2[%dma_wait3A, %dma_wait3A_5] : memref<4096x48xf32, #tpu.memory_space<hbm>> -> memref<4096x48xf32, #tpu.memory_space<hbm>>
    tpu.wait_indirect_dma semaphore(%arg7 : memref<!tpu.dma_semaphore, #tpu.memory_space<semaphore_mem>>) src(%dma_wait3A_6 : memref<4096x48xf32, #tpu.memory_space<hbm>>) dst(%arg6 : memref<1024x48xf32, #tpu.memory_space<vmem>>)
    "tpu.region"() ({
      %run_scoped3A = tpu.sem_alloc : memref<!tpu.dma_semaphore, #tpu.memory_space<semaphore_mem>>
      %dma_start3A_7 = arith.constant 0 : i32
      %dma_start3A_8 = tpu.memref_slice %arg4[%mul3A_2, %dma_start3A_7] : memref<32768x48xf32, #tpu.memory_space<hbm>> -> memref<1024x48xf32, #tpu.memory_space<hbm>>
      %dma_start3A_9 = arith.constant 0 : i32
      %dma_start3A_10 = tpu.memref_slice %arg4[%mul3A_2, %dma_start3A_9] : memref<32768x48xf32, #tpu.memory_space<hbm>> -> memref<1024x48xf32, #tpu.memory_space<hbm>>
      tpu.enqueue_dma source(%arg6 : memref<1024x48xf32, #tpu.memory_space<vmem>>) target(%dma_start3A_10 : memref<1024x48xf32, #tpu.memory_space<hbm>>) target_semaphore(%run_scoped3A : memref<!tpu.dma_semaphore, #tpu.memory_space<semaphore_mem>>)
      %dma_wait3A_11 = arith.constant 0 : i32
      %dma_wait3A_12 = tpu.memref_slice %arg4[%mul3A_2, %dma_wait3A_11] : memref<32768x48xf32, #tpu.memory_space<hbm>> -> memref<1024x48xf32, #tpu.memory_space<hbm>>
      %dma_wait3A_13 = arith.constant 0 : i32
      %dma_wait3A_14 = tpu.memref_slice %arg4[%mul3A_2, %dma_wait3A_13] : memref<32768x48xf32, #tpu.memory_space<hbm>> -> memref<1024x48xf32, #tpu.memory_space<hbm>>
      tpu.wait_dma2 semaphore(%run_scoped3A : memref<!tpu.dma_semaphore, #tpu.memory_space<semaphore_mem>>) src(%arg6 : memref<1024x48xf32, #tpu.memory_space<vmem>>) dst(%dma_wait3A_14 : memref<1024x48xf32, #tpu.memory_space<hbm>>)
      tpu.yield
    }) : () -> ()
    return
  }
}

#map = affine_map<(d0, d1) -> (0, 0)>
#map1 = affine_map<(d0, d1) -> (0)>
module attributes {stable_mosaic.version = 14 : i64} {
  func.func @k(%arg0: i32, %arg1: i32, %arg2: memref<8192x16xf32, #tpu.memory_space<hbm>>, %arg3: memref<131072xi32, #tpu.memory_space<hbm>>, %arg4: memref<131072x16xf32, #tpu.memory_space<hbm>>, %arg5: memref<4096xi32, #tpu.memory_space<vmem>>, %arg6: memref<4096x16xf32, #tpu.memory_space<vmem>>, %arg7: memref<!tpu.dma_semaphore, #tpu.memory_space<semaphore_mem>>) attributes {dimension_semantics = [#tpu.dimension_semantics<core_parallel>, #tpu.dimension_semantics<subcore_parallel>], iteration_bounds = array<i64: 2, 16>, scalar_prefetch = 0 : i64, scratch_operands = 3 : i64, tpu.core_type = #tpu.core_type<sc_vector_subcore>, window_params = [{transform_indices = #map}, {transform_indices = #map1}, {transform_indices = #map}]} {
    %mul3A = arith.constant 2 : i32
    %mul3A_0 = arith.muli %arg1, %mul3A : i32
    %add3A = arith.addi %mul3A_0, %arg0 : i32
    %mul3A_1 = arith.constant 4096 : i32
    %mul3A_2 = arith.muli %add3A, %mul3A_1 : i32
    "tpu.region"() ({
      %run_scoped3A = tpu.sem_alloc : memref<!tpu.dma_semaphore, #tpu.memory_space<semaphore_mem>>
      %dma_start3A_7 = tpu.memref_slice %arg3[%mul3A_2] : memref<131072xi32, #tpu.memory_space<hbm>> -> memref<4096xi32, #tpu.memory_space<hbm>>
      %dma_start3A_8 = tpu.memref_slice %arg3[%mul3A_2] : memref<131072xi32, #tpu.memory_space<hbm>> -> memref<4096xi32, #tpu.memory_space<hbm>>
      tpu.enqueue_dma source(%dma_start3A_8 : memref<4096xi32, #tpu.memory_space<hbm>>) target(%arg5 : memref<4096xi32, #tpu.memory_space<vmem>>) target_semaphore(%run_scoped3A : memref<!tpu.dma_semaphore, #tpu.memory_space<semaphore_mem>>)
      %dma_wait3A_9 = tpu.memref_slice %arg3[%mul3A_2] : memref<131072xi32, #tpu.memory_space<hbm>> -> memref<4096xi32, #tpu.memory_space<hbm>>
      %dma_wait3A_10 = tpu.memref_slice %arg3[%mul3A_2] : memref<131072xi32, #tpu.memory_space<hbm>> -> memref<4096xi32, #tpu.memory_space<hbm>>
      tpu.wait_dma2 semaphore(%run_scoped3A : memref<!tpu.dma_semaphore, #tpu.memory_space<semaphore_mem>>) src(%dma_wait3A_10 : memref<4096xi32, #tpu.memory_space<hbm>>) dst(%arg5 : memref<4096xi32, #tpu.memory_space<vmem>>)
      tpu.yield
    }) : () -> ()
    %dma_start3A = arith.constant 0 : i32
    %dma_start3A_3 = arith.constant 0 : i32
    %dma_start3A_4 = tpu.memref_slice %arg2[%dma_start3A, %dma_start3A_3] : memref<8192x16xf32, #tpu.memory_space<hbm>> -> memref<8192x16xf32, #tpu.memory_space<hbm>>
    tpu.enqueue_indirect_dma source(%dma_start3A_4 : memref<8192x16xf32, #tpu.memory_space<hbm>>) target(%arg6 : memref<4096x16xf32, #tpu.memory_space<vmem>>) offsets(%arg5 : memref<4096xi32, #tpu.memory_space<vmem>>) semaphore(%arg7 : memref<!tpu.dma_semaphore, #tpu.memory_space<semaphore_mem>>)
    %dma_wait3A = arith.constant 0 : i32
    %dma_wait3A_5 = arith.constant 0 : i32
    %dma_wait3A_6 = tpu.memref_slice %arg2[%dma_wait3A, %dma_wait3A_5] : memref<8192x16xf32, #tpu.memory_space<hbm>> -> memref<8192x16xf32, #tpu.memory_space<hbm>>
    tpu.wait_indirect_dma semaphore(%arg7 : memref<!tpu.dma_semaphore, #tpu.memory_space<semaphore_mem>>) src(%dma_wait3A_6 : memref<8192x16xf32, #tpu.memory_space<hbm>>) dst(%arg6 : memref<4096x16xf32, #tpu.memory_space<vmem>>)
    "tpu.region"() ({
      %run_scoped3A = tpu.sem_alloc : memref<!tpu.dma_semaphore, #tpu.memory_space<semaphore_mem>>
      %dma_start3A_7 = arith.constant 0 : i32
      %dma_start3A_8 = tpu.memref_slice %arg4[%mul3A_2, %dma_start3A_7] : memref<131072x16xf32, #tpu.memory_space<hbm>> -> memref<4096x16xf32, #tpu.memory_space<hbm>>
      %dma_start3A_9 = arith.constant 0 : i32
      %dma_start3A_10 = tpu.memref_slice %arg4[%mul3A_2, %dma_start3A_9] : memref<131072x16xf32, #tpu.memory_space<hbm>> -> memref<4096x16xf32, #tpu.memory_space<hbm>>
      tpu.enqueue_dma source(%arg6 : memref<4096x16xf32, #tpu.memory_space<vmem>>) target(%dma_start3A_10 : memref<4096x16xf32, #tpu.memory_space<hbm>>) target_semaphore(%run_scoped3A : memref<!tpu.dma_semaphore, #tpu.memory_space<semaphore_mem>>)
      %dma_wait3A_11 = arith.constant 0 : i32
      %dma_wait3A_12 = tpu.memref_slice %arg4[%mul3A_2, %dma_wait3A_11] : memref<131072x16xf32, #tpu.memory_space<hbm>> -> memref<4096x16xf32, #tpu.memory_space<hbm>>
      %dma_wait3A_13 = arith.constant 0 : i32
      %dma_wait3A_14 = tpu.memref_slice %arg4[%mul3A_2, %dma_wait3A_13] : memref<131072x16xf32, #tpu.memory_space<hbm>> -> memref<4096x16xf32, #tpu.memory_space<hbm>>
      tpu.wait_dma2 semaphore(%run_scoped3A : memref<!tpu.dma_semaphore, #tpu.memory_space<semaphore_mem>>) src(%arg6 : memref<4096x16xf32, #tpu.memory_space<vmem>>) dst(%dma_wait3A_14 : memref<4096x16xf32, #tpu.memory_space<hbm>>)
      tpu.yield
    }) : () -> ()
    return
  }
}

#map = affine_map<(d0, d1) -> (0, 0)>
#map1 = affine_map<(d0, d1) -> (0)>
module attributes {stable_mosaic.version = 14 : i64} {
  func.func @k(%arg0: i32, %arg1: i32, %arg2: memref<4096x48xf32, #tpu.memory_space<hbm>>, %arg3: memref<32768xi32, #tpu.memory_space<hbm>>, %arg4: memref<32768x48xf32, #tpu.memory_space<hbm>>, %arg5: memref<1024xi32, #tpu.memory_space<vmem>>, %arg6: memref<1024x48xf32, #tpu.memory_space<vmem>>, %arg7: memref<!tpu.dma_semaphore, #tpu.memory_space<semaphore_mem>>) attributes {dimension_semantics = [#tpu.dimension_semantics<core_parallel>, #tpu.dimension_semantics<subcore_parallel>], iteration_bounds = array<i64: 2, 16>, scalar_prefetch = 0 : i64, scratch_operands = 3 : i64, tpu.core_type = #tpu.core_type<sc_vector_subcore>, window_params = [{transform_indices = #map}, {transform_indices = #map1}, {transform_indices = #map}]} {
    %mul3A = arith.constant 2 : i32
    %mul3A_0 = arith.muli %arg1, %mul3A : i32
    %add3A = arith.addi %mul3A_0, %arg0 : i32
    %mul3A_1 = arith.constant 1024 : i32
    %mul3A_2 = arith.muli %add3A, %mul3A_1 : i32
    "tpu.region"() ({
      %run_scoped3A = tpu.sem_alloc : memref<!tpu.dma_semaphore, #tpu.memory_space<semaphore_mem>>
      %dma_start3A_7 = tpu.memref_slice %arg3[%mul3A_2] : memref<32768xi32, #tpu.memory_space<hbm>> -> memref<1024xi32, #tpu.memory_space<hbm>>
      %dma_start3A_8 = tpu.memref_slice %arg3[%mul3A_2] : memref<32768xi32, #tpu.memory_space<hbm>> -> memref<1024xi32, #tpu.memory_space<hbm>>
      tpu.enqueue_dma source(%dma_start3A_8 : memref<1024xi32, #tpu.memory_space<hbm>>) target(%arg5 : memref<1024xi32, #tpu.memory_space<vmem>>) target_semaphore(%run_scoped3A : memref<!tpu.dma_semaphore, #tpu.memory_space<semaphore_mem>>)
      %dma_wait3A_9 = tpu.memref_slice %arg3[%mul3A_2] : memref<32768xi32, #tpu.memory_space<hbm>> -> memref<1024xi32, #tpu.memory_space<hbm>>
      %dma_wait3A_10 = tpu.memref_slice %arg3[%mul3A_2] : memref<32768xi32, #tpu.memory_space<hbm>> -> memref<1024xi32, #tpu.memory_space<hbm>>
      tpu.wait_dma2 semaphore(%run_scoped3A : memref<!tpu.dma_semaphore, #tpu.memory_space<semaphore_mem>>) src(%dma_wait3A_10 : memref<1024xi32, #tpu.memory_space<hbm>>) dst(%arg5 : memref<1024xi32, #tpu.memory_space<vmem>>)
      tpu.yield
    }) : () -> ()
    %dma_start3A = arith.constant 0 : i32
    %dma_start3A_3 = arith.constant 0 : i32
    %dma_start3A_4 = tpu.memref_slice %arg2[%dma_start3A, %dma_start3A_3] : memref<4096x48xf32, #tpu.memory_space<hbm>> -> memref<4096x48xf32, #tpu.memory_space<hbm>>
    tpu.enqueue_indirect_dma source(%dma_start3A_4 : memref<4096x48xf32, #tpu.memory_space<hbm>>) target(%arg6 : memref<1024x48xf32, #tpu.memory_space<vmem>>) offsets(%arg5 : memref<1024xi32, #tpu.memory_space<vmem>>) semaphore(%arg7 : memref<!tpu.dma_semaphore, #tpu.memory_space<semaphore_mem>>)
    %dma_wait3A = arith.constant 0 : i32
    %dma_wait3A_5 = arith.constant 0 : i32
    %dma_wait3A_6 = tpu.memref_slice %arg2[%dma_wait3A, %dma_wait3A_5] : memref<4096x48xf32, #tpu.memory_space<hbm>> -> memref<4096x48xf32, #tpu.memory_space<hbm>>
    tpu.wait_indirect_dma semaphore(%arg7 : memref<!tpu.dma_semaphore, #tpu.memory_space<semaphore_mem>>) src(%dma_wait3A_6 : memref<4096x48xf32, #tpu.memory_space<hbm>>) dst(%arg6 : memref<1024x48xf32, #tpu.memory_space<vmem>>)
    "tpu.region"() ({
      %run_scoped3A = tpu.sem_alloc : memref<!tpu.dma_semaphore, #tpu.memory_space<semaphore_mem>>
      %dma_start3A_7 = arith.constant 0 : i32
      %dma_start3A_8 = tpu.memref_slice %arg4[%mul3A_2, %dma_start3A_7] : memref<32768x48xf32, #tpu.memory_space<hbm>> -> memref<1024x48xf32, #tpu.memory_space<hbm>>
      %dma_start3A_9 = arith.constant 0 : i32
      %dma_start3A_10 = tpu.memref_slice %arg4[%mul3A_2, %dma_start3A_9] : memref<32768x48xf32, #tpu.memory_space<hbm>> -> memref<1024x48xf32, #tpu.memory_space<hbm>>
      tpu.enqueue_dma source(%arg6 : memref<1024x48xf32, #tpu.memory_space<vmem>>) target(%dma_start3A_10 : memref<1024x48xf32, #tpu.memory_space<hbm>>) target_semaphore(%run_scoped3A : memref<!tpu.dma_semaphore, #tpu.memory_space<semaphore_mem>>)
      %dma_wait3A_11 = arith.constant 0 : i32
      %dma_wait3A_12 = tpu.memref_slice %arg4[%mul3A_2, %dma_wait3A_11] : memref<32768x48xf32, #tpu.memory_space<hbm>> -> memref<1024x48xf32, #tpu.memory_space<hbm>>
      %dma_wait3A_13 = arith.constant 0 : i32
      %dma_wait3A_14 = tpu.memref_slice %arg4[%mul3A_2, %dma_wait3A_13] : memref<32768x48xf32, #tpu.memory_space<hbm>> -> memref<1024x48xf32, #tpu.memory_space<hbm>>
      tpu.wait_dma2 semaphore(%run_scoped3A : memref<!tpu.dma_semaphore, #tpu.memory_space<semaphore_mem>>) src(%arg6 : memref<1024x48xf32, #tpu.memory_space<vmem>>) dst(%dma_wait3A_14 : memref<1024x48xf32, #tpu.memory_space<hbm>>)
      tpu.yield
    }) : () -> ()
    return
  }
}

#map = affine_map<(d0, d1) -> (0, 0)>
#map1 = affine_map<(d0, d1) -> (0)>
module attributes {stable_mosaic.version = 14 : i64} {
  func.func @k(%arg0: i32, %arg1: i32, %arg2: memref<8192x16xf32, #tpu.memory_space<hbm>>, %arg3: memref<131072xi32, #tpu.memory_space<hbm>>, %arg4: memref<131072x16xf32, #tpu.memory_space<hbm>>, %arg5: memref<4096xi32, #tpu.memory_space<vmem>>, %arg6: memref<4096x16xf32, #tpu.memory_space<vmem>>, %arg7: memref<!tpu.dma_semaphore, #tpu.memory_space<semaphore_mem>>) attributes {dimension_semantics = [#tpu.dimension_semantics<core_parallel>, #tpu.dimension_semantics<subcore_parallel>], iteration_bounds = array<i64: 2, 16>, scalar_prefetch = 0 : i64, scratch_operands = 3 : i64, tpu.core_type = #tpu.core_type<sc_vector_subcore>, window_params = [{transform_indices = #map}, {transform_indices = #map1}, {transform_indices = #map}]} {
    %mul3A = arith.constant 2 : i32
    %mul3A_0 = arith.muli %arg1, %mul3A : i32
    %add3A = arith.addi %mul3A_0, %arg0 : i32
    %mul3A_1 = arith.constant 4096 : i32
    %mul3A_2 = arith.muli %add3A, %mul3A_1 : i32
    "tpu.region"() ({
      %run_scoped3A = tpu.sem_alloc : memref<!tpu.dma_semaphore, #tpu.memory_space<semaphore_mem>>
      %dma_start3A_7 = tpu.memref_slice %arg3[%mul3A_2] : memref<131072xi32, #tpu.memory_space<hbm>> -> memref<4096xi32, #tpu.memory_space<hbm>>
      %dma_start3A_8 = tpu.memref_slice %arg3[%mul3A_2] : memref<131072xi32, #tpu.memory_space<hbm>> -> memref<4096xi32, #tpu.memory_space<hbm>>
      tpu.enqueue_dma source(%dma_start3A_8 : memref<4096xi32, #tpu.memory_space<hbm>>) target(%arg5 : memref<4096xi32, #tpu.memory_space<vmem>>) target_semaphore(%run_scoped3A : memref<!tpu.dma_semaphore, #tpu.memory_space<semaphore_mem>>)
      %dma_wait3A_9 = tpu.memref_slice %arg3[%mul3A_2] : memref<131072xi32, #tpu.memory_space<hbm>> -> memref<4096xi32, #tpu.memory_space<hbm>>
      %dma_wait3A_10 = tpu.memref_slice %arg3[%mul3A_2] : memref<131072xi32, #tpu.memory_space<hbm>> -> memref<4096xi32, #tpu.memory_space<hbm>>
      tpu.wait_dma2 semaphore(%run_scoped3A : memref<!tpu.dma_semaphore, #tpu.memory_space<semaphore_mem>>) src(%dma_wait3A_10 : memref<4096xi32, #tpu.memory_space<hbm>>) dst(%arg5 : memref<4096xi32, #tpu.memory_space<vmem>>)
      tpu.yield
    }) : () -> ()
    %dma_start3A = arith.constant 0 : i32
    %dma_start3A_3 = arith.constant 0 : i32
    %dma_start3A_4 = tpu.memref_slice %arg2[%dma_start3A, %dma_start3A_3] : memref<8192x16xf32, #tpu.memory_space<hbm>> -> memref<8192x16xf32, #tpu.memory_space<hbm>>
    tpu.enqueue_indirect_dma source(%dma_start3A_4 : memref<8192x16xf32, #tpu.memory_space<hbm>>) target(%arg6 : memref<4096x16xf32, #tpu.memory_space<vmem>>) offsets(%arg5 : memref<4096xi32, #tpu.memory_space<vmem>>) semaphore(%arg7 : memref<!tpu.dma_semaphore, #tpu.memory_space<semaphore_mem>>)
    %dma_wait3A = arith.constant 0 : i32
    %dma_wait3A_5 = arith.constant 0 : i32
    %dma_wait3A_6 = tpu.memref_slice %arg2[%dma_wait3A, %dma_wait3A_5] : memref<8192x16xf32, #tpu.memory_space<hbm>> -> memref<8192x16xf32, #tpu.memory_space<hbm>>
    tpu.wait_indirect_dma semaphore(%arg7 : memref<!tpu.dma_semaphore, #tpu.memory_space<semaphore_mem>>) src(%dma_wait3A_6 : memref<8192x16xf32, #tpu.memory_space<hbm>>) dst(%arg6 : memref<4096x16xf32, #tpu.memory_space<vmem>>)
    "tpu.region"() ({
      %run_scoped3A = tpu.sem_alloc : memref<!tpu.dma_semaphore, #tpu.memory_space<semaphore_mem>>
      %dma_start3A_7 = arith.constant 0 : i32
      %dma_start3A_8 = tpu.memref_slice %arg4[%mul3A_2, %dma_start3A_7] : memref<131072x16xf32, #tpu.memory_space<hbm>> -> memref<4096x16xf32, #tpu.memory_space<hbm>>
      %dma_start3A_9 = arith.constant 0 : i32
      %dma_start3A_10 = tpu.memref_slice %arg4[%mul3A_2, %dma_start3A_9] : memref<131072x16xf32, #tpu.memory_space<hbm>> -> memref<4096x16xf32, #tpu.memory_space<hbm>>
      tpu.enqueue_dma source(%arg6 : memref<4096x16xf32, #tpu.memory_space<vmem>>) target(%dma_start3A_10 : memref<4096x16xf32, #tpu.memory_space<hbm>>) target_semaphore(%run_scoped3A : memref<!tpu.dma_semaphore, #tpu.memory_space<semaphore_mem>>)
      %dma_wait3A_11 = arith.constant 0 : i32
      %dma_wait3A_12 = tpu.memref_slice %arg4[%mul3A_2, %dma_wait3A_11] : memref<131072x16xf32, #tpu.memory_space<hbm>> -> memref<4096x16xf32, #tpu.memory_space<hbm>>
      %dma_wait3A_13 = arith.constant 0 : i32
      %dma_wait3A_14 = tpu.memref_slice %arg4[%mul3A_2, %dma_wait3A_13] : memref<131072x16xf32, #tpu.memory_space<hbm>> -> memref<4096x16xf32, #tpu.memory_space<hbm>>
      tpu.wait_dma2 semaphore(%run_scoped3A : memref<!tpu.dma_semaphore, #tpu.memory_space<semaphore_mem>>) src(%arg6 : memref<4096x16xf32, #tpu.memory_space<vmem>>) dst(%dma_wait3A_14 : memref<4096x16xf32, #tpu.memory_space<hbm>>)
      tpu.yield
    }) : () -> ()
    return
  }
}

#map = affine_map<(d0, d1) -> (0, 0)>
#map1 = affine_map<(d0, d1) -> (0)>
module attributes {stable_mosaic.version = 14 : i64} {
  func.func @k(%arg0: i32, %arg1: i32, %arg2: memref<1024x80xf32, #tpu.memory_space<hbm>>, %arg3: memref<32768xi32, #tpu.memory_space<hbm>>, %arg4: memref<32768x80xf32, #tpu.memory_space<hbm>>, %arg5: memref<1024xi32, #tpu.memory_space<vmem>>, %arg6: memref<1024x80xf32, #tpu.memory_space<vmem>>, %arg7: memref<!tpu.dma_semaphore, #tpu.memory_space<semaphore_mem>>) attributes {dimension_semantics = [#tpu.dimension_semantics<core_parallel>, #tpu.dimension_semantics<subcore_parallel>], iteration_bounds = array<i64: 2, 16>, scalar_prefetch = 0 : i64, scratch_operands = 3 : i64, tpu.core_type = #tpu.core_type<sc_vector_subcore>, window_params = [{transform_indices = #map}, {transform_indices = #map1}, {transform_indices = #map}]} {
    %mul3A = arith.constant 2 : i32
    %mul3A_0 = arith.muli %arg1, %mul3A : i32
    %add3A = arith.addi %mul3A_0, %arg0 : i32
    %mul3A_1 = arith.constant 1024 : i32
    %mul3A_2 = arith.muli %add3A, %mul3A_1 : i32
    "tpu.region"() ({
      %run_scoped3A = tpu.sem_alloc : memref<!tpu.dma_semaphore, #tpu.memory_space<semaphore_mem>>
      %dma_start3A_7 = tpu.memref_slice %arg3[%mul3A_2] : memref<32768xi32, #tpu.memory_space<hbm>> -> memref<1024xi32, #tpu.memory_space<hbm>>
      %dma_start3A_8 = tpu.memref_slice %arg3[%mul3A_2] : memref<32768xi32, #tpu.memory_space<hbm>> -> memref<1024xi32, #tpu.memory_space<hbm>>
      tpu.enqueue_dma source(%dma_start3A_8 : memref<1024xi32, #tpu.memory_space<hbm>>) target(%arg5 : memref<1024xi32, #tpu.memory_space<vmem>>) target_semaphore(%run_scoped3A : memref<!tpu.dma_semaphore, #tpu.memory_space<semaphore_mem>>)
      %dma_wait3A_9 = tpu.memref_slice %arg3[%mul3A_2] : memref<32768xi32, #tpu.memory_space<hbm>> -> memref<1024xi32, #tpu.memory_space<hbm>>
      %dma_wait3A_10 = tpu.memref_slice %arg3[%mul3A_2] : memref<32768xi32, #tpu.memory_space<hbm>> -> memref<1024xi32, #tpu.memory_space<hbm>>
      tpu.wait_dma2 semaphore(%run_scoped3A : memref<!tpu.dma_semaphore, #tpu.memory_space<semaphore_mem>>) src(%dma_wait3A_10 : memref<1024xi32, #tpu.memory_space<hbm>>) dst(%arg5 : memref<1024xi32, #tpu.memory_space<vmem>>)
      tpu.yield
    }) : () -> ()
    %dma_start3A = arith.constant 0 : i32
    %dma_start3A_3 = arith.constant 0 : i32
    %dma_start3A_4 = tpu.memref_slice %arg2[%dma_start3A, %dma_start3A_3] : memref<1024x80xf32, #tpu.memory_space<hbm>> -> memref<1024x80xf32, #tpu.memory_space<hbm>>
    tpu.enqueue_indirect_dma source(%dma_start3A_4 : memref<1024x80xf32, #tpu.memory_space<hbm>>) target(%arg6 : memref<1024x80xf32, #tpu.memory_space<vmem>>) offsets(%arg5 : memref<1024xi32, #tpu.memory_space<vmem>>) semaphore(%arg7 : memref<!tpu.dma_semaphore, #tpu.memory_space<semaphore_mem>>)
    %dma_wait3A = arith.constant 0 : i32
    %dma_wait3A_5 = arith.constant 0 : i32
    %dma_wait3A_6 = tpu.memref_slice %arg2[%dma_wait3A, %dma_wait3A_5] : memref<1024x80xf32, #tpu.memory_space<hbm>> -> memref<1024x80xf32, #tpu.memory_space<hbm>>
    tpu.wait_indirect_dma semaphore(%arg7 : memref<!tpu.dma_semaphore, #tpu.memory_space<semaphore_mem>>) src(%dma_wait3A_6 : memref<1024x80xf32, #tpu.memory_space<hbm>>) dst(%arg6 : memref<1024x80xf32, #tpu.memory_space<vmem>>)
    "tpu.region"() ({
      %run_scoped3A = tpu.sem_alloc : memref<!tpu.dma_semaphore, #tpu.memory_space<semaphore_mem>>
      %dma_start3A_7 = arith.constant 0 : i32
      %dma_start3A_8 = tpu.memref_slice %arg4[%mul3A_2, %dma_start3A_7] : memref<32768x80xf32, #tpu.memory_space<hbm>> -> memref<1024x80xf32, #tpu.memory_space<hbm>>
      %dma_start3A_9 = arith.constant 0 : i32
      %dma_start3A_10 = tpu.memref_slice %arg4[%mul3A_2, %dma_start3A_9] : memref<32768x80xf32, #tpu.memory_space<hbm>> -> memref<1024x80xf32, #tpu.memory_space<hbm>>
      tpu.enqueue_dma source(%arg6 : memref<1024x80xf32, #tpu.memory_space<vmem>>) target(%dma_start3A_10 : memref<1024x80xf32, #tpu.memory_space<hbm>>) target_semaphore(%run_scoped3A : memref<!tpu.dma_semaphore, #tpu.memory_space<semaphore_mem>>)
      %dma_wait3A_11 = arith.constant 0 : i32
      %dma_wait3A_12 = tpu.memref_slice %arg4[%mul3A_2, %dma_wait3A_11] : memref<32768x80xf32, #tpu.memory_space<hbm>> -> memref<1024x80xf32, #tpu.memory_space<hbm>>
      %dma_wait3A_13 = arith.constant 0 : i32
      %dma_wait3A_14 = tpu.memref_slice %arg4[%mul3A_2, %dma_wait3A_13] : memref<32768x80xf32, #tpu.memory_space<hbm>> -> memref<1024x80xf32, #tpu.memory_space<hbm>>
      tpu.wait_dma2 semaphore(%run_scoped3A : memref<!tpu.dma_semaphore, #tpu.memory_space<semaphore_mem>>) src(%arg6 : memref<1024x80xf32, #tpu.memory_space<vmem>>) dst(%dma_wait3A_14 : memref<1024x80xf32, #tpu.memory_space<hbm>>)
      tpu.yield
    }) : () -> ()
    return
  }
}

#map = affine_map<(d0, d1) -> (0, 0)>
#map1 = affine_map<(d0, d1) -> (0)>
module attributes {stable_mosaic.version = 14 : i64} {
  func.func @k(%arg0: i32, %arg1: i32, %arg2: memref<1024x80xf32, #tpu.memory_space<hbm>>, %arg3: memref<32768xi32, #tpu.memory_space<hbm>>, %arg4: memref<32768x80xf32, #tpu.memory_space<hbm>>, %arg5: memref<1024xi32, #tpu.memory_space<vmem>>, %arg6: memref<1024x80xf32, #tpu.memory_space<vmem>>, %arg7: memref<!tpu.dma_semaphore, #tpu.memory_space<semaphore_mem>>) attributes {dimension_semantics = [#tpu.dimension_semantics<core_parallel>, #tpu.dimension_semantics<subcore_parallel>], iteration_bounds = array<i64: 2, 16>, scalar_prefetch = 0 : i64, scratch_operands = 3 : i64, tpu.core_type = #tpu.core_type<sc_vector_subcore>, window_params = [{transform_indices = #map}, {transform_indices = #map1}, {transform_indices = #map}]} {
    %mul3A = arith.constant 2 : i32
    %mul3A_0 = arith.muli %arg1, %mul3A : i32
    %add3A = arith.addi %mul3A_0, %arg0 : i32
    %mul3A_1 = arith.constant 1024 : i32
    %mul3A_2 = arith.muli %add3A, %mul3A_1 : i32
    "tpu.region"() ({
      %run_scoped3A = tpu.sem_alloc : memref<!tpu.dma_semaphore, #tpu.memory_space<semaphore_mem>>
      %dma_start3A_7 = tpu.memref_slice %arg3[%mul3A_2] : memref<32768xi32, #tpu.memory_space<hbm>> -> memref<1024xi32, #tpu.memory_space<hbm>>
      %dma_start3A_8 = tpu.memref_slice %arg3[%mul3A_2] : memref<32768xi32, #tpu.memory_space<hbm>> -> memref<1024xi32, #tpu.memory_space<hbm>>
      tpu.enqueue_dma source(%dma_start3A_8 : memref<1024xi32, #tpu.memory_space<hbm>>) target(%arg5 : memref<1024xi32, #tpu.memory_space<vmem>>) target_semaphore(%run_scoped3A : memref<!tpu.dma_semaphore, #tpu.memory_space<semaphore_mem>>)
      %dma_wait3A_9 = tpu.memref_slice %arg3[%mul3A_2] : memref<32768xi32, #tpu.memory_space<hbm>> -> memref<1024xi32, #tpu.memory_space<hbm>>
      %dma_wait3A_10 = tpu.memref_slice %arg3[%mul3A_2] : memref<32768xi32, #tpu.memory_space<hbm>> -> memref<1024xi32, #tpu.memory_space<hbm>>
      tpu.wait_dma2 semaphore(%run_scoped3A : memref<!tpu.dma_semaphore, #tpu.memory_space<semaphore_mem>>) src(%dma_wait3A_10 : memref<1024xi32, #tpu.memory_space<hbm>>) dst(%arg5 : memref<1024xi32, #tpu.memory_space<vmem>>)
      tpu.yield
    }) : () -> ()
    %dma_start3A = arith.constant 0 : i32
    %dma_start3A_3 = arith.constant 0 : i32
    %dma_start3A_4 = tpu.memref_slice %arg2[%dma_start3A, %dma_start3A_3] : memref<1024x80xf32, #tpu.memory_space<hbm>> -> memref<1024x80xf32, #tpu.memory_space<hbm>>
    tpu.enqueue_indirect_dma source(%dma_start3A_4 : memref<1024x80xf32, #tpu.memory_space<hbm>>) target(%arg6 : memref<1024x80xf32, #tpu.memory_space<vmem>>) offsets(%arg5 : memref<1024xi32, #tpu.memory_space<vmem>>) semaphore(%arg7 : memref<!tpu.dma_semaphore, #tpu.memory_space<semaphore_mem>>)
    %dma_wait3A = arith.constant 0 : i32
    %dma_wait3A_5 = arith.constant 0 : i32
    %dma_wait3A_6 = tpu.memref_slice %arg2[%dma_wait3A, %dma_wait3A_5] : memref<1024x80xf32, #tpu.memory_space<hbm>> -> memref<1024x80xf32, #tpu.memory_space<hbm>>
    tpu.wait_indirect_dma semaphore(%arg7 : memref<!tpu.dma_semaphore, #tpu.memory_space<semaphore_mem>>) src(%dma_wait3A_6 : memref<1024x80xf32, #tpu.memory_space<hbm>>) dst(%arg6 : memref<1024x80xf32, #tpu.memory_space<vmem>>)
    "tpu.region"() ({
      %run_scoped3A = tpu.sem_alloc : memref<!tpu.dma_semaphore, #tpu.memory_space<semaphore_mem>>
      %dma_start3A_7 = arith.constant 0 : i32
      %dma_start3A_8 = tpu.memref_slice %arg4[%mul3A_2, %dma_start3A_7] : memref<32768x80xf32, #tpu.memory_space<hbm>> -> memref<1024x80xf32, #tpu.memory_space<hbm>>
      %dma_start3A_9 = arith.constant 0 : i32
      %dma_start3A_10 = tpu.memref_slice %arg4[%mul3A_2, %dma_start3A_9] : memref<32768x80xf32, #tpu.memory_space<hbm>> -> memref<1024x80xf32, #tpu.memory_space<hbm>>
      tpu.enqueue_dma source(%arg6 : memref<1024x80xf32, #tpu.memory_space<vmem>>) target(%dma_start3A_10 : memref<1024x80xf32, #tpu.memory_space<hbm>>) target_semaphore(%run_scoped3A : memref<!tpu.dma_semaphore, #tpu.memory_space<semaphore_mem>>)
      %dma_wait3A_11 = arith.constant 0 : i32
      %dma_wait3A_12 = tpu.memref_slice %arg4[%mul3A_2, %dma_wait3A_11] : memref<32768x80xf32, #tpu.memory_space<hbm>> -> memref<1024x80xf32, #tpu.memory_space<hbm>>
      %dma_wait3A_13 = arith.constant 0 : i32
      %dma_wait3A_14 = tpu.memref_slice %arg4[%mul3A_2, %dma_wait3A_13] : memref<32768x80xf32, #tpu.memory_space<hbm>> -> memref<1024x80xf32, #tpu.memory_space<hbm>>
      tpu.wait_dma2 semaphore(%run_scoped3A : memref<!tpu.dma_semaphore, #tpu.memory_space<semaphore_mem>>) src(%arg6 : memref<1024x80xf32, #tpu.memory_space<vmem>>) dst(%dma_wait3A_14 : memref<1024x80xf32, #tpu.memory_space<hbm>>)
      tpu.yield
    }) : () -> ()
    return
  }
}

#map = affine_map<(d0, d1) -> (0, 0)>
#map1 = affine_map<(d0, d1) -> (0)>
module attributes {stable_mosaic.version = 14 : i64} {
  func.func @k(%arg0: i32, %arg1: i32, %arg2: memref<4096x32xf32, #tpu.memory_space<hbm>>, %arg3: memref<24576xi32, #tpu.memory_space<hbm>>, %arg4: memref<24576x32xf32, #tpu.memory_space<hbm>>, %arg5: memref<768xi32, #tpu.memory_space<vmem>>, %arg6: memref<768x32xf32, #tpu.memory_space<vmem>>, %arg7: memref<!tpu.dma_semaphore, #tpu.memory_space<semaphore_mem>>) attributes {dimension_semantics = [#tpu.dimension_semantics<core_parallel>, #tpu.dimension_semantics<subcore_parallel>], iteration_bounds = array<i64: 2, 16>, scalar_prefetch = 0 : i64, scratch_operands = 3 : i64, tpu.core_type = #tpu.core_type<sc_vector_subcore>, window_params = [{transform_indices = #map}, {transform_indices = #map1}, {transform_indices = #map}]} {
    %mul3A = arith.constant 2 : i32
    %mul3A_0 = arith.muli %arg1, %mul3A : i32
    %add3A = arith.addi %mul3A_0, %arg0 : i32
    %mul3A_1 = arith.constant 768 : i32
    %mul3A_2 = arith.muli %add3A, %mul3A_1 : i32
    "tpu.region"() ({
      %run_scoped3A = tpu.sem_alloc : memref<!tpu.dma_semaphore, #tpu.memory_space<semaphore_mem>>
      %dma_start3A_7 = tpu.memref_slice %arg3[%mul3A_2] : memref<24576xi32, #tpu.memory_space<hbm>> -> memref<768xi32, #tpu.memory_space<hbm>>
      %dma_start3A_8 = tpu.memref_slice %arg3[%mul3A_2] : memref<24576xi32, #tpu.memory_space<hbm>> -> memref<768xi32, #tpu.memory_space<hbm>>
      tpu.enqueue_dma source(%dma_start3A_8 : memref<768xi32, #tpu.memory_space<hbm>>) target(%arg5 : memref<768xi32, #tpu.memory_space<vmem>>) target_semaphore(%run_scoped3A : memref<!tpu.dma_semaphore, #tpu.memory_space<semaphore_mem>>)
      %dma_wait3A_9 = tpu.memref_slice %arg3[%mul3A_2] : memref<24576xi32, #tpu.memory_space<hbm>> -> memref<768xi32, #tpu.memory_space<hbm>>
      %dma_wait3A_10 = tpu.memref_slice %arg3[%mul3A_2] : memref<24576xi32, #tpu.memory_space<hbm>> -> memref<768xi32, #tpu.memory_space<hbm>>
      tpu.wait_dma2 semaphore(%run_scoped3A : memref<!tpu.dma_semaphore, #tpu.memory_space<semaphore_mem>>) src(%dma_wait3A_10 : memref<768xi32, #tpu.memory_space<hbm>>) dst(%arg5 : memref<768xi32, #tpu.memory_space<vmem>>)
      tpu.yield
    }) : () -> ()
    %dma_start3A = arith.constant 0 : i32
    %dma_start3A_3 = arith.constant 0 : i32
    %dma_start3A_4 = tpu.memref_slice %arg2[%dma_start3A, %dma_start3A_3] : memref<4096x32xf32, #tpu.memory_space<hbm>> -> memref<4096x32xf32, #tpu.memory_space<hbm>>
    tpu.enqueue_indirect_dma source(%dma_start3A_4 : memref<4096x32xf32, #tpu.memory_space<hbm>>) target(%arg6 : memref<768x32xf32, #tpu.memory_space<vmem>>) offsets(%arg5 : memref<768xi32, #tpu.memory_space<vmem>>) semaphore(%arg7 : memref<!tpu.dma_semaphore, #tpu.memory_space<semaphore_mem>>)
    %dma_wait3A = arith.constant 0 : i32
    %dma_wait3A_5 = arith.constant 0 : i32
    %dma_wait3A_6 = tpu.memref_slice %arg2[%dma_wait3A, %dma_wait3A_5] : memref<4096x32xf32, #tpu.memory_space<hbm>> -> memref<4096x32xf32, #tpu.memory_space<hbm>>
    tpu.wait_indirect_dma semaphore(%arg7 : memref<!tpu.dma_semaphore, #tpu.memory_space<semaphore_mem>>) src(%dma_wait3A_6 : memref<4096x32xf32, #tpu.memory_space<hbm>>) dst(%arg6 : memref<768x32xf32, #tpu.memory_space<vmem>>)
    "tpu.region"() ({
      %run_scoped3A = tpu.sem_alloc : memref<!tpu.dma_semaphore, #tpu.memory_space<semaphore_mem>>
      %dma_start3A_7 = arith.constant 0 : i32
      %dma_start3A_8 = tpu.memref_slice %arg4[%mul3A_2, %dma_start3A_7] : memref<24576x32xf32, #tpu.memory_space<hbm>> -> memref<768x32xf32, #tpu.memory_space<hbm>>
      %dma_start3A_9 = arith.constant 0 : i32
      %dma_start3A_10 = tpu.memref_slice %arg4[%mul3A_2, %dma_start3A_9] : memref<24576x32xf32, #tpu.memory_space<hbm>> -> memref<768x32xf32, #tpu.memory_space<hbm>>
      tpu.enqueue_dma source(%arg6 : memref<768x32xf32, #tpu.memory_space<vmem>>) target(%dma_start3A_10 : memref<768x32xf32, #tpu.memory_space<hbm>>) target_semaphore(%run_scoped3A : memref<!tpu.dma_semaphore, #tpu.memory_space<semaphore_mem>>)
      %dma_wait3A_11 = arith.constant 0 : i32
      %dma_wait3A_12 = tpu.memref_slice %arg4[%mul3A_2, %dma_wait3A_11] : memref<24576x32xf32, #tpu.memory_space<hbm>> -> memref<768x32xf32, #tpu.memory_space<hbm>>
      %dma_wait3A_13 = arith.constant 0 : i32
      %dma_wait3A_14 = tpu.memref_slice %arg4[%mul3A_2, %dma_wait3A_13] : memref<24576x32xf32, #tpu.memory_space<hbm>> -> memref<768x32xf32, #tpu.memory_space<hbm>>
      tpu.wait_dma2 semaphore(%run_scoped3A : memref<!tpu.dma_semaphore, #tpu.memory_space<semaphore_mem>>) src(%arg6 : memref<768x32xf32, #tpu.memory_space<vmem>>) dst(%dma_wait3A_14 : memref<768x32xf32, #tpu.memory_space<hbm>>)
      tpu.yield
    }) : () -> ()
    return
  }
}

#map = affine_map<(d0, d1) -> (0, 0)>
#map1 = affine_map<(d0, d1) -> (0)>
module attributes {stable_mosaic.version = 14 : i64} {
  func.func @k(%arg0: i32, %arg1: i32, %arg2: memref<4096x32xf32, #tpu.memory_space<hbm>>, %arg3: memref<24576xi32, #tpu.memory_space<hbm>>, %arg4: memref<24576x32xf32, #tpu.memory_space<hbm>>, %arg5: memref<768xi32, #tpu.memory_space<vmem>>, %arg6: memref<768x32xf32, #tpu.memory_space<vmem>>, %arg7: memref<!tpu.dma_semaphore, #tpu.memory_space<semaphore_mem>>) attributes {dimension_semantics = [#tpu.dimension_semantics<core_parallel>, #tpu.dimension_semantics<subcore_parallel>], iteration_bounds = array<i64: 2, 16>, scalar_prefetch = 0 : i64, scratch_operands = 3 : i64, tpu.core_type = #tpu.core_type<sc_vector_subcore>, window_params = [{transform_indices = #map}, {transform_indices = #map1}, {transform_indices = #map}]} {
    %mul3A = arith.constant 2 : i32
    %mul3A_0 = arith.muli %arg1, %mul3A : i32
    %add3A = arith.addi %mul3A_0, %arg0 : i32
    %mul3A_1 = arith.constant 768 : i32
    %mul3A_2 = arith.muli %add3A, %mul3A_1 : i32
    "tpu.region"() ({
      %run_scoped3A = tpu.sem_alloc : memref<!tpu.dma_semaphore, #tpu.memory_space<semaphore_mem>>
      %dma_start3A_7 = tpu.memref_slice %arg3[%mul3A_2] : memref<24576xi32, #tpu.memory_space<hbm>> -> memref<768xi32, #tpu.memory_space<hbm>>
      %dma_start3A_8 = tpu.memref_slice %arg3[%mul3A_2] : memref<24576xi32, #tpu.memory_space<hbm>> -> memref<768xi32, #tpu.memory_space<hbm>>
      tpu.enqueue_dma source(%dma_start3A_8 : memref<768xi32, #tpu.memory_space<hbm>>) target(%arg5 : memref<768xi32, #tpu.memory_space<vmem>>) target_semaphore(%run_scoped3A : memref<!tpu.dma_semaphore, #tpu.memory_space<semaphore_mem>>)
      %dma_wait3A_9 = tpu.memref_slice %arg3[%mul3A_2] : memref<24576xi32, #tpu.memory_space<hbm>> -> memref<768xi32, #tpu.memory_space<hbm>>
      %dma_wait3A_10 = tpu.memref_slice %arg3[%mul3A_2] : memref<24576xi32, #tpu.memory_space<hbm>> -> memref<768xi32, #tpu.memory_space<hbm>>
      tpu.wait_dma2 semaphore(%run_scoped3A : memref<!tpu.dma_semaphore, #tpu.memory_space<semaphore_mem>>) src(%dma_wait3A_10 : memref<768xi32, #tpu.memory_space<hbm>>) dst(%arg5 : memref<768xi32, #tpu.memory_space<vmem>>)
      tpu.yield
    }) : () -> ()
    %dma_start3A = arith.constant 0 : i32
    %dma_start3A_3 = arith.constant 0 : i32
    %dma_start3A_4 = tpu.memref_slice %arg2[%dma_start3A, %dma_start3A_3] : memref<4096x32xf32, #tpu.memory_space<hbm>> -> memref<4096x32xf32, #tpu.memory_space<hbm>>
    tpu.enqueue_indirect_dma source(%dma_start3A_4 : memref<4096x32xf32, #tpu.memory_space<hbm>>) target(%arg6 : memref<768x32xf32, #tpu.memory_space<vmem>>) offsets(%arg5 : memref<768xi32, #tpu.memory_space<vmem>>) semaphore(%arg7 : memref<!tpu.dma_semaphore, #tpu.memory_space<semaphore_mem>>)
    %dma_wait3A = arith.constant 0 : i32
    %dma_wait3A_5 = arith.constant 0 : i32
    %dma_wait3A_6 = tpu.memref_slice %arg2[%dma_wait3A, %dma_wait3A_5] : memref<4096x32xf32, #tpu.memory_space<hbm>> -> memref<4096x32xf32, #tpu.memory_space<hbm>>
    tpu.wait_indirect_dma semaphore(%arg7 : memref<!tpu.dma_semaphore, #tpu.memory_space<semaphore_mem>>) src(%dma_wait3A_6 : memref<4096x32xf32, #tpu.memory_space<hbm>>) dst(%arg6 : memref<768x32xf32, #tpu.memory_space<vmem>>)
    "tpu.region"() ({
      %run_scoped3A = tpu.sem_alloc : memref<!tpu.dma_semaphore, #tpu.memory_space<semaphore_mem>>
      %dma_start3A_7 = arith.constant 0 : i32
      %dma_start3A_8 = tpu.memref_slice %arg4[%mul3A_2, %dma_start3A_7] : memref<24576x32xf32, #tpu.memory_space<hbm>> -> memref<768x32xf32, #tpu.memory_space<hbm>>
      %dma_start3A_9 = arith.constant 0 : i32
      %dma_start3A_10 = tpu.memref_slice %arg4[%mul3A_2, %dma_start3A_9] : memref<24576x32xf32, #tpu.memory_space<hbm>> -> memref<768x32xf32, #tpu.memory_space<hbm>>
      tpu.enqueue_dma source(%arg6 : memref<768x32xf32, #tpu.memory_space<vmem>>) target(%dma_start3A_10 : memref<768x32xf32, #tpu.memory_space<hbm>>) target_semaphore(%run_scoped3A : memref<!tpu.dma_semaphore, #tpu.memory_space<semaphore_mem>>)
      %dma_wait3A_11 = arith.constant 0 : i32
      %dma_wait3A_12 = tpu.memref_slice %arg4[%mul3A_2, %dma_wait3A_11] : memref<24576x32xf32, #tpu.memory_space<hbm>> -> memref<768x32xf32, #tpu.memory_space<hbm>>
      %dma_wait3A_13 = arith.constant 0 : i32
      %dma_wait3A_14 = tpu.memref_slice %arg4[%mul3A_2, %dma_wait3A_13] : memref<24576x32xf32, #tpu.memory_space<hbm>> -> memref<768x32xf32, #tpu.memory_space<hbm>>
      tpu.wait_dma2 semaphore(%run_scoped3A : memref<!tpu.dma_semaphore, #tpu.memory_space<semaphore_mem>>) src(%arg6 : memref<768x32xf32, #tpu.memory_space<vmem>>) dst(%dma_wait3A_14 : memref<768x32xf32, #tpu.memory_space<hbm>>)
      tpu.yield
    }) : () -> ()
    return
  }
}

module attributes {stable_mosaic.version = 14 : i64} {
  func.func @_fps_body(%arg0: memref<3x8x1024xf32, #tpu.memory_space<vmem>>, %arg1: memref<3x8x1024xf32, #tpu.memory_space<vmem>>, %arg2: memref<24576xf32, #tpu.memory_space<smem>>, %arg3: memref<24576xf32, #tpu.memory_space<smem>>, %arg4: memref<4096x3xf32, #tpu.memory_space<vmem>>, %arg5: memref<4096x3xf32, #tpu.memory_space<vmem>>, %arg6: memref<8x1024xf32, #tpu.memory_space<vmem>>, %arg7: memref<8x1024xf32, #tpu.memory_space<vmem>>) attributes {dimension_semantics = [], scalar_prefetch = 0 : i64, scratch_operands = 2 : i64, tpu.core_type = #tpu.core_type<tc>} {
    %get3A = arith.constant 0 : index
    %get3A_0 = arith.constant 0 : index
    %get3A_1 = arith.constant 0 : index
    %get3A_2 = vector.load %arg0[%get3A, %get3A_0, %get3A_1] : memref<3x8x1024xf32, #tpu.memory_space<vmem>>, vector<1x8x1024xf32>
    %get3A_3 = vector.shape_cast %get3A_2 : vector<1x8x1024xf32> to vector<8x1024xf32>
    %get3A_4 = arith.constant 1 : index
    %get3A_5 = arith.constant 0 : index
    %get3A_6 = arith.constant 0 : index
    %get3A_7 = vector.load %arg0[%get3A_4, %get3A_5, %get3A_6] : memref<3x8x1024xf32, #tpu.memory_space<vmem>>, vector<1x8x1024xf32>
    %get3A_8 = vector.shape_cast %get3A_7 : vector<1x8x1024xf32> to vector<8x1024xf32>
    %get3A_9 = arith.constant 2 : index
    %get3A_10 = arith.constant 0 : index
    %get3A_11 = arith.constant 0 : index
    %get3A_12 = vector.load %arg0[%get3A_9, %get3A_10, %get3A_11] : memref<3x8x1024xf32, #tpu.memory_space<vmem>>, vector<1x8x1024xf32>
    %get3A_13 = vector.shape_cast %get3A_12 : vector<1x8x1024xf32> to vector<8x1024xf32>
    %get3A_14 = arith.constant 0 : index
    %get3A_15 = arith.constant 0 : index
    %get3A_16 = arith.constant 0 : index
    %get3A_17 = vector.load %arg1[%get3A_14, %get3A_15, %get3A_16] : memref<3x8x1024xf32, #tpu.memory_space<vmem>>, vector<1x8x1024xf32>
    %get3A_18 = vector.shape_cast %get3A_17 : vector<1x8x1024xf32> to vector<8x1024xf32>
    %get3A_19 = arith.constant 1 : index
    %get3A_20 = arith.constant 0 : index
    %get3A_21 = arith.constant 0 : index
    %get3A_22 = vector.load %arg1[%get3A_19, %get3A_20, %get3A_21] : memref<3x8x1024xf32, #tpu.memory_space<vmem>>, vector<1x8x1024xf32>
    %get3A_23 = vector.shape_cast %get3A_22 : vector<1x8x1024xf32> to vector<8x1024xf32>
    %get3A_24 = arith.constant 2 : index
    %get3A_25 = arith.constant 0 : index
    %get3A_26 = arith.constant 0 : index
    %get3A_27 = vector.load %arg1[%get3A_24, %get3A_25, %get3A_26] : memref<3x8x1024xf32, #tpu.memory_space<vmem>>, vector<1x8x1024xf32>
    %get3A_28 = vector.shape_cast %get3A_27 : vector<1x8x1024xf32> to vector<8x1024xf32>
    %iota3A = tpu.iota {dimensions = array<i32: 0>} : vector<8x1024xi32>
    %iota3A_29 = tpu.iota {dimensions = array<i32: 1>} : vector<8x1024xi32>
    %mul3A = arith.constant 1024 : i32
    %mul3A_30 = vector.broadcast %mul3A : i32 to vector<8x1024xi32>
    %mul3A_31 = arith.muli %iota3A, %mul3A_30 : vector<8x1024xi32>
    %add3A = arith.addi %mul3A_31, %iota3A_29 : vector<8x1024xi32>
    %broadcast_in_dim3A = arith.constant 1.000000e+10 : f32
    %broadcast_in_dim3A_32 = vector.broadcast %broadcast_in_dim3A : f32 to vector<8x1024xf32>
    %swap3A = arith.constant 0 : index
    %swap3A_33 = arith.constant 0 : index
    %swap3A_34 = vector.load %arg6[%swap3A, %swap3A_33] : memref<8x1024xf32, #tpu.memory_space<vmem>>, vector<8x1024xf32>
    tpu.vector_store %arg6[%swap3A, %swap3A_33], %broadcast_in_dim3A_32 {strides = array<i32>} : memref<8x1024xf32, #tpu.memory_space<vmem>>, vector<8x1024xf32>,
    %broadcast_in_dim3A_35 = arith.constant 1.000000e+10 : f32
    %broadcast_in_dim3A_36 = vector.broadcast %broadcast_in_dim3A_35 : f32 to vector<8x1024xf32>
    %swap3A_37 = arith.constant 0 : index
    %swap3A_38 = arith.constant 0 : index
    %swap3A_39 = vector.load %arg7[%swap3A_37, %swap3A_38] : memref<8x1024xf32, #tpu.memory_space<vmem>>, vector<8x1024xf32>
    tpu.vector_store %arg7[%swap3A_37, %swap3A_38], %broadcast_in_dim3A_36 {strides = array<i32>} : memref<8x1024xf32, #tpu.memory_space<vmem>>, vector<8x1024xf32>,
    %scan3A = arith.constant 0 : i32
    %scan3A_40 = arith.constant 0 : i32
    %scan3A_41 = arith.constant 0 : i32
    %scan3A_42 = arith.constant 4096 : i32
    %scan3A_43 = arith.addi %scan3A_41, %scan3A_42 : i32
    %scan3A_44 = arith.constant 1 : i32
    %scan3A_45:2 = scf.for %scan3A_47 = %scan3A_41 to %scan3A_43 step %scan3A_44 iter_args(%scan3A_48 = %scan3A, %scan3A_49 = %scan3A_40) -> (i32, i32)  : i32 {
      %mul3A_50 = arith.constant 3 : i32
      %mul3A_51 = arith.muli %scan3A_48, %mul3A_50 : i32
      %mul3A_52 = arith.constant 3 : i32
      %mul3A_53 = arith.muli %scan3A_49, %mul3A_52 : i32
      %get3A_54 = arith.index_cast %mul3A_51 : i32 to index
      %get3A_55 = memref.load %arg2[%get3A_54] : memref<24576xf32, #tpu.memory_space<smem>>
      %add3A_56 = arith.constant 1 : i32
      %add3A_57 = arith.addi %mul3A_51, %add3A_56 : i32
      %get3A_58 = arith.index_cast %add3A_57 : i32 to index
      %get3A_59 = memref.load %arg2[%get3A_58] : memref<24576xf32, #tpu.memory_space<smem>>
      %add3A_60 = arith.constant 2 : i32
      %add3A_61 = arith.addi %mul3A_51, %add3A_60 : i32
      %get3A_62 = arith.index_cast %add3A_61 : i32 to index
      %get3A_63 = memref.load %arg2[%get3A_62] : memref<24576xf32, #tpu.memory_space<smem>>
      %get3A_64 = arith.index_cast %mul3A_53 : i32 to index
      %get3A_65 = memref.load %arg3[%get3A_64] : memref<24576xf32, #tpu.memory_space<smem>>
      %add3A_66 = arith.constant 1 : i32
      %add3A_67 = arith.addi %mul3A_53, %add3A_66 : i32
      %get3A_68 = arith.index_cast %add3A_67 : i32 to index
      %get3A_69 = memref.load %arg3[%get3A_68] : memref<24576xf32, #tpu.memory_space<smem>>
      %add3A_70 = arith.constant 2 : i32
      %add3A_71 = arith.addi %mul3A_53, %add3A_70 : i32
      %get3A_72 = arith.index_cast %add3A_71 : i32 to index
      %get3A_73 = memref.load %arg3[%get3A_72] : memref<24576xf32, #tpu.memory_space<smem>>
      %sub3A = vector.broadcast %get3A_55 : f32 to vector<8x1024xf32>
      %sub3A_74 = arith.subf %get3A_3, %sub3A : vector<8x1024xf32>
      %sub3A_75 = vector.broadcast %get3A_59 : f32 to vector<8x1024xf32>
      %sub3A_76 = arith.subf %get3A_8, %sub3A_75 : vector<8x1024xf32>
      %sub3A_77 = vector.broadcast %get3A_63 : f32 to vector<8x1024xf32>
      %sub3A_78 = arith.subf %get3A_13, %sub3A_77 : vector<8x1024xf32>
      %sub3A_79 = vector.broadcast %get3A_65 : f32 to vector<8x1024xf32>
      %sub3A_80 = arith.subf %get3A_18, %sub3A_79 : vector<8x1024xf32>
      %sub3A_81 = vector.broadcast %get3A_69 : f32 to vector<8x1024xf32>
      %sub3A_82 = arith.subf %get3A_23, %sub3A_81 : vector<8x1024xf32>
      %sub3A_83 = vector.broadcast %get3A_73 : f32 to vector<8x1024xf32>
      %sub3A_84 = arith.subf %get3A_28, %sub3A_83 : vector<8x1024xf32>
      %mul3A_85 = arith.mulf %sub3A_74, %sub3A_74 : vector<8x1024xf32>
      %mul3A_86 = arith.mulf %sub3A_78, %sub3A_78 : vector<8x1024xf32>
      %add3A_87 = arith.addf %mul3A_85, %mul3A_86 : vector<8x1024xf32>
      %mul3A_88 = arith.mulf %sub3A_76, %sub3A_76 : vector<8x1024xf32>
      %add3A_89 = arith.addf %add3A_87, %mul3A_88 : vector<8x1024xf32>
      %mul3A_90 = arith.mulf %sub3A_80, %sub3A_80 : vector<8x1024xf32>
      %mul3A_91 = arith.mulf %sub3A_84, %sub3A_84 : vector<8x1024xf32>
      %add3A_92 = arith.addf %mul3A_90, %mul3A_91 : vector<8x1024xf32>
      %mul3A_93 = arith.mulf %sub3A_82, %sub3A_82 : vector<8x1024xf32>
      %add3A_94 = arith.addf %add3A_92, %mul3A_93 : vector<8x1024xf32>
      %get3A_95 = arith.constant 0 : index
      %get3A_96 = arith.constant 0 : index
      %get3A_97 = vector.load %arg6[%get3A_95, %get3A_96] : memref<8x1024xf32, #tpu.memory_space<vmem>>, vector<8x1024xf32>
      %min3A = arith.minimumf %get3A_97, %add3A_89 : vector<8x1024xf32>
      %get3A_98 = arith.constant 0 : index
      %get3A_99 = arith.constant 0 : index
      %get3A_100 = vector.load %arg7[%get3A_98, %get3A_99] : memref<8x1024xf32, #tpu.memory_space<vmem>>, vector<8x1024xf32>
      %min3A_101 = arith.minimumf %get3A_100, %add3A_94 : vector<8x1024xf32>
      %swap3A_102 = arith.constant 0 : index
      %swap3A_103 = arith.constant 0 : index
      %swap3A_104 = vector.load %arg6[%swap3A_102, %swap3A_103] : memref<8x1024xf32, #tpu.memory_space<vmem>>, vector<8x1024xf32>
      tpu.vector_store %arg6[%swap3A_102, %swap3A_103], %min3A {strides = array<i32>} : memref<8x1024xf32, #tpu.memory_space<vmem>>, vector<8x1024xf32>,
      %swap3A_105 = arith.constant 0 : index
      %swap3A_106 = arith.constant 0 : index
      %swap3A_107 = vector.load %arg7[%swap3A_105, %swap3A_106] : memref<8x1024xf32, #tpu.memory_space<vmem>>, vector<8x1024xf32>
      tpu.vector_store %arg7[%swap3A_105, %swap3A_106], %min3A_101 {strides = array<i32>} : memref<8x1024xf32, #tpu.memory_space<vmem>>, vector<8x1024xf32>,
      %reduce_max3A = vector.shape_cast %min3A : vector<8x1024xf32> to vector<1x8x1024xf32>
      %reduce_max3A_108 = arith.constant dense<0xFF800000> : vector<1xf32>
      %reduce_max3A_109 = vector.multi_reduction <maximumf>, %reduce_max3A, %reduce_max3A_108 [1, 2] : vector<1x8x1024xf32> to vector<1xf32>
      %reduce_max3A_110 = vector.shape_cast %reduce_max3A_109 : vector<1xf32> to vector<1x1x1xf32>
      %reduce_max3A_111 = vector.extract %reduce_max3A_110[0, 0, 0] : f32 from vector<1x1x1xf32>
      %reduce_max3A_112 = vector.shape_cast %min3A_101 : vector<8x1024xf32> to vector<1x8x1024xf32>
      %reduce_max3A_113 = arith.constant dense<0xFF800000> : vector<1xf32>
      %reduce_max3A_114 = vector.multi_reduction <maximumf>, %reduce_max3A_112, %reduce_max3A_113 [1, 2] : vector<1x8x1024xf32> to vector<1xf32>
      %reduce_max3A_115 = vector.shape_cast %reduce_max3A_114 : vector<1xf32> to vector<1x1x1xf32>
      %reduce_max3A_116 = vector.extract %reduce_max3A_115[0, 0, 0] : f32 from vector<1x1x1xf32>
      %eq3A = vector.broadcast %reduce_max3A_111 : f32 to vector<8x1024xf32>
      %eq3A_117 = arith.cmpf oeq, %min3A, %eq3A : vector<8x1024xf32>
      %jit3A = arith.constant 8192 : i32
      %broadcast_in_dim3A_118 = vector.broadcast %jit3A : i32 to vector<8x1024xi32>
      %select_n3A = arith.select %eq3A_117, %add3A, %broadcast_in_dim3A_118 : vector<8x1024xi1>, vector<8x1024xi32>
      %reduce_min3A = vector.shape_cast %select_n3A : vector<8x1024xi32> to vector<1x8x1024xi32>
      %reduce_min3A_119 = arith.constant dense<2147483647> : vector<1xi32>
      %reduce_min3A_120 = vector.multi_reduction <minsi>, %reduce_min3A, %reduce_min3A_119 [1, 2] : vector<1x8x1024xi32> to vector<1xi32>
      %reduce_min3A_121 = vector.shape_cast %reduce_min3A_120 : vector<1xi32> to vector<1x1x1xi32>
      %reduce_min3A_122 = vector.extract %reduce_min3A_121[0, 0, 0] : i32 from vector<1x1x1xi32>
      %eq3A_123 = vector.broadcast %reduce_max3A_116 : f32 to vector<8x1024xf32>
      %eq3A_124 = arith.cmpf oeq, %min3A_101, %eq3A_123 : vector<8x1024xf32>
      %jit3A_125 = arith.constant 8192 : i32
      %broadcast_in_dim3A_126 = vector.broadcast %jit3A_125 : i32 to vector<8x1024xi32>
      %select_n3A_127 = arith.select %eq3A_124, %add3A, %broadcast_in_dim3A_126 : vector<8x1024xi1>, vector<8x1024xi32>
      %reduce_min3A_128 = vector.shape_cast %select_n3A_127 : vector<8x1024xi32> to vector<1x8x1024xi32>
      %reduce_min3A_129 = arith.constant dense<2147483647> : vector<1xi32>
      %reduce_min3A_130 = vector.multi_reduction <minsi>, %reduce_min3A_128, %reduce_min3A_129 [1, 2] : vector<1x8x1024xi32> to vector<1xi32>
      %reduce_min3A_131 = vector.shape_cast %reduce_min3A_130 : vector<1xi32> to vector<1x1x1xi32>
      %reduce_min3A_132 = vector.extract %reduce_min3A_131[0, 0, 0] : i32 from vector<1x1x1xi32>
      %stack3A = vector.broadcast %get3A_55 : f32 to vector<1xf32>
      %stack3A_133 = vector.broadcast %get3A_59 : f32 to vector<1xf32>
      %stack3A_134 = vector.broadcast %get3A_63 : f32 to vector<1xf32>
      %stack3A_135 = tpu.concatenate %stack3A, %stack3A_133, %stack3A_134 in 0 : vector<1xf32>, vector<1xf32>, vector<1xf32> -> vector<3xf32>
      %reshape3A = vector.shape_cast %stack3A_135 : vector<3xf32> to vector<1x3xf32>
      %swap3A_136 = arith.index_cast %scan3A_47 : i32 to index
      %swap3A_137 = arith.constant 0 : index
      %swap3A_138 = vector.load %arg4[%swap3A_136, %swap3A_137] : memref<4096x3xf32, #tpu.memory_space<vmem>>, vector<1x3xf32>
      tpu.vector_store %arg4[%swap3A_136, %swap3A_137], %reshape3A {strides = array<i32>} : memref<4096x3xf32, #tpu.memory_space<vmem>>, vector<1x3xf32>,
      %stack3A_139 = vector.broadcast %get3A_65 : f32 to vector<1xf32>
      %stack3A_140 = vector.broadcast %get3A_69 : f32 to vector<1xf32>
      %stack3A_141 = vector.broadcast %get3A_73 : f32 to vector<1xf32>
      %stack3A_142 = tpu.concatenate %stack3A_139, %stack3A_140, %stack3A_141 in 0 : vector<1xf32>, vector<1xf32>, vector<1xf32> -> vector<3xf32>
      %reshape3A_143 = vector.shape_cast %stack3A_142 : vector<3xf32> to vector<1x3xf32>
      %swap3A_144 = arith.index_cast %scan3A_47 : i32 to index
      %swap3A_145 = arith.constant 0 : index
      %swap3A_146 = vector.load %arg5[%swap3A_144, %swap3A_145] : memref<4096x3xf32, #tpu.memory_space<vmem>>, vector<1x3xf32>
      tpu.vector_store %arg5[%swap3A_144, %swap3A_145], %reshape3A_143 {strides = array<i32>} : memref<4096x3xf32, #tpu.memory_space<vmem>>, vector<1x3xf32>,
      scf.yield %reduce_min3A_122, %reduce_min3A_132 : i32, i32
    }
    %scan3A_46 = arith.constant 4096 : i32
    return
  }
}

module attributes {stable_mosaic.version = 14 : i64} {
  func.func @_ballq_body(%arg0: i32, %arg1: memref<128x3xf32, #tpu.memory_space<vmem>>, %arg2: memref<3x8192xf32, #tpu.memory_space<vmem>>, %arg3: memref<128x32xi32, #tpu.memory_space<vmem>>) attributes {dimension_semantics = [#tpu.dimension_semantics<arbitrary>], iteration_bounds = array<i64: 32>, scalar_prefetch = 0 : i64, scratch_operands = 0 : i64, tpu.core_type = #tpu.core_type<tc>, window_params = [{transform_indices = @transform_0, window_bounds = array<i64: 128, 3>}, {pipeline_mode = #tpu.pipeline_mode<synchronous>, transform_indices = @transform_1, window_bounds = array<i64: 3, 8192>}, {transform_indices = @transform_2, window_bounds = array<i64: 128, 32>}]} {
    %get3A = arith.constant 0 : index
    %get3A_0 = arith.constant 0 : index
    %get3A_1 = vector.load %arg1[%get3A, %get3A_0] : memref<128x3xf32, #tpu.memory_space<vmem>>, vector<128x3xf32>
    %get3A_2 = arith.constant 0 : index
    %get3A_3 = arith.constant 0 : index
    %get3A_4 = vector.load %arg2[%get3A_2, %get3A_3] : memref<3x8192xf32, #tpu.memory_space<vmem>>, vector<3x8192xf32>
    %slice3A = vector.extract_strided_slice %get3A_4 {offsets = [0, 0], sizes = [1, 8192], strides = [1, 1]} : vector<3x8192xf32> to vector<1x8192xf32>
    %slice3A_5 = vector.extract_strided_slice %get3A_4 {offsets = [1, 0], sizes = [1, 8192], strides = [1, 1]} : vector<3x8192xf32> to vector<1x8192xf32>
    %slice3A_6 = vector.extract_strided_slice %get3A_4 {offsets = [2, 0], sizes = [1, 8192], strides = [1, 1]} : vector<3x8192xf32> to vector<1x8192xf32>
    %slice3A_7 = vector.extract_strided_slice %get3A_1 {offsets = [0, 0], sizes = [128, 1], strides = [1, 1]} : vector<128x3xf32> to vector<128x1xf32>
    %slice3A_8 = vector.extract_strided_slice %get3A_1 {offsets = [0, 1], sizes = [128, 1], strides = [1, 1]} : vector<128x3xf32> to vector<128x1xf32>
    %slice3A_9 = vector.extract_strided_slice %get3A_1 {offsets = [0, 2], sizes = [128, 1], strides = [1, 1]} : vector<128x3xf32> to vector<128x1xf32>
    %mul3A = arith.mulf %slice3A, %slice3A : vector<1x8192xf32>
    %mul3A_10 = arith.mulf %slice3A_6, %slice3A_6 : vector<1x8192xf32>
    %add3A = arith.addf %mul3A, %mul3A_10 : vector<1x8192xf32>
    %mul3A_11 = arith.mulf %slice3A_5, %slice3A_5 : vector<1x8192xf32>
    %add3A_12 = arith.addf %add3A, %mul3A_11 : vector<1x8192xf32>
    %mul3A_13 = arith.mulf %slice3A_7, %slice3A_7 : vector<128x1xf32>
    %mul3A_14 = arith.mulf %slice3A_9, %slice3A_9 : vector<128x1xf32>
    %add3A_15 = arith.addf %mul3A_13, %mul3A_14 : vector<128x1xf32>
    %mul3A_16 = arith.mulf %slice3A_8, %slice3A_8 : vector<128x1xf32>
    %add3A_17 = arith.addf %add3A_15, %mul3A_16 : vector<128x1xf32>
    %dot_general3A = arith.constant dense<0.000000e+00> : vector<128x8192xf32>
    %dot_general3A_18 = tpu.matmul %get3A_1, %get3A_4, %dot_general3A {dimension_numbers = #tpu.dot_dimension_numbers<[1], [0], [0], [1], [0, 0, 1, 1], [], []>, transpose_lhs_hint = false} : vector<128x3xf32>, vector<3x8192xf32>, vector<128x8192xf32> -> vector<128x8192xf32>
    %add3A_19 = vector.broadcast %add3A_17 : vector<128x1xf32> to vector<128x8192xf32>
    %add3A_20 = vector.broadcast %add3A_12 : vector<1x8192xf32> to vector<128x8192xf32>
    %add3A_21 = arith.addf %add3A_19, %add3A_20 : vector<128x8192xf32>
    %mul3A_22 = arith.constant 2.000000e+00 : f32
    %mul3A_23 = vector.broadcast %mul3A_22 : f32 to vector<128x8192xf32>
    %mul3A_24 = arith.mulf %mul3A_23, %dot_general3A_18 : vector<128x8192xf32>
    %sub3A = arith.subf %add3A_21, %mul3A_24 : vector<128x8192xf32>
    %iota3A = tpu.iota {dimensions = array<i32: 1>} : vector<128x8192xi32>
    %le3A = arith.constant 1.000000e+00 : f32
    %le3A_25 = vector.broadcast %le3A : f32 to vector<128x8192xf32>
    %le3A_26 = arith.cmpf ole, %sub3A, %le3A_25 : vector<128x8192xf32>
    %jit3A = arith.constant 8192 : i32
    %broadcast_in_dim3A = vector.broadcast %jit3A : i32 to vector<128x8192xi32>
    %select_n3A = arith.select %le3A_26, %iota3A, %broadcast_in_dim3A : vector<128x8192xi1>, vector<128x8192xi32>
    %broadcast_in_dim3A_27 = arith.constant -1 : i32
    %broadcast_in_dim3A_28 = vector.broadcast %broadcast_in_dim3A_27 : i32 to vector<128x1xi32>
    %gt3A = vector.broadcast %broadcast_in_dim3A_28 : vector<128x1xi32> to vector<128x8192xi32>
    %gt3A_29 = arith.cmpi sgt, %select_n3A, %gt3A : vector<128x8192xi32>
    %jit3A_30 = arith.constant 8192 : i32
    %broadcast_in_dim3A_31 = vector.broadcast %jit3A_30 : i32 to vector<128x8192xi32>
    %select_n3A_32 = arith.select %gt3A_29, %select_n3A, %broadcast_in_dim3A_31 : vector<128x8192xi1>, vector<128x8192xi32>
    %reduce_min3A = arith.constant dense<2147483647> : vector<128xi32>
    %reduce_min3A_33 = vector.multi_reduction <minsi>, %select_n3A_32, %reduce_min3A [1] : vector<128x8192xi32> to vector<128xi32>
    %broadcast_in_dim3A_34 = vector.shape_cast %reduce_min3A_33 : vector<128xi32> to vector<128x1xi32>
    %min3A = arith.constant 8191 : i32
    %min3A_35 = vector.broadcast %min3A : i32 to vector<128x1xi32>
    %min3A_36 = arith.minsi %broadcast_in_dim3A_34, %min3A_35 : vector<128x1xi32>
    %swap3A = arith.constant 0 : index
    %swap3A_37 = arith.constant 0 : index
    %swap3A_38 = vector.load %arg3[%swap3A, %swap3A_37] : memref<128x32xi32, #tpu.memory_space<vmem>>, vector<128x1xi32>
    tpu.vector_store %arg3[%swap3A, %swap3A_37], %min3A_36 {strides = array<i32>} : memref<128x32xi32, #tpu.memory_space<vmem>>, vector<128x1xi32>,
    %gt3A_39 = vector.broadcast %broadcast_in_dim3A_34 : vector<128x1xi32> to vector<128x8192xi32>
    %gt3A_40 = arith.cmpi sgt, %select_n3A, %gt3A_39 : vector<128x8192xi32>
    %jit3A_41 = arith.constant 8192 : i32
    %broadcast_in_dim3A_42 = vector.broadcast %jit3A_41 : i32 to vector<128x8192xi32>
    %select_n3A_43 = arith.select %gt3A_40, %select_n3A, %broadcast_in_dim3A_42 : vector<128x8192xi1>, vector<128x8192xi32>
    %reduce_min3A_44 = arith.constant dense<2147483647> : vector<128xi32>
    %reduce_min3A_45 = vector.multi_reduction <minsi>, %select_n3A_43, %reduce_min3A_44 [1] : vector<128x8192xi32> to vector<128xi32>
    %broadcast_in_dim3A_46 = vector.shape_cast %reduce_min3A_45 : vector<128xi32> to vector<128x1xi32>
    %eq3A = arith.constant 8192 : i32
    %eq3A_47 = vector.broadcast %eq3A : i32 to vector<128x1xi32>
    %eq3A_48 = arith.cmpi eq, %broadcast_in_dim3A_46, %eq3A_47 : vector<128x1xi32>
    %select_n3A_49 = arith.select %eq3A_48, %broadcast_in_dim3A_34, %broadcast_in_dim3A_46 : vector<128x1xi1>, vector<128x1xi32>
    %min3A_50 = arith.constant 8191 : i32
    %min3A_51 = vector.broadcast %min3A_50 : i32 to vector<128x1xi32>
    %min3A_52 = arith.minsi %select_n3A_49, %min3A_51 : vector<128x1xi32>
    %swap3A_53 = arith.constant 0 : index
    %swap3A_54 = arith.constant 1 : index
    %swap3A_55 = vector.load %arg3[%swap3A_53, %swap3A_54] : memref<128x32xi32, #tpu.memory_space<vmem>>, vector<128x1xi32>
    tpu.vector_store %arg3[%swap3A_53, %swap3A_54], %min3A_52 {strides = array<i32>} : memref<128x32xi32, #tpu.memory_space<vmem>>, vector<128x1xi32>,
    %gt3A_56 = vector.broadcast %broadcast_in_dim3A_46 : vector<128x1xi32> to vector<128x8192xi32>
    %gt3A_57 = arith.cmpi sgt, %select_n3A, %gt3A_56 : vector<128x8192xi32>
    %jit3A_58 = arith.constant 8192 : i32
    %broadcast_in_dim3A_59 = vector.broadcast %jit3A_58 : i32 to vector<128x8192xi32>
    %select_n3A_60 = arith.select %gt3A_57, %select_n3A, %broadcast_in_dim3A_59 : vector<128x8192xi1>, vector<128x8192xi32>
    %reduce_min3A_61 = arith.constant dense<2147483647> : vector<128xi32>
    %reduce_min3A_62 = vector.multi_reduction <minsi>, %select_n3A_60, %reduce_min3A_61 [1] : vector<128x8192xi32> to vector<128xi32>
    %broadcast_in_dim3A_63 = vector.shape_cast %reduce_min3A_62 : vector<128xi32> to vector<128x1xi32>
    %eq3A_64 = arith.constant 8192 : i32
    %eq3A_65 = vector.broadcast %eq3A_64 : i32 to vector<128x1xi32>
    %eq3A_66 = arith.cmpi eq, %broadcast_in_dim3A_63, %eq3A_65 : vector<128x1xi32>
    %select_n3A_67 = arith.select %eq3A_66, %broadcast_in_dim3A_34, %broadcast_in_dim3A_63 : vector<128x1xi1>, vector<128x1xi32>
    %min3A_68 = arith.constant 8191 : i32
    %min3A_69 = vector.broadcast %min3A_68 : i32 to vector<128x1xi32>
    %min3A_70 = arith.minsi %select_n3A_67, %min3A_69 : vector<128x1xi32>
    %swap3A_71 = arith.constant 0 : index
    %swap3A_72 = arith.constant 2 : index
    %swap3A_73 = vector.load %arg3[%swap3A_71, %swap3A_72] : memref<128x32xi32, #tpu.memory_space<vmem>>, vector<128x1xi32>
    tpu.vector_store %arg3[%swap3A_71, %swap3A_72], %min3A_70 {strides = array<i32>} : memref<128x32xi32, #tpu.memory_space<vmem>>, vector<128x1xi32>,
    %gt3A_74 = vector.broadcast %broadcast_in_dim3A_63 : vector<128x1xi32> to vector<128x8192xi32>
    %gt3A_75 = arith.cmpi sgt, %select_n3A, %gt3A_74 : vector<128x8192xi32>
    %jit3A_76 = arith.constant 8192 : i32
    %broadcast_in_dim3A_77 = vector.broadcast %jit3A_76 : i32 to vector<128x8192xi32>
    %select_n3A_78 = arith.select %gt3A_75, %select_n3A, %broadcast_in_dim3A_77 : vector<128x8192xi1>, vector<128x8192xi32>
    %reduce_min3A_79 = arith.constant dense<2147483647> : vector<128xi32>
    %reduce_min3A_80 = vector.multi_reduction <minsi>, %select_n3A_78, %reduce_min3A_79 [1] : vector<128x8192xi32> to vector<128xi32>
    %broadcast_in_dim3A_81 = vector.shape_cast %reduce_min3A_80 : vector<128xi32> to vector<128x1xi32>
    %eq3A_82 = arith.constant 8192 : i32
    %eq3A_83 = vector.broadcast %eq3A_82 : i32 to vector<128x1xi32>
    %eq3A_84 = arith.cmpi eq, %broadcast_in_dim3A_81, %eq3A_83 : vector<128x1xi32>
    %select_n3A_85 = arith.select %eq3A_84, %broadcast_in_dim3A_34, %broadcast_in_dim3A_81 : vector<128x1xi1>, vector<128x1xi32>
    %min3A_86 = arith.constant 8191 : i32
    %min3A_87 = vector.broadcast %min3A_86 : i32 to vector<128x1xi32>
    %min3A_88 = arith.minsi %select_n3A_85, %min3A_87 : vector<128x1xi32>
    %swap3A_89 = arith.constant 0 : index
    %swap3A_90 = arith.constant 3 : index
    %swap3A_91 = vector.load %arg3[%swap3A_89, %swap3A_90] : memref<128x32xi32, #tpu.memory_space<vmem>>, vector<128x1xi32>
    tpu.vector_store %arg3[%swap3A_89, %swap3A_90], %min3A_88 {strides = array<i32>} : memref<128x32xi32, #tpu.memory_space<vmem>>, vector<128x1xi32>,
    %gt3A_92 = vector.broadcast %broadcast_in_dim3A_81 : vector<128x1xi32> to vector<128x8192xi32>
    %gt3A_93 = arith.cmpi sgt, %select_n3A, %gt3A_92 : vector<128x8192xi32>
    %jit3A_94 = arith.constant 8192 : i32
    %broadcast_in_dim3A_95 = vector.broadcast %jit3A_94 : i32 to vector<128x8192xi32>
    %select_n3A_96 = arith.select %gt3A_93, %select_n3A, %broadcast_in_dim3A_95 : vector<128x8192xi1>, vector<128x8192xi32>
    %reduce_min3A_97 = arith.constant dense<2147483647> : vector<128xi32>
    %reduce_min3A_98 = vector.multi_reduction <minsi>, %select_n3A_96, %reduce_min3A_97 [1] : vector<128x8192xi32> to vector<128xi32>
    %broadcast_in_dim3A_99 = vector.shape_cast %reduce_min3A_98 : vector<128xi32> to vector<128x1xi32>
    %eq3A_100 = arith.constant 8192 : i32
    %eq3A_101 = vector.broadcast %eq3A_100 : i32 to vector<128x1xi32>
    %eq3A_102 = arith.cmpi eq, %broadcast_in_dim3A_99, %eq3A_101 : vector<128x1xi32>
    %select_n3A_103 = arith.select %eq3A_102, %broadcast_in_dim3A_34, %broadcast_in_dim3A_99 : vector<128x1xi1>, vector<128x1xi32>
    %min3A_104 = arith.constant 8191 : i32
    %min3A_105 = vector.broadcast %min3A_104 : i32 to vector<128x1xi32>
    %min3A_106 = arith.minsi %select_n3A_103, %min3A_105 : vector<128x1xi32>
    %swap3A_107 = arith.constant 0 : index
    %swap3A_108 = arith.constant 4 : index
    %swap3A_109 = vector.load %arg3[%swap3A_107, %swap3A_108] : memref<128x32xi32, #tpu.memory_space<vmem>>, vector<128x1xi32>
    tpu.vector_store %arg3[%swap3A_107, %swap3A_108], %min3A_106 {strides = array<i32>} : memref<128x32xi32, #tpu.memory_space<vmem>>, vector<128x1xi32>,
    %gt3A_110 = vector.broadcast %broadcast_in_dim3A_99 : vector<128x1xi32> to vector<128x8192xi32>
    %gt3A_111 = arith.cmpi sgt, %select_n3A, %gt3A_110 : vector<128x8192xi32>
    %jit3A_112 = arith.constant 8192 : i32
    %broadcast_in_dim3A_113 = vector.broadcast %jit3A_112 : i32 to vector<128x8192xi32>
    %select_n3A_114 = arith.select %gt3A_111, %select_n3A, %broadcast_in_dim3A_113 : vector<128x8192xi1>, vector<128x8192xi32>
    %reduce_min3A_115 = arith.constant dense<2147483647> : vector<128xi32>
    %reduce_min3A_116 = vector.multi_reduction <minsi>, %select_n3A_114, %reduce_min3A_115 [1] : vector<128x8192xi32> to vector<128xi32>
    %broadcast_in_dim3A_117 = vector.shape_cast %reduce_min3A_116 : vector<128xi32> to vector<128x1xi32>
    %eq3A_118 = arith.constant 8192 : i32
    %eq3A_119 = vector.broadcast %eq3A_118 : i32 to vector<128x1xi32>
    %eq3A_120 = arith.cmpi eq, %broadcast_in_dim3A_117, %eq3A_119 : vector<128x1xi32>
    %select_n3A_121 = arith.select %eq3A_120, %broadcast_in_dim3A_34, %broadcast_in_dim3A_117 : vector<128x1xi1>, vector<128x1xi32>
    %min3A_122 = arith.constant 8191 : i32
    %min3A_123 = vector.broadcast %min3A_122 : i32 to vector<128x1xi32>
    %min3A_124 = arith.minsi %select_n3A_121, %min3A_123 : vector<128x1xi32>
    %swap3A_125 = arith.constant 0 : index
    %swap3A_126 = arith.constant 5 : index
    %swap3A_127 = vector.load %arg3[%swap3A_125, %swap3A_126] : memref<128x32xi32, #tpu.memory_space<vmem>>, vector<128x1xi32>
    tpu.vector_store %arg3[%swap3A_125, %swap3A_126], %min3A_124 {strides = array<i32>} : memref<128x32xi32, #tpu.memory_space<vmem>>, vector<128x1xi32>,
    %gt3A_128 = vector.broadcast %broadcast_in_dim3A_117 : vector<128x1xi32> to vector<128x8192xi32>
    %gt3A_129 = arith.cmpi sgt, %select_n3A, %gt3A_128 : vector<128x8192xi32>
    %jit3A_130 = arith.constant 8192 : i32
    %broadcast_in_dim3A_131 = vector.broadcast %jit3A_130 : i32 to vector<128x8192xi32>
    %select_n3A_132 = arith.select %gt3A_129, %select_n3A, %broadcast_in_dim3A_131 : vector<128x8192xi1>, vector<128x8192xi32>
    %reduce_min3A_133 = arith.constant dense<2147483647> : vector<128xi32>
    %reduce_min3A_134 = vector.multi_reduction <minsi>, %select_n3A_132, %reduce_min3A_133 [1] : vector<128x8192xi32> to vector<128xi32>
    %broadcast_in_dim3A_135 = vector.shape_cast %reduce_min3A_134 : vector<128xi32> to vector<128x1xi32>
    %eq3A_136 = arith.constant 8192 : i32
    %eq3A_137 = vector.broadcast %eq3A_136 : i32 to vector<128x1xi32>
    %eq3A_138 = arith.cmpi eq, %broadcast_in_dim3A_135, %eq3A_137 : vector<128x1xi32>
    %select_n3A_139 = arith.select %eq3A_138, %broadcast_in_dim3A_34, %broadcast_in_dim3A_135 : vector<128x1xi1>, vector<128x1xi32>
    %min3A_140 = arith.constant 8191 : i32
    %min3A_141 = vector.broadcast %min3A_140 : i32 to vector<128x1xi32>
    %min3A_142 = arith.minsi %select_n3A_139, %min3A_141 : vector<128x1xi32>
    %swap3A_143 = arith.constant 0 : index
    %swap3A_144 = arith.constant 6 : index
    %swap3A_145 = vector.load %arg3[%swap3A_143, %swap3A_144] : memref<128x32xi32, #tpu.memory_space<vmem>>, vector<128x1xi32>
    tpu.vector_store %arg3[%swap3A_143, %swap3A_144], %min3A_142 {strides = array<i32>} : memref<128x32xi32, #tpu.memory_space<vmem>>, vector<128x1xi32>,
    %gt3A_146 = vector.broadcast %broadcast_in_dim3A_135 : vector<128x1xi32> to vector<128x8192xi32>
    %gt3A_147 = arith.cmpi sgt, %select_n3A, %gt3A_146 : vector<128x8192xi32>
    %jit3A_148 = arith.constant 8192 : i32
    %broadcast_in_dim3A_149 = vector.broadcast %jit3A_148 : i32 to vector<128x8192xi32>
    %select_n3A_150 = arith.select %gt3A_147, %select_n3A, %broadcast_in_dim3A_149 : vector<128x8192xi1>, vector<128x8192xi32>
    %reduce_min3A_151 = arith.constant dense<2147483647> : vector<128xi32>
    %reduce_min3A_152 = vector.multi_reduction <minsi>, %select_n3A_150, %reduce_min3A_151 [1] : vector<128x8192xi32> to vector<128xi32>
    %broadcast_in_dim3A_153 = vector.shape_cast %reduce_min3A_152 : vector<128xi32> to vector<128x1xi32>
    %eq3A_154 = arith.constant 8192 : i32
    %eq3A_155 = vector.broadcast %eq3A_154 : i32 to vector<128x1xi32>
    %eq3A_156 = arith.cmpi eq, %broadcast_in_dim3A_153, %eq3A_155 : vector<128x1xi32>
    %select_n3A_157 = arith.select %eq3A_156, %broadcast_in_dim3A_34, %broadcast_in_dim3A_153 : vector<128x1xi1>, vector<128x1xi32>
    %min3A_158 = arith.constant 8191 : i32
    %min3A_159 = vector.broadcast %min3A_158 : i32 to vector<128x1xi32>
    %min3A_160 = arith.minsi %select_n3A_157, %min3A_159 : vector<128x1xi32>
    %swap3A_161 = arith.constant 0 : index
    %swap3A_162 = arith.constant 7 : index
    %swap3A_163 = vector.load %arg3[%swap3A_161, %swap3A_162] : memref<128x32xi32, #tpu.memory_space<vmem>>, vector<128x1xi32>
    tpu.vector_store %arg3[%swap3A_161, %swap3A_162], %min3A_160 {strides = array<i32>} : memref<128x32xi32, #tpu.memory_space<vmem>>, vector<128x1xi32>,
    %gt3A_164 = vector.broadcast %broadcast_in_dim3A_153 : vector<128x1xi32> to vector<128x8192xi32>
    %gt3A_165 = arith.cmpi sgt, %select_n3A, %gt3A_164 : vector<128x8192xi32>
    %jit3A_166 = arith.constant 8192 : i32
    %broadcast_in_dim3A_167 = vector.broadcast %jit3A_166 : i32 to vector<128x8192xi32>
    %select_n3A_168 = arith.select %gt3A_165, %select_n3A, %broadcast_in_dim3A_167 : vector<128x8192xi1>, vector<128x8192xi32>
    %reduce_min3A_169 = arith.constant dense<2147483647> : vector<128xi32>
    %reduce_min3A_170 = vector.multi_reduction <minsi>, %select_n3A_168, %reduce_min3A_169 [1] : vector<128x8192xi32> to vector<128xi32>
    %broadcast_in_dim3A_171 = vector.shape_cast %reduce_min3A_170 : vector<128xi32> to vector<128x1xi32>
    %eq3A_172 = arith.constant 8192 : i32
    %eq3A_173 = vector.broadcast %eq3A_172 : i32 to vector<128x1xi32>
    %eq3A_174 = arith.cmpi eq, %broadcast_in_dim3A_171, %eq3A_173 : vector<128x1xi32>
    %select_n3A_175 = arith.select %eq3A_174, %broadcast_in_dim3A_34, %broadcast_in_dim3A_171 : vector<128x1xi1>, vector<128x1xi32>
    %min3A_176 = arith.constant 8191 : i32
    %min3A_177 = vector.broadcast %min3A_176 : i32 to vector<128x1xi32>
    %min3A_178 = arith.minsi %select_n3A_175, %min3A_177 : vector<128x1xi32>
    %swap3A_179 = arith.constant 0 : index
    %swap3A_180 = arith.constant 8 : index
    %swap3A_181 = vector.load %arg3[%swap3A_179, %swap3A_180] : memref<128x32xi32, #tpu.memory_space<vmem>>, vector<128x1xi32>
    tpu.vector_store %arg3[%swap3A_179, %swap3A_180], %min3A_178 {strides = array<i32>} : memref<128x32xi32, #tpu.memory_space<vmem>>, vector<128x1xi32>,
    %gt3A_182 = vector.broadcast %broadcast_in_dim3A_171 : vector<128x1xi32> to vector<128x8192xi32>
    %gt3A_183 = arith.cmpi sgt, %select_n3A, %gt3A_182 : vector<128x8192xi32>
    %jit3A_184 = arith.constant 8192 : i32
    %broadcast_in_dim3A_185 = vector.broadcast %jit3A_184 : i32 to vector<128x8192xi32>
    %select_n3A_186 = arith.select %gt3A_183, %select_n3A, %broadcast_in_dim3A_185 : vector<128x8192xi1>, vector<128x8192xi32>
    %reduce_min3A_187 = arith.constant dense<2147483647> : vector<128xi32>
    %reduce_min3A_188 = vector.multi_reduction <minsi>, %select_n3A_186, %reduce_min3A_187 [1] : vector<128x8192xi32> to vector<128xi32>
    %broadcast_in_dim3A_189 = vector.shape_cast %reduce_min3A_188 : vector<128xi32> to vector<128x1xi32>
    %eq3A_190 = arith.constant 8192 : i32
    %eq3A_191 = vector.broadcast %eq3A_190 : i32 to vector<128x1xi32>
    %eq3A_192 = arith.cmpi eq, %broadcast_in_dim3A_189, %eq3A_191 : vector<128x1xi32>
    %select_n3A_193 = arith.select %eq3A_192, %broadcast_in_dim3A_34, %broadcast_in_dim3A_189 : vector<128x1xi1>, vector<128x1xi32>
    %min3A_194 = arith.constant 8191 : i32
    %min3A_195 = vector.broadcast %min3A_194 : i32 to vector<128x1xi32>
    %min3A_196 = arith.minsi %select_n3A_193, %min3A_195 : vector<128x1xi32>
    %swap3A_197 = arith.constant 0 : index
    %swap3A_198 = arith.constant 9 : index
    %swap3A_199 = vector.load %arg3[%swap3A_197, %swap3A_198] : memref<128x32xi32, #tpu.memory_space<vmem>>, vector<128x1xi32>
    tpu.vector_store %arg3[%swap3A_197, %swap3A_198], %min3A_196 {strides = array<i32>} : memref<128x32xi32, #tpu.memory_space<vmem>>, vector<128x1xi32>,
    %gt3A_200 = vector.broadcast %broadcast_in_dim3A_189 : vector<128x1xi32> to vector<128x8192xi32>
    %gt3A_201 = arith.cmpi sgt, %select_n3A, %gt3A_200 : vector<128x8192xi32>
    %jit3A_202 = arith.constant 8192 : i32
    %broadcast_in_dim3A_203 = vector.broadcast %jit3A_202 : i32 to vector<128x8192xi32>
    %select_n3A_204 = arith.select %gt3A_201, %select_n3A, %broadcast_in_dim3A_203 : vector<128x8192xi1>, vector<128x8192xi32>
    %reduce_min3A_205 = arith.constant dense<2147483647> : vector<128xi32>
    %reduce_min3A_206 = vector.multi_reduction <minsi>, %select_n3A_204, %reduce_min3A_205 [1] : vector<128x8192xi32> to vector<128xi32>
    %broadcast_in_dim3A_207 = vector.shape_cast %reduce_min3A_206 : vector<128xi32> to vector<128x1xi32>
    %eq3A_208 = arith.constant 8192 : i32
    %eq3A_209 = vector.broadcast %eq3A_208 : i32 to vector<128x1xi32>
    %eq3A_210 = arith.cmpi eq, %broadcast_in_dim3A_207, %eq3A_209 : vector<128x1xi32>
    %select_n3A_211 = arith.select %eq3A_210, %broadcast_in_dim3A_34, %broadcast_in_dim3A_207 : vector<128x1xi1>, vector<128x1xi32>
    %min3A_212 = arith.constant 8191 : i32
    %min3A_213 = vector.broadcast %min3A_212 : i32 to vector<128x1xi32>
    %min3A_214 = arith.minsi %select_n3A_211, %min3A_213 : vector<128x1xi32>
    %swap3A_215 = arith.constant 0 : index
    %swap3A_216 = arith.constant 10 : index
    %swap3A_217 = vector.load %arg3[%swap3A_215, %swap3A_216] : memref<128x32xi32, #tpu.memory_space<vmem>>, vector<128x1xi32>
    tpu.vector_store %arg3[%swap3A_215, %swap3A_216], %min3A_214 {strides = array<i32>} : memref<128x32xi32, #tpu.memory_space<vmem>>, vector<128x1xi32>,
    %gt3A_218 = vector.broadcast %broadcast_in_dim3A_207 : vector<128x1xi32> to vector<128x8192xi32>
    %gt3A_219 = arith.cmpi sgt, %select_n3A, %gt3A_218 : vector<128x8192xi32>
    %jit3A_220 = arith.constant 8192 : i32
    %broadcast_in_dim3A_221 = vector.broadcast %jit3A_220 : i32 to vector<128x8192xi32>
    %select_n3A_222 = arith.select %gt3A_219, %select_n3A, %broadcast_in_dim3A_221 : vector<128x8192xi1>, vector<128x8192xi32>
    %reduce_min3A_223 = arith.constant dense<2147483647> : vector<128xi32>
    %reduce_min3A_224 = vector.multi_reduction <minsi>, %select_n3A_222, %reduce_min3A_223 [1] : vector<128x8192xi32> to vector<128xi32>
    %broadcast_in_dim3A_225 = vector.shape_cast %reduce_min3A_224 : vector<128xi32> to vector<128x1xi32>
    %eq3A_226 = arith.constant 8192 : i32
    %eq3A_227 = vector.broadcast %eq3A_226 : i32 to vector<128x1xi32>
    %eq3A_228 = arith.cmpi eq, %broadcast_in_dim3A_225, %eq3A_227 : vector<128x1xi32>
    %select_n3A_229 = arith.select %eq3A_228, %broadcast_in_dim3A_34, %broadcast_in_dim3A_225 : vector<128x1xi1>, vector<128x1xi32>
    %min3A_230 = arith.constant 8191 : i32
    %min3A_231 = vector.broadcast %min3A_230 : i32 to vector<128x1xi32>
    %min3A_232 = arith.minsi %select_n3A_229, %min3A_231 : vector<128x1xi32>
    %swap3A_233 = arith.constant 0 : index
    %swap3A_234 = arith.constant 11 : index
    %swap3A_235 = vector.load %arg3[%swap3A_233, %swap3A_234] : memref<128x32xi32, #tpu.memory_space<vmem>>, vector<128x1xi32>
    tpu.vector_store %arg3[%swap3A_233, %swap3A_234], %min3A_232 {strides = array<i32>} : memref<128x32xi32, #tpu.memory_space<vmem>>, vector<128x1xi32>,
    %gt3A_236 = vector.broadcast %broadcast_in_dim3A_225 : vector<128x1xi32> to vector<128x8192xi32>
    %gt3A_237 = arith.cmpi sgt, %select_n3A, %gt3A_236 : vector<128x8192xi32>
    %jit3A_238 = arith.constant 8192 : i32
    %broadcast_in_dim3A_239 = vector.broadcast %jit3A_238 : i32 to vector<128x8192xi32>
    %select_n3A_240 = arith.select %gt3A_237, %select_n3A, %broadcast_in_dim3A_239 : vector<128x8192xi1>, vector<128x8192xi32>
    %reduce_min3A_241 = arith.constant dense<2147483647> : vector<128xi32>
    %reduce_min3A_242 = vector.multi_reduction <minsi>, %select_n3A_240, %reduce_min3A_241 [1] : vector<128x8192xi32> to vector<128xi32>
    %broadcast_in_dim3A_243 = vector.shape_cast %reduce_min3A_242 : vector<128xi32> to vector<128x1xi32>
    %eq3A_244 = arith.constant 8192 : i32
    %eq3A_245 = vector.broadcast %eq3A_244 : i32 to vector<128x1xi32>
    %eq3A_246 = arith.cmpi eq, %broadcast_in_dim3A_243, %eq3A_245 : vector<128x1xi32>
    %select_n3A_247 = arith.select %eq3A_246, %broadcast_in_dim3A_34, %broadcast_in_dim3A_243 : vector<128x1xi1>, vector<128x1xi32>
    %min3A_248 = arith.constant 8191 : i32
    %min3A_249 = vector.broadcast %min3A_248 : i32 to vector<128x1xi32>
    %min3A_250 = arith.minsi %select_n3A_247, %min3A_249 : vector<128x1xi32>
    %swap3A_251 = arith.constant 0 : index
    %swap3A_252 = arith.constant 12 : index
    %swap3A_253 = vector.load %arg3[%swap3A_251, %swap3A_252] : memref<128x32xi32, #tpu.memory_space<vmem>>, vector<128x1xi32>
    tpu.vector_store %arg3[%swap3A_251, %swap3A_252], %min3A_250 {strides = array<i32>} : memref<128x32xi32, #tpu.memory_space<vmem>>, vector<128x1xi32>,
    %gt3A_254 = vector.broadcast %broadcast_in_dim3A_243 : vector<128x1xi32> to vector<128x8192xi32>
    %gt3A_255 = arith.cmpi sgt, %select_n3A, %gt3A_254 : vector<128x8192xi32>
    %jit3A_256 = arith.constant 8192 : i32
    %broadcast_in_dim3A_257 = vector.broadcast %jit3A_256 : i32 to vector<128x8192xi32>
    %select_n3A_258 = arith.select %gt3A_255, %select_n3A, %broadcast_in_dim3A_257 : vector<128x8192xi1>, vector<128x8192xi32>
    %reduce_min3A_259 = arith.constant dense<2147483647> : vector<128xi32>
    %reduce_min3A_260 = vector.multi_reduction <minsi>, %select_n3A_258, %reduce_min3A_259 [1] : vector<128x8192xi32> to vector<128xi32>
    %broadcast_in_dim3A_261 = vector.shape_cast %reduce_min3A_260 : vector<128xi32> to vector<128x1xi32>
    %eq3A_262 = arith.constant 8192 : i32
    %eq3A_263 = vector.broadcast %eq3A_262 : i32 to vector<128x1xi32>
    %eq3A_264 = arith.cmpi eq, %broadcast_in_dim3A_261, %eq3A_263 : vector<128x1xi32>
    %select_n3A_265 = arith.select %eq3A_264, %broadcast_in_dim3A_34, %broadcast_in_dim3A_261 : vector<128x1xi1>, vector<128x1xi32>
    %min3A_266 = arith.constant 8191 : i32
    %min3A_267 = vector.broadcast %min3A_266 : i32 to vector<128x1xi32>
    %min3A_268 = arith.minsi %select_n3A_265, %min3A_267 : vector<128x1xi32>
    %swap3A_269 = arith.constant 0 : index
    %swap3A_270 = arith.constant 13 : index
    %swap3A_271 = vector.load %arg3[%swap3A_269, %swap3A_270] : memref<128x32xi32, #tpu.memory_space<vmem>>, vector<128x1xi32>
    tpu.vector_store %arg3[%swap3A_269, %swap3A_270], %min3A_268 {strides = array<i32>} : memref<128x32xi32, #tpu.memory_space<vmem>>, vector<128x1xi32>,
    %gt3A_272 = vector.broadcast %broadcast_in_dim3A_261 : vector<128x1xi32> to vector<128x8192xi32>
    %gt3A_273 = arith.cmpi sgt, %select_n3A, %gt3A_272 : vector<128x8192xi32>
    %jit3A_274 = arith.constant 8192 : i32
    %broadcast_in_dim3A_275 = vector.broadcast %jit3A_274 : i32 to vector<128x8192xi32>
    %select_n3A_276 = arith.select %gt3A_273, %select_n3A, %broadcast_in_dim3A_275 : vector<128x8192xi1>, vector<128x8192xi32>
    %reduce_min3A_277 = arith.constant dense<2147483647> : vector<128xi32>
    %reduce_min3A_278 = vector.multi_reduction <minsi>, %select_n3A_276, %reduce_min3A_277 [1] : vector<128x8192xi32> to vector<128xi32>
    %broadcast_in_dim3A_279 = vector.shape_cast %reduce_min3A_278 : vector<128xi32> to vector<128x1xi32>
    %eq3A_280 = arith.constant 8192 : i32
    %eq3A_281 = vector.broadcast %eq3A_280 : i32 to vector<128x1xi32>
    %eq3A_282 = arith.cmpi eq, %broadcast_in_dim3A_279, %eq3A_281 : vector<128x1xi32>
    %select_n3A_283 = arith.select %eq3A_282, %broadcast_in_dim3A_34, %broadcast_in_dim3A_279 : vector<128x1xi1>, vector<128x1xi32>
    %min3A_284 = arith.constant 8191 : i32
    %min3A_285 = vector.broadcast %min3A_284 : i32 to vector<128x1xi32>
    %min3A_286 = arith.minsi %select_n3A_283, %min3A_285 : vector<128x1xi32>
    %swap3A_287 = arith.constant 0 : index
    %swap3A_288 = arith.constant 14 : index
    %swap3A_289 = vector.load %arg3[%swap3A_287, %swap3A_288] : memref<128x32xi32, #tpu.memory_space<vmem>>, vector<128x1xi32>
    tpu.vector_store %arg3[%swap3A_287, %swap3A_288], %min3A_286 {strides = array<i32>} : memref<128x32xi32, #tpu.memory_space<vmem>>, vector<128x1xi32>,
    %gt3A_290 = vector.broadcast %broadcast_in_dim3A_279 : vector<128x1xi32> to vector<128x8192xi32>
    %gt3A_291 = arith.cmpi sgt, %select_n3A, %gt3A_290 : vector<128x8192xi32>
    %jit3A_292 = arith.constant 8192 : i32
    %broadcast_in_dim3A_293 = vector.broadcast %jit3A_292 : i32 to vector<128x8192xi32>
    %select_n3A_294 = arith.select %gt3A_291, %select_n3A, %broadcast_in_dim3A_293 : vector<128x8192xi1>, vector<128x8192xi32>
    %reduce_min3A_295 = arith.constant dense<2147483647> : vector<128xi32>
    %reduce_min3A_296 = vector.multi_reduction <minsi>, %select_n3A_294, %reduce_min3A_295 [1] : vector<128x8192xi32> to vector<128xi32>
    %broadcast_in_dim3A_297 = vector.shape_cast %reduce_min3A_296 : vector<128xi32> to vector<128x1xi32>
    %eq3A_298 = arith.constant 8192 : i32
    %eq3A_299 = vector.broadcast %eq3A_298 : i32 to vector<128x1xi32>
    %eq3A_300 = arith.cmpi eq, %broadcast_in_dim3A_297, %eq3A_299 : vector<128x1xi32>
    %select_n3A_301 = arith.select %eq3A_300, %broadcast_in_dim3A_34, %broadcast_in_dim3A_297 : vector<128x1xi1>, vector<128x1xi32>
    %min3A_302 = arith.constant 8191 : i32
    %min3A_303 = vector.broadcast %min3A_302 : i32 to vector<128x1xi32>
    %min3A_304 = arith.minsi %select_n3A_301, %min3A_303 : vector<128x1xi32>
    %swap3A_305 = arith.constant 0 : index
    %swap3A_306 = arith.constant 15 : index
    %swap3A_307 = vector.load %arg3[%swap3A_305, %swap3A_306] : memref<128x32xi32, #tpu.memory_space<vmem>>, vector<128x1xi32>
    tpu.vector_store %arg3[%swap3A_305, %swap3A_306], %min3A_304 {strides = array<i32>} : memref<128x32xi32, #tpu.memory_space<vmem>>, vector<128x1xi32>,
    %gt3A_308 = vector.broadcast %broadcast_in_dim3A_297 : vector<128x1xi32> to vector<128x8192xi32>
    %gt3A_309 = arith.cmpi sgt, %select_n3A, %gt3A_308 : vector<128x8192xi32>
    %jit3A_310 = arith.constant 8192 : i32
    %broadcast_in_dim3A_311 = vector.broadcast %jit3A_310 : i32 to vector<128x8192xi32>
    %select_n3A_312 = arith.select %gt3A_309, %select_n3A, %broadcast_in_dim3A_311 : vector<128x8192xi1>, vector<128x8192xi32>
    %reduce_min3A_313 = arith.constant dense<2147483647> : vector<128xi32>
    %reduce_min3A_314 = vector.multi_reduction <minsi>, %select_n3A_312, %reduce_min3A_313 [1] : vector<128x8192xi32> to vector<128xi32>
    %broadcast_in_dim3A_315 = vector.shape_cast %reduce_min3A_314 : vector<128xi32> to vector<128x1xi32>
    %eq3A_316 = arith.constant 8192 : i32
    %eq3A_317 = vector.broadcast %eq3A_316 : i32 to vector<128x1xi32>
    %eq3A_318 = arith.cmpi eq, %broadcast_in_dim3A_315, %eq3A_317 : vector<128x1xi32>
    %select_n3A_319 = arith.select %eq3A_318, %broadcast_in_dim3A_34, %broadcast_in_dim3A_315 : vector<128x1xi1>, vector<128x1xi32>
    %min3A_320 = arith.constant 8191 : i32
    %min3A_321 = vector.broadcast %min3A_320 : i32 to vector<128x1xi32>
    %min3A_322 = arith.minsi %select_n3A_319, %min3A_321 : vector<128x1xi32>
    %swap3A_323 = arith.constant 0 : index
    %swap3A_324 = arith.constant 16 : index
    %swap3A_325 = vector.load %arg3[%swap3A_323, %swap3A_324] : memref<128x32xi32, #tpu.memory_space<vmem>>, vector<128x1xi32>
    tpu.vector_store %arg3[%swap3A_323, %swap3A_324], %min3A_322 {strides = array<i32>} : memref<128x32xi32, #tpu.memory_space<vmem>>, vector<128x1xi32>,
    %gt3A_326 = vector.broadcast %broadcast_in_dim3A_315 : vector<128x1xi32> to vector<128x8192xi32>
    %gt3A_327 = arith.cmpi sgt, %select_n3A, %gt3A_326 : vector<128x8192xi32>
    %jit3A_328 = arith.constant 8192 : i32
    %broadcast_in_dim3A_329 = vector.broadcast %jit3A_328 : i32 to vector<128x8192xi32>
    %select_n3A_330 = arith.select %gt3A_327, %select_n3A, %broadcast_in_dim3A_329 : vector<128x8192xi1>, vector<128x8192xi32>
    %reduce_min3A_331 = arith.constant dense<2147483647> : vector<128xi32>
    %reduce_min3A_332 = vector.multi_reduction <minsi>, %select_n3A_330, %reduce_min3A_331 [1] : vector<128x8192xi32> to vector<128xi32>
    %broadcast_in_dim3A_333 = vector.shape_cast %reduce_min3A_332 : vector<128xi32> to vector<128x1xi32>
    %eq3A_334 = arith.constant 8192 : i32
    %eq3A_335 = vector.broadcast %eq3A_334 : i32 to vector<128x1xi32>
    %eq3A_336 = arith.cmpi eq, %broadcast_in_dim3A_333, %eq3A_335 : vector<128x1xi32>
    %select_n3A_337 = arith.select %eq3A_336, %broadcast_in_dim3A_34, %broadcast_in_dim3A_333 : vector<128x1xi1>, vector<128x1xi32>
    %min3A_338 = arith.constant 8191 : i32
    %min3A_339 = vector.broadcast %min3A_338 : i32 to vector<128x1xi32>
    %min3A_340 = arith.minsi %select_n3A_337, %min3A_339 : vector<128x1xi32>
    %swap3A_341 = arith.constant 0 : index
    %swap3A_342 = arith.constant 17 : index
    %swap3A_343 = vector.load %arg3[%swap3A_341, %swap3A_342] : memref<128x32xi32, #tpu.memory_space<vmem>>, vector<128x1xi32>
    tpu.vector_store %arg3[%swap3A_341, %swap3A_342], %min3A_340 {strides = array<i32>} : memref<128x32xi32, #tpu.memory_space<vmem>>, vector<128x1xi32>,
    %gt3A_344 = vector.broadcast %broadcast_in_dim3A_333 : vector<128x1xi32> to vector<128x8192xi32>
    %gt3A_345 = arith.cmpi sgt, %select_n3A, %gt3A_344 : vector<128x8192xi32>
    %jit3A_346 = arith.constant 8192 : i32
    %broadcast_in_dim3A_347 = vector.broadcast %jit3A_346 : i32 to vector<128x8192xi32>
    %select_n3A_348 = arith.select %gt3A_345, %select_n3A, %broadcast_in_dim3A_347 : vector<128x8192xi1>, vector<128x8192xi32>
    %reduce_min3A_349 = arith.constant dense<2147483647> : vector<128xi32>
    %reduce_min3A_350 = vector.multi_reduction <minsi>, %select_n3A_348, %reduce_min3A_349 [1] : vector<128x8192xi32> to vector<128xi32>
    %broadcast_in_dim3A_351 = vector.shape_cast %reduce_min3A_350 : vector<128xi32> to vector<128x1xi32>
    %eq3A_352 = arith.constant 8192 : i32
    %eq3A_353 = vector.broadcast %eq3A_352 : i32 to vector<128x1xi32>
    %eq3A_354 = arith.cmpi eq, %broadcast_in_dim3A_351, %eq3A_353 : vector<128x1xi32>
    %select_n3A_355 = arith.select %eq3A_354, %broadcast_in_dim3A_34, %broadcast_in_dim3A_351 : vector<128x1xi1>, vector<128x1xi32>
    %min3A_356 = arith.constant 8191 : i32
    %min3A_357 = vector.broadcast %min3A_356 : i32 to vector<128x1xi32>
    %min3A_358 = arith.minsi %select_n3A_355, %min3A_357 : vector<128x1xi32>
    %swap3A_359 = arith.constant 0 : index
    %swap3A_360 = arith.constant 18 : index
    %swap3A_361 = vector.load %arg3[%swap3A_359, %swap3A_360] : memref<128x32xi32, #tpu.memory_space<vmem>>, vector<128x1xi32>
    tpu.vector_store %arg3[%swap3A_359, %swap3A_360], %min3A_358 {strides = array<i32>} : memref<128x32xi32, #tpu.memory_space<vmem>>, vector<128x1xi32>,
    %gt3A_362 = vector.broadcast %broadcast_in_dim3A_351 : vector<128x1xi32> to vector<128x8192xi32>
    %gt3A_363 = arith.cmpi sgt, %select_n3A, %gt3A_362 : vector<128x8192xi32>
    %jit3A_364 = arith.constant 8192 : i32
    %broadcast_in_dim3A_365 = vector.broadcast %jit3A_364 : i32 to vector<128x8192xi32>
    %select_n3A_366 = arith.select %gt3A_363, %select_n3A, %broadcast_in_dim3A_365 : vector<128x8192xi1>, vector<128x8192xi32>
    %reduce_min3A_367 = arith.constant dense<2147483647> : vector<128xi32>
    %reduce_min3A_368 = vector.multi_reduction <minsi>, %select_n3A_366, %reduce_min3A_367 [1] : vector<128x8192xi32> to vector<128xi32>
    %broadcast_in_dim3A_369 = vector.shape_cast %reduce_min3A_368 : vector<128xi32> to vector<128x1xi32>
    %eq3A_370 = arith.constant 8192 : i32
    %eq3A_371 = vector.broadcast %eq3A_370 : i32 to vector<128x1xi32>
    %eq3A_372 = arith.cmpi eq, %broadcast_in_dim3A_369, %eq3A_371 : vector<128x1xi32>
    %select_n3A_373 = arith.select %eq3A_372, %broadcast_in_dim3A_34, %broadcast_in_dim3A_369 : vector<128x1xi1>, vector<128x1xi32>
    %min3A_374 = arith.constant 8191 : i32
    %min3A_375 = vector.broadcast %min3A_374 : i32 to vector<128x1xi32>
    %min3A_376 = arith.minsi %select_n3A_373, %min3A_375 : vector<128x1xi32>
    %swap3A_377 = arith.constant 0 : index
    %swap3A_378 = arith.constant 19 : index
    %swap3A_379 = vector.load %arg3[%swap3A_377, %swap3A_378] : memref<128x32xi32, #tpu.memory_space<vmem>>, vector<128x1xi32>
    tpu.vector_store %arg3[%swap3A_377, %swap3A_378], %min3A_376 {strides = array<i32>} : memref<128x32xi32, #tpu.memory_space<vmem>>, vector<128x1xi32>,
    %gt3A_380 = vector.broadcast %broadcast_in_dim3A_369 : vector<128x1xi32> to vector<128x8192xi32>
    %gt3A_381 = arith.cmpi sgt, %select_n3A, %gt3A_380 : vector<128x8192xi32>
    %jit3A_382 = arith.constant 8192 : i32
    %broadcast_in_dim3A_383 = vector.broadcast %jit3A_382 : i32 to vector<128x8192xi32>
    %select_n3A_384 = arith.select %gt3A_381, %select_n3A, %broadcast_in_dim3A_383 : vector<128x8192xi1>, vector<128x8192xi32>
    %reduce_min3A_385 = arith.constant dense<2147483647> : vector<128xi32>
    %reduce_min3A_386 = vector.multi_reduction <minsi>, %select_n3A_384, %reduce_min3A_385 [1] : vector<128x8192xi32> to vector<128xi32>
    %broadcast_in_dim3A_387 = vector.shape_cast %reduce_min3A_386 : vector<128xi32> to vector<128x1xi32>
    %eq3A_388 = arith.constant 8192 : i32
    %eq3A_389 = vector.broadcast %eq3A_388 : i32 to vector<128x1xi32>
    %eq3A_390 = arith.cmpi eq, %broadcast_in_dim3A_387, %eq3A_389 : vector<128x1xi32>
    %select_n3A_391 = arith.select %eq3A_390, %broadcast_in_dim3A_34, %broadcast_in_dim3A_387 : vector<128x1xi1>, vector<128x1xi32>
    %min3A_392 = arith.constant 8191 : i32
    %min3A_393 = vector.broadcast %min3A_392 : i32 to vector<128x1xi32>
    %min3A_394 = arith.minsi %select_n3A_391, %min3A_393 : vector<128x1xi32>
    %swap3A_395 = arith.constant 0 : index
    %swap3A_396 = arith.constant 20 : index
    %swap3A_397 = vector.load %arg3[%swap3A_395, %swap3A_396] : memref<128x32xi32, #tpu.memory_space<vmem>>, vector<128x1xi32>
    tpu.vector_store %arg3[%swap3A_395, %swap3A_396], %min3A_394 {strides = array<i32>} : memref<128x32xi32, #tpu.memory_space<vmem>>, vector<128x1xi32>,
    %gt3A_398 = vector.broadcast %broadcast_in_dim3A_387 : vector<128x1xi32> to vector<128x8192xi32>
    %gt3A_399 = arith.cmpi sgt, %select_n3A, %gt3A_398 : vector<128x8192xi32>
    %jit3A_400 = arith.constant 8192 : i32
    %broadcast_in_dim3A_401 = vector.broadcast %jit3A_400 : i32 to vector<128x8192xi32>
    %select_n3A_402 = arith.select %gt3A_399, %select_n3A, %broadcast_in_dim3A_401 : vector<128x8192xi1>, vector<128x8192xi32>
    %reduce_min3A_403 = arith.constant dense<2147483647> : vector<128xi32>
    %reduce_min3A_404 = vector.multi_reduction <minsi>, %select_n3A_402, %reduce_min3A_403 [1] : vector<128x8192xi32> to vector<128xi32>
    %broadcast_in_dim3A_405 = vector.shape_cast %reduce_min3A_404 : vector<128xi32> to vector<128x1xi32>
    %eq3A_406 = arith.constant 8192 : i32
    %eq3A_407 = vector.broadcast %eq3A_406 : i32 to vector<128x1xi32>
    %eq3A_408 = arith.cmpi eq, %broadcast_in_dim3A_405, %eq3A_407 : vector<128x1xi32>
    %select_n3A_409 = arith.select %eq3A_408, %broadcast_in_dim3A_34, %broadcast_in_dim3A_405 : vector<128x1xi1>, vector<128x1xi32>
    %min3A_410 = arith.constant 8191 : i32
    %min3A_411 = vector.broadcast %min3A_410 : i32 to vector<128x1xi32>
    %min3A_412 = arith.minsi %select_n3A_409, %min3A_411 : vector<128x1xi32>
    %swap3A_413 = arith.constant 0 : index
    %swap3A_414 = arith.constant 21 : index
    %swap3A_415 = vector.load %arg3[%swap3A_413, %swap3A_414] : memref<128x32xi32, #tpu.memory_space<vmem>>, vector<128x1xi32>
    tpu.vector_store %arg3[%swap3A_413, %swap3A_414], %min3A_412 {strides = array<i32>} : memref<128x32xi32, #tpu.memory_space<vmem>>, vector<128x1xi32>,
    %gt3A_416 = vector.broadcast %broadcast_in_dim3A_405 : vector<128x1xi32> to vector<128x8192xi32>
    %gt3A_417 = arith.cmpi sgt, %select_n3A, %gt3A_416 : vector<128x8192xi32>
    %jit3A_418 = arith.constant 8192 : i32
    %broadcast_in_dim3A_419 = vector.broadcast %jit3A_418 : i32 to vector<128x8192xi32>
    %select_n3A_420 = arith.select %gt3A_417, %select_n3A, %broadcast_in_dim3A_419 : vector<128x8192xi1>, vector<128x8192xi32>
    %reduce_min3A_421 = arith.constant dense<2147483647> : vector<128xi32>
    %reduce_min3A_422 = vector.multi_reduction <minsi>, %select_n3A_420, %reduce_min3A_421 [1] : vector<128x8192xi32> to vector<128xi32>
    %broadcast_in_dim3A_423 = vector.shape_cast %reduce_min3A_422 : vector<128xi32> to vector<128x1xi32>
    %eq3A_424 = arith.constant 8192 : i32
    %eq3A_425 = vector.broadcast %eq3A_424 : i32 to vector<128x1xi32>
    %eq3A_426 = arith.cmpi eq, %broadcast_in_dim3A_423, %eq3A_425 : vector<128x1xi32>
    %select_n3A_427 = arith.select %eq3A_426, %broadcast_in_dim3A_34, %broadcast_in_dim3A_423 : vector<128x1xi1>, vector<128x1xi32>
    %min3A_428 = arith.constant 8191 : i32
    %min3A_429 = vector.broadcast %min3A_428 : i32 to vector<128x1xi32>
    %min3A_430 = arith.minsi %select_n3A_427, %min3A_429 : vector<128x1xi32>
    %swap3A_431 = arith.constant 0 : index
    %swap3A_432 = arith.constant 22 : index
    %swap3A_433 = vector.load %arg3[%swap3A_431, %swap3A_432] : memref<128x32xi32, #tpu.memory_space<vmem>>, vector<128x1xi32>
    tpu.vector_store %arg3[%swap3A_431, %swap3A_432], %min3A_430 {strides = array<i32>} : memref<128x32xi32, #tpu.memory_space<vmem>>, vector<128x1xi32>,
    %gt3A_434 = vector.broadcast %broadcast_in_dim3A_423 : vector<128x1xi32> to vector<128x8192xi32>
    %gt3A_435 = arith.cmpi sgt, %select_n3A, %gt3A_434 : vector<128x8192xi32>
    %jit3A_436 = arith.constant 8192 : i32
    %broadcast_in_dim3A_437 = vector.broadcast %jit3A_436 : i32 to vector<128x8192xi32>
    %select_n3A_438 = arith.select %gt3A_435, %select_n3A, %broadcast_in_dim3A_437 : vector<128x8192xi1>, vector<128x8192xi32>
    %reduce_min3A_439 = arith.constant dense<2147483647> : vector<128xi32>
    %reduce_min3A_440 = vector.multi_reduction <minsi>, %select_n3A_438, %reduce_min3A_439 [1] : vector<128x8192xi32> to vector<128xi32>
    %broadcast_in_dim3A_441 = vector.shape_cast %reduce_min3A_440 : vector<128xi32> to vector<128x1xi32>
    %eq3A_442 = arith.constant 8192 : i32
    %eq3A_443 = vector.broadcast %eq3A_442 : i32 to vector<128x1xi32>
    %eq3A_444 = arith.cmpi eq, %broadcast_in_dim3A_441, %eq3A_443 : vector<128x1xi32>
    %select_n3A_445 = arith.select %eq3A_444, %broadcast_in_dim3A_34, %broadcast_in_dim3A_441 : vector<128x1xi1>, vector<128x1xi32>
    %min3A_446 = arith.constant 8191 : i32
    %min3A_447 = vector.broadcast %min3A_446 : i32 to vector<128x1xi32>
    %min3A_448 = arith.minsi %select_n3A_445, %min3A_447 : vector<128x1xi32>
    %swap3A_449 = arith.constant 0 : index
    %swap3A_450 = arith.constant 23 : index
    %swap3A_451 = vector.load %arg3[%swap3A_449, %swap3A_450] : memref<128x32xi32, #tpu.memory_space<vmem>>, vector<128x1xi32>
    tpu.vector_store %arg3[%swap3A_449, %swap3A_450], %min3A_448 {strides = array<i32>} : memref<128x32xi32, #tpu.memory_space<vmem>>, vector<128x1xi32>,
    %gt3A_452 = vector.broadcast %broadcast_in_dim3A_441 : vector<128x1xi32> to vector<128x8192xi32>
    %gt3A_453 = arith.cmpi sgt, %select_n3A, %gt3A_452 : vector<128x8192xi32>
    %jit3A_454 = arith.constant 8192 : i32
    %broadcast_in_dim3A_455 = vector.broadcast %jit3A_454 : i32 to vector<128x8192xi32>
    %select_n3A_456 = arith.select %gt3A_453, %select_n3A, %broadcast_in_dim3A_455 : vector<128x8192xi1>, vector<128x8192xi32>
    %reduce_min3A_457 = arith.constant dense<2147483647> : vector<128xi32>
    %reduce_min3A_458 = vector.multi_reduction <minsi>, %select_n3A_456, %reduce_min3A_457 [1] : vector<128x8192xi32> to vector<128xi32>
    %broadcast_in_dim3A_459 = vector.shape_cast %reduce_min3A_458 : vector<128xi32> to vector<128x1xi32>
    %eq3A_460 = arith.constant 8192 : i32
    %eq3A_461 = vector.broadcast %eq3A_460 : i32 to vector<128x1xi32>
    %eq3A_462 = arith.cmpi eq, %broadcast_in_dim3A_459, %eq3A_461 : vector<128x1xi32>
    %select_n3A_463 = arith.select %eq3A_462, %broadcast_in_dim3A_34, %broadcast_in_dim3A_459 : vector<128x1xi1>, vector<128x1xi32>
    %min3A_464 = arith.constant 8191 : i32
    %min3A_465 = vector.broadcast %min3A_464 : i32 to vector<128x1xi32>
    %min3A_466 = arith.minsi %select_n3A_463, %min3A_465 : vector<128x1xi32>
    %swap3A_467 = arith.constant 0 : index
    %swap3A_468 = arith.constant 24 : index
    %swap3A_469 = vector.load %arg3[%swap3A_467, %swap3A_468] : memref<128x32xi32, #tpu.memory_space<vmem>>, vector<128x1xi32>
    tpu.vector_store %arg3[%swap3A_467, %swap3A_468], %min3A_466 {strides = array<i32>} : memref<128x32xi32, #tpu.memory_space<vmem>>, vector<128x1xi32>,
    %gt3A_470 = vector.broadcast %broadcast_in_dim3A_459 : vector<128x1xi32> to vector<128x8192xi32>
    %gt3A_471 = arith.cmpi sgt, %select_n3A, %gt3A_470 : vector<128x8192xi32>
    %jit3A_472 = arith.constant 8192 : i32
    %broadcast_in_dim3A_473 = vector.broadcast %jit3A_472 : i32 to vector<128x8192xi32>
    %select_n3A_474 = arith.select %gt3A_471, %select_n3A, %broadcast_in_dim3A_473 : vector<128x8192xi1>, vector<128x8192xi32>
    %reduce_min3A_475 = arith.constant dense<2147483647> : vector<128xi32>
    %reduce_min3A_476 = vector.multi_reduction <minsi>, %select_n3A_474, %reduce_min3A_475 [1] : vector<128x8192xi32> to vector<128xi32>
    %broadcast_in_dim3A_477 = vector.shape_cast %reduce_min3A_476 : vector<128xi32> to vector<128x1xi32>
    %eq3A_478 = arith.constant 8192 : i32
    %eq3A_479 = vector.broadcast %eq3A_478 : i32 to vector<128x1xi32>
    %eq3A_480 = arith.cmpi eq, %broadcast_in_dim3A_477, %eq3A_479 : vector<128x1xi32>
    %select_n3A_481 = arith.select %eq3A_480, %broadcast_in_dim3A_34, %broadcast_in_dim3A_477 : vector<128x1xi1>, vector<128x1xi32>
    %min3A_482 = arith.constant 8191 : i32
    %min3A_483 = vector.broadcast %min3A_482 : i32 to vector<128x1xi32>
    %min3A_484 = arith.minsi %select_n3A_481, %min3A_483 : vector<128x1xi32>
    %swap3A_485 = arith.constant 0 : index
    %swap3A_486 = arith.constant 25 : index
    %swap3A_487 = vector.load %arg3[%swap3A_485, %swap3A_486] : memref<128x32xi32, #tpu.memory_space<vmem>>, vector<128x1xi32>
    tpu.vector_store %arg3[%swap3A_485, %swap3A_486], %min3A_484 {strides = array<i32>} : memref<128x32xi32, #tpu.memory_space<vmem>>, vector<128x1xi32>,
    %gt3A_488 = vector.broadcast %broadcast_in_dim3A_477 : vector<128x1xi32> to vector<128x8192xi32>
    %gt3A_489 = arith.cmpi sgt, %select_n3A, %gt3A_488 : vector<128x8192xi32>
    %jit3A_490 = arith.constant 8192 : i32
    %broadcast_in_dim3A_491 = vector.broadcast %jit3A_490 : i32 to vector<128x8192xi32>
    %select_n3A_492 = arith.select %gt3A_489, %select_n3A, %broadcast_in_dim3A_491 : vector<128x8192xi1>, vector<128x8192xi32>
    %reduce_min3A_493 = arith.constant dense<2147483647> : vector<128xi32>
    %reduce_min3A_494 = vector.multi_reduction <minsi>, %select_n3A_492, %reduce_min3A_493 [1] : vector<128x8192xi32> to vector<128xi32>
    %broadcast_in_dim3A_495 = vector.shape_cast %reduce_min3A_494 : vector<128xi32> to vector<128x1xi32>
    %eq3A_496 = arith.constant 8192 : i32
    %eq3A_497 = vector.broadcast %eq3A_496 : i32 to vector<128x1xi32>
    %eq3A_498 = arith.cmpi eq, %broadcast_in_dim3A_495, %eq3A_497 : vector<128x1xi32>
    %select_n3A_499 = arith.select %eq3A_498, %broadcast_in_dim3A_34, %broadcast_in_dim3A_495 : vector<128x1xi1>, vector<128x1xi32>
    %min3A_500 = arith.constant 8191 : i32
    %min3A_501 = vector.broadcast %min3A_500 : i32 to vector<128x1xi32>
    %min3A_502 = arith.minsi %select_n3A_499, %min3A_501 : vector<128x1xi32>
    %swap3A_503 = arith.constant 0 : index
    %swap3A_504 = arith.constant 26 : index
    %swap3A_505 = vector.load %arg3[%swap3A_503, %swap3A_504] : memref<128x32xi32, #tpu.memory_space<vmem>>, vector<128x1xi32>
    tpu.vector_store %arg3[%swap3A_503, %swap3A_504], %min3A_502 {strides = array<i32>} : memref<128x32xi32, #tpu.memory_space<vmem>>, vector<128x1xi32>,
    %gt3A_506 = vector.broadcast %broadcast_in_dim3A_495 : vector<128x1xi32> to vector<128x8192xi32>
    %gt3A_507 = arith.cmpi sgt, %select_n3A, %gt3A_506 : vector<128x8192xi32>
    %jit3A_508 = arith.constant 8192 : i32
    %broadcast_in_dim3A_509 = vector.broadcast %jit3A_508 : i32 to vector<128x8192xi32>
    %select_n3A_510 = arith.select %gt3A_507, %select_n3A, %broadcast_in_dim3A_509 : vector<128x8192xi1>, vector<128x8192xi32>
    %reduce_min3A_511 = arith.constant dense<2147483647> : vector<128xi32>
    %reduce_min3A_512 = vector.multi_reduction <minsi>, %select_n3A_510, %reduce_min3A_511 [1] : vector<128x8192xi32> to vector<128xi32>
    %broadcast_in_dim3A_513 = vector.shape_cast %reduce_min3A_512 : vector<128xi32> to vector<128x1xi32>
    %eq3A_514 = arith.constant 8192 : i32
    %eq3A_515 = vector.broadcast %eq3A_514 : i32 to vector<128x1xi32>
    %eq3A_516 = arith.cmpi eq, %broadcast_in_dim3A_513, %eq3A_515 : vector<128x1xi32>
    %select_n3A_517 = arith.select %eq3A_516, %broadcast_in_dim3A_34, %broadcast_in_dim3A_513 : vector<128x1xi1>, vector<128x1xi32>
    %min3A_518 = arith.constant 8191 : i32
    %min3A_519 = vector.broadcast %min3A_518 : i32 to vector<128x1xi32>
    %min3A_520 = arith.minsi %select_n3A_517, %min3A_519 : vector<128x1xi32>
    %swap3A_521 = arith.constant 0 : index
    %swap3A_522 = arith.constant 27 : index
    %swap3A_523 = vector.load %arg3[%swap3A_521, %swap3A_522] : memref<128x32xi32, #tpu.memory_space<vmem>>, vector<128x1xi32>
    tpu.vector_store %arg3[%swap3A_521, %swap3A_522], %min3A_520 {strides = array<i32>} : memref<128x32xi32, #tpu.memory_space<vmem>>, vector<128x1xi32>,
    %gt3A_524 = vector.broadcast %broadcast_in_dim3A_513 : vector<128x1xi32> to vector<128x8192xi32>
    %gt3A_525 = arith.cmpi sgt, %select_n3A, %gt3A_524 : vector<128x8192xi32>
    %jit3A_526 = arith.constant 8192 : i32
    %broadcast_in_dim3A_527 = vector.broadcast %jit3A_526 : i32 to vector<128x8192xi32>
    %select_n3A_528 = arith.select %gt3A_525, %select_n3A, %broadcast_in_dim3A_527 : vector<128x8192xi1>, vector<128x8192xi32>
    %reduce_min3A_529 = arith.constant dense<2147483647> : vector<128xi32>
    %reduce_min3A_530 = vector.multi_reduction <minsi>, %select_n3A_528, %reduce_min3A_529 [1] : vector<128x8192xi32> to vector<128xi32>
    %broadcast_in_dim3A_531 = vector.shape_cast %reduce_min3A_530 : vector<128xi32> to vector<128x1xi32>
    %eq3A_532 = arith.constant 8192 : i32
    %eq3A_533 = vector.broadcast %eq3A_532 : i32 to vector<128x1xi32>
    %eq3A_534 = arith.cmpi eq, %broadcast_in_dim3A_531, %eq3A_533 : vector<128x1xi32>
    %select_n3A_535 = arith.select %eq3A_534, %broadcast_in_dim3A_34, %broadcast_in_dim3A_531 : vector<128x1xi1>, vector<128x1xi32>
    %min3A_536 = arith.constant 8191 : i32
    %min3A_537 = vector.broadcast %min3A_536 : i32 to vector<128x1xi32>
    %min3A_538 = arith.minsi %select_n3A_535, %min3A_537 : vector<128x1xi32>
    %swap3A_539 = arith.constant 0 : index
    %swap3A_540 = arith.constant 28 : index
    %swap3A_541 = vector.load %arg3[%swap3A_539, %swap3A_540] : memref<128x32xi32, #tpu.memory_space<vmem>>, vector<128x1xi32>
    tpu.vector_store %arg3[%swap3A_539, %swap3A_540], %min3A_538 {strides = array<i32>} : memref<128x32xi32, #tpu.memory_space<vmem>>, vector<128x1xi32>,
    %gt3A_542 = vector.broadcast %broadcast_in_dim3A_531 : vector<128x1xi32> to vector<128x8192xi32>
    %gt3A_543 = arith.cmpi sgt, %select_n3A, %gt3A_542 : vector<128x8192xi32>
    %jit3A_544 = arith.constant 8192 : i32
    %broadcast_in_dim3A_545 = vector.broadcast %jit3A_544 : i32 to vector<128x8192xi32>
    %select_n3A_546 = arith.select %gt3A_543, %select_n3A, %broadcast_in_dim3A_545 : vector<128x8192xi1>, vector<128x8192xi32>
    %reduce_min3A_547 = arith.constant dense<2147483647> : vector<128xi32>
    %reduce_min3A_548 = vector.multi_reduction <minsi>, %select_n3A_546, %reduce_min3A_547 [1] : vector<128x8192xi32> to vector<128xi32>
    %broadcast_in_dim3A_549 = vector.shape_cast %reduce_min3A_548 : vector<128xi32> to vector<128x1xi32>
    %eq3A_550 = arith.constant 8192 : i32
    %eq3A_551 = vector.broadcast %eq3A_550 : i32 to vector<128x1xi32>
    %eq3A_552 = arith.cmpi eq, %broadcast_in_dim3A_549, %eq3A_551 : vector<128x1xi32>
    %select_n3A_553 = arith.select %eq3A_552, %broadcast_in_dim3A_34, %broadcast_in_dim3A_549 : vector<128x1xi1>, vector<128x1xi32>
    %min3A_554 = arith.constant 8191 : i32
    %min3A_555 = vector.broadcast %min3A_554 : i32 to vector<128x1xi32>
    %min3A_556 = arith.minsi %select_n3A_553, %min3A_555 : vector<128x1xi32>
    %swap3A_557 = arith.constant 0 : index
    %swap3A_558 = arith.constant 29 : index
    %swap3A_559 = vector.load %arg3[%swap3A_557, %swap3A_558] : memref<128x32xi32, #tpu.memory_space<vmem>>, vector<128x1xi32>
    tpu.vector_store %arg3[%swap3A_557, %swap3A_558], %min3A_556 {strides = array<i32>} : memref<128x32xi32, #tpu.memory_space<vmem>>, vector<128x1xi32>,
    %gt3A_560 = vector.broadcast %broadcast_in_dim3A_549 : vector<128x1xi32> to vector<128x8192xi32>
    %gt3A_561 = arith.cmpi sgt, %select_n3A, %gt3A_560 : vector<128x8192xi32>
    %jit3A_562 = arith.constant 8192 : i32
    %broadcast_in_dim3A_563 = vector.broadcast %jit3A_562 : i32 to vector<128x8192xi32>
    %select_n3A_564 = arith.select %gt3A_561, %select_n3A, %broadcast_in_dim3A_563 : vector<128x8192xi1>, vector<128x8192xi32>
    %reduce_min3A_565 = arith.constant dense<2147483647> : vector<128xi32>
    %reduce_min3A_566 = vector.multi_reduction <minsi>, %select_n3A_564, %reduce_min3A_565 [1] : vector<128x8192xi32> to vector<128xi32>
    %broadcast_in_dim3A_567 = vector.shape_cast %reduce_min3A_566 : vector<128xi32> to vector<128x1xi32>
    %eq3A_568 = arith.constant 8192 : i32
    %eq3A_569 = vector.broadcast %eq3A_568 : i32 to vector<128x1xi32>
    %eq3A_570 = arith.cmpi eq, %broadcast_in_dim3A_567, %eq3A_569 : vector<128x1xi32>
    %select_n3A_571 = arith.select %eq3A_570, %broadcast_in_dim3A_34, %broadcast_in_dim3A_567 : vector<128x1xi1>, vector<128x1xi32>
    %min3A_572 = arith.constant 8191 : i32
    %min3A_573 = vector.broadcast %min3A_572 : i32 to vector<128x1xi32>
    %min3A_574 = arith.minsi %select_n3A_571, %min3A_573 : vector<128x1xi32>
    %swap3A_575 = arith.constant 0 : index
    %swap3A_576 = arith.constant 30 : index
    %swap3A_577 = vector.load %arg3[%swap3A_575, %swap3A_576] : memref<128x32xi32, #tpu.memory_space<vmem>>, vector<128x1xi32>
    tpu.vector_store %arg3[%swap3A_575, %swap3A_576], %min3A_574 {strides = array<i32>} : memref<128x32xi32, #tpu.memory_space<vmem>>, vector<128x1xi32>,
    %gt3A_578 = vector.broadcast %broadcast_in_dim3A_567 : vector<128x1xi32> to vector<128x8192xi32>
    %gt3A_579 = arith.cmpi sgt, %select_n3A, %gt3A_578 : vector<128x8192xi32>
    %jit3A_580 = arith.constant 8192 : i32
    %broadcast_in_dim3A_581 = vector.broadcast %jit3A_580 : i32 to vector<128x8192xi32>
    %select_n3A_582 = arith.select %gt3A_579, %select_n3A, %broadcast_in_dim3A_581 : vector<128x8192xi1>, vector<128x8192xi32>
    %reduce_min3A_583 = arith.constant dense<2147483647> : vector<128xi32>
    %reduce_min3A_584 = vector.multi_reduction <minsi>, %select_n3A_582, %reduce_min3A_583 [1] : vector<128x8192xi32> to vector<128xi32>
    %broadcast_in_dim3A_585 = vector.shape_cast %reduce_min3A_584 : vector<128xi32> to vector<128x1xi32>
    %eq3A_586 = arith.constant 8192 : i32
    %eq3A_587 = vector.broadcast %eq3A_586 : i32 to vector<128x1xi32>
    %eq3A_588 = arith.cmpi eq, %broadcast_in_dim3A_585, %eq3A_587 : vector<128x1xi32>
    %select_n3A_589 = arith.select %eq3A_588, %broadcast_in_dim3A_34, %broadcast_in_dim3A_585 : vector<128x1xi1>, vector<128x1xi32>
    %min3A_590 = arith.constant 8191 : i32
    %min3A_591 = vector.broadcast %min3A_590 : i32 to vector<128x1xi32>
    %min3A_592 = arith.minsi %select_n3A_589, %min3A_591 : vector<128x1xi32>
    %swap3A_593 = arith.constant 0 : index
    %swap3A_594 = arith.constant 31 : index
    %swap3A_595 = vector.load %arg3[%swap3A_593, %swap3A_594] : memref<128x32xi32, #tpu.memory_space<vmem>>, vector<128x1xi32>
    tpu.vector_store %arg3[%swap3A_593, %swap3A_594], %min3A_592 {strides = array<i32>} : memref<128x32xi32, #tpu.memory_space<vmem>>, vector<128x1xi32>,
    return
  }
  func.func @transform_0(%arg0: i32) -> (i32, i32) {
    %c0_i32 = arith.constant 0 : i32
    %c0_i32_0 = arith.constant 0 : i32
    return %arg0, %c0_i32 : i32, i32
  }
  func.func @transform_1(%arg0: i32) -> (i32, i32) {
    %c0_i32 = arith.constant 0 : i32
    %c0_i32_0 = arith.constant 0 : i32
    %c0_i32_1 = arith.constant 0 : i32
    return %c0_i32, %c0_i32_0 : i32, i32
  }
  func.func @transform_2(%arg0: i32) -> (i32, i32) {
    %c0_i32 = arith.constant 0 : i32
    %c0_i32_0 = arith.constant 0 : i32
    return %arg0, %c0_i32 : i32, i32
  }
}

module attributes {stable_mosaic.version = 14 : i64} {
  func.func @_fps_body(%arg0: memref<3x8x512xf32, #tpu.memory_space<vmem>>, %arg1: memref<3x8x512xf32, #tpu.memory_space<vmem>>, %arg2: memref<12288xf32, #tpu.memory_space<smem>>, %arg3: memref<12288xf32, #tpu.memory_space<smem>>, %arg4: memref<1024x3xf32, #tpu.memory_space<vmem>>, %arg5: memref<1024x3xf32, #tpu.memory_space<vmem>>, %arg6: memref<8x512xf32, #tpu.memory_space<vmem>>, %arg7: memref<8x512xf32, #tpu.memory_space<vmem>>) attributes {dimension_semantics = [], scalar_prefetch = 0 : i64, scratch_operands = 2 : i64, tpu.core_type = #tpu.core_type<tc>} {
    %get3A = arith.constant 0 : index
    %get3A_0 = arith.constant 0 : index
    %get3A_1 = arith.constant 0 : index
    %get3A_2 = vector.load %arg0[%get3A, %get3A_0, %get3A_1] : memref<3x8x512xf32, #tpu.memory_space<vmem>>, vector<1x8x512xf32>
    %get3A_3 = vector.shape_cast %get3A_2 : vector<1x8x512xf32> to vector<8x512xf32>
    %get3A_4 = arith.constant 1 : index
    %get3A_5 = arith.constant 0 : index
    %get3A_6 = arith.constant 0 : index
    %get3A_7 = vector.load %arg0[%get3A_4, %get3A_5, %get3A_6] : memref<3x8x512xf32, #tpu.memory_space<vmem>>, vector<1x8x512xf32>
    %get3A_8 = vector.shape_cast %get3A_7 : vector<1x8x512xf32> to vector<8x512xf32>
    %get3A_9 = arith.constant 2 : index
    %get3A_10 = arith.constant 0 : index
    %get3A_11 = arith.constant 0 : index
    %get3A_12 = vector.load %arg0[%get3A_9, %get3A_10, %get3A_11] : memref<3x8x512xf32, #tpu.memory_space<vmem>>, vector<1x8x512xf32>
    %get3A_13 = vector.shape_cast %get3A_12 : vector<1x8x512xf32> to vector<8x512xf32>
    %get3A_14 = arith.constant 0 : index
    %get3A_15 = arith.constant 0 : index
    %get3A_16 = arith.constant 0 : index
    %get3A_17 = vector.load %arg1[%get3A_14, %get3A_15, %get3A_16] : memref<3x8x512xf32, #tpu.memory_space<vmem>>, vector<1x8x512xf32>
    %get3A_18 = vector.shape_cast %get3A_17 : vector<1x8x512xf32> to vector<8x512xf32>
    %get3A_19 = arith.constant 1 : index
    %get3A_20 = arith.constant 0 : index
    %get3A_21 = arith.constant 0 : index
    %get3A_22 = vector.load %arg1[%get3A_19, %get3A_20, %get3A_21] : memref<3x8x512xf32, #tpu.memory_space<vmem>>, vector<1x8x512xf32>
    %get3A_23 = vector.shape_cast %get3A_22 : vector<1x8x512xf32> to vector<8x512xf32>
    %get3A_24 = arith.constant 2 : index
    %get3A_25 = arith.constant 0 : index
    %get3A_26 = arith.constant 0 : index
    %get3A_27 = vector.load %arg1[%get3A_24, %get3A_25, %get3A_26] : memref<3x8x512xf32, #tpu.memory_space<vmem>>, vector<1x8x512xf32>
    %get3A_28 = vector.shape_cast %get3A_27 : vector<1x8x512xf32> to vector<8x512xf32>
    %iota3A = tpu.iota {dimensions = array<i32: 0>} : vector<8x512xi32>
    %iota3A_29 = tpu.iota {dimensions = array<i32: 1>} : vector<8x512xi32>
    %mul3A = arith.constant 512 : i32
    %mul3A_30 = vector.broadcast %mul3A : i32 to vector<8x512xi32>
    %mul3A_31 = arith.muli %iota3A, %mul3A_30 : vector<8x512xi32>
    %add3A = arith.addi %mul3A_31, %iota3A_29 : vector<8x512xi32>
    %broadcast_in_dim3A = arith.constant 1.000000e+10 : f32
    %broadcast_in_dim3A_32 = vector.broadcast %broadcast_in_dim3A : f32 to vector<8x512xf32>
    %swap3A = arith.constant 0 : index
    %swap3A_33 = arith.constant 0 : index
    %swap3A_34 = vector.load %arg6[%swap3A, %swap3A_33] : memref<8x512xf32, #tpu.memory_space<vmem>>, vector<8x512xf32>
    tpu.vector_store %arg6[%swap3A, %swap3A_33], %broadcast_in_dim3A_32 {strides = array<i32>} : memref<8x512xf32, #tpu.memory_space<vmem>>, vector<8x512xf32>,
    %broadcast_in_dim3A_35 = arith.constant 1.000000e+10 : f32
    %broadcast_in_dim3A_36 = vector.broadcast %broadcast_in_dim3A_35 : f32 to vector<8x512xf32>
    %swap3A_37 = arith.constant 0 : index
    %swap3A_38 = arith.constant 0 : index
    %swap3A_39 = vector.load %arg7[%swap3A_37, %swap3A_38] : memref<8x512xf32, #tpu.memory_space<vmem>>, vector<8x512xf32>
    tpu.vector_store %arg7[%swap3A_37, %swap3A_38], %broadcast_in_dim3A_36 {strides = array<i32>} : memref<8x512xf32, #tpu.memory_space<vmem>>, vector<8x512xf32>,
    %scan3A = arith.constant 0 : i32
    %scan3A_40 = arith.constant 0 : i32
    %scan3A_41 = arith.constant 0 : i32
    %scan3A_42 = arith.constant 1024 : i32
    %scan3A_43 = arith.addi %scan3A_41, %scan3A_42 : i32
    %scan3A_44 = arith.constant 1 : i32
    %scan3A_45:2 = scf.for %scan3A_47 = %scan3A_41 to %scan3A_43 step %scan3A_44 iter_args(%scan3A_48 = %scan3A, %scan3A_49 = %scan3A_40) -> (i32, i32)  : i32 {
      %mul3A_50 = arith.constant 3 : i32
      %mul3A_51 = arith.muli %scan3A_48, %mul3A_50 : i32
      %mul3A_52 = arith.constant 3 : i32
      %mul3A_53 = arith.muli %scan3A_49, %mul3A_52 : i32
      %get3A_54 = arith.index_cast %mul3A_51 : i32 to index
      %get3A_55 = memref.load %arg2[%get3A_54] : memref<12288xf32, #tpu.memory_space<smem>>
      %add3A_56 = arith.constant 1 : i32
      %add3A_57 = arith.addi %mul3A_51, %add3A_56 : i32
      %get3A_58 = arith.index_cast %add3A_57 : i32 to index
      %get3A_59 = memref.load %arg2[%get3A_58] : memref<12288xf32, #tpu.memory_space<smem>>
      %add3A_60 = arith.constant 2 : i32
      %add3A_61 = arith.addi %mul3A_51, %add3A_60 : i32
      %get3A_62 = arith.index_cast %add3A_61 : i32 to index
      %get3A_63 = memref.load %arg2[%get3A_62] : memref<12288xf32, #tpu.memory_space<smem>>
      %get3A_64 = arith.index_cast %mul3A_53 : i32 to index
      %get3A_65 = memref.load %arg3[%get3A_64] : memref<12288xf32, #tpu.memory_space<smem>>
      %add3A_66 = arith.constant 1 : i32
      %add3A_67 = arith.addi %mul3A_53, %add3A_66 : i32
      %get3A_68 = arith.index_cast %add3A_67 : i32 to index
      %get3A_69 = memref.load %arg3[%get3A_68] : memref<12288xf32, #tpu.memory_space<smem>>
      %add3A_70 = arith.constant 2 : i32
      %add3A_71 = arith.addi %mul3A_53, %add3A_70 : i32
      %get3A_72 = arith.index_cast %add3A_71 : i32 to index
      %get3A_73 = memref.load %arg3[%get3A_72] : memref<12288xf32, #tpu.memory_space<smem>>
      %sub3A = vector.broadcast %get3A_55 : f32 to vector<8x512xf32>
      %sub3A_74 = arith.subf %get3A_3, %sub3A : vector<8x512xf32>
      %sub3A_75 = vector.broadcast %get3A_59 : f32 to vector<8x512xf32>
      %sub3A_76 = arith.subf %get3A_8, %sub3A_75 : vector<8x512xf32>
      %sub3A_77 = vector.broadcast %get3A_63 : f32 to vector<8x512xf32>
      %sub3A_78 = arith.subf %get3A_13, %sub3A_77 : vector<8x512xf32>
      %sub3A_79 = vector.broadcast %get3A_65 : f32 to vector<8x512xf32>
      %sub3A_80 = arith.subf %get3A_18, %sub3A_79 : vector<8x512xf32>
      %sub3A_81 = vector.broadcast %get3A_69 : f32 to vector<8x512xf32>
      %sub3A_82 = arith.subf %get3A_23, %sub3A_81 : vector<8x512xf32>
      %sub3A_83 = vector.broadcast %get3A_73 : f32 to vector<8x512xf32>
      %sub3A_84 = arith.subf %get3A_28, %sub3A_83 : vector<8x512xf32>
      %mul3A_85 = arith.mulf %sub3A_74, %sub3A_74 : vector<8x512xf32>
      %mul3A_86 = arith.mulf %sub3A_78, %sub3A_78 : vector<8x512xf32>
      %add3A_87 = arith.addf %mul3A_85, %mul3A_86 : vector<8x512xf32>
      %mul3A_88 = arith.mulf %sub3A_76, %sub3A_76 : vector<8x512xf32>
      %add3A_89 = arith.addf %add3A_87, %mul3A_88 : vector<8x512xf32>
      %mul3A_90 = arith.mulf %sub3A_80, %sub3A_80 : vector<8x512xf32>
      %mul3A_91 = arith.mulf %sub3A_84, %sub3A_84 : vector<8x512xf32>
      %add3A_92 = arith.addf %mul3A_90, %mul3A_91 : vector<8x512xf32>
      %mul3A_93 = arith.mulf %sub3A_82, %sub3A_82 : vector<8x512xf32>
      %add3A_94 = arith.addf %add3A_92, %mul3A_93 : vector<8x512xf32>
      %get3A_95 = arith.constant 0 : index
      %get3A_96 = arith.constant 0 : index
      %get3A_97 = vector.load %arg6[%get3A_95, %get3A_96] : memref<8x512xf32, #tpu.memory_space<vmem>>, vector<8x512xf32>
      %min3A = arith.minimumf %get3A_97, %add3A_89 : vector<8x512xf32>
      %get3A_98 = arith.constant 0 : index
      %get3A_99 = arith.constant 0 : index
      %get3A_100 = vector.load %arg7[%get3A_98, %get3A_99] : memref<8x512xf32, #tpu.memory_space<vmem>>, vector<8x512xf32>
      %min3A_101 = arith.minimumf %get3A_100, %add3A_94 : vector<8x512xf32>
      %swap3A_102 = arith.constant 0 : index
      %swap3A_103 = arith.constant 0 : index
      %swap3A_104 = vector.load %arg6[%swap3A_102, %swap3A_103] : memref<8x512xf32, #tpu.memory_space<vmem>>, vector<8x512xf32>
      tpu.vector_store %arg6[%swap3A_102, %swap3A_103], %min3A {strides = array<i32>} : memref<8x512xf32, #tpu.memory_space<vmem>>, vector<8x512xf32>,
      %swap3A_105 = arith.constant 0 : index
      %swap3A_106 = arith.constant 0 : index
      %swap3A_107 = vector.load %arg7[%swap3A_105, %swap3A_106] : memref<8x512xf32, #tpu.memory_space<vmem>>, vector<8x512xf32>
      tpu.vector_store %arg7[%swap3A_105, %swap3A_106], %min3A_101 {strides = array<i32>} : memref<8x512xf32, #tpu.memory_space<vmem>>, vector<8x512xf32>,
      %reduce_max3A = vector.shape_cast %min3A : vector<8x512xf32> to vector<1x8x512xf32>
      %reduce_max3A_108 = arith.constant dense<0xFF800000> : vector<1xf32>
      %reduce_max3A_109 = vector.multi_reduction <maximumf>, %reduce_max3A, %reduce_max3A_108 [1, 2] : vector<1x8x512xf32> to vector<1xf32>
      %reduce_max3A_110 = vector.shape_cast %reduce_max3A_109 : vector<1xf32> to vector<1x1x1xf32>
      %reduce_max3A_111 = vector.extract %reduce_max3A_110[0, 0, 0] : f32 from vector<1x1x1xf32>
      %reduce_max3A_112 = vector.shape_cast %min3A_101 : vector<8x512xf32> to vector<1x8x512xf32>
      %reduce_max3A_113 = arith.constant dense<0xFF800000> : vector<1xf32>
      %reduce_max3A_114 = vector.multi_reduction <maximumf>, %reduce_max3A_112, %reduce_max3A_113 [1, 2] : vector<1x8x512xf32> to vector<1xf32>
      %reduce_max3A_115 = vector.shape_cast %reduce_max3A_114 : vector<1xf32> to vector<1x1x1xf32>
      %reduce_max3A_116 = vector.extract %reduce_max3A_115[0, 0, 0] : f32 from vector<1x1x1xf32>
      %eq3A = vector.broadcast %reduce_max3A_111 : f32 to vector<8x512xf32>
      %eq3A_117 = arith.cmpf oeq, %min3A, %eq3A : vector<8x512xf32>
      %jit3A = arith.constant 4096 : i32
      %broadcast_in_dim3A_118 = vector.broadcast %jit3A : i32 to vector<8x512xi32>
      %select_n3A = arith.select %eq3A_117, %add3A, %broadcast_in_dim3A_118 : vector<8x512xi1>, vector<8x512xi32>
      %reduce_min3A = vector.shape_cast %select_n3A : vector<8x512xi32> to vector<1x8x512xi32>
      %reduce_min3A_119 = arith.constant dense<2147483647> : vector<1xi32>
      %reduce_min3A_120 = vector.multi_reduction <minsi>, %reduce_min3A, %reduce_min3A_119 [1, 2] : vector<1x8x512xi32> to vector<1xi32>
      %reduce_min3A_121 = vector.shape_cast %reduce_min3A_120 : vector<1xi32> to vector<1x1x1xi32>
      %reduce_min3A_122 = vector.extract %reduce_min3A_121[0, 0, 0] : i32 from vector<1x1x1xi32>
      %eq3A_123 = vector.broadcast %reduce_max3A_116 : f32 to vector<8x512xf32>
      %eq3A_124 = arith.cmpf oeq, %min3A_101, %eq3A_123 : vector<8x512xf32>
      %jit3A_125 = arith.constant 4096 : i32
      %broadcast_in_dim3A_126 = vector.broadcast %jit3A_125 : i32 to vector<8x512xi32>
      %select_n3A_127 = arith.select %eq3A_124, %add3A, %broadcast_in_dim3A_126 : vector<8x512xi1>, vector<8x512xi32>
      %reduce_min3A_128 = vector.shape_cast %select_n3A_127 : vector<8x512xi32> to vector<1x8x512xi32>
      %reduce_min3A_129 = arith.constant dense<2147483647> : vector<1xi32>
      %reduce_min3A_130 = vector.multi_reduction <minsi>, %reduce_min3A_128, %reduce_min3A_129 [1, 2] : vector<1x8x512xi32> to vector<1xi32>
      %reduce_min3A_131 = vector.shape_cast %reduce_min3A_130 : vector<1xi32> to vector<1x1x1xi32>
      %reduce_min3A_132 = vector.extract %reduce_min3A_131[0, 0, 0] : i32 from vector<1x1x1xi32>
      %stack3A = vector.broadcast %get3A_55 : f32 to vector<1xf32>
      %stack3A_133 = vector.broadcast %get3A_59 : f32 to vector<1xf32>
      %stack3A_134 = vector.broadcast %get3A_63 : f32 to vector<1xf32>
      %stack3A_135 = tpu.concatenate %stack3A, %stack3A_133, %stack3A_134 in 0 : vector<1xf32>, vector<1xf32>, vector<1xf32> -> vector<3xf32>
      %reshape3A = vector.shape_cast %stack3A_135 : vector<3xf32> to vector<1x3xf32>
      %swap3A_136 = arith.index_cast %scan3A_47 : i32 to index
      %swap3A_137 = arith.constant 0 : index
      %swap3A_138 = vector.load %arg4[%swap3A_136, %swap3A_137] : memref<1024x3xf32, #tpu.memory_space<vmem>>, vector<1x3xf32>
      tpu.vector_store %arg4[%swap3A_136, %swap3A_137], %reshape3A {strides = array<i32>} : memref<1024x3xf32, #tpu.memory_space<vmem>>, vector<1x3xf32>,
      %stack3A_139 = vector.broadcast %get3A_65 : f32 to vector<1xf32>
      %stack3A_140 = vector.broadcast %get3A_69 : f32 to vector<1xf32>
      %stack3A_141 = vector.broadcast %get3A_73 : f32 to vector<1xf32>
      %stack3A_142 = tpu.concatenate %stack3A_139, %stack3A_140, %stack3A_141 in 0 : vector<1xf32>, vector<1xf32>, vector<1xf32> -> vector<3xf32>
      %reshape3A_143 = vector.shape_cast %stack3A_142 : vector<3xf32> to vector<1x3xf32>
      %swap3A_144 = arith.index_cast %scan3A_47 : i32 to index
      %swap3A_145 = arith.constant 0 : index
      %swap3A_146 = vector.load %arg5[%swap3A_144, %swap3A_145] : memref<1024x3xf32, #tpu.memory_space<vmem>>, vector<1x3xf32>
      tpu.vector_store %arg5[%swap3A_144, %swap3A_145], %reshape3A_143 {strides = array<i32>} : memref<1024x3xf32, #tpu.memory_space<vmem>>, vector<1x3xf32>,
      scf.yield %reduce_min3A_122, %reduce_min3A_132 : i32, i32
    }
    %scan3A_46 = arith.constant 1024 : i32
    return
  }
}

module attributes {stable_mosaic.version = 14 : i64} {
  func.func @_ballq_body(%arg0: i32, %arg1: memref<128x3xf32, #tpu.memory_space<vmem>>, %arg2: memref<3x4096xf32, #tpu.memory_space<vmem>>, %arg3: memref<128x32xi32, #tpu.memory_space<vmem>>) attributes {dimension_semantics = [#tpu.dimension_semantics<arbitrary>], iteration_bounds = array<i64: 8>, scalar_prefetch = 0 : i64, scratch_operands = 0 : i64, tpu.core_type = #tpu.core_type<tc>, window_params = [{transform_indices = @transform_0, window_bounds = array<i64: 128, 3>}, {pipeline_mode = #tpu.pipeline_mode<synchronous>, transform_indices = @transform_1, window_bounds = array<i64: 3, 4096>}, {transform_indices = @transform_2, window_bounds = array<i64: 128, 32>}]} {
    %get3A = arith.constant 0 : index
    %get3A_0 = arith.constant 0 : index
    %get3A_1 = vector.load %arg1[%get3A, %get3A_0] : memref<128x3xf32, #tpu.memory_space<vmem>>, vector<128x3xf32>
    %get3A_2 = arith.constant 0 : index
    %get3A_3 = arith.constant 0 : index
    %get3A_4 = vector.load %arg2[%get3A_2, %get3A_3] : memref<3x4096xf32, #tpu.memory_space<vmem>>, vector<3x4096xf32>
    %slice3A = vector.extract_strided_slice %get3A_4 {offsets = [0, 0], sizes = [1, 4096], strides = [1, 1]} : vector<3x4096xf32> to vector<1x4096xf32>
    %slice3A_5 = vector.extract_strided_slice %get3A_4 {offsets = [1, 0], sizes = [1, 4096], strides = [1, 1]} : vector<3x4096xf32> to vector<1x4096xf32>
    %slice3A_6 = vector.extract_strided_slice %get3A_4 {offsets = [2, 0], sizes = [1, 4096], strides = [1, 1]} : vector<3x4096xf32> to vector<1x4096xf32>
    %slice3A_7 = vector.extract_strided_slice %get3A_1 {offsets = [0, 0], sizes = [128, 1], strides = [1, 1]} : vector<128x3xf32> to vector<128x1xf32>
    %slice3A_8 = vector.extract_strided_slice %get3A_1 {offsets = [0, 1], sizes = [128, 1], strides = [1, 1]} : vector<128x3xf32> to vector<128x1xf32>
    %slice3A_9 = vector.extract_strided_slice %get3A_1 {offsets = [0, 2], sizes = [128, 1], strides = [1, 1]} : vector<128x3xf32> to vector<128x1xf32>
    %mul3A = arith.mulf %slice3A, %slice3A : vector<1x4096xf32>
    %mul3A_10 = arith.mulf %slice3A_6, %slice3A_6 : vector<1x4096xf32>
    %add3A = arith.addf %mul3A, %mul3A_10 : vector<1x4096xf32>
    %mul3A_11 = arith.mulf %slice3A_5, %slice3A_5 : vector<1x4096xf32>
    %add3A_12 = arith.addf %add3A, %mul3A_11 : vector<1x4096xf32>
    %mul3A_13 = arith.mulf %slice3A_7, %slice3A_7 : vector<128x1xf32>
    %mul3A_14 = arith.mulf %slice3A_9, %slice3A_9 : vector<128x1xf32>
    %add3A_15 = arith.addf %mul3A_13, %mul3A_14 : vector<128x1xf32>
    %mul3A_16 = arith.mulf %slice3A_8, %slice3A_8 : vector<128x1xf32>
    %add3A_17 = arith.addf %add3A_15, %mul3A_16 : vector<128x1xf32>
    %dot_general3A = arith.constant dense<0.000000e+00> : vector<128x4096xf32>
    %dot_general3A_18 = tpu.matmul %get3A_1, %get3A_4, %dot_general3A {dimension_numbers = #tpu.dot_dimension_numbers<[1], [0], [0], [1], [0, 0, 1, 1], [], []>, transpose_lhs_hint = false} : vector<128x3xf32>, vector<3x4096xf32>, vector<128x4096xf32> -> vector<128x4096xf32>
    %add3A_19 = vector.broadcast %add3A_17 : vector<128x1xf32> to vector<128x4096xf32>
    %add3A_20 = vector.broadcast %add3A_12 : vector<1x4096xf32> to vector<128x4096xf32>
    %add3A_21 = arith.addf %add3A_19, %add3A_20 : vector<128x4096xf32>
    %mul3A_22 = arith.constant 2.000000e+00 : f32
    %mul3A_23 = vector.broadcast %mul3A_22 : f32 to vector<128x4096xf32>
    %mul3A_24 = arith.mulf %mul3A_23, %dot_general3A_18 : vector<128x4096xf32>
    %sub3A = arith.subf %add3A_21, %mul3A_24 : vector<128x4096xf32>
    %iota3A = tpu.iota {dimensions = array<i32: 1>} : vector<128x4096xi32>
    %le3A = arith.constant 4.000000e+00 : f32
    %le3A_25 = vector.broadcast %le3A : f32 to vector<128x4096xf32>
    %le3A_26 = arith.cmpf ole, %sub3A, %le3A_25 : vector<128x4096xf32>
    %jit3A = arith.constant 4096 : i32
    %broadcast_in_dim3A = vector.broadcast %jit3A : i32 to vector<128x4096xi32>
    %select_n3A = arith.select %le3A_26, %iota3A, %broadcast_in_dim3A : vector<128x4096xi1>, vector<128x4096xi32>
    %broadcast_in_dim3A_27 = arith.constant -1 : i32
    %broadcast_in_dim3A_28 = vector.broadcast %broadcast_in_dim3A_27 : i32 to vector<128x1xi32>
    %gt3A = vector.broadcast %broadcast_in_dim3A_28 : vector<128x1xi32> to vector<128x4096xi32>
    %gt3A_29 = arith.cmpi sgt, %select_n3A, %gt3A : vector<128x4096xi32>
    %jit3A_30 = arith.constant 4096 : i32
    %broadcast_in_dim3A_31 = vector.broadcast %jit3A_30 : i32 to vector<128x4096xi32>
    %select_n3A_32 = arith.select %gt3A_29, %select_n3A, %broadcast_in_dim3A_31 : vector<128x4096xi1>, vector<128x4096xi32>
    %reduce_min3A = arith.constant dense<2147483647> : vector<128xi32>
    %reduce_min3A_33 = vector.multi_reduction <minsi>, %select_n3A_32, %reduce_min3A [1] : vector<128x4096xi32> to vector<128xi32>
    %broadcast_in_dim3A_34 = vector.shape_cast %reduce_min3A_33 : vector<128xi32> to vector<128x1xi32>
    %min3A = arith.constant 4095 : i32
    %min3A_35 = vector.broadcast %min3A : i32 to vector<128x1xi32>
    %min3A_36 = arith.minsi %broadcast_in_dim3A_34, %min3A_35 : vector<128x1xi32>
    %swap3A = arith.constant 0 : index
    %swap3A_37 = arith.constant 0 : index
    %swap3A_38 = vector.load %arg3[%swap3A, %swap3A_37] : memref<128x32xi32, #tpu.memory_space<vmem>>, vector<128x1xi32>
    tpu.vector_store %arg3[%swap3A, %swap3A_37], %min3A_36 {strides = array<i32>} : memref<128x32xi32, #tpu.memory_space<vmem>>, vector<128x1xi32>,
    %gt3A_39 = vector.broadcast %broadcast_in_dim3A_34 : vector<128x1xi32> to vector<128x4096xi32>
    %gt3A_40 = arith.cmpi sgt, %select_n3A, %gt3A_39 : vector<128x4096xi32>
    %jit3A_41 = arith.constant 4096 : i32
    %broadcast_in_dim3A_42 = vector.broadcast %jit3A_41 : i32 to vector<128x4096xi32>
    %select_n3A_43 = arith.select %gt3A_40, %select_n3A, %broadcast_in_dim3A_42 : vector<128x4096xi1>, vector<128x4096xi32>
    %reduce_min3A_44 = arith.constant dense<2147483647> : vector<128xi32>
    %reduce_min3A_45 = vector.multi_reduction <minsi>, %select_n3A_43, %reduce_min3A_44 [1] : vector<128x4096xi32> to vector<128xi32>
    %broadcast_in_dim3A_46 = vector.shape_cast %reduce_min3A_45 : vector<128xi32> to vector<128x1xi32>
    %eq3A = arith.constant 4096 : i32
    %eq3A_47 = vector.broadcast %eq3A : i32 to vector<128x1xi32>
    %eq3A_48 = arith.cmpi eq, %broadcast_in_dim3A_46, %eq3A_47 : vector<128x1xi32>
    %select_n3A_49 = arith.select %eq3A_48, %broadcast_in_dim3A_34, %broadcast_in_dim3A_46 : vector<128x1xi1>, vector<128x1xi32>
    %min3A_50 = arith.constant 4095 : i32
    %min3A_51 = vector.broadcast %min3A_50 : i32 to vector<128x1xi32>
    %min3A_52 = arith.minsi %select_n3A_49, %min3A_51 : vector<128x1xi32>
    %swap3A_53 = arith.constant 0 : index
    %swap3A_54 = arith.constant 1 : index
    %swap3A_55 = vector.load %arg3[%swap3A_53, %swap3A_54] : memref<128x32xi32, #tpu.memory_space<vmem>>, vector<128x1xi32>
    tpu.vector_store %arg3[%swap3A_53, %swap3A_54], %min3A_52 {strides = array<i32>} : memref<128x32xi32, #tpu.memory_space<vmem>>, vector<128x1xi32>,
    %gt3A_56 = vector.broadcast %broadcast_in_dim3A_46 : vector<128x1xi32> to vector<128x4096xi32>
    %gt3A_57 = arith.cmpi sgt, %select_n3A, %gt3A_56 : vector<128x4096xi32>
    %jit3A_58 = arith.constant 4096 : i32
    %broadcast_in_dim3A_59 = vector.broadcast %jit3A_58 : i32 to vector<128x4096xi32>
    %select_n3A_60 = arith.select %gt3A_57, %select_n3A, %broadcast_in_dim3A_59 : vector<128x4096xi1>, vector<128x4096xi32>
    %reduce_min3A_61 = arith.constant dense<2147483647> : vector<128xi32>
    %reduce_min3A_62 = vector.multi_reduction <minsi>, %select_n3A_60, %reduce_min3A_61 [1] : vector<128x4096xi32> to vector<128xi32>
    %broadcast_in_dim3A_63 = vector.shape_cast %reduce_min3A_62 : vector<128xi32> to vector<128x1xi32>
    %eq3A_64 = arith.constant 4096 : i32
    %eq3A_65 = vector.broadcast %eq3A_64 : i32 to vector<128x1xi32>
    %eq3A_66 = arith.cmpi eq, %broadcast_in_dim3A_63, %eq3A_65 : vector<128x1xi32>
    %select_n3A_67 = arith.select %eq3A_66, %broadcast_in_dim3A_34, %broadcast_in_dim3A_63 : vector<128x1xi1>, vector<128x1xi32>
    %min3A_68 = arith.constant 4095 : i32
    %min3A_69 = vector.broadcast %min3A_68 : i32 to vector<128x1xi32>
    %min3A_70 = arith.minsi %select_n3A_67, %min3A_69 : vector<128x1xi32>
    %swap3A_71 = arith.constant 0 : index
    %swap3A_72 = arith.constant 2 : index
    %swap3A_73 = vector.load %arg3[%swap3A_71, %swap3A_72] : memref<128x32xi32, #tpu.memory_space<vmem>>, vector<128x1xi32>
    tpu.vector_store %arg3[%swap3A_71, %swap3A_72], %min3A_70 {strides = array<i32>} : memref<128x32xi32, #tpu.memory_space<vmem>>, vector<128x1xi32>,
    %gt3A_74 = vector.broadcast %broadcast_in_dim3A_63 : vector<128x1xi32> to vector<128x4096xi32>
    %gt3A_75 = arith.cmpi sgt, %select_n3A, %gt3A_74 : vector<128x4096xi32>
    %jit3A_76 = arith.constant 4096 : i32
    %broadcast_in_dim3A_77 = vector.broadcast %jit3A_76 : i32 to vector<128x4096xi32>
    %select_n3A_78 = arith.select %gt3A_75, %select_n3A, %broadcast_in_dim3A_77 : vector<128x4096xi1>, vector<128x4096xi32>
    %reduce_min3A_79 = arith.constant dense<2147483647> : vector<128xi32>
    %reduce_min3A_80 = vector.multi_reduction <minsi>, %select_n3A_78, %reduce_min3A_79 [1] : vector<128x4096xi32> to vector<128xi32>
    %broadcast_in_dim3A_81 = vector.shape_cast %reduce_min3A_80 : vector<128xi32> to vector<128x1xi32>
    %eq3A_82 = arith.constant 4096 : i32
    %eq3A_83 = vector.broadcast %eq3A_82 : i32 to vector<128x1xi32>
    %eq3A_84 = arith.cmpi eq, %broadcast_in_dim3A_81, %eq3A_83 : vector<128x1xi32>
    %select_n3A_85 = arith.select %eq3A_84, %broadcast_in_dim3A_34, %broadcast_in_dim3A_81 : vector<128x1xi1>, vector<128x1xi32>
    %min3A_86 = arith.constant 4095 : i32
    %min3A_87 = vector.broadcast %min3A_86 : i32 to vector<128x1xi32>
    %min3A_88 = arith.minsi %select_n3A_85, %min3A_87 : vector<128x1xi32>
    %swap3A_89 = arith.constant 0 : index
    %swap3A_90 = arith.constant 3 : index
    %swap3A_91 = vector.load %arg3[%swap3A_89, %swap3A_90] : memref<128x32xi32, #tpu.memory_space<vmem>>, vector<128x1xi32>
    tpu.vector_store %arg3[%swap3A_89, %swap3A_90], %min3A_88 {strides = array<i32>} : memref<128x32xi32, #tpu.memory_space<vmem>>, vector<128x1xi32>,
    %gt3A_92 = vector.broadcast %broadcast_in_dim3A_81 : vector<128x1xi32> to vector<128x4096xi32>
    %gt3A_93 = arith.cmpi sgt, %select_n3A, %gt3A_92 : vector<128x4096xi32>
    %jit3A_94 = arith.constant 4096 : i32
    %broadcast_in_dim3A_95 = vector.broadcast %jit3A_94 : i32 to vector<128x4096xi32>
    %select_n3A_96 = arith.select %gt3A_93, %select_n3A, %broadcast_in_dim3A_95 : vector<128x4096xi1>, vector<128x4096xi32>
    %reduce_min3A_97 = arith.constant dense<2147483647> : vector<128xi32>
    %reduce_min3A_98 = vector.multi_reduction <minsi>, %select_n3A_96, %reduce_min3A_97 [1] : vector<128x4096xi32> to vector<128xi32>
    %broadcast_in_dim3A_99 = vector.shape_cast %reduce_min3A_98 : vector<128xi32> to vector<128x1xi32>
    %eq3A_100 = arith.constant 4096 : i32
    %eq3A_101 = vector.broadcast %eq3A_100 : i32 to vector<128x1xi32>
    %eq3A_102 = arith.cmpi eq, %broadcast_in_dim3A_99, %eq3A_101 : vector<128x1xi32>
    %select_n3A_103 = arith.select %eq3A_102, %broadcast_in_dim3A_34, %broadcast_in_dim3A_99 : vector<128x1xi1>, vector<128x1xi32>
    %min3A_104 = arith.constant 4095 : i32
    %min3A_105 = vector.broadcast %min3A_104 : i32 to vector<128x1xi32>
    %min3A_106 = arith.minsi %select_n3A_103, %min3A_105 : vector<128x1xi32>
    %swap3A_107 = arith.constant 0 : index
    %swap3A_108 = arith.constant 4 : index
    %swap3A_109 = vector.load %arg3[%swap3A_107, %swap3A_108] : memref<128x32xi32, #tpu.memory_space<vmem>>, vector<128x1xi32>
    tpu.vector_store %arg3[%swap3A_107, %swap3A_108], %min3A_106 {strides = array<i32>} : memref<128x32xi32, #tpu.memory_space<vmem>>, vector<128x1xi32>,
    %gt3A_110 = vector.broadcast %broadcast_in_dim3A_99 : vector<128x1xi32> to vector<128x4096xi32>
    %gt3A_111 = arith.cmpi sgt, %select_n3A, %gt3A_110 : vector<128x4096xi32>
    %jit3A_112 = arith.constant 4096 : i32
    %broadcast_in_dim3A_113 = vector.broadcast %jit3A_112 : i32 to vector<128x4096xi32>
    %select_n3A_114 = arith.select %gt3A_111, %select_n3A, %broadcast_in_dim3A_113 : vector<128x4096xi1>, vector<128x4096xi32>
    %reduce_min3A_115 = arith.constant dense<2147483647> : vector<128xi32>
    %reduce_min3A_116 = vector.multi_reduction <minsi>, %select_n3A_114, %reduce_min3A_115 [1] : vector<128x4096xi32> to vector<128xi32>
    %broadcast_in_dim3A_117 = vector.shape_cast %reduce_min3A_116 : vector<128xi32> to vector<128x1xi32>
    %eq3A_118 = arith.constant 4096 : i32
    %eq3A_119 = vector.broadcast %eq3A_118 : i32 to vector<128x1xi32>
    %eq3A_120 = arith.cmpi eq, %broadcast_in_dim3A_117, %eq3A_119 : vector<128x1xi32>
    %select_n3A_121 = arith.select %eq3A_120, %broadcast_in_dim3A_34, %broadcast_in_dim3A_117 : vector<128x1xi1>, vector<128x1xi32>
    %min3A_122 = arith.constant 4095 : i32
    %min3A_123 = vector.broadcast %min3A_122 : i32 to vector<128x1xi32>
    %min3A_124 = arith.minsi %select_n3A_121, %min3A_123 : vector<128x1xi32>
    %swap3A_125 = arith.constant 0 : index
    %swap3A_126 = arith.constant 5 : index
    %swap3A_127 = vector.load %arg3[%swap3A_125, %swap3A_126] : memref<128x32xi32, #tpu.memory_space<vmem>>, vector<128x1xi32>
    tpu.vector_store %arg3[%swap3A_125, %swap3A_126], %min3A_124 {strides = array<i32>} : memref<128x32xi32, #tpu.memory_space<vmem>>, vector<128x1xi32>,
    %gt3A_128 = vector.broadcast %broadcast_in_dim3A_117 : vector<128x1xi32> to vector<128x4096xi32>
    %gt3A_129 = arith.cmpi sgt, %select_n3A, %gt3A_128 : vector<128x4096xi32>
    %jit3A_130 = arith.constant 4096 : i32
    %broadcast_in_dim3A_131 = vector.broadcast %jit3A_130 : i32 to vector<128x4096xi32>
    %select_n3A_132 = arith.select %gt3A_129, %select_n3A, %broadcast_in_dim3A_131 : vector<128x4096xi1>, vector<128x4096xi32>
    %reduce_min3A_133 = arith.constant dense<2147483647> : vector<128xi32>
    %reduce_min3A_134 = vector.multi_reduction <minsi>, %select_n3A_132, %reduce_min3A_133 [1] : vector<128x4096xi32> to vector<128xi32>
    %broadcast_in_dim3A_135 = vector.shape_cast %reduce_min3A_134 : vector<128xi32> to vector<128x1xi32>
    %eq3A_136 = arith.constant 4096 : i32
    %eq3A_137 = vector.broadcast %eq3A_136 : i32 to vector<128x1xi32>
    %eq3A_138 = arith.cmpi eq, %broadcast_in_dim3A_135, %eq3A_137 : vector<128x1xi32>
    %select_n3A_139 = arith.select %eq3A_138, %broadcast_in_dim3A_34, %broadcast_in_dim3A_135 : vector<128x1xi1>, vector<128x1xi32>
    %min3A_140 = arith.constant 4095 : i32
    %min3A_141 = vector.broadcast %min3A_140 : i32 to vector<128x1xi32>
    %min3A_142 = arith.minsi %select_n3A_139, %min3A_141 : vector<128x1xi32>
    %swap3A_143 = arith.constant 0 : index
    %swap3A_144 = arith.constant 6 : index
    %swap3A_145 = vector.load %arg3[%swap3A_143, %swap3A_144] : memref<128x32xi32, #tpu.memory_space<vmem>>, vector<128x1xi32>
    tpu.vector_store %arg3[%swap3A_143, %swap3A_144], %min3A_142 {strides = array<i32>} : memref<128x32xi32, #tpu.memory_space<vmem>>, vector<128x1xi32>,
    %gt3A_146 = vector.broadcast %broadcast_in_dim3A_135 : vector<128x1xi32> to vector<128x4096xi32>
    %gt3A_147 = arith.cmpi sgt, %select_n3A, %gt3A_146 : vector<128x4096xi32>
    %jit3A_148 = arith.constant 4096 : i32
    %broadcast_in_dim3A_149 = vector.broadcast %jit3A_148 : i32 to vector<128x4096xi32>
    %select_n3A_150 = arith.select %gt3A_147, %select_n3A, %broadcast_in_dim3A_149 : vector<128x4096xi1>, vector<128x4096xi32>
    %reduce_min3A_151 = arith.constant dense<2147483647> : vector<128xi32>
    %reduce_min3A_152 = vector.multi_reduction <minsi>, %select_n3A_150, %reduce_min3A_151 [1] : vector<128x4096xi32> to vector<128xi32>
    %broadcast_in_dim3A_153 = vector.shape_cast %reduce_min3A_152 : vector<128xi32> to vector<128x1xi32>
    %eq3A_154 = arith.constant 4096 : i32
    %eq3A_155 = vector.broadcast %eq3A_154 : i32 to vector<128x1xi32>
    %eq3A_156 = arith.cmpi eq, %broadcast_in_dim3A_153, %eq3A_155 : vector<128x1xi32>
    %select_n3A_157 = arith.select %eq3A_156, %broadcast_in_dim3A_34, %broadcast_in_dim3A_153 : vector<128x1xi1>, vector<128x1xi32>
    %min3A_158 = arith.constant 4095 : i32
    %min3A_159 = vector.broadcast %min3A_158 : i32 to vector<128x1xi32>
    %min3A_160 = arith.minsi %select_n3A_157, %min3A_159 : vector<128x1xi32>
    %swap3A_161 = arith.constant 0 : index
    %swap3A_162 = arith.constant 7 : index
    %swap3A_163 = vector.load %arg3[%swap3A_161, %swap3A_162] : memref<128x32xi32, #tpu.memory_space<vmem>>, vector<128x1xi32>
    tpu.vector_store %arg3[%swap3A_161, %swap3A_162], %min3A_160 {strides = array<i32>} : memref<128x32xi32, #tpu.memory_space<vmem>>, vector<128x1xi32>,
    %gt3A_164 = vector.broadcast %broadcast_in_dim3A_153 : vector<128x1xi32> to vector<128x4096xi32>
    %gt3A_165 = arith.cmpi sgt, %select_n3A, %gt3A_164 : vector<128x4096xi32>
    %jit3A_166 = arith.constant 4096 : i32
    %broadcast_in_dim3A_167 = vector.broadcast %jit3A_166 : i32 to vector<128x4096xi32>
    %select_n3A_168 = arith.select %gt3A_165, %select_n3A, %broadcast_in_dim3A_167 : vector<128x4096xi1>, vector<128x4096xi32>
    %reduce_min3A_169 = arith.constant dense<2147483647> : vector<128xi32>
    %reduce_min3A_170 = vector.multi_reduction <minsi>, %select_n3A_168, %reduce_min3A_169 [1] : vector<128x4096xi32> to vector<128xi32>
    %broadcast_in_dim3A_171 = vector.shape_cast %reduce_min3A_170 : vector<128xi32> to vector<128x1xi32>
    %eq3A_172 = arith.constant 4096 : i32
    %eq3A_173 = vector.broadcast %eq3A_172 : i32 to vector<128x1xi32>
    %eq3A_174 = arith.cmpi eq, %broadcast_in_dim3A_171, %eq3A_173 : vector<128x1xi32>
    %select_n3A_175 = arith.select %eq3A_174, %broadcast_in_dim3A_34, %broadcast_in_dim3A_171 : vector<128x1xi1>, vector<128x1xi32>
    %min3A_176 = arith.constant 4095 : i32
    %min3A_177 = vector.broadcast %min3A_176 : i32 to vector<128x1xi32>
    %min3A_178 = arith.minsi %select_n3A_175, %min3A_177 : vector<128x1xi32>
    %swap3A_179 = arith.constant 0 : index
    %swap3A_180 = arith.constant 8 : index
    %swap3A_181 = vector.load %arg3[%swap3A_179, %swap3A_180] : memref<128x32xi32, #tpu.memory_space<vmem>>, vector<128x1xi32>
    tpu.vector_store %arg3[%swap3A_179, %swap3A_180], %min3A_178 {strides = array<i32>} : memref<128x32xi32, #tpu.memory_space<vmem>>, vector<128x1xi32>,
    %gt3A_182 = vector.broadcast %broadcast_in_dim3A_171 : vector<128x1xi32> to vector<128x4096xi32>
    %gt3A_183 = arith.cmpi sgt, %select_n3A, %gt3A_182 : vector<128x4096xi32>
    %jit3A_184 = arith.constant 4096 : i32
    %broadcast_in_dim3A_185 = vector.broadcast %jit3A_184 : i32 to vector<128x4096xi32>
    %select_n3A_186 = arith.select %gt3A_183, %select_n3A, %broadcast_in_dim3A_185 : vector<128x4096xi1>, vector<128x4096xi32>
    %reduce_min3A_187 = arith.constant dense<2147483647> : vector<128xi32>
    %reduce_min3A_188 = vector.multi_reduction <minsi>, %select_n3A_186, %reduce_min3A_187 [1] : vector<128x4096xi32> to vector<128xi32>
    %broadcast_in_dim3A_189 = vector.shape_cast %reduce_min3A_188 : vector<128xi32> to vector<128x1xi32>
    %eq3A_190 = arith.constant 4096 : i32
    %eq3A_191 = vector.broadcast %eq3A_190 : i32 to vector<128x1xi32>
    %eq3A_192 = arith.cmpi eq, %broadcast_in_dim3A_189, %eq3A_191 : vector<128x1xi32>
    %select_n3A_193 = arith.select %eq3A_192, %broadcast_in_dim3A_34, %broadcast_in_dim3A_189 : vector<128x1xi1>, vector<128x1xi32>
    %min3A_194 = arith.constant 4095 : i32
    %min3A_195 = vector.broadcast %min3A_194 : i32 to vector<128x1xi32>
    %min3A_196 = arith.minsi %select_n3A_193, %min3A_195 : vector<128x1xi32>
    %swap3A_197 = arith.constant 0 : index
    %swap3A_198 = arith.constant 9 : index
    %swap3A_199 = vector.load %arg3[%swap3A_197, %swap3A_198] : memref<128x32xi32, #tpu.memory_space<vmem>>, vector<128x1xi32>
    tpu.vector_store %arg3[%swap3A_197, %swap3A_198], %min3A_196 {strides = array<i32>} : memref<128x32xi32, #tpu.memory_space<vmem>>, vector<128x1xi32>,
    %gt3A_200 = vector.broadcast %broadcast_in_dim3A_189 : vector<128x1xi32> to vector<128x4096xi32>
    %gt3A_201 = arith.cmpi sgt, %select_n3A, %gt3A_200 : vector<128x4096xi32>
    %jit3A_202 = arith.constant 4096 : i32
    %broadcast_in_dim3A_203 = vector.broadcast %jit3A_202 : i32 to vector<128x4096xi32>
    %select_n3A_204 = arith.select %gt3A_201, %select_n3A, %broadcast_in_dim3A_203 : vector<128x4096xi1>, vector<128x4096xi32>
    %reduce_min3A_205 = arith.constant dense<2147483647> : vector<128xi32>
    %reduce_min3A_206 = vector.multi_reduction <minsi>, %select_n3A_204, %reduce_min3A_205 [1] : vector<128x4096xi32> to vector<128xi32>
    %broadcast_in_dim3A_207 = vector.shape_cast %reduce_min3A_206 : vector<128xi32> to vector<128x1xi32>
    %eq3A_208 = arith.constant 4096 : i32
    %eq3A_209 = vector.broadcast %eq3A_208 : i32 to vector<128x1xi32>
    %eq3A_210 = arith.cmpi eq, %broadcast_in_dim3A_207, %eq3A_209 : vector<128x1xi32>
    %select_n3A_211 = arith.select %eq3A_210, %broadcast_in_dim3A_34, %broadcast_in_dim3A_207 : vector<128x1xi1>, vector<128x1xi32>
    %min3A_212 = arith.constant 4095 : i32
    %min3A_213 = vector.broadcast %min3A_212 : i32 to vector<128x1xi32>
    %min3A_214 = arith.minsi %select_n3A_211, %min3A_213 : vector<128x1xi32>
    %swap3A_215 = arith.constant 0 : index
    %swap3A_216 = arith.constant 10 : index
    %swap3A_217 = vector.load %arg3[%swap3A_215, %swap3A_216] : memref<128x32xi32, #tpu.memory_space<vmem>>, vector<128x1xi32>
    tpu.vector_store %arg3[%swap3A_215, %swap3A_216], %min3A_214 {strides = array<i32>} : memref<128x32xi32, #tpu.memory_space<vmem>>, vector<128x1xi32>,
    %gt3A_218 = vector.broadcast %broadcast_in_dim3A_207 : vector<128x1xi32> to vector<128x4096xi32>
    %gt3A_219 = arith.cmpi sgt, %select_n3A, %gt3A_218 : vector<128x4096xi32>
    %jit3A_220 = arith.constant 4096 : i32
    %broadcast_in_dim3A_221 = vector.broadcast %jit3A_220 : i32 to vector<128x4096xi32>
    %select_n3A_222 = arith.select %gt3A_219, %select_n3A, %broadcast_in_dim3A_221 : vector<128x4096xi1>, vector<128x4096xi32>
    %reduce_min3A_223 = arith.constant dense<2147483647> : vector<128xi32>
    %reduce_min3A_224 = vector.multi_reduction <minsi>, %select_n3A_222, %reduce_min3A_223 [1] : vector<128x4096xi32> to vector<128xi32>
    %broadcast_in_dim3A_225 = vector.shape_cast %reduce_min3A_224 : vector<128xi32> to vector<128x1xi32>
    %eq3A_226 = arith.constant 4096 : i32
    %eq3A_227 = vector.broadcast %eq3A_226 : i32 to vector<128x1xi32>
    %eq3A_228 = arith.cmpi eq, %broadcast_in_dim3A_225, %eq3A_227 : vector<128x1xi32>
    %select_n3A_229 = arith.select %eq3A_228, %broadcast_in_dim3A_34, %broadcast_in_dim3A_225 : vector<128x1xi1>, vector<128x1xi32>
    %min3A_230 = arith.constant 4095 : i32
    %min3A_231 = vector.broadcast %min3A_230 : i32 to vector<128x1xi32>
    %min3A_232 = arith.minsi %select_n3A_229, %min3A_231 : vector<128x1xi32>
    %swap3A_233 = arith.constant 0 : index
    %swap3A_234 = arith.constant 11 : index
    %swap3A_235 = vector.load %arg3[%swap3A_233, %swap3A_234] : memref<128x32xi32, #tpu.memory_space<vmem>>, vector<128x1xi32>
    tpu.vector_store %arg3[%swap3A_233, %swap3A_234], %min3A_232 {strides = array<i32>} : memref<128x32xi32, #tpu.memory_space<vmem>>, vector<128x1xi32>,
    %gt3A_236 = vector.broadcast %broadcast_in_dim3A_225 : vector<128x1xi32> to vector<128x4096xi32>
    %gt3A_237 = arith.cmpi sgt, %select_n3A, %gt3A_236 : vector<128x4096xi32>
    %jit3A_238 = arith.constant 4096 : i32
    %broadcast_in_dim3A_239 = vector.broadcast %jit3A_238 : i32 to vector<128x4096xi32>
    %select_n3A_240 = arith.select %gt3A_237, %select_n3A, %broadcast_in_dim3A_239 : vector<128x4096xi1>, vector<128x4096xi32>
    %reduce_min3A_241 = arith.constant dense<2147483647> : vector<128xi32>
    %reduce_min3A_242 = vector.multi_reduction <minsi>, %select_n3A_240, %reduce_min3A_241 [1] : vector<128x4096xi32> to vector<128xi32>
    %broadcast_in_dim3A_243 = vector.shape_cast %reduce_min3A_242 : vector<128xi32> to vector<128x1xi32>
    %eq3A_244 = arith.constant 4096 : i32
    %eq3A_245 = vector.broadcast %eq3A_244 : i32 to vector<128x1xi32>
    %eq3A_246 = arith.cmpi eq, %broadcast_in_dim3A_243, %eq3A_245 : vector<128x1xi32>
    %select_n3A_247 = arith.select %eq3A_246, %broadcast_in_dim3A_34, %broadcast_in_dim3A_243 : vector<128x1xi1>, vector<128x1xi32>
    %min3A_248 = arith.constant 4095 : i32
    %min3A_249 = vector.broadcast %min3A_248 : i32 to vector<128x1xi32>
    %min3A_250 = arith.minsi %select_n3A_247, %min3A_249 : vector<128x1xi32>
    %swap3A_251 = arith.constant 0 : index
    %swap3A_252 = arith.constant 12 : index
    %swap3A_253 = vector.load %arg3[%swap3A_251, %swap3A_252] : memref<128x32xi32, #tpu.memory_space<vmem>>, vector<128x1xi32>
    tpu.vector_store %arg3[%swap3A_251, %swap3A_252], %min3A_250 {strides = array<i32>} : memref<128x32xi32, #tpu.memory_space<vmem>>, vector<128x1xi32>,
    %gt3A_254 = vector.broadcast %broadcast_in_dim3A_243 : vector<128x1xi32> to vector<128x4096xi32>
    %gt3A_255 = arith.cmpi sgt, %select_n3A, %gt3A_254 : vector<128x4096xi32>
    %jit3A_256 = arith.constant 4096 : i32
    %broadcast_in_dim3A_257 = vector.broadcast %jit3A_256 : i32 to vector<128x4096xi32>
    %select_n3A_258 = arith.select %gt3A_255, %select_n3A, %broadcast_in_dim3A_257 : vector<128x4096xi1>, vector<128x4096xi32>
    %reduce_min3A_259 = arith.constant dense<2147483647> : vector<128xi32>
    %reduce_min3A_260 = vector.multi_reduction <minsi>, %select_n3A_258, %reduce_min3A_259 [1] : vector<128x4096xi32> to vector<128xi32>
    %broadcast_in_dim3A_261 = vector.shape_cast %reduce_min3A_260 : vector<128xi32> to vector<128x1xi32>
    %eq3A_262 = arith.constant 4096 : i32
    %eq3A_263 = vector.broadcast %eq3A_262 : i32 to vector<128x1xi32>
    %eq3A_264 = arith.cmpi eq, %broadcast_in_dim3A_261, %eq3A_263 : vector<128x1xi32>
    %select_n3A_265 = arith.select %eq3A_264, %broadcast_in_dim3A_34, %broadcast_in_dim3A_261 : vector<128x1xi1>, vector<128x1xi32>
    %min3A_266 = arith.constant 4095 : i32
    %min3A_267 = vector.broadcast %min3A_266 : i32 to vector<128x1xi32>
    %min3A_268 = arith.minsi %select_n3A_265, %min3A_267 : vector<128x1xi32>
    %swap3A_269 = arith.constant 0 : index
    %swap3A_270 = arith.constant 13 : index
    %swap3A_271 = vector.load %arg3[%swap3A_269, %swap3A_270] : memref<128x32xi32, #tpu.memory_space<vmem>>, vector<128x1xi32>
    tpu.vector_store %arg3[%swap3A_269, %swap3A_270], %min3A_268 {strides = array<i32>} : memref<128x32xi32, #tpu.memory_space<vmem>>, vector<128x1xi32>,
    %gt3A_272 = vector.broadcast %broadcast_in_dim3A_261 : vector<128x1xi32> to vector<128x4096xi32>
    %gt3A_273 = arith.cmpi sgt, %select_n3A, %gt3A_272 : vector<128x4096xi32>
    %jit3A_274 = arith.constant 4096 : i32
    %broadcast_in_dim3A_275 = vector.broadcast %jit3A_274 : i32 to vector<128x4096xi32>
    %select_n3A_276 = arith.select %gt3A_273, %select_n3A, %broadcast_in_dim3A_275 : vector<128x4096xi1>, vector<128x4096xi32>
    %reduce_min3A_277 = arith.constant dense<2147483647> : vector<128xi32>
    %reduce_min3A_278 = vector.multi_reduction <minsi>, %select_n3A_276, %reduce_min3A_277 [1] : vector<128x4096xi32> to vector<128xi32>
    %broadcast_in_dim3A_279 = vector.shape_cast %reduce_min3A_278 : vector<128xi32> to vector<128x1xi32>
    %eq3A_280 = arith.constant 4096 : i32
    %eq3A_281 = vector.broadcast %eq3A_280 : i32 to vector<128x1xi32>
    %eq3A_282 = arith.cmpi eq, %broadcast_in_dim3A_279, %eq3A_281 : vector<128x1xi32>
    %select_n3A_283 = arith.select %eq3A_282, %broadcast_in_dim3A_34, %broadcast_in_dim3A_279 : vector<128x1xi1>, vector<128x1xi32>
    %min3A_284 = arith.constant 4095 : i32
    %min3A_285 = vector.broadcast %min3A_284 : i32 to vector<128x1xi32>
    %min3A_286 = arith.minsi %select_n3A_283, %min3A_285 : vector<128x1xi32>
    %swap3A_287 = arith.constant 0 : index
    %swap3A_288 = arith.constant 14 : index
    %swap3A_289 = vector.load %arg3[%swap3A_287, %swap3A_288] : memref<128x32xi32, #tpu.memory_space<vmem>>, vector<128x1xi32>
    tpu.vector_store %arg3[%swap3A_287, %swap3A_288], %min3A_286 {strides = array<i32>} : memref<128x32xi32, #tpu.memory_space<vmem>>, vector<128x1xi32>,
    %gt3A_290 = vector.broadcast %broadcast_in_dim3A_279 : vector<128x1xi32> to vector<128x4096xi32>
    %gt3A_291 = arith.cmpi sgt, %select_n3A, %gt3A_290 : vector<128x4096xi32>
    %jit3A_292 = arith.constant 4096 : i32
    %broadcast_in_dim3A_293 = vector.broadcast %jit3A_292 : i32 to vector<128x4096xi32>
    %select_n3A_294 = arith.select %gt3A_291, %select_n3A, %broadcast_in_dim3A_293 : vector<128x4096xi1>, vector<128x4096xi32>
    %reduce_min3A_295 = arith.constant dense<2147483647> : vector<128xi32>
    %reduce_min3A_296 = vector.multi_reduction <minsi>, %select_n3A_294, %reduce_min3A_295 [1] : vector<128x4096xi32> to vector<128xi32>
    %broadcast_in_dim3A_297 = vector.shape_cast %reduce_min3A_296 : vector<128xi32> to vector<128x1xi32>
    %eq3A_298 = arith.constant 4096 : i32
    %eq3A_299 = vector.broadcast %eq3A_298 : i32 to vector<128x1xi32>
    %eq3A_300 = arith.cmpi eq, %broadcast_in_dim3A_297, %eq3A_299 : vector<128x1xi32>
    %select_n3A_301 = arith.select %eq3A_300, %broadcast_in_dim3A_34, %broadcast_in_dim3A_297 : vector<128x1xi1>, vector<128x1xi32>
    %min3A_302 = arith.constant 4095 : i32
    %min3A_303 = vector.broadcast %min3A_302 : i32 to vector<128x1xi32>
    %min3A_304 = arith.minsi %select_n3A_301, %min3A_303 : vector<128x1xi32>
    %swap3A_305 = arith.constant 0 : index
    %swap3A_306 = arith.constant 15 : index
    %swap3A_307 = vector.load %arg3[%swap3A_305, %swap3A_306] : memref<128x32xi32, #tpu.memory_space<vmem>>, vector<128x1xi32>
    tpu.vector_store %arg3[%swap3A_305, %swap3A_306], %min3A_304 {strides = array<i32>} : memref<128x32xi32, #tpu.memory_space<vmem>>, vector<128x1xi32>,
    %gt3A_308 = vector.broadcast %broadcast_in_dim3A_297 : vector<128x1xi32> to vector<128x4096xi32>
    %gt3A_309 = arith.cmpi sgt, %select_n3A, %gt3A_308 : vector<128x4096xi32>
    %jit3A_310 = arith.constant 4096 : i32
    %broadcast_in_dim3A_311 = vector.broadcast %jit3A_310 : i32 to vector<128x4096xi32>
    %select_n3A_312 = arith.select %gt3A_309, %select_n3A, %broadcast_in_dim3A_311 : vector<128x4096xi1>, vector<128x4096xi32>
    %reduce_min3A_313 = arith.constant dense<2147483647> : vector<128xi32>
    %reduce_min3A_314 = vector.multi_reduction <minsi>, %select_n3A_312, %reduce_min3A_313 [1] : vector<128x4096xi32> to vector<128xi32>
    %broadcast_in_dim3A_315 = vector.shape_cast %reduce_min3A_314 : vector<128xi32> to vector<128x1xi32>
    %eq3A_316 = arith.constant 4096 : i32
    %eq3A_317 = vector.broadcast %eq3A_316 : i32 to vector<128x1xi32>
    %eq3A_318 = arith.cmpi eq, %broadcast_in_dim3A_315, %eq3A_317 : vector<128x1xi32>
    %select_n3A_319 = arith.select %eq3A_318, %broadcast_in_dim3A_34, %broadcast_in_dim3A_315 : vector<128x1xi1>, vector<128x1xi32>
    %min3A_320 = arith.constant 4095 : i32
    %min3A_321 = vector.broadcast %min3A_320 : i32 to vector<128x1xi32>
    %min3A_322 = arith.minsi %select_n3A_319, %min3A_321 : vector<128x1xi32>
    %swap3A_323 = arith.constant 0 : index
    %swap3A_324 = arith.constant 16 : index
    %swap3A_325 = vector.load %arg3[%swap3A_323, %swap3A_324] : memref<128x32xi32, #tpu.memory_space<vmem>>, vector<128x1xi32>
    tpu.vector_store %arg3[%swap3A_323, %swap3A_324], %min3A_322 {strides = array<i32>} : memref<128x32xi32, #tpu.memory_space<vmem>>, vector<128x1xi32>,
    %gt3A_326 = vector.broadcast %broadcast_in_dim3A_315 : vector<128x1xi32> to vector<128x4096xi32>
    %gt3A_327 = arith.cmpi sgt, %select_n3A, %gt3A_326 : vector<128x4096xi32>
    %jit3A_328 = arith.constant 4096 : i32
    %broadcast_in_dim3A_329 = vector.broadcast %jit3A_328 : i32 to vector<128x4096xi32>
    %select_n3A_330 = arith.select %gt3A_327, %select_n3A, %broadcast_in_dim3A_329 : vector<128x4096xi1>, vector<128x4096xi32>
    %reduce_min3A_331 = arith.constant dense<2147483647> : vector<128xi32>
    %reduce_min3A_332 = vector.multi_reduction <minsi>, %select_n3A_330, %reduce_min3A_331 [1] : vector<128x4096xi32> to vector<128xi32>
    %broadcast_in_dim3A_333 = vector.shape_cast %reduce_min3A_332 : vector<128xi32> to vector<128x1xi32>
    %eq3A_334 = arith.constant 4096 : i32
    %eq3A_335 = vector.broadcast %eq3A_334 : i32 to vector<128x1xi32>
    %eq3A_336 = arith.cmpi eq, %broadcast_in_dim3A_333, %eq3A_335 : vector<128x1xi32>
    %select_n3A_337 = arith.select %eq3A_336, %broadcast_in_dim3A_34, %broadcast_in_dim3A_333 : vector<128x1xi1>, vector<128x1xi32>
    %min3A_338 = arith.constant 4095 : i32
    %min3A_339 = vector.broadcast %min3A_338 : i32 to vector<128x1xi32>
    %min3A_340 = arith.minsi %select_n3A_337, %min3A_339 : vector<128x1xi32>
    %swap3A_341 = arith.constant 0 : index
    %swap3A_342 = arith.constant 17 : index
    %swap3A_343 = vector.load %arg3[%swap3A_341, %swap3A_342] : memref<128x32xi32, #tpu.memory_space<vmem>>, vector<128x1xi32>
    tpu.vector_store %arg3[%swap3A_341, %swap3A_342], %min3A_340 {strides = array<i32>} : memref<128x32xi32, #tpu.memory_space<vmem>>, vector<128x1xi32>,
    %gt3A_344 = vector.broadcast %broadcast_in_dim3A_333 : vector<128x1xi32> to vector<128x4096xi32>
    %gt3A_345 = arith.cmpi sgt, %select_n3A, %gt3A_344 : vector<128x4096xi32>
    %jit3A_346 = arith.constant 4096 : i32
    %broadcast_in_dim3A_347 = vector.broadcast %jit3A_346 : i32 to vector<128x4096xi32>
    %select_n3A_348 = arith.select %gt3A_345, %select_n3A, %broadcast_in_dim3A_347 : vector<128x4096xi1>, vector<128x4096xi32>
    %reduce_min3A_349 = arith.constant dense<2147483647> : vector<128xi32>
    %reduce_min3A_350 = vector.multi_reduction <minsi>, %select_n3A_348, %reduce_min3A_349 [1] : vector<128x4096xi32> to vector<128xi32>
    %broadcast_in_dim3A_351 = vector.shape_cast %reduce_min3A_350 : vector<128xi32> to vector<128x1xi32>
    %eq3A_352 = arith.constant 4096 : i32
    %eq3A_353 = vector.broadcast %eq3A_352 : i32 to vector<128x1xi32>
    %eq3A_354 = arith.cmpi eq, %broadcast_in_dim3A_351, %eq3A_353 : vector<128x1xi32>
    %select_n3A_355 = arith.select %eq3A_354, %broadcast_in_dim3A_34, %broadcast_in_dim3A_351 : vector<128x1xi1>, vector<128x1xi32>
    %min3A_356 = arith.constant 4095 : i32
    %min3A_357 = vector.broadcast %min3A_356 : i32 to vector<128x1xi32>
    %min3A_358 = arith.minsi %select_n3A_355, %min3A_357 : vector<128x1xi32>
    %swap3A_359 = arith.constant 0 : index
    %swap3A_360 = arith.constant 18 : index
    %swap3A_361 = vector.load %arg3[%swap3A_359, %swap3A_360] : memref<128x32xi32, #tpu.memory_space<vmem>>, vector<128x1xi32>
    tpu.vector_store %arg3[%swap3A_359, %swap3A_360], %min3A_358 {strides = array<i32>} : memref<128x32xi32, #tpu.memory_space<vmem>>, vector<128x1xi32>,
    %gt3A_362 = vector.broadcast %broadcast_in_dim3A_351 : vector<128x1xi32> to vector<128x4096xi32>
    %gt3A_363 = arith.cmpi sgt, %select_n3A, %gt3A_362 : vector<128x4096xi32>
    %jit3A_364 = arith.constant 4096 : i32
    %broadcast_in_dim3A_365 = vector.broadcast %jit3A_364 : i32 to vector<128x4096xi32>
    %select_n3A_366 = arith.select %gt3A_363, %select_n3A, %broadcast_in_dim3A_365 : vector<128x4096xi1>, vector<128x4096xi32>
    %reduce_min3A_367 = arith.constant dense<2147483647> : vector<128xi32>
    %reduce_min3A_368 = vector.multi_reduction <minsi>, %select_n3A_366, %reduce_min3A_367 [1] : vector<128x4096xi32> to vector<128xi32>
    %broadcast_in_dim3A_369 = vector.shape_cast %reduce_min3A_368 : vector<128xi32> to vector<128x1xi32>
    %eq3A_370 = arith.constant 4096 : i32
    %eq3A_371 = vector.broadcast %eq3A_370 : i32 to vector<128x1xi32>
    %eq3A_372 = arith.cmpi eq, %broadcast_in_dim3A_369, %eq3A_371 : vector<128x1xi32>
    %select_n3A_373 = arith.select %eq3A_372, %broadcast_in_dim3A_34, %broadcast_in_dim3A_369 : vector<128x1xi1>, vector<128x1xi32>
    %min3A_374 = arith.constant 4095 : i32
    %min3A_375 = vector.broadcast %min3A_374 : i32 to vector<128x1xi32>
    %min3A_376 = arith.minsi %select_n3A_373, %min3A_375 : vector<128x1xi32>
    %swap3A_377 = arith.constant 0 : index
    %swap3A_378 = arith.constant 19 : index
    %swap3A_379 = vector.load %arg3[%swap3A_377, %swap3A_378] : memref<128x32xi32, #tpu.memory_space<vmem>>, vector<128x1xi32>
    tpu.vector_store %arg3[%swap3A_377, %swap3A_378], %min3A_376 {strides = array<i32>} : memref<128x32xi32, #tpu.memory_space<vmem>>, vector<128x1xi32>,
    %gt3A_380 = vector.broadcast %broadcast_in_dim3A_369 : vector<128x1xi32> to vector<128x4096xi32>
    %gt3A_381 = arith.cmpi sgt, %select_n3A, %gt3A_380 : vector<128x4096xi32>
    %jit3A_382 = arith.constant 4096 : i32
    %broadcast_in_dim3A_383 = vector.broadcast %jit3A_382 : i32 to vector<128x4096xi32>
    %select_n3A_384 = arith.select %gt3A_381, %select_n3A, %broadcast_in_dim3A_383 : vector<128x4096xi1>, vector<128x4096xi32>
    %reduce_min3A_385 = arith.constant dense<2147483647> : vector<128xi32>
    %reduce_min3A_386 = vector.multi_reduction <minsi>, %select_n3A_384, %reduce_min3A_385 [1] : vector<128x4096xi32> to vector<128xi32>
    %broadcast_in_dim3A_387 = vector.shape_cast %reduce_min3A_386 : vector<128xi32> to vector<128x1xi32>
    %eq3A_388 = arith.constant 4096 : i32
    %eq3A_389 = vector.broadcast %eq3A_388 : i32 to vector<128x1xi32>
    %eq3A_390 = arith.cmpi eq, %broadcast_in_dim3A_387, %eq3A_389 : vector<128x1xi32>
    %select_n3A_391 = arith.select %eq3A_390, %broadcast_in_dim3A_34, %broadcast_in_dim3A_387 : vector<128x1xi1>, vector<128x1xi32>
    %min3A_392 = arith.constant 4095 : i32
    %min3A_393 = vector.broadcast %min3A_392 : i32 to vector<128x1xi32>
    %min3A_394 = arith.minsi %select_n3A_391, %min3A_393 : vector<128x1xi32>
    %swap3A_395 = arith.constant 0 : index
    %swap3A_396 = arith.constant 20 : index
    %swap3A_397 = vector.load %arg3[%swap3A_395, %swap3A_396] : memref<128x32xi32, #tpu.memory_space<vmem>>, vector<128x1xi32>
    tpu.vector_store %arg3[%swap3A_395, %swap3A_396], %min3A_394 {strides = array<i32>} : memref<128x32xi32, #tpu.memory_space<vmem>>, vector<128x1xi32>,
    %gt3A_398 = vector.broadcast %broadcast_in_dim3A_387 : vector<128x1xi32> to vector<128x4096xi32>
    %gt3A_399 = arith.cmpi sgt, %select_n3A, %gt3A_398 : vector<128x4096xi32>
    %jit3A_400 = arith.constant 4096 : i32
    %broadcast_in_dim3A_401 = vector.broadcast %jit3A_400 : i32 to vector<128x4096xi32>
    %select_n3A_402 = arith.select %gt3A_399, %select_n3A, %broadcast_in_dim3A_401 : vector<128x4096xi1>, vector<128x4096xi32>
    %reduce_min3A_403 = arith.constant dense<2147483647> : vector<128xi32>
    %reduce_min3A_404 = vector.multi_reduction <minsi>, %select_n3A_402, %reduce_min3A_403 [1] : vector<128x4096xi32> to vector<128xi32>
    %broadcast_in_dim3A_405 = vector.shape_cast %reduce_min3A_404 : vector<128xi32> to vector<128x1xi32>
    %eq3A_406 = arith.constant 4096 : i32
    %eq3A_407 = vector.broadcast %eq3A_406 : i32 to vector<128x1xi32>
    %eq3A_408 = arith.cmpi eq, %broadcast_in_dim3A_405, %eq3A_407 : vector<128x1xi32>
    %select_n3A_409 = arith.select %eq3A_408, %broadcast_in_dim3A_34, %broadcast_in_dim3A_405 : vector<128x1xi1>, vector<128x1xi32>
    %min3A_410 = arith.constant 4095 : i32
    %min3A_411 = vector.broadcast %min3A_410 : i32 to vector<128x1xi32>
    %min3A_412 = arith.minsi %select_n3A_409, %min3A_411 : vector<128x1xi32>
    %swap3A_413 = arith.constant 0 : index
    %swap3A_414 = arith.constant 21 : index
    %swap3A_415 = vector.load %arg3[%swap3A_413, %swap3A_414] : memref<128x32xi32, #tpu.memory_space<vmem>>, vector<128x1xi32>
    tpu.vector_store %arg3[%swap3A_413, %swap3A_414], %min3A_412 {strides = array<i32>} : memref<128x32xi32, #tpu.memory_space<vmem>>, vector<128x1xi32>,
    %gt3A_416 = vector.broadcast %broadcast_in_dim3A_405 : vector<128x1xi32> to vector<128x4096xi32>
    %gt3A_417 = arith.cmpi sgt, %select_n3A, %gt3A_416 : vector<128x4096xi32>
    %jit3A_418 = arith.constant 4096 : i32
    %broadcast_in_dim3A_419 = vector.broadcast %jit3A_418 : i32 to vector<128x4096xi32>
    %select_n3A_420 = arith.select %gt3A_417, %select_n3A, %broadcast_in_dim3A_419 : vector<128x4096xi1>, vector<128x4096xi32>
    %reduce_min3A_421 = arith.constant dense<2147483647> : vector<128xi32>
    %reduce_min3A_422 = vector.multi_reduction <minsi>, %select_n3A_420, %reduce_min3A_421 [1] : vector<128x4096xi32> to vector<128xi32>
    %broadcast_in_dim3A_423 = vector.shape_cast %reduce_min3A_422 : vector<128xi32> to vector<128x1xi32>
    %eq3A_424 = arith.constant 4096 : i32
    %eq3A_425 = vector.broadcast %eq3A_424 : i32 to vector<128x1xi32>
    %eq3A_426 = arith.cmpi eq, %broadcast_in_dim3A_423, %eq3A_425 : vector<128x1xi32>
    %select_n3A_427 = arith.select %eq3A_426, %broadcast_in_dim3A_34, %broadcast_in_dim3A_423 : vector<128x1xi1>, vector<128x1xi32>
    %min3A_428 = arith.constant 4095 : i32
    %min3A_429 = vector.broadcast %min3A_428 : i32 to vector<128x1xi32>
    %min3A_430 = arith.minsi %select_n3A_427, %min3A_429 : vector<128x1xi32>
    %swap3A_431 = arith.constant 0 : index
    %swap3A_432 = arith.constant 22 : index
    %swap3A_433 = vector.load %arg3[%swap3A_431, %swap3A_432] : memref<128x32xi32, #tpu.memory_space<vmem>>, vector<128x1xi32>
    tpu.vector_store %arg3[%swap3A_431, %swap3A_432], %min3A_430 {strides = array<i32>} : memref<128x32xi32, #tpu.memory_space<vmem>>, vector<128x1xi32>,
    %gt3A_434 = vector.broadcast %broadcast_in_dim3A_423 : vector<128x1xi32> to vector<128x4096xi32>
    %gt3A_435 = arith.cmpi sgt, %select_n3A, %gt3A_434 : vector<128x4096xi32>
    %jit3A_436 = arith.constant 4096 : i32
    %broadcast_in_dim3A_437 = vector.broadcast %jit3A_436 : i32 to vector<128x4096xi32>
    %select_n3A_438 = arith.select %gt3A_435, %select_n3A, %broadcast_in_dim3A_437 : vector<128x4096xi1>, vector<128x4096xi32>
    %reduce_min3A_439 = arith.constant dense<2147483647> : vector<128xi32>
    %reduce_min3A_440 = vector.multi_reduction <minsi>, %select_n3A_438, %reduce_min3A_439 [1] : vector<128x4096xi32> to vector<128xi32>
    %broadcast_in_dim3A_441 = vector.shape_cast %reduce_min3A_440 : vector<128xi32> to vector<128x1xi32>
    %eq3A_442 = arith.constant 4096 : i32
    %eq3A_443 = vector.broadcast %eq3A_442 : i32 to vector<128x1xi32>
    %eq3A_444 = arith.cmpi eq, %broadcast_in_dim3A_441, %eq3A_443 : vector<128x1xi32>
    %select_n3A_445 = arith.select %eq3A_444, %broadcast_in_dim3A_34, %broadcast_in_dim3A_441 : vector<128x1xi1>, vector<128x1xi32>
    %min3A_446 = arith.constant 4095 : i32
    %min3A_447 = vector.broadcast %min3A_446 : i32 to vector<128x1xi32>
    %min3A_448 = arith.minsi %select_n3A_445, %min3A_447 : vector<128x1xi32>
    %swap3A_449 = arith.constant 0 : index
    %swap3A_450 = arith.constant 23 : index
    %swap3A_451 = vector.load %arg3[%swap3A_449, %swap3A_450] : memref<128x32xi32, #tpu.memory_space<vmem>>, vector<128x1xi32>
    tpu.vector_store %arg3[%swap3A_449, %swap3A_450], %min3A_448 {strides = array<i32>} : memref<128x32xi32, #tpu.memory_space<vmem>>, vector<128x1xi32>,
    %gt3A_452 = vector.broadcast %broadcast_in_dim3A_441 : vector<128x1xi32> to vector<128x4096xi32>
    %gt3A_453 = arith.cmpi sgt, %select_n3A, %gt3A_452 : vector<128x4096xi32>
    %jit3A_454 = arith.constant 4096 : i32
    %broadcast_in_dim3A_455 = vector.broadcast %jit3A_454 : i32 to vector<128x4096xi32>
    %select_n3A_456 = arith.select %gt3A_453, %select_n3A, %broadcast_in_dim3A_455 : vector<128x4096xi1>, vector<128x4096xi32>
    %reduce_min3A_457 = arith.constant dense<2147483647> : vector<128xi32>
    %reduce_min3A_458 = vector.multi_reduction <minsi>, %select_n3A_456, %reduce_min3A_457 [1] : vector<128x4096xi32> to vector<128xi32>
    %broadcast_in_dim3A_459 = vector.shape_cast %reduce_min3A_458 : vector<128xi32> to vector<128x1xi32>
    %eq3A_460 = arith.constant 4096 : i32
    %eq3A_461 = vector.broadcast %eq3A_460 : i32 to vector<128x1xi32>
    %eq3A_462 = arith.cmpi eq, %broadcast_in_dim3A_459, %eq3A_461 : vector<128x1xi32>
    %select_n3A_463 = arith.select %eq3A_462, %broadcast_in_dim3A_34, %broadcast_in_dim3A_459 : vector<128x1xi1>, vector<128x1xi32>
    %min3A_464 = arith.constant 4095 : i32
    %min3A_465 = vector.broadcast %min3A_464 : i32 to vector<128x1xi32>
    %min3A_466 = arith.minsi %select_n3A_463, %min3A_465 : vector<128x1xi32>
    %swap3A_467 = arith.constant 0 : index
    %swap3A_468 = arith.constant 24 : index
    %swap3A_469 = vector.load %arg3[%swap3A_467, %swap3A_468] : memref<128x32xi32, #tpu.memory_space<vmem>>, vector<128x1xi32>
    tpu.vector_store %arg3[%swap3A_467, %swap3A_468], %min3A_466 {strides = array<i32>} : memref<128x32xi32, #tpu.memory_space<vmem>>, vector<128x1xi32>,
    %gt3A_470 = vector.broadcast %broadcast_in_dim3A_459 : vector<128x1xi32> to vector<128x4096xi32>
    %gt3A_471 = arith.cmpi sgt, %select_n3A, %gt3A_470 : vector<128x4096xi32>
    %jit3A_472 = arith.constant 4096 : i32
    %broadcast_in_dim3A_473 = vector.broadcast %jit3A_472 : i32 to vector<128x4096xi32>
    %select_n3A_474 = arith.select %gt3A_471, %select_n3A, %broadcast_in_dim3A_473 : vector<128x4096xi1>, vector<128x4096xi32>
    %reduce_min3A_475 = arith.constant dense<2147483647> : vector<128xi32>
    %reduce_min3A_476 = vector.multi_reduction <minsi>, %select_n3A_474, %reduce_min3A_475 [1] : vector<128x4096xi32> to vector<128xi32>
    %broadcast_in_dim3A_477 = vector.shape_cast %reduce_min3A_476 : vector<128xi32> to vector<128x1xi32>
    %eq3A_478 = arith.constant 4096 : i32
    %eq3A_479 = vector.broadcast %eq3A_478 : i32 to vector<128x1xi32>
    %eq3A_480 = arith.cmpi eq, %broadcast_in_dim3A_477, %eq3A_479 : vector<128x1xi32>
    %select_n3A_481 = arith.select %eq3A_480, %broadcast_in_dim3A_34, %broadcast_in_dim3A_477 : vector<128x1xi1>, vector<128x1xi32>
    %min3A_482 = arith.constant 4095 : i32
    %min3A_483 = vector.broadcast %min3A_482 : i32 to vector<128x1xi32>
    %min3A_484 = arith.minsi %select_n3A_481, %min3A_483 : vector<128x1xi32>
    %swap3A_485 = arith.constant 0 : index
    %swap3A_486 = arith.constant 25 : index
    %swap3A_487 = vector.load %arg3[%swap3A_485, %swap3A_486] : memref<128x32xi32, #tpu.memory_space<vmem>>, vector<128x1xi32>
    tpu.vector_store %arg3[%swap3A_485, %swap3A_486], %min3A_484 {strides = array<i32>} : memref<128x32xi32, #tpu.memory_space<vmem>>, vector<128x1xi32>,
    %gt3A_488 = vector.broadcast %broadcast_in_dim3A_477 : vector<128x1xi32> to vector<128x4096xi32>
    %gt3A_489 = arith.cmpi sgt, %select_n3A, %gt3A_488 : vector<128x4096xi32>
    %jit3A_490 = arith.constant 4096 : i32
    %broadcast_in_dim3A_491 = vector.broadcast %jit3A_490 : i32 to vector<128x4096xi32>
    %select_n3A_492 = arith.select %gt3A_489, %select_n3A, %broadcast_in_dim3A_491 : vector<128x4096xi1>, vector<128x4096xi32>
    %reduce_min3A_493 = arith.constant dense<2147483647> : vector<128xi32>
    %reduce_min3A_494 = vector.multi_reduction <minsi>, %select_n3A_492, %reduce_min3A_493 [1] : vector<128x4096xi32> to vector<128xi32>
    %broadcast_in_dim3A_495 = vector.shape_cast %reduce_min3A_494 : vector<128xi32> to vector<128x1xi32>
    %eq3A_496 = arith.constant 4096 : i32
    %eq3A_497 = vector.broadcast %eq3A_496 : i32 to vector<128x1xi32>
    %eq3A_498 = arith.cmpi eq, %broadcast_in_dim3A_495, %eq3A_497 : vector<128x1xi32>
    %select_n3A_499 = arith.select %eq3A_498, %broadcast_in_dim3A_34, %broadcast_in_dim3A_495 : vector<128x1xi1>, vector<128x1xi32>
    %min3A_500 = arith.constant 4095 : i32
    %min3A_501 = vector.broadcast %min3A_500 : i32 to vector<128x1xi32>
    %min3A_502 = arith.minsi %select_n3A_499, %min3A_501 : vector<128x1xi32>
    %swap3A_503 = arith.constant 0 : index
    %swap3A_504 = arith.constant 26 : index
    %swap3A_505 = vector.load %arg3[%swap3A_503, %swap3A_504] : memref<128x32xi32, #tpu.memory_space<vmem>>, vector<128x1xi32>
    tpu.vector_store %arg3[%swap3A_503, %swap3A_504], %min3A_502 {strides = array<i32>} : memref<128x32xi32, #tpu.memory_space<vmem>>, vector<128x1xi32>,
    %gt3A_506 = vector.broadcast %broadcast_in_dim3A_495 : vector<128x1xi32> to vector<128x4096xi32>
    %gt3A_507 = arith.cmpi sgt, %select_n3A, %gt3A_506 : vector<128x4096xi32>
    %jit3A_508 = arith.constant 4096 : i32
    %broadcast_in_dim3A_509 = vector.broadcast %jit3A_508 : i32 to vector<128x4096xi32>
    %select_n3A_510 = arith.select %gt3A_507, %select_n3A, %broadcast_in_dim3A_509 : vector<128x4096xi1>, vector<128x4096xi32>
    %reduce_min3A_511 = arith.constant dense<2147483647> : vector<128xi32>
    %reduce_min3A_512 = vector.multi_reduction <minsi>, %select_n3A_510, %reduce_min3A_511 [1] : vector<128x4096xi32> to vector<128xi32>
    %broadcast_in_dim3A_513 = vector.shape_cast %reduce_min3A_512 : vector<128xi32> to vector<128x1xi32>
    %eq3A_514 = arith.constant 4096 : i32
    %eq3A_515 = vector.broadcast %eq3A_514 : i32 to vector<128x1xi32>
    %eq3A_516 = arith.cmpi eq, %broadcast_in_dim3A_513, %eq3A_515 : vector<128x1xi32>
    %select_n3A_517 = arith.select %eq3A_516, %broadcast_in_dim3A_34, %broadcast_in_dim3A_513 : vector<128x1xi1>, vector<128x1xi32>
    %min3A_518 = arith.constant 4095 : i32
    %min3A_519 = vector.broadcast %min3A_518 : i32 to vector<128x1xi32>
    %min3A_520 = arith.minsi %select_n3A_517, %min3A_519 : vector<128x1xi32>
    %swap3A_521 = arith.constant 0 : index
    %swap3A_522 = arith.constant 27 : index
    %swap3A_523 = vector.load %arg3[%swap3A_521, %swap3A_522] : memref<128x32xi32, #tpu.memory_space<vmem>>, vector<128x1xi32>
    tpu.vector_store %arg3[%swap3A_521, %swap3A_522], %min3A_520 {strides = array<i32>} : memref<128x32xi32, #tpu.memory_space<vmem>>, vector<128x1xi32>,
    %gt3A_524 = vector.broadcast %broadcast_in_dim3A_513 : vector<128x1xi32> to vector<128x4096xi32>
    %gt3A_525 = arith.cmpi sgt, %select_n3A, %gt3A_524 : vector<128x4096xi32>
    %jit3A_526 = arith.constant 4096 : i32
    %broadcast_in_dim3A_527 = vector.broadcast %jit3A_526 : i32 to vector<128x4096xi32>
    %select_n3A_528 = arith.select %gt3A_525, %select_n3A, %broadcast_in_dim3A_527 : vector<128x4096xi1>, vector<128x4096xi32>
    %reduce_min3A_529 = arith.constant dense<2147483647> : vector<128xi32>
    %reduce_min3A_530 = vector.multi_reduction <minsi>, %select_n3A_528, %reduce_min3A_529 [1] : vector<128x4096xi32> to vector<128xi32>
    %broadcast_in_dim3A_531 = vector.shape_cast %reduce_min3A_530 : vector<128xi32> to vector<128x1xi32>
    %eq3A_532 = arith.constant 4096 : i32
    %eq3A_533 = vector.broadcast %eq3A_532 : i32 to vector<128x1xi32>
    %eq3A_534 = arith.cmpi eq, %broadcast_in_dim3A_531, %eq3A_533 : vector<128x1xi32>
    %select_n3A_535 = arith.select %eq3A_534, %broadcast_in_dim3A_34, %broadcast_in_dim3A_531 : vector<128x1xi1>, vector<128x1xi32>
    %min3A_536 = arith.constant 4095 : i32
    %min3A_537 = vector.broadcast %min3A_536 : i32 to vector<128x1xi32>
    %min3A_538 = arith.minsi %select_n3A_535, %min3A_537 : vector<128x1xi32>
    %swap3A_539 = arith.constant 0 : index
    %swap3A_540 = arith.constant 28 : index
    %swap3A_541 = vector.load %arg3[%swap3A_539, %swap3A_540] : memref<128x32xi32, #tpu.memory_space<vmem>>, vector<128x1xi32>
    tpu.vector_store %arg3[%swap3A_539, %swap3A_540], %min3A_538 {strides = array<i32>} : memref<128x32xi32, #tpu.memory_space<vmem>>, vector<128x1xi32>,
    %gt3A_542 = vector.broadcast %broadcast_in_dim3A_531 : vector<128x1xi32> to vector<128x4096xi32>
    %gt3A_543 = arith.cmpi sgt, %select_n3A, %gt3A_542 : vector<128x4096xi32>
    %jit3A_544 = arith.constant 4096 : i32
    %broadcast_in_dim3A_545 = vector.broadcast %jit3A_544 : i32 to vector<128x4096xi32>
    %select_n3A_546 = arith.select %gt3A_543, %select_n3A, %broadcast_in_dim3A_545 : vector<128x4096xi1>, vector<128x4096xi32>
    %reduce_min3A_547 = arith.constant dense<2147483647> : vector<128xi32>
    %reduce_min3A_548 = vector.multi_reduction <minsi>, %select_n3A_546, %reduce_min3A_547 [1] : vector<128x4096xi32> to vector<128xi32>
    %broadcast_in_dim3A_549 = vector.shape_cast %reduce_min3A_548 : vector<128xi32> to vector<128x1xi32>
    %eq3A_550 = arith.constant 4096 : i32
    %eq3A_551 = vector.broadcast %eq3A_550 : i32 to vector<128x1xi32>
    %eq3A_552 = arith.cmpi eq, %broadcast_in_dim3A_549, %eq3A_551 : vector<128x1xi32>
    %select_n3A_553 = arith.select %eq3A_552, %broadcast_in_dim3A_34, %broadcast_in_dim3A_549 : vector<128x1xi1>, vector<128x1xi32>
    %min3A_554 = arith.constant 4095 : i32
    %min3A_555 = vector.broadcast %min3A_554 : i32 to vector<128x1xi32>
    %min3A_556 = arith.minsi %select_n3A_553, %min3A_555 : vector<128x1xi32>
    %swap3A_557 = arith.constant 0 : index
    %swap3A_558 = arith.constant 29 : index
    %swap3A_559 = vector.load %arg3[%swap3A_557, %swap3A_558] : memref<128x32xi32, #tpu.memory_space<vmem>>, vector<128x1xi32>
    tpu.vector_store %arg3[%swap3A_557, %swap3A_558], %min3A_556 {strides = array<i32>} : memref<128x32xi32, #tpu.memory_space<vmem>>, vector<128x1xi32>,
    %gt3A_560 = vector.broadcast %broadcast_in_dim3A_549 : vector<128x1xi32> to vector<128x4096xi32>
    %gt3A_561 = arith.cmpi sgt, %select_n3A, %gt3A_560 : vector<128x4096xi32>
    %jit3A_562 = arith.constant 4096 : i32
    %broadcast_in_dim3A_563 = vector.broadcast %jit3A_562 : i32 to vector<128x4096xi32>
    %select_n3A_564 = arith.select %gt3A_561, %select_n3A, %broadcast_in_dim3A_563 : vector<128x4096xi1>, vector<128x4096xi32>
    %reduce_min3A_565 = arith.constant dense<2147483647> : vector<128xi32>
    %reduce_min3A_566 = vector.multi_reduction <minsi>, %select_n3A_564, %reduce_min3A_565 [1] : vector<128x4096xi32> to vector<128xi32>
    %broadcast_in_dim3A_567 = vector.shape_cast %reduce_min3A_566 : vector<128xi32> to vector<128x1xi32>
    %eq3A_568 = arith.constant 4096 : i32
    %eq3A_569 = vector.broadcast %eq3A_568 : i32 to vector<128x1xi32>
    %eq3A_570 = arith.cmpi eq, %broadcast_in_dim3A_567, %eq3A_569 : vector<128x1xi32>
    %select_n3A_571 = arith.select %eq3A_570, %broadcast_in_dim3A_34, %broadcast_in_dim3A_567 : vector<128x1xi1>, vector<128x1xi32>
    %min3A_572 = arith.constant 4095 : i32
    %min3A_573 = vector.broadcast %min3A_572 : i32 to vector<128x1xi32>
    %min3A_574 = arith.minsi %select_n3A_571, %min3A_573 : vector<128x1xi32>
    %swap3A_575 = arith.constant 0 : index
    %swap3A_576 = arith.constant 30 : index
    %swap3A_577 = vector.load %arg3[%swap3A_575, %swap3A_576] : memref<128x32xi32, #tpu.memory_space<vmem>>, vector<128x1xi32>
    tpu.vector_store %arg3[%swap3A_575, %swap3A_576], %min3A_574 {strides = array<i32>} : memref<128x32xi32, #tpu.memory_space<vmem>>, vector<128x1xi32>,
    %gt3A_578 = vector.broadcast %broadcast_in_dim3A_567 : vector<128x1xi32> to vector<128x4096xi32>
    %gt3A_579 = arith.cmpi sgt, %select_n3A, %gt3A_578 : vector<128x4096xi32>
    %jit3A_580 = arith.constant 4096 : i32
    %broadcast_in_dim3A_581 = vector.broadcast %jit3A_580 : i32 to vector<128x4096xi32>
    %select_n3A_582 = arith.select %gt3A_579, %select_n3A, %broadcast_in_dim3A_581 : vector<128x4096xi1>, vector<128x4096xi32>
    %reduce_min3A_583 = arith.constant dense<2147483647> : vector<128xi32>
    %reduce_min3A_584 = vector.multi_reduction <minsi>, %select_n3A_582, %reduce_min3A_583 [1] : vector<128x4096xi32> to vector<128xi32>
    %broadcast_in_dim3A_585 = vector.shape_cast %reduce_min3A_584 : vector<128xi32> to vector<128x1xi32>
    %eq3A_586 = arith.constant 4096 : i32
    %eq3A_587 = vector.broadcast %eq3A_586 : i32 to vector<128x1xi32>
    %eq3A_588 = arith.cmpi eq, %broadcast_in_dim3A_585, %eq3A_587 : vector<128x1xi32>
    %select_n3A_589 = arith.select %eq3A_588, %broadcast_in_dim3A_34, %broadcast_in_dim3A_585 : vector<128x1xi1>, vector<128x1xi32>
    %min3A_590 = arith.constant 4095 : i32
    %min3A_591 = vector.broadcast %min3A_590 : i32 to vector<128x1xi32>
    %min3A_592 = arith.minsi %select_n3A_589, %min3A_591 : vector<128x1xi32>
    %swap3A_593 = arith.constant 0 : index
    %swap3A_594 = arith.constant 31 : index
    %swap3A_595 = vector.load %arg3[%swap3A_593, %swap3A_594] : memref<128x32xi32, #tpu.memory_space<vmem>>, vector<128x1xi32>
    tpu.vector_store %arg3[%swap3A_593, %swap3A_594], %min3A_592 {strides = array<i32>} : memref<128x32xi32, #tpu.memory_space<vmem>>, vector<128x1xi32>,
    return
  }
  func.func @transform_0(%arg0: i32) -> (i32, i32) {
    %c0_i32 = arith.constant 0 : i32
    %c0_i32_0 = arith.constant 0 : i32
    return %arg0, %c0_i32 : i32, i32
  }
  func.func @transform_1(%arg0: i32) -> (i32, i32) {
    %c0_i32 = arith.constant 0 : i32
    %c0_i32_0 = arith.constant 0 : i32
    %c0_i32_1 = arith.constant 0 : i32
    return %c0_i32, %c0_i32_0 : i32, i32
  }
  func.func @transform_2(%arg0: i32) -> (i32, i32) {
    %c0_i32 = arith.constant 0 : i32
    %c0_i32_0 = arith.constant 0 : i32
    return %arg0, %c0_i32 : i32, i32
  }
}

module attributes {stable_mosaic.version = 14 : i64} {
  func.func @_sa_body(%arg0: i32, %arg1: memref<32x512x16xf32, #tpu.memory_space<vmem>>, %arg2: memref<512x3xf32, #tpu.memory_space<vmem>>, %arg3: memref<16x16xf32, #tpu.memory_space<vmem>>, %arg4: memref<32x16xf32, #tpu.memory_space<vmem>>, %arg5: memref<512x32xf32, #tpu.memory_space<vmem>>) attributes {dimension_semantics = [#tpu.dimension_semantics<arbitrary>], iteration_bounds = array<i64: 8>, scalar_prefetch = 0 : i64, scratch_operands = 0 : i64, tpu.core_type = #tpu.core_type<tc>, window_params = [{transform_indices = @transform_0, window_bounds = array<i64: 32, 512, 16>}, {transform_indices = @transform_1, window_bounds = array<i64: 512, 3>}, {pipeline_mode = #tpu.pipeline_mode<synchronous>, transform_indices = @transform_2, window_bounds = array<i64: 16, 16>}, {pipeline_mode = #tpu.pipeline_mode<synchronous>, transform_indices = @transform_3, window_bounds = array<i64: 32, 16>}, {transform_indices = @transform_4, window_bounds = array<i64: 512, 32>}]} {
    %get3A = arith.constant 0 : index
    %get3A_0 = arith.constant 0 : index
    %get3A_1 = vector.load %arg2[%get3A, %get3A_0] : memref<512x3xf32, #tpu.memory_space<vmem>>, vector<512x3xf32>
    %broadcast_in_dim3A = arith.constant 0.000000e+00 : f32
    %broadcast_in_dim3A_2 = vector.broadcast %broadcast_in_dim3A : f32 to vector<512x13xf32>
    %concatenate3A = tpu.concatenate %get3A_1, %broadcast_in_dim3A_2 in 1 : vector<512x3xf32>, vector<512x13xf32> -> vector<512x16xf32>
    %get3A_3 = arith.constant 0 : index
    %get3A_4 = arith.constant 0 : index
    %get3A_5 = arith.constant 0 : index
    %get3A_6 = vector.load %arg1[%get3A_3, %get3A_4, %get3A_5] : memref<32x512x16xf32, #tpu.memory_space<vmem>>, vector<32x512x16xf32>
    %broadcast_in_dim3A_7 = vector.shape_cast %concatenate3A : vector<512x16xf32> to vector<1x512x16xf32>
    %sub3A = vector.broadcast %broadcast_in_dim3A_7 : vector<1x512x16xf32> to vector<32x512x16xf32>
    %sub3A_8 = arith.subf %get3A_6, %sub3A : vector<32x512x16xf32>
    %reshape3A = vector.shape_cast %sub3A_8 : vector<32x512x16xf32> to vector<16384x16xf32>
    %get3A_9 = arith.constant 0 : index
    %get3A_10 = arith.constant 0 : index
    %get3A_11 = vector.load %arg3[%get3A_9, %get3A_10] : memref<16x16xf32, #tpu.memory_space<vmem>>, vector<16x16xf32>
    %dot_general3A = arith.constant dense<0.000000e+00> : vector<16384x16xf32>
    %dot_general3A_12 = tpu.matmul %reshape3A, %get3A_11, %dot_general3A {dimension_numbers = #tpu.dot_dimension_numbers<[1], [1], [0], [0], [0, 0, 1, 0], [], []>, transpose_lhs_hint = false} : vector<16384x16xf32>, vector<16x16xf32>, vector<16384x16xf32> -> vector<16384x16xf32>
    %div3A = arith.constant 1.00000501 : f32
    %div3A_13 = vector.broadcast %div3A : f32 to vector<16384x16xf32>
    %div3A_14 = arith.divf %dot_general3A_12, %div3A_13 : vector<16384x16xf32>
    %max3A = arith.constant 0.000000e+00 : f32
    %max3A_15 = vector.broadcast %max3A : f32 to vector<16384x16xf32>
    %max3A_16 = arith.maximumf %div3A_14, %max3A_15 : vector<16384x16xf32>
    %get3A_17 = arith.constant 0 : index
    %get3A_18 = arith.constant 0 : index
    %get3A_19 = vector.load %arg4[%get3A_17, %get3A_18] : memref<32x16xf32, #tpu.memory_space<vmem>>, vector<32x16xf32>
    %dot_general3A_20 = arith.constant dense<0.000000e+00> : vector<16384x32xf32>
    %dot_general3A_21 = tpu.matmul %max3A_16, %get3A_19, %dot_general3A_20 {dimension_numbers = #tpu.dot_dimension_numbers<[1], [1], [0], [0], [0, 0, 1, 0], [], []>, transpose_lhs_hint = false} : vector<16384x16xf32>, vector<32x16xf32>, vector<16384x32xf32> -> vector<16384x32xf32>
    %div3A_22 = arith.constant 1.00000501 : f32
    %div3A_23 = vector.broadcast %div3A_22 : f32 to vector<16384x32xf32>
    %div3A_24 = arith.divf %dot_general3A_21, %div3A_23 : vector<16384x32xf32>
    %max3A_25 = arith.constant 0.000000e+00 : f32
    %max3A_26 = vector.broadcast %max3A_25 : f32 to vector<16384x32xf32>
    %max3A_27 = arith.maximumf %div3A_24, %max3A_26 : vector<16384x32xf32>
    %reshape3A_28 = vector.shape_cast %max3A_27 : vector<16384x32xf32> to vector<32x512x32xf32>
    %reduce_max3A = arith.constant dense<0xFF800000> : vector<512x32xf32>
    %reduce_max3A_29 = vector.multi_reduction <maximumf>, %reshape3A_28, %reduce_max3A [0] : vector<32x512x32xf32> to vector<512x32xf32>
    %swap3A = arith.constant 0 : index
    %swap3A_30 = arith.constant 0 : index
    %swap3A_31 = vector.load %arg5[%swap3A, %swap3A_30] : memref<512x32xf32, #tpu.memory_space<vmem>>, vector<512x32xf32>
    tpu.vector_store %arg5[%swap3A, %swap3A_30], %reduce_max3A_29 {strides = array<i32>} : memref<512x32xf32, #tpu.memory_space<vmem>>, vector<512x32xf32>,
    return
  }
  func.func @transform_0(%arg0: i32) -> (i32, i32, i32) {
    %c0_i32 = arith.constant 0 : i32
    %c0_i32_0 = arith.constant 0 : i32
    %c0_i32_1 = arith.constant 0 : i32
    return %c0_i32, %arg0, %c0_i32_0 : i32, i32, i32
  }
  func.func @transform_1(%arg0: i32) -> (i32, i32) {
    %c0_i32 = arith.constant 0 : i32
    %c0_i32_0 = arith.constant 0 : i32
    return %arg0, %c0_i32 : i32, i32
  }
  func.func @transform_2(%arg0: i32) -> (i32, i32) {
    %c0_i32 = arith.constant 0 : i32
    %c0_i32_0 = arith.constant 0 : i32
    %c0_i32_1 = arith.constant 0 : i32
    return %c0_i32, %c0_i32_0 : i32, i32
  }
  func.func @transform_3(%arg0: i32) -> (i32, i32) {
    %c0_i32 = arith.constant 0 : i32
    %c0_i32_0 = arith.constant 0 : i32
    %c0_i32_1 = arith.constant 0 : i32
    return %c0_i32, %c0_i32_0 : i32, i32
  }
  func.func @transform_4(%arg0: i32) -> (i32, i32) {
    %c0_i32 = arith.constant 0 : i32
    %c0_i32_0 = arith.constant 0 : i32
    return %arg0, %c0_i32 : i32, i32
  }
}

module attributes {stable_mosaic.version = 14 : i64} {
  func.func @_knn_body(%arg0: i32, %arg1: memref<512x3xf32, #tpu.memory_space<vmem>>, %arg2: memref<3x1024xf32, #tpu.memory_space<vmem>>, %arg3: memref<512x8xf32, #tpu.memory_space<vmem>>, %arg4: memref<512x8xi32, #tpu.memory_space<vmem>>) attributes {dimension_semantics = [#tpu.dimension_semantics<arbitrary>], iteration_bounds = array<i64: 8>, scalar_prefetch = 0 : i64, scratch_operands = 0 : i64, tpu.core_type = #tpu.core_type<tc>, window_params = [{transform_indices = @transform_0, window_bounds = array<i64: 512, 3>}, {pipeline_mode = #tpu.pipeline_mode<synchronous>, transform_indices = @transform_1, window_bounds = array<i64: 3, 1024>}, {transform_indices = @transform_2, window_bounds = array<i64: 512, 8>}, {transform_indices = @transform_3, window_bounds = array<i64: 512, 8>}]} {
    %get3A = arith.constant 0 : index
    %get3A_0 = arith.constant 0 : index
    %get3A_1 = vector.load %arg1[%get3A, %get3A_0] : memref<512x3xf32, #tpu.memory_space<vmem>>, vector<512x3xf32>
    %get3A_2 = arith.constant 0 : index
    %get3A_3 = arith.constant 0 : index
    %get3A_4 = vector.load %arg2[%get3A_2, %get3A_3] : memref<3x1024xf32, #tpu.memory_space<vmem>>, vector<3x1024xf32>
    %slice3A = vector.extract_strided_slice %get3A_4 {offsets = [0, 0], sizes = [1, 1024], strides = [1, 1]} : vector<3x1024xf32> to vector<1x1024xf32>
    %slice3A_5 = vector.extract_strided_slice %get3A_4 {offsets = [1, 0], sizes = [1, 1024], strides = [1, 1]} : vector<3x1024xf32> to vector<1x1024xf32>
    %slice3A_6 = vector.extract_strided_slice %get3A_4 {offsets = [2, 0], sizes = [1, 1024], strides = [1, 1]} : vector<3x1024xf32> to vector<1x1024xf32>
    %slice3A_7 = vector.extract_strided_slice %get3A_1 {offsets = [0, 0], sizes = [512, 1], strides = [1, 1]} : vector<512x3xf32> to vector<512x1xf32>
    %slice3A_8 = vector.extract_strided_slice %get3A_1 {offsets = [0, 1], sizes = [512, 1], strides = [1, 1]} : vector<512x3xf32> to vector<512x1xf32>
    %slice3A_9 = vector.extract_strided_slice %get3A_1 {offsets = [0, 2], sizes = [512, 1], strides = [1, 1]} : vector<512x3xf32> to vector<512x1xf32>
    %mul3A = arith.mulf %slice3A, %slice3A : vector<1x1024xf32>
    %mul3A_10 = arith.mulf %slice3A_6, %slice3A_6 : vector<1x1024xf32>
    %add3A = arith.addf %mul3A, %mul3A_10 : vector<1x1024xf32>
    %mul3A_11 = arith.mulf %slice3A_5, %slice3A_5 : vector<1x1024xf32>
    %add3A_12 = arith.addf %add3A, %mul3A_11 : vector<1x1024xf32>
    %mul3A_13 = arith.mulf %slice3A_7, %slice3A_7 : vector<512x1xf32>
    %mul3A_14 = arith.mulf %slice3A_9, %slice3A_9 : vector<512x1xf32>
    %add3A_15 = arith.addf %mul3A_13, %mul3A_14 : vector<512x1xf32>
    %mul3A_16 = arith.mulf %slice3A_8, %slice3A_8 : vector<512x1xf32>
    %add3A_17 = arith.addf %add3A_15, %mul3A_16 : vector<512x1xf32>
    %dot_general3A = arith.constant dense<0.000000e+00> : vector<512x1024xf32>
    %dot_general3A_18 = tpu.matmul %get3A_1, %get3A_4, %dot_general3A {dimension_numbers = #tpu.dot_dimension_numbers<[1], [0], [0], [1], [0, 0, 1, 1], [], []>, transpose_lhs_hint = false} : vector<512x3xf32>, vector<3x1024xf32>, vector<512x1024xf32> -> vector<512x1024xf32>
    %add3A_19 = vector.broadcast %add3A_17 : vector<512x1xf32> to vector<512x1024xf32>
    %add3A_20 = vector.broadcast %add3A_12 : vector<1x1024xf32> to vector<512x1024xf32>
    %add3A_21 = arith.addf %add3A_19, %add3A_20 : vector<512x1024xf32>
    %mul3A_22 = arith.constant 2.000000e+00 : f32
    %mul3A_23 = vector.broadcast %mul3A_22 : f32 to vector<512x1024xf32>
    %mul3A_24 = arith.mulf %mul3A_23, %dot_general3A_18 : vector<512x1024xf32>
    %sub3A = arith.subf %add3A_21, %mul3A_24 : vector<512x1024xf32>
    %iota3A = tpu.iota {dimensions = array<i32: 1>} : vector<512x1024xi32>
    %reduce_min3A = arith.constant dense<0x7F800000> : vector<512xf32>
    %reduce_min3A_25 = vector.multi_reduction <minimumf>, %sub3A, %reduce_min3A [1] : vector<512x1024xf32> to vector<512xf32>
    %broadcast_in_dim3A = vector.shape_cast %reduce_min3A_25 : vector<512xf32> to vector<512x1xf32>
    %eq3A = vector.broadcast %broadcast_in_dim3A : vector<512x1xf32> to vector<512x1024xf32>
    %eq3A_26 = arith.cmpf oeq, %sub3A, %eq3A : vector<512x1024xf32>
    %jit3A = arith.constant 1024 : i32
    %broadcast_in_dim3A_27 = vector.broadcast %jit3A : i32 to vector<512x1024xi32>
    %select_n3A = arith.select %eq3A_26, %iota3A, %broadcast_in_dim3A_27 : vector<512x1024xi1>, vector<512x1024xi32>
    %reduce_min3A_28 = arith.constant dense<2147483647> : vector<512xi32>
    %reduce_min3A_29 = vector.multi_reduction <minsi>, %select_n3A, %reduce_min3A_28 [1] : vector<512x1024xi32> to vector<512xi32>
    %broadcast_in_dim3A_30 = vector.shape_cast %reduce_min3A_29 : vector<512xi32> to vector<512x1xi32>
    %swap3A = arith.constant 0 : index
    %swap3A_31 = arith.constant 0 : index
    %swap3A_32 = vector.load %arg3[%swap3A, %swap3A_31] : memref<512x8xf32, #tpu.memory_space<vmem>>, vector<512x1xf32>
    tpu.vector_store %arg3[%swap3A, %swap3A_31], %broadcast_in_dim3A {strides = array<i32>} : memref<512x8xf32, #tpu.memory_space<vmem>>, vector<512x1xf32>,
    %swap3A_33 = arith.constant 0 : index
    %swap3A_34 = arith.constant 0 : index
    %swap3A_35 = vector.load %arg4[%swap3A_33, %swap3A_34] : memref<512x8xi32, #tpu.memory_space<vmem>>, vector<512x1xi32>
    tpu.vector_store %arg4[%swap3A_33, %swap3A_34], %broadcast_in_dim3A_30 {strides = array<i32>} : memref<512x8xi32, #tpu.memory_space<vmem>>, vector<512x1xi32>,
    %eq3A_36 = vector.broadcast %broadcast_in_dim3A_30 : vector<512x1xi32> to vector<512x1024xi32>
    %eq3A_37 = arith.cmpi eq, %iota3A, %eq3A_36 : vector<512x1024xi32>
    %jit3A_38 = arith.constant 3.000000e+38 : f32
    %broadcast_in_dim3A_39 = vector.broadcast %jit3A_38 : f32 to vector<512x1024xf32>
    %select_n3A_40 = arith.select %eq3A_37, %broadcast_in_dim3A_39, %sub3A : vector<512x1024xi1>, vector<512x1024xf32>
    %reduce_min3A_41 = arith.constant dense<0x7F800000> : vector<512xf32>
    %reduce_min3A_42 = vector.multi_reduction <minimumf>, %select_n3A_40, %reduce_min3A_41 [1] : vector<512x1024xf32> to vector<512xf32>
    %broadcast_in_dim3A_43 = vector.shape_cast %reduce_min3A_42 : vector<512xf32> to vector<512x1xf32>
    %eq3A_44 = vector.broadcast %broadcast_in_dim3A_43 : vector<512x1xf32> to vector<512x1024xf32>
    %eq3A_45 = arith.cmpf oeq, %select_n3A_40, %eq3A_44 : vector<512x1024xf32>
    %jit3A_46 = arith.constant 1024 : i32
    %broadcast_in_dim3A_47 = vector.broadcast %jit3A_46 : i32 to vector<512x1024xi32>
    %select_n3A_48 = arith.select %eq3A_45, %iota3A, %broadcast_in_dim3A_47 : vector<512x1024xi1>, vector<512x1024xi32>
    %reduce_min3A_49 = arith.constant dense<2147483647> : vector<512xi32>
    %reduce_min3A_50 = vector.multi_reduction <minsi>, %select_n3A_48, %reduce_min3A_49 [1] : vector<512x1024xi32> to vector<512xi32>
    %broadcast_in_dim3A_51 = vector.shape_cast %reduce_min3A_50 : vector<512xi32> to vector<512x1xi32>
    %swap3A_52 = arith.constant 0 : index
    %swap3A_53 = arith.constant 1 : index
    %swap3A_54 = vector.load %arg3[%swap3A_52, %swap3A_53] : memref<512x8xf32, #tpu.memory_space<vmem>>, vector<512x1xf32>
    tpu.vector_store %arg3[%swap3A_52, %swap3A_53], %broadcast_in_dim3A_43 {strides = array<i32>} : memref<512x8xf32, #tpu.memory_space<vmem>>, vector<512x1xf32>,
    %swap3A_55 = arith.constant 0 : index
    %swap3A_56 = arith.constant 1 : index
    %swap3A_57 = vector.load %arg4[%swap3A_55, %swap3A_56] : memref<512x8xi32, #tpu.memory_space<vmem>>, vector<512x1xi32>
    tpu.vector_store %arg4[%swap3A_55, %swap3A_56], %broadcast_in_dim3A_51 {strides = array<i32>} : memref<512x8xi32, #tpu.memory_space<vmem>>, vector<512x1xi32>,
    %eq3A_58 = vector.broadcast %broadcast_in_dim3A_51 : vector<512x1xi32> to vector<512x1024xi32>
    %eq3A_59 = arith.cmpi eq, %iota3A, %eq3A_58 : vector<512x1024xi32>
    %jit3A_60 = arith.constant 3.000000e+38 : f32
    %broadcast_in_dim3A_61 = vector.broadcast %jit3A_60 : f32 to vector<512x1024xf32>
    %select_n3A_62 = arith.select %eq3A_59, %broadcast_in_dim3A_61, %select_n3A_40 : vector<512x1024xi1>, vector<512x1024xf32>
    %reduce_min3A_63 = arith.constant dense<0x7F800000> : vector<512xf32>
    %reduce_min3A_64 = vector.multi_reduction <minimumf>, %select_n3A_62, %reduce_min3A_63 [1] : vector<512x1024xf32> to vector<512xf32>
    %broadcast_in_dim3A_65 = vector.shape_cast %reduce_min3A_64 : vector<512xf32> to vector<512x1xf32>
    %eq3A_66 = vector.broadcast %broadcast_in_dim3A_65 : vector<512x1xf32> to vector<512x1024xf32>
    %eq3A_67 = arith.cmpf oeq, %select_n3A_62, %eq3A_66 : vector<512x1024xf32>
    %jit3A_68 = arith.constant 1024 : i32
    %broadcast_in_dim3A_69 = vector.broadcast %jit3A_68 : i32 to vector<512x1024xi32>
    %select_n3A_70 = arith.select %eq3A_67, %iota3A, %broadcast_in_dim3A_69 : vector<512x1024xi1>, vector<512x1024xi32>
    %reduce_min3A_71 = arith.constant dense<2147483647> : vector<512xi32>
    %reduce_min3A_72 = vector.multi_reduction <minsi>, %select_n3A_70, %reduce_min3A_71 [1] : vector<512x1024xi32> to vector<512xi32>
    %broadcast_in_dim3A_73 = vector.shape_cast %reduce_min3A_72 : vector<512xi32> to vector<512x1xi32>
    %swap3A_74 = arith.constant 0 : index
    %swap3A_75 = arith.constant 2 : index
    %swap3A_76 = vector.load %arg3[%swap3A_74, %swap3A_75] : memref<512x8xf32, #tpu.memory_space<vmem>>, vector<512x1xf32>
    tpu.vector_store %arg3[%swap3A_74, %swap3A_75], %broadcast_in_dim3A_65 {strides = array<i32>} : memref<512x8xf32, #tpu.memory_space<vmem>>, vector<512x1xf32>,
    %swap3A_77 = arith.constant 0 : index
    %swap3A_78 = arith.constant 2 : index
    %swap3A_79 = vector.load %arg4[%swap3A_77, %swap3A_78] : memref<512x8xi32, #tpu.memory_space<vmem>>, vector<512x1xi32>
    tpu.vector_store %arg4[%swap3A_77, %swap3A_78], %broadcast_in_dim3A_73 {strides = array<i32>} : memref<512x8xi32, #tpu.memory_space<vmem>>, vector<512x1xi32>,
    %eq3A_80 = vector.broadcast %broadcast_in_dim3A_73 : vector<512x1xi32> to vector<512x1024xi32>
    %eq3A_81 = arith.cmpi eq, %iota3A, %eq3A_80 : vector<512x1024xi32>
    %jit3A_82 = arith.constant 3.000000e+38 : f32
    %broadcast_in_dim3A_83 = vector.broadcast %jit3A_82 : f32 to vector<512x1024xf32>
    %select_n3A_84 = arith.select %eq3A_81, %broadcast_in_dim3A_83, %select_n3A_62 : vector<512x1024xi1>, vector<512x1024xf32>
    %reduce_min3A_85 = arith.constant dense<0x7F800000> : vector<512xf32>
    %reduce_min3A_86 = vector.multi_reduction <minimumf>, %select_n3A_84, %reduce_min3A_85 [1] : vector<512x1024xf32> to vector<512xf32>
    %broadcast_in_dim3A_87 = vector.shape_cast %reduce_min3A_86 : vector<512xf32> to vector<512x1xf32>
    %eq3A_88 = vector.broadcast %broadcast_in_dim3A_87 : vector<512x1xf32> to vector<512x1024xf32>
    %eq3A_89 = arith.cmpf oeq, %select_n3A_84, %eq3A_88 : vector<512x1024xf32>
    %jit3A_90 = arith.constant 1024 : i32
    %broadcast_in_dim3A_91 = vector.broadcast %jit3A_90 : i32 to vector<512x1024xi32>
    %select_n3A_92 = arith.select %eq3A_89, %iota3A, %broadcast_in_dim3A_91 : vector<512x1024xi1>, vector<512x1024xi32>
    %reduce_min3A_93 = arith.constant dense<2147483647> : vector<512xi32>
    %reduce_min3A_94 = vector.multi_reduction <minsi>, %select_n3A_92, %reduce_min3A_93 [1] : vector<512x1024xi32> to vector<512xi32>
    %broadcast_in_dim3A_95 = vector.shape_cast %reduce_min3A_94 : vector<512xi32> to vector<512x1xi32>
    %swap3A_96 = arith.constant 0 : index
    %swap3A_97 = arith.constant 3 : index
    %swap3A_98 = vector.load %arg3[%swap3A_96, %swap3A_97] : memref<512x8xf32, #tpu.memory_space<vmem>>, vector<512x1xf32>
    tpu.vector_store %arg3[%swap3A_96, %swap3A_97], %broadcast_in_dim3A_87 {strides = array<i32>} : memref<512x8xf32, #tpu.memory_space<vmem>>, vector<512x1xf32>,
    %swap3A_99 = arith.constant 0 : index
    %swap3A_100 = arith.constant 3 : index
    %swap3A_101 = vector.load %arg4[%swap3A_99, %swap3A_100] : memref<512x8xi32, #tpu.memory_space<vmem>>, vector<512x1xi32>
    tpu.vector_store %arg4[%swap3A_99, %swap3A_100], %broadcast_in_dim3A_95 {strides = array<i32>} : memref<512x8xi32, #tpu.memory_space<vmem>>, vector<512x1xi32>,
    %eq3A_102 = vector.broadcast %broadcast_in_dim3A_95 : vector<512x1xi32> to vector<512x1024xi32>
    %eq3A_103 = arith.cmpi eq, %iota3A, %eq3A_102 : vector<512x1024xi32>
    %jit3A_104 = arith.constant 3.000000e+38 : f32
    %broadcast_in_dim3A_105 = vector.broadcast %jit3A_104 : f32 to vector<512x1024xf32>
    %select_n3A_106 = arith.select %eq3A_103, %broadcast_in_dim3A_105, %select_n3A_84 : vector<512x1024xi1>, vector<512x1024xf32>
    %reduce_min3A_107 = arith.constant dense<0x7F800000> : vector<512xf32>
    %reduce_min3A_108 = vector.multi_reduction <minimumf>, %select_n3A_106, %reduce_min3A_107 [1] : vector<512x1024xf32> to vector<512xf32>
    %broadcast_in_dim3A_109 = vector.shape_cast %reduce_min3A_108 : vector<512xf32> to vector<512x1xf32>
    %eq3A_110 = vector.broadcast %broadcast_in_dim3A_109 : vector<512x1xf32> to vector<512x1024xf32>
    %eq3A_111 = arith.cmpf oeq, %select_n3A_106, %eq3A_110 : vector<512x1024xf32>
    %jit3A_112 = arith.constant 1024 : i32
    %broadcast_in_dim3A_113 = vector.broadcast %jit3A_112 : i32 to vector<512x1024xi32>
    %select_n3A_114 = arith.select %eq3A_111, %iota3A, %broadcast_in_dim3A_113 : vector<512x1024xi1>, vector<512x1024xi32>
    %reduce_min3A_115 = arith.constant dense<2147483647> : vector<512xi32>
    %reduce_min3A_116 = vector.multi_reduction <minsi>, %select_n3A_114, %reduce_min3A_115 [1] : vector<512x1024xi32> to vector<512xi32>
    %broadcast_in_dim3A_117 = vector.shape_cast %reduce_min3A_116 : vector<512xi32> to vector<512x1xi32>
    %swap3A_118 = arith.constant 0 : index
    %swap3A_119 = arith.constant 4 : index
    %swap3A_120 = vector.load %arg3[%swap3A_118, %swap3A_119] : memref<512x8xf32, #tpu.memory_space<vmem>>, vector<512x1xf32>
    tpu.vector_store %arg3[%swap3A_118, %swap3A_119], %broadcast_in_dim3A_109 {strides = array<i32>} : memref<512x8xf32, #tpu.memory_space<vmem>>, vector<512x1xf32>,
    %swap3A_121 = arith.constant 0 : index
    %swap3A_122 = arith.constant 4 : index
    %swap3A_123 = vector.load %arg4[%swap3A_121, %swap3A_122] : memref<512x8xi32, #tpu.memory_space<vmem>>, vector<512x1xi32>
    tpu.vector_store %arg4[%swap3A_121, %swap3A_122], %broadcast_in_dim3A_117 {strides = array<i32>} : memref<512x8xi32, #tpu.memory_space<vmem>>, vector<512x1xi32>,
    %eq3A_124 = vector.broadcast %broadcast_in_dim3A_117 : vector<512x1xi32> to vector<512x1024xi32>
    %eq3A_125 = arith.cmpi eq, %iota3A, %eq3A_124 : vector<512x1024xi32>
    %jit3A_126 = arith.constant 3.000000e+38 : f32
    %broadcast_in_dim3A_127 = vector.broadcast %jit3A_126 : f32 to vector<512x1024xf32>
    %select_n3A_128 = arith.select %eq3A_125, %broadcast_in_dim3A_127, %select_n3A_106 : vector<512x1024xi1>, vector<512x1024xf32>
    %reduce_min3A_129 = arith.constant dense<0x7F800000> : vector<512xf32>
    %reduce_min3A_130 = vector.multi_reduction <minimumf>, %select_n3A_128, %reduce_min3A_129 [1] : vector<512x1024xf32> to vector<512xf32>
    %broadcast_in_dim3A_131 = vector.shape_cast %reduce_min3A_130 : vector<512xf32> to vector<512x1xf32>
    %eq3A_132 = vector.broadcast %broadcast_in_dim3A_131 : vector<512x1xf32> to vector<512x1024xf32>
    %eq3A_133 = arith.cmpf oeq, %select_n3A_128, %eq3A_132 : vector<512x1024xf32>
    %jit3A_134 = arith.constant 1024 : i32
    %broadcast_in_dim3A_135 = vector.broadcast %jit3A_134 : i32 to vector<512x1024xi32>
    %select_n3A_136 = arith.select %eq3A_133, %iota3A, %broadcast_in_dim3A_135 : vector<512x1024xi1>, vector<512x1024xi32>
    %reduce_min3A_137 = arith.constant dense<2147483647> : vector<512xi32>
    %reduce_min3A_138 = vector.multi_reduction <minsi>, %select_n3A_136, %reduce_min3A_137 [1] : vector<512x1024xi32> to vector<512xi32>
    %broadcast_in_dim3A_139 = vector.shape_cast %reduce_min3A_138 : vector<512xi32> to vector<512x1xi32>
    %swap3A_140 = arith.constant 0 : index
    %swap3A_141 = arith.constant 5 : index
    %swap3A_142 = vector.load %arg3[%swap3A_140, %swap3A_141] : memref<512x8xf32, #tpu.memory_space<vmem>>, vector<512x1xf32>
    tpu.vector_store %arg3[%swap3A_140, %swap3A_141], %broadcast_in_dim3A_131 {strides = array<i32>} : memref<512x8xf32, #tpu.memory_space<vmem>>, vector<512x1xf32>,
    %swap3A_143 = arith.constant 0 : index
    %swap3A_144 = arith.constant 5 : index
    %swap3A_145 = vector.load %arg4[%swap3A_143, %swap3A_144] : memref<512x8xi32, #tpu.memory_space<vmem>>, vector<512x1xi32>
    tpu.vector_store %arg4[%swap3A_143, %swap3A_144], %broadcast_in_dim3A_139 {strides = array<i32>} : memref<512x8xi32, #tpu.memory_space<vmem>>, vector<512x1xi32>,
    %eq3A_146 = vector.broadcast %broadcast_in_dim3A_139 : vector<512x1xi32> to vector<512x1024xi32>
    %eq3A_147 = arith.cmpi eq, %iota3A, %eq3A_146 : vector<512x1024xi32>
    %jit3A_148 = arith.constant 3.000000e+38 : f32
    %broadcast_in_dim3A_149 = vector.broadcast %jit3A_148 : f32 to vector<512x1024xf32>
    %select_n3A_150 = arith.select %eq3A_147, %broadcast_in_dim3A_149, %select_n3A_128 : vector<512x1024xi1>, vector<512x1024xf32>
    %reduce_min3A_151 = arith.constant dense<0x7F800000> : vector<512xf32>
    %reduce_min3A_152 = vector.multi_reduction <minimumf>, %select_n3A_150, %reduce_min3A_151 [1] : vector<512x1024xf32> to vector<512xf32>
    %broadcast_in_dim3A_153 = vector.shape_cast %reduce_min3A_152 : vector<512xf32> to vector<512x1xf32>
    %eq3A_154 = vector.broadcast %broadcast_in_dim3A_153 : vector<512x1xf32> to vector<512x1024xf32>
    %eq3A_155 = arith.cmpf oeq, %select_n3A_150, %eq3A_154 : vector<512x1024xf32>
    %jit3A_156 = arith.constant 1024 : i32
    %broadcast_in_dim3A_157 = vector.broadcast %jit3A_156 : i32 to vector<512x1024xi32>
    %select_n3A_158 = arith.select %eq3A_155, %iota3A, %broadcast_in_dim3A_157 : vector<512x1024xi1>, vector<512x1024xi32>
    %reduce_min3A_159 = arith.constant dense<2147483647> : vector<512xi32>
    %reduce_min3A_160 = vector.multi_reduction <minsi>, %select_n3A_158, %reduce_min3A_159 [1] : vector<512x1024xi32> to vector<512xi32>
    %broadcast_in_dim3A_161 = vector.shape_cast %reduce_min3A_160 : vector<512xi32> to vector<512x1xi32>
    %swap3A_162 = arith.constant 0 : index
    %swap3A_163 = arith.constant 6 : index
    %swap3A_164 = vector.load %arg3[%swap3A_162, %swap3A_163] : memref<512x8xf32, #tpu.memory_space<vmem>>, vector<512x1xf32>
    tpu.vector_store %arg3[%swap3A_162, %swap3A_163], %broadcast_in_dim3A_153 {strides = array<i32>} : memref<512x8xf32, #tpu.memory_space<vmem>>, vector<512x1xf32>,
    %swap3A_165 = arith.constant 0 : index
    %swap3A_166 = arith.constant 6 : index
    %swap3A_167 = vector.load %arg4[%swap3A_165, %swap3A_166] : memref<512x8xi32, #tpu.memory_space<vmem>>, vector<512x1xi32>
    tpu.vector_store %arg4[%swap3A_165, %swap3A_166], %broadcast_in_dim3A_161 {strides = array<i32>} : memref<512x8xi32, #tpu.memory_space<vmem>>, vector<512x1xi32>,
    %eq3A_168 = vector.broadcast %broadcast_in_dim3A_161 : vector<512x1xi32> to vector<512x1024xi32>
    %eq3A_169 = arith.cmpi eq, %iota3A, %eq3A_168 : vector<512x1024xi32>
    %jit3A_170 = arith.constant 3.000000e+38 : f32
    %broadcast_in_dim3A_171 = vector.broadcast %jit3A_170 : f32 to vector<512x1024xf32>
    %select_n3A_172 = arith.select %eq3A_169, %broadcast_in_dim3A_171, %select_n3A_150 : vector<512x1024xi1>, vector<512x1024xf32>
    %reduce_min3A_173 = arith.constant dense<0x7F800000> : vector<512xf32>
    %reduce_min3A_174 = vector.multi_reduction <minimumf>, %select_n3A_172, %reduce_min3A_173 [1] : vector<512x1024xf32> to vector<512xf32>
    %broadcast_in_dim3A_175 = vector.shape_cast %reduce_min3A_174 : vector<512xf32> to vector<512x1xf32>
    %eq3A_176 = vector.broadcast %broadcast_in_dim3A_175 : vector<512x1xf32> to vector<512x1024xf32>
    %eq3A_177 = arith.cmpf oeq, %select_n3A_172, %eq3A_176 : vector<512x1024xf32>
    %jit3A_178 = arith.constant 1024 : i32
    %broadcast_in_dim3A_179 = vector.broadcast %jit3A_178 : i32 to vector<512x1024xi32>
    %select_n3A_180 = arith.select %eq3A_177, %iota3A, %broadcast_in_dim3A_179 : vector<512x1024xi1>, vector<512x1024xi32>
    %reduce_min3A_181 = arith.constant dense<2147483647> : vector<512xi32>
    %reduce_min3A_182 = vector.multi_reduction <minsi>, %select_n3A_180, %reduce_min3A_181 [1] : vector<512x1024xi32> to vector<512xi32>
    %broadcast_in_dim3A_183 = vector.shape_cast %reduce_min3A_182 : vector<512xi32> to vector<512x1xi32>
    %swap3A_184 = arith.constant 0 : index
    %swap3A_185 = arith.constant 7 : index
    %swap3A_186 = vector.load %arg3[%swap3A_184, %swap3A_185] : memref<512x8xf32, #tpu.memory_space<vmem>>, vector<512x1xf32>
    tpu.vector_store %arg3[%swap3A_184, %swap3A_185], %broadcast_in_dim3A_175 {strides = array<i32>} : memref<512x8xf32, #tpu.memory_space<vmem>>, vector<512x1xf32>,
    %swap3A_187 = arith.constant 0 : index
    %swap3A_188 = arith.constant 7 : index
    %swap3A_189 = vector.load %arg4[%swap3A_187, %swap3A_188] : memref<512x8xi32, #tpu.memory_space<vmem>>, vector<512x1xi32>
    tpu.vector_store %arg4[%swap3A_187, %swap3A_188], %broadcast_in_dim3A_183 {strides = array<i32>} : memref<512x8xi32, #tpu.memory_space<vmem>>, vector<512x1xi32>,
    return
  }
  func.func @transform_0(%arg0: i32) -> (i32, i32) {
    %c0_i32 = arith.constant 0 : i32
    %c0_i32_0 = arith.constant 0 : i32
    return %arg0, %c0_i32 : i32, i32
  }
  func.func @transform_1(%arg0: i32) -> (i32, i32) {
    %c0_i32 = arith.constant 0 : i32
    %c0_i32_0 = arith.constant 0 : i32
    %c0_i32_1 = arith.constant 0 : i32
    return %c0_i32, %c0_i32_0 : i32, i32
  }
  func.func @transform_2(%arg0: i32) -> (i32, i32) {
    %c0_i32 = arith.constant 0 : i32
    %c0_i32_0 = arith.constant 0 : i32
    return %arg0, %c0_i32 : i32, i32
  }
  func.func @transform_3(%arg0: i32) -> (i32, i32) {
    %c0_i32 = arith.constant 0 : i32
    %c0_i32_0 = arith.constant 0 : i32
    return %arg0, %c0_i32 : i32, i32
  }
}

module attributes {stable_mosaic.version = 14 : i64} {
  func.func @_sa_body(%arg0: i32, %arg1: memref<32x256x48xf32, #tpu.memory_space<vmem>>, %arg2: memref<256x3xf32, #tpu.memory_space<vmem>>, %arg3: memref<32x48xf32, #tpu.memory_space<vmem>>, %arg4: memref<64x32xf32, #tpu.memory_space<vmem>>, %arg5: memref<256x64xf32, #tpu.memory_space<vmem>>) attributes {dimension_semantics = [#tpu.dimension_semantics<arbitrary>], iteration_bounds = array<i64: 4>, scalar_prefetch = 0 : i64, scratch_operands = 0 : i64, tpu.core_type = #tpu.core_type<tc>, window_params = [{transform_indices = @transform_0, window_bounds = array<i64: 32, 256, 48>}, {transform_indices = @transform_1, window_bounds = array<i64: 256, 3>}, {pipeline_mode = #tpu.pipeline_mode<synchronous>, transform_indices = @transform_2, window_bounds = array<i64: 32, 48>}, {pipeline_mode = #tpu.pipeline_mode<synchronous>, transform_indices = @transform_3, window_bounds = array<i64: 64, 32>}, {transform_indices = @transform_4, window_bounds = array<i64: 256, 64>}]} {
    %get3A = arith.constant 0 : index
    %get3A_0 = arith.constant 0 : index
    %get3A_1 = vector.load %arg2[%get3A, %get3A_0] : memref<256x3xf32, #tpu.memory_space<vmem>>, vector<256x3xf32>
    %broadcast_in_dim3A = arith.constant 0.000000e+00 : f32
    %broadcast_in_dim3A_2 = vector.broadcast %broadcast_in_dim3A : f32 to vector<256x45xf32>
    %concatenate3A = tpu.concatenate %get3A_1, %broadcast_in_dim3A_2 in 1 : vector<256x3xf32>, vector<256x45xf32> -> vector<256x48xf32>
    %get3A_3 = arith.constant 0 : index
    %get3A_4 = arith.constant 0 : index
    %get3A_5 = arith.constant 0 : index
    %get3A_6 = vector.load %arg1[%get3A_3, %get3A_4, %get3A_5] : memref<32x256x48xf32, #tpu.memory_space<vmem>>, vector<32x256x48xf32>
    %broadcast_in_dim3A_7 = vector.shape_cast %concatenate3A : vector<256x48xf32> to vector<1x256x48xf32>
    %sub3A = vector.broadcast %broadcast_in_dim3A_7 : vector<1x256x48xf32> to vector<32x256x48xf32>
    %sub3A_8 = arith.subf %get3A_6, %sub3A : vector<32x256x48xf32>
    %reshape3A = vector.shape_cast %sub3A_8 : vector<32x256x48xf32> to vector<8192x48xf32>
    %get3A_9 = arith.constant 0 : index
    %get3A_10 = arith.constant 0 : index
    %get3A_11 = vector.load %arg3[%get3A_9, %get3A_10] : memref<32x48xf32, #tpu.memory_space<vmem>>, vector<32x48xf32>
    %dot_general3A = arith.constant dense<0.000000e+00> : vector<8192x32xf32>
    %dot_general3A_12 = tpu.matmul %reshape3A, %get3A_11, %dot_general3A {dimension_numbers = #tpu.dot_dimension_numbers<[1], [1], [0], [0], [0, 0, 1, 0], [], []>, transpose_lhs_hint = false} : vector<8192x48xf32>, vector<32x48xf32>, vector<8192x32xf32> -> vector<8192x32xf32>
    %div3A = arith.constant 1.00000501 : f32
    %div3A_13 = vector.broadcast %div3A : f32 to vector<8192x32xf32>
    %div3A_14 = arith.divf %dot_general3A_12, %div3A_13 : vector<8192x32xf32>
    %max3A = arith.constant 0.000000e+00 : f32
    %max3A_15 = vector.broadcast %max3A : f32 to vector<8192x32xf32>
    %max3A_16 = arith.maximumf %div3A_14, %max3A_15 : vector<8192x32xf32>
    %get3A_17 = arith.constant 0 : index
    %get3A_18 = arith.constant 0 : index
    %get3A_19 = vector.load %arg4[%get3A_17, %get3A_18] : memref<64x32xf32, #tpu.memory_space<vmem>>, vector<64x32xf32>
    %dot_general3A_20 = arith.constant dense<0.000000e+00> : vector<8192x64xf32>
    %dot_general3A_21 = tpu.matmul %max3A_16, %get3A_19, %dot_general3A_20 {dimension_numbers = #tpu.dot_dimension_numbers<[1], [1], [0], [0], [0, 0, 1, 0], [], []>, transpose_lhs_hint = false} : vector<8192x32xf32>, vector<64x32xf32>, vector<8192x64xf32> -> vector<8192x64xf32>
    %div3A_22 = arith.constant 1.00000501 : f32
    %div3A_23 = vector.broadcast %div3A_22 : f32 to vector<8192x64xf32>
    %div3A_24 = arith.divf %dot_general3A_21, %div3A_23 : vector<8192x64xf32>
    %max3A_25 = arith.constant 0.000000e+00 : f32
    %max3A_26 = vector.broadcast %max3A_25 : f32 to vector<8192x64xf32>
    %max3A_27 = arith.maximumf %div3A_24, %max3A_26 : vector<8192x64xf32>
    %reshape3A_28 = vector.shape_cast %max3A_27 : vector<8192x64xf32> to vector<32x256x64xf32>
    %reduce_max3A = arith.constant dense<0xFF800000> : vector<256x64xf32>
    %reduce_max3A_29 = vector.multi_reduction <maximumf>, %reshape3A_28, %reduce_max3A [0] : vector<32x256x64xf32> to vector<256x64xf32>
    %swap3A = arith.constant 0 : index
    %swap3A_30 = arith.constant 0 : index
    %swap3A_31 = vector.load %arg5[%swap3A, %swap3A_30] : memref<256x64xf32, #tpu.memory_space<vmem>>, vector<256x64xf32>
    tpu.vector_store %arg5[%swap3A, %swap3A_30], %reduce_max3A_29 {strides = array<i32>} : memref<256x64xf32, #tpu.memory_space<vmem>>, vector<256x64xf32>,
    return
  }
  func.func @transform_0(%arg0: i32) -> (i32, i32, i32) {
    %c0_i32 = arith.constant 0 : i32
    %c0_i32_0 = arith.constant 0 : i32
    %c0_i32_1 = arith.constant 0 : i32
    return %c0_i32, %arg0, %c0_i32_0 : i32, i32, i32
  }
  func.func @transform_1(%arg0: i32) -> (i32, i32) {
    %c0_i32 = arith.constant 0 : i32
    %c0_i32_0 = arith.constant 0 : i32
    return %arg0, %c0_i32 : i32, i32
  }
  func.func @transform_2(%arg0: i32) -> (i32, i32) {
    %c0_i32 = arith.constant 0 : i32
    %c0_i32_0 = arith.constant 0 : i32
    %c0_i32_1 = arith.constant 0 : i32
    return %c0_i32, %c0_i32_0 : i32, i32
  }
  func.func @transform_3(%arg0: i32) -> (i32, i32) {
    %c0_i32 = arith.constant 0 : i32
    %c0_i32_0 = arith.constant 0 : i32
    %c0_i32_1 = arith.constant 0 : i32
    return %c0_i32, %c0_i32_0 : i32, i32
  }
  func.func @transform_4(%arg0: i32) -> (i32, i32) {
    %c0_i32 = arith.constant 0 : i32
    %c0_i32_0 = arith.constant 0 : i32
    return %arg0, %c0_i32 : i32, i32
  }
}

module attributes {stable_mosaic.version = 14 : i64} {
  func.func @_knn_body(%arg0: i32, %arg1: memref<256x3xf32, #tpu.memory_space<vmem>>, %arg2: memref<3x4096xf32, #tpu.memory_space<vmem>>, %arg3: memref<256x3xf32, #tpu.memory_space<vmem>>, %arg4: memref<256x3xi32, #tpu.memory_space<vmem>>) attributes {dimension_semantics = [#tpu.dimension_semantics<arbitrary>], iteration_bounds = array<i64: 32>, scalar_prefetch = 0 : i64, scratch_operands = 0 : i64, tpu.core_type = #tpu.core_type<tc>, window_params = [{transform_indices = @transform_0, window_bounds = array<i64: 256, 3>}, {pipeline_mode = #tpu.pipeline_mode<synchronous>, transform_indices = @transform_1, window_bounds = array<i64: 3, 4096>}, {transform_indices = @transform_2, window_bounds = array<i64: 256, 3>}, {transform_indices = @transform_3, window_bounds = array<i64: 256, 3>}]} {
    %get3A = arith.constant 0 : index
    %get3A_0 = arith.constant 0 : index
    %get3A_1 = vector.load %arg1[%get3A, %get3A_0] : memref<256x3xf32, #tpu.memory_space<vmem>>, vector<256x3xf32>
    %get3A_2 = arith.constant 0 : index
    %get3A_3 = arith.constant 0 : index
    %get3A_4 = vector.load %arg2[%get3A_2, %get3A_3] : memref<3x4096xf32, #tpu.memory_space<vmem>>, vector<3x4096xf32>
    %slice3A = vector.extract_strided_slice %get3A_4 {offsets = [0, 0], sizes = [1, 4096], strides = [1, 1]} : vector<3x4096xf32> to vector<1x4096xf32>
    %slice3A_5 = vector.extract_strided_slice %get3A_4 {offsets = [1, 0], sizes = [1, 4096], strides = [1, 1]} : vector<3x4096xf32> to vector<1x4096xf32>
    %slice3A_6 = vector.extract_strided_slice %get3A_4 {offsets = [2, 0], sizes = [1, 4096], strides = [1, 1]} : vector<3x4096xf32> to vector<1x4096xf32>
    %slice3A_7 = vector.extract_strided_slice %get3A_1 {offsets = [0, 0], sizes = [256, 1], strides = [1, 1]} : vector<256x3xf32> to vector<256x1xf32>
    %slice3A_8 = vector.extract_strided_slice %get3A_1 {offsets = [0, 1], sizes = [256, 1], strides = [1, 1]} : vector<256x3xf32> to vector<256x1xf32>
    %slice3A_9 = vector.extract_strided_slice %get3A_1 {offsets = [0, 2], sizes = [256, 1], strides = [1, 1]} : vector<256x3xf32> to vector<256x1xf32>
    %mul3A = arith.mulf %slice3A, %slice3A : vector<1x4096xf32>
    %mul3A_10 = arith.mulf %slice3A_6, %slice3A_6 : vector<1x4096xf32>
    %add3A = arith.addf %mul3A, %mul3A_10 : vector<1x4096xf32>
    %mul3A_11 = arith.mulf %slice3A_5, %slice3A_5 : vector<1x4096xf32>
    %add3A_12 = arith.addf %add3A, %mul3A_11 : vector<1x4096xf32>
    %mul3A_13 = arith.mulf %slice3A_7, %slice3A_7 : vector<256x1xf32>
    %mul3A_14 = arith.mulf %slice3A_9, %slice3A_9 : vector<256x1xf32>
    %add3A_15 = arith.addf %mul3A_13, %mul3A_14 : vector<256x1xf32>
    %mul3A_16 = arith.mulf %slice3A_8, %slice3A_8 : vector<256x1xf32>
    %add3A_17 = arith.addf %add3A_15, %mul3A_16 : vector<256x1xf32>
    %dot_general3A = arith.constant dense<0.000000e+00> : vector<256x4096xf32>
    %dot_general3A_18 = tpu.matmul %get3A_1, %get3A_4, %dot_general3A {dimension_numbers = #tpu.dot_dimension_numbers<[1], [0], [0], [1], [0, 0, 1, 1], [], []>, transpose_lhs_hint = false} : vector<256x3xf32>, vector<3x4096xf32>, vector<256x4096xf32> -> vector<256x4096xf32>
    %add3A_19 = vector.broadcast %add3A_17 : vector<256x1xf32> to vector<256x4096xf32>
    %add3A_20 = vector.broadcast %add3A_12 : vector<1x4096xf32> to vector<256x4096xf32>
    %add3A_21 = arith.addf %add3A_19, %add3A_20 : vector<256x4096xf32>
    %mul3A_22 = arith.constant 2.000000e+00 : f32
    %mul3A_23 = vector.broadcast %mul3A_22 : f32 to vector<256x4096xf32>
    %mul3A_24 = arith.mulf %mul3A_23, %dot_general3A_18 : vector<256x4096xf32>
    %sub3A = arith.subf %add3A_21, %mul3A_24 : vector<256x4096xf32>
    %iota3A = tpu.iota {dimensions = array<i32: 1>} : vector<256x4096xi32>
    %reduce_min3A = arith.constant dense<0x7F800000> : vector<256xf32>
    %reduce_min3A_25 = vector.multi_reduction <minimumf>, %sub3A, %reduce_min3A [1] : vector<256x4096xf32> to vector<256xf32>
    %broadcast_in_dim3A = vector.shape_cast %reduce_min3A_25 : vector<256xf32> to vector<256x1xf32>
    %eq3A = vector.broadcast %broadcast_in_dim3A : vector<256x1xf32> to vector<256x4096xf32>
    %eq3A_26 = arith.cmpf oeq, %sub3A, %eq3A : vector<256x4096xf32>
    %jit3A = arith.constant 4096 : i32
    %broadcast_in_dim3A_27 = vector.broadcast %jit3A : i32 to vector<256x4096xi32>
    %select_n3A = arith.select %eq3A_26, %iota3A, %broadcast_in_dim3A_27 : vector<256x4096xi1>, vector<256x4096xi32>
    %reduce_min3A_28 = arith.constant dense<2147483647> : vector<256xi32>
    %reduce_min3A_29 = vector.multi_reduction <minsi>, %select_n3A, %reduce_min3A_28 [1] : vector<256x4096xi32> to vector<256xi32>
    %broadcast_in_dim3A_30 = vector.shape_cast %reduce_min3A_29 : vector<256xi32> to vector<256x1xi32>
    %swap3A = arith.constant 0 : index
    %swap3A_31 = arith.constant 0 : index
    %swap3A_32 = vector.load %arg3[%swap3A, %swap3A_31] : memref<256x3xf32, #tpu.memory_space<vmem>>, vector<256x1xf32>
    tpu.vector_store %arg3[%swap3A, %swap3A_31], %broadcast_in_dim3A {strides = array<i32>} : memref<256x3xf32, #tpu.memory_space<vmem>>, vector<256x1xf32>,
    %swap3A_33 = arith.constant 0 : index
    %swap3A_34 = arith.constant 0 : index
    %swap3A_35 = vector.load %arg4[%swap3A_33, %swap3A_34] : memref<256x3xi32, #tpu.memory_space<vmem>>, vector<256x1xi32>
    tpu.vector_store %arg4[%swap3A_33, %swap3A_34], %broadcast_in_dim3A_30 {strides = array<i32>} : memref<256x3xi32, #tpu.memory_space<vmem>>, vector<256x1xi32>,
    %eq3A_36 = vector.broadcast %broadcast_in_dim3A_30 : vector<256x1xi32> to vector<256x4096xi32>
    %eq3A_37 = arith.cmpi eq, %iota3A, %eq3A_36 : vector<256x4096xi32>
    %jit3A_38 = arith.constant 3.000000e+38 : f32
    %broadcast_in_dim3A_39 = vector.broadcast %jit3A_38 : f32 to vector<256x4096xf32>
    %select_n3A_40 = arith.select %eq3A_37, %broadcast_in_dim3A_39, %sub3A : vector<256x4096xi1>, vector<256x4096xf32>
    %reduce_min3A_41 = arith.constant dense<0x7F800000> : vector<256xf32>
    %reduce_min3A_42 = vector.multi_reduction <minimumf>, %select_n3A_40, %reduce_min3A_41 [1] : vector<256x4096xf32> to vector<256xf32>
    %broadcast_in_dim3A_43 = vector.shape_cast %reduce_min3A_42 : vector<256xf32> to vector<256x1xf32>
    %eq3A_44 = vector.broadcast %broadcast_in_dim3A_43 : vector<256x1xf32> to vector<256x4096xf32>
    %eq3A_45 = arith.cmpf oeq, %select_n3A_40, %eq3A_44 : vector<256x4096xf32>
    %jit3A_46 = arith.constant 4096 : i32
    %broadcast_in_dim3A_47 = vector.broadcast %jit3A_46 : i32 to vector<256x4096xi32>
    %select_n3A_48 = arith.select %eq3A_45, %iota3A, %broadcast_in_dim3A_47 : vector<256x4096xi1>, vector<256x4096xi32>
    %reduce_min3A_49 = arith.constant dense<2147483647> : vector<256xi32>
    %reduce_min3A_50 = vector.multi_reduction <minsi>, %select_n3A_48, %reduce_min3A_49 [1] : vector<256x4096xi32> to vector<256xi32>
    %broadcast_in_dim3A_51 = vector.shape_cast %reduce_min3A_50 : vector<256xi32> to vector<256x1xi32>
    %swap3A_52 = arith.constant 0 : index
    %swap3A_53 = arith.constant 1 : index
    %swap3A_54 = vector.load %arg3[%swap3A_52, %swap3A_53] : memref<256x3xf32, #tpu.memory_space<vmem>>, vector<256x1xf32>
    tpu.vector_store %arg3[%swap3A_52, %swap3A_53], %broadcast_in_dim3A_43 {strides = array<i32>} : memref<256x3xf32, #tpu.memory_space<vmem>>, vector<256x1xf32>,
    %swap3A_55 = arith.constant 0 : index
    %swap3A_56 = arith.constant 1 : index
    %swap3A_57 = vector.load %arg4[%swap3A_55, %swap3A_56] : memref<256x3xi32, #tpu.memory_space<vmem>>, vector<256x1xi32>
    tpu.vector_store %arg4[%swap3A_55, %swap3A_56], %broadcast_in_dim3A_51 {strides = array<i32>} : memref<256x3xi32, #tpu.memory_space<vmem>>, vector<256x1xi32>,
    %eq3A_58 = vector.broadcast %broadcast_in_dim3A_51 : vector<256x1xi32> to vector<256x4096xi32>
    %eq3A_59 = arith.cmpi eq, %iota3A, %eq3A_58 : vector<256x4096xi32>
    %jit3A_60 = arith.constant 3.000000e+38 : f32
    %broadcast_in_dim3A_61 = vector.broadcast %jit3A_60 : f32 to vector<256x4096xf32>
    %select_n3A_62 = arith.select %eq3A_59, %broadcast_in_dim3A_61, %select_n3A_40 : vector<256x4096xi1>, vector<256x4096xf32>
    %reduce_min3A_63 = arith.constant dense<0x7F800000> : vector<256xf32>
    %reduce_min3A_64 = vector.multi_reduction <minimumf>, %select_n3A_62, %reduce_min3A_63 [1] : vector<256x4096xf32> to vector<256xf32>
    %broadcast_in_dim3A_65 = vector.shape_cast %reduce_min3A_64 : vector<256xf32> to vector<256x1xf32>
    %eq3A_66 = vector.broadcast %broadcast_in_dim3A_65 : vector<256x1xf32> to vector<256x4096xf32>
    %eq3A_67 = arith.cmpf oeq, %select_n3A_62, %eq3A_66 : vector<256x4096xf32>
    %jit3A_68 = arith.constant 4096 : i32
    %broadcast_in_dim3A_69 = vector.broadcast %jit3A_68 : i32 to vector<256x4096xi32>
    %select_n3A_70 = arith.select %eq3A_67, %iota3A, %broadcast_in_dim3A_69 : vector<256x4096xi1>, vector<256x4096xi32>
    %reduce_min3A_71 = arith.constant dense<2147483647> : vector<256xi32>
    %reduce_min3A_72 = vector.multi_reduction <minsi>, %select_n3A_70, %reduce_min3A_71 [1] : vector<256x4096xi32> to vector<256xi32>
    %broadcast_in_dim3A_73 = vector.shape_cast %reduce_min3A_72 : vector<256xi32> to vector<256x1xi32>
    %swap3A_74 = arith.constant 0 : index
    %swap3A_75 = arith.constant 2 : index
    %swap3A_76 = vector.load %arg3[%swap3A_74, %swap3A_75] : memref<256x3xf32, #tpu.memory_space<vmem>>, vector<256x1xf32>
    tpu.vector_store %arg3[%swap3A_74, %swap3A_75], %broadcast_in_dim3A_65 {strides = array<i32>} : memref<256x3xf32, #tpu.memory_space<vmem>>, vector<256x1xf32>,
    %swap3A_77 = arith.constant 0 : index
    %swap3A_78 = arith.constant 2 : index
    %swap3A_79 = vector.load %arg4[%swap3A_77, %swap3A_78] : memref<256x3xi32, #tpu.memory_space<vmem>>, vector<256x1xi32>
    tpu.vector_store %arg4[%swap3A_77, %swap3A_78], %broadcast_in_dim3A_73 {strides = array<i32>} : memref<256x3xi32, #tpu.memory_space<vmem>>, vector<256x1xi32>,
    return
  }
  func.func @transform_0(%arg0: i32) -> (i32, i32) {
    %c0_i32 = arith.constant 0 : i32
    %c0_i32_0 = arith.constant 0 : i32
    return %arg0, %c0_i32 : i32, i32
  }
  func.func @transform_1(%arg0: i32) -> (i32, i32) {
    %c0_i32 = arith.constant 0 : i32
    %c0_i32_0 = arith.constant 0 : i32
    %c0_i32_1 = arith.constant 0 : i32
    return %c0_i32, %c0_i32_0 : i32, i32
  }
  func.func @transform_2(%arg0: i32) -> (i32, i32) {
    %c0_i32 = arith.constant 0 : i32
    %c0_i32_0 = arith.constant 0 : i32
    return %arg0, %c0_i32 : i32, i32
  }
  func.func @transform_3(%arg0: i32) -> (i32, i32) {
    %c0_i32 = arith.constant 0 : i32
    %c0_i32_0 = arith.constant 0 : i32
    return %arg0, %c0_i32 : i32, i32
  }
}

module attributes {stable_mosaic.version = 14 : i64} {
  func.func @_upconv_body(%arg0: i32, %arg1: memref<8x512x80xf32, #tpu.memory_space<vmem>>, %arg2: memref<512x3xf32, #tpu.memory_space<vmem>>, %arg3: memref<512x32xf32, #tpu.memory_space<vmem>>, %arg4: memref<32x80xf32, #tpu.memory_space<vmem>>, %arg5: memref<32x64xf32, #tpu.memory_space<vmem>>, %arg6: memref<512x32xf32, #tpu.memory_space<vmem>>) attributes {dimension_semantics = [#tpu.dimension_semantics<arbitrary>], iteration_bounds = array<i64: 8>, scalar_prefetch = 0 : i64, scratch_operands = 0 : i64, tpu.core_type = #tpu.core_type<tc>, window_params = [{transform_indices = @transform_0, window_bounds = array<i64: 8, 512, 80>}, {transform_indices = @transform_1, window_bounds = array<i64: 512, 3>}, {transform_indices = @transform_2, window_bounds = array<i64: 512, 32>}, {pipeline_mode = #tpu.pipeline_mode<synchronous>, transform_indices = @transform_3, window_bounds = array<i64: 32, 80>}, {pipeline_mode = #tpu.pipeline_mode<synchronous>, transform_indices = @transform_4, window_bounds = array<i64: 32, 64>}, {transform_indices = @transform_5, window_bounds = array<i64: 512, 32>}]} {
    %get3A = arith.constant 0 : index
    %get3A_0 = arith.constant 0 : index
    %get3A_1 = vector.load %arg2[%get3A, %get3A_0] : memref<512x3xf32, #tpu.memory_space<vmem>>, vector<512x3xf32>
    %broadcast_in_dim3A = arith.constant 0.000000e+00 : f32
    %broadcast_in_dim3A_2 = vector.broadcast %broadcast_in_dim3A : f32 to vector<512x64xf32>
    %broadcast_in_dim3A_3 = arith.constant 0.000000e+00 : f32
    %broadcast_in_dim3A_4 = vector.broadcast %broadcast_in_dim3A_3 : f32 to vector<512x13xf32>
    %concatenate3A = tpu.concatenate %broadcast_in_dim3A_2, %get3A_1, %broadcast_in_dim3A_4 in 1 : vector<512x64xf32>, vector<512x3xf32>, vector<512x13xf32> -> vector<512x80xf32>
    %get3A_5 = arith.constant 0 : index
    %get3A_6 = arith.constant 0 : index
    %get3A_7 = arith.constant 0 : index
    %get3A_8 = vector.load %arg1[%get3A_5, %get3A_6, %get3A_7] : memref<8x512x80xf32, #tpu.memory_space<vmem>>, vector<8x512x80xf32>
    %broadcast_in_dim3A_9 = vector.shape_cast %concatenate3A : vector<512x80xf32> to vector<1x512x80xf32>
    %sub3A = vector.broadcast %broadcast_in_dim3A_9 : vector<1x512x80xf32> to vector<8x512x80xf32>
    %sub3A_10 = arith.subf %get3A_8, %sub3A : vector<8x512x80xf32>
    %reshape3A = vector.shape_cast %sub3A_10 : vector<8x512x80xf32> to vector<4096x80xf32>
    %get3A_11 = arith.constant 0 : index
    %get3A_12 = arith.constant 0 : index
    %get3A_13 = vector.load %arg4[%get3A_11, %get3A_12] : memref<32x80xf32, #tpu.memory_space<vmem>>, vector<32x80xf32>
    %dot_general3A = arith.constant dense<0.000000e+00> : vector<4096x32xf32>
    %dot_general3A_14 = tpu.matmul %reshape3A, %get3A_13, %dot_general3A {dimension_numbers = #tpu.dot_dimension_numbers<[1], [1], [0], [0], [0, 0, 1, 0], [], []>, transpose_lhs_hint = false} : vector<4096x80xf32>, vector<32x80xf32>, vector<4096x32xf32> -> vector<4096x32xf32>
    %div3A = arith.constant 1.00000501 : f32
    %div3A_15 = vector.broadcast %div3A : f32 to vector<4096x32xf32>
    %div3A_16 = arith.divf %dot_general3A_14, %div3A_15 : vector<4096x32xf32>
    %max3A = arith.constant 0.000000e+00 : f32
    %max3A_17 = vector.broadcast %max3A : f32 to vector<4096x32xf32>
    %max3A_18 = arith.maximumf %div3A_16, %max3A_17 : vector<4096x32xf32>
    %reshape3A_19 = vector.shape_cast %max3A_18 : vector<4096x32xf32> to vector<8x512x32xf32>
    %reduce_max3A = arith.constant dense<0xFF800000> : vector<512x32xf32>
    %reduce_max3A_20 = vector.multi_reduction <maximumf>, %reshape3A_19, %reduce_max3A [0] : vector<8x512x32xf32> to vector<512x32xf32>
    %get3A_21 = arith.constant 0 : index
    %get3A_22 = arith.constant 0 : index
    %get3A_23 = vector.load %arg3[%get3A_21, %get3A_22] : memref<512x32xf32, #tpu.memory_space<vmem>>, vector<512x32xf32>
    %concatenate3A_24 = tpu.concatenate %reduce_max3A_20, %get3A_23 in 1 : vector<512x32xf32>, vector<512x32xf32> -> vector<512x64xf32>
    %get3A_25 = arith.constant 0 : index
    %get3A_26 = arith.constant 0 : index
    %get3A_27 = vector.load %arg5[%get3A_25, %get3A_26] : memref<32x64xf32, #tpu.memory_space<vmem>>, vector<32x64xf32>
    %dot_general3A_28 = arith.constant dense<0.000000e+00> : vector<512x32xf32>
    %dot_general3A_29 = tpu.matmul %concatenate3A_24, %get3A_27, %dot_general3A_28 {dimension_numbers = #tpu.dot_dimension_numbers<[1], [1], [0], [0], [0, 0, 1, 0], [], []>, transpose_lhs_hint = false} : vector<512x64xf32>, vector<32x64xf32>, vector<512x32xf32> -> vector<512x32xf32>
    %div3A_30 = arith.constant 1.00000501 : f32
    %div3A_31 = vector.broadcast %div3A_30 : f32 to vector<512x32xf32>
    %div3A_32 = arith.divf %dot_general3A_29, %div3A_31 : vector<512x32xf32>
    %max3A_33 = arith.constant 0.000000e+00 : f32
    %max3A_34 = vector.broadcast %max3A_33 : f32 to vector<512x32xf32>
    %max3A_35 = arith.maximumf %div3A_32, %max3A_34 : vector<512x32xf32>
    %swap3A = arith.constant 0 : index
    %swap3A_36 = arith.constant 0 : index
    %swap3A_37 = vector.load %arg6[%swap3A, %swap3A_36] : memref<512x32xf32, #tpu.memory_space<vmem>>, vector<512x32xf32>
    tpu.vector_store %arg6[%swap3A, %swap3A_36], %max3A_35 {strides = array<i32>} : memref<512x32xf32, #tpu.memory_space<vmem>>, vector<512x32xf32>,
    return
  }
  func.func @transform_0(%arg0: i32) -> (i32, i32, i32) {
    %c0_i32 = arith.constant 0 : i32
    %c0_i32_0 = arith.constant 0 : i32
    %c0_i32_1 = arith.constant 0 : i32
    return %c0_i32, %arg0, %c0_i32_0 : i32, i32, i32
  }
  func.func @transform_1(%arg0: i32) -> (i32, i32) {
    %c0_i32 = arith.constant 0 : i32
    %c0_i32_0 = arith.constant 0 : i32
    return %arg0, %c0_i32 : i32, i32
  }
  func.func @transform_2(%arg0: i32) -> (i32, i32) {
    %c0_i32 = arith.constant 0 : i32
    %c0_i32_0 = arith.constant 0 : i32
    return %arg0, %c0_i32 : i32, i32
  }
  func.func @transform_3(%arg0: i32) -> (i32, i32) {
    %c0_i32 = arith.constant 0 : i32
    %c0_i32_0 = arith.constant 0 : i32
    %c0_i32_1 = arith.constant 0 : i32
    return %c0_i32, %c0_i32_0 : i32, i32
  }
  func.func @transform_4(%arg0: i32) -> (i32, i32) {
    %c0_i32 = arith.constant 0 : i32
    %c0_i32_0 = arith.constant 0 : i32
    %c0_i32_1 = arith.constant 0 : i32
    return %c0_i32, %c0_i32_0 : i32, i32
  }
  func.func @transform_5(%arg0: i32) -> (i32, i32) {
    %c0_i32 = arith.constant 0 : i32
    %c0_i32_0 = arith.constant 0 : i32
    return %arg0, %c0_i32 : i32, i32
  }
}

module attributes {stable_mosaic.version = 14 : i64} {
  func.func @_fp_body(%arg0: i32, %arg1: memref<3x1024x32xf32, #tpu.memory_space<vmem>>, %arg2: memref<1024x3xf32, #tpu.memory_space<vmem>>, %arg3: memref<1024x10xf32, #tpu.memory_space<vmem>>, %arg4: memref<32x48xf32, #tpu.memory_space<vmem>>, %arg5: memref<12x32xf32, #tpu.memory_space<vmem>>, %arg6: memref<1x12xf32, #tpu.memory_space<vmem>>, %arg7: memref<1024x12xf32, #tpu.memory_space<vmem>>) attributes {dimension_semantics = [#tpu.dimension_semantics<arbitrary>], iteration_bounds = array<i64: 8>, scalar_prefetch = 0 : i64, scratch_operands = 0 : i64, tpu.core_type = #tpu.core_type<tc>, window_params = [{transform_indices = @transform_0, window_bounds = array<i64: 3, 1024, 32>}, {transform_indices = @transform_1, window_bounds = array<i64: 1024, 3>}, {transform_indices = @transform_2, window_bounds = array<i64: 1024, 10>}, {pipeline_mode = #tpu.pipeline_mode<synchronous>, transform_indices = @transform_3, window_bounds = array<i64: 32, 48>}, {pipeline_mode = #tpu.pipeline_mode<synchronous>, transform_indices = @transform_4, window_bounds = array<i64: 12, 32>}, {pipeline_mode = #tpu.pipeline_mode<synchronous>, transform_indices = @transform_5, window_bounds = array<i64: 1, 12>}, {transform_indices = @transform_6, window_bounds = array<i64: 1024, 12>}]} {
    %get3A = arith.constant 0 : index
    %get3A_0 = arith.constant 0 : index
    %get3A_1 = arith.constant 0 : index
    %get3A_2 = vector.load %arg1[%get3A, %get3A_0, %get3A_1] : memref<3x1024x32xf32, #tpu.memory_space<vmem>>, vector<3x1024x32xf32>
    %get3A_3 = arith.constant 0 : index
    %get3A_4 = arith.constant 0 : index
    %get3A_5 = vector.load %arg2[%get3A_3, %get3A_4] : memref<1024x3xf32, #tpu.memory_space<vmem>>, vector<1024x3xf32>
    %slice3A = vector.extract_strided_slice %get3A_5 {offsets = [0, 0], sizes = [1024, 1], strides = [1, 1]} : vector<1024x3xf32> to vector<1024x1xf32>
    %slice3A_6 = vector.extract_strided_slice %get3A_2 {offsets = [0, 0, 0], sizes = [1, 1024, 32], strides = [1, 1, 1]} : vector<3x1024x32xf32> to vector<1x1024x32xf32>
    %squeeze3A = vector.shape_cast %slice3A_6 : vector<1x1024x32xf32> to vector<1024x32xf32>
    %mul3A = vector.broadcast %slice3A : vector<1024x1xf32> to vector<1024x32xf32>
    %mul3A_7 = arith.mulf %mul3A, %squeeze3A : vector<1024x32xf32>
    %slice3A_8 = vector.extract_strided_slice %get3A_5 {offsets = [0, 1], sizes = [1024, 1], strides = [1, 1]} : vector<1024x3xf32> to vector<1024x1xf32>
    %slice3A_9 = vector.extract_strided_slice %get3A_2 {offsets = [1, 0, 0], sizes = [1, 1024, 32], strides = [1, 1, 1]} : vector<3x1024x32xf32> to vector<1x1024x32xf32>
    %squeeze3A_10 = vector.shape_cast %slice3A_9 : vector<1x1024x32xf32> to vector<1024x32xf32>
    %mul3A_11 = vector.broadcast %slice3A_8 : vector<1024x1xf32> to vector<1024x32xf32>
    %mul3A_12 = arith.mulf %mul3A_11, %squeeze3A_10 : vector<1024x32xf32>
    %slice3A_13 = vector.extract_strided_slice %get3A_5 {offsets = [0, 2], sizes = [1024, 1], strides = [1, 1]} : vector<1024x3xf32> to vector<1024x1xf32>
    %slice3A_14 = vector.extract_strided_slice %get3A_2 {offsets = [2, 0, 0], sizes = [1, 1024, 32], strides = [1, 1, 1]} : vector<3x1024x32xf32> to vector<1x1024x32xf32>
    %squeeze3A_15 = vector.shape_cast %slice3A_14 : vector<1x1024x32xf32> to vector<1024x32xf32>
    %mul3A_16 = vector.broadcast %slice3A_13 : vector<1024x1xf32> to vector<1024x32xf32>
    %mul3A_17 = arith.mulf %mul3A_16, %squeeze3A_15 : vector<1024x32xf32>
    %add3A = arith.addf %mul3A_7, %mul3A_12 : vector<1024x32xf32>
    %add3A_18 = arith.addf %add3A, %mul3A_17 : vector<1024x32xf32>
    %get3A_19 = arith.constant 0 : index
    %get3A_20 = arith.constant 0 : index
    %get3A_21 = vector.load %arg3[%get3A_19, %get3A_20] : memref<1024x10xf32, #tpu.memory_space<vmem>>, vector<1024x10xf32>
    %broadcast_in_dim3A = arith.constant 0.000000e+00 : f32
    %broadcast_in_dim3A_22 = vector.broadcast %broadcast_in_dim3A : f32 to vector<1024x6xf32>
    %concatenate3A = tpu.concatenate %add3A_18, %get3A_21, %broadcast_in_dim3A_22 in 1 : vector<1024x32xf32>, vector<1024x10xf32>, vector<1024x6xf32> -> vector<1024x48xf32>
    %get3A_23 = arith.constant 0 : index
    %get3A_24 = arith.constant 0 : index
    %get3A_25 = vector.load %arg4[%get3A_23, %get3A_24] : memref<32x48xf32, #tpu.memory_space<vmem>>, vector<32x48xf32>
    %dot_general3A = arith.constant dense<0.000000e+00> : vector<1024x32xf32>
    %dot_general3A_26 = tpu.matmul %concatenate3A, %get3A_25, %dot_general3A {dimension_numbers = #tpu.dot_dimension_numbers<[1], [1], [0], [0], [0, 0, 1, 0], [], []>, transpose_lhs_hint = false} : vector<1024x48xf32>, vector<32x48xf32>, vector<1024x32xf32> -> vector<1024x32xf32>
    %div3A = arith.constant 1.00000501 : f32
    %div3A_27 = vector.broadcast %div3A : f32 to vector<1024x32xf32>
    %div3A_28 = arith.divf %dot_general3A_26, %div3A_27 : vector<1024x32xf32>
    %max3A = arith.constant 0.000000e+00 : f32
    %max3A_29 = vector.broadcast %max3A : f32 to vector<1024x32xf32>
    %max3A_30 = arith.maximumf %div3A_28, %max3A_29 : vector<1024x32xf32>
    %div3A_31 = arith.constant 1.00000501 : f32
    %div3A_32 = vector.broadcast %div3A_31 : f32 to vector<1024x32xf32>
    %div3A_33 = arith.divf %max3A_30, %div3A_32 : vector<1024x32xf32>
    %max3A_34 = arith.constant 0.000000e+00 : f32
    %max3A_35 = vector.broadcast %max3A_34 : f32 to vector<1024x32xf32>
    %max3A_36 = arith.maximumf %div3A_33, %max3A_35 : vector<1024x32xf32>
    %get3A_37 = arith.constant 0 : index
    %get3A_38 = arith.constant 0 : index
    %get3A_39 = vector.load %arg5[%get3A_37, %get3A_38] : memref<12x32xf32, #tpu.memory_space<vmem>>, vector<12x32xf32>
    %dot_general3A_40 = arith.constant dense<0.000000e+00> : vector<1024x12xf32>
    %dot_general3A_41 = tpu.matmul %max3A_36, %get3A_39, %dot_general3A_40 {dimension_numbers = #tpu.dot_dimension_numbers<[1], [1], [0], [0], [0, 0, 1, 0], [], []>, transpose_lhs_hint = false} : vector<1024x32xf32>, vector<12x32xf32>, vector<1024x12xf32> -> vector<1024x12xf32>
    %get3A_42 = arith.constant 0 : index
    %get3A_43 = arith.constant 0 : index
    %get3A_44 = vector.load %arg6[%get3A_42, %get3A_43] : memref<1x12xf32, #tpu.memory_space<vmem>>, vector<1x12xf32>
    %add3A_45 = vector.broadcast %get3A_44 : vector<1x12xf32> to vector<1024x12xf32>
    %add3A_46 = arith.addf %dot_general3A_41, %add3A_45 : vector<1024x12xf32>
    %swap3A = arith.constant 0 : index
    %swap3A_47 = arith.constant 0 : index
    %swap3A_48 = vector.load %arg7[%swap3A, %swap3A_47] : memref<1024x12xf32, #tpu.memory_space<vmem>>, vector<1024x12xf32>
    tpu.vector_store %arg7[%swap3A, %swap3A_47], %add3A_46 {strides = array<i32>} : memref<1024x12xf32, #tpu.memory_space<vmem>>, vector<1024x12xf32>,
    return
  }
  func.func @transform_0(%arg0: i32) -> (i32, i32, i32) {
    %c0_i32 = arith.constant 0 : i32
    %c0_i32_0 = arith.constant 0 : i32
    %c0_i32_1 = arith.constant 0 : i32
    return %c0_i32, %arg0, %c0_i32_0 : i32, i32, i32
  }
  func.func @transform_1(%arg0: i32) -> (i32, i32) {
    %c0_i32 = arith.constant 0 : i32
    %c0_i32_0 = arith.constant 0 : i32
    return %arg0, %c0_i32 : i32, i32
  }
  func.func @transform_2(%arg0: i32) -> (i32, i32) {
    %c0_i32 = arith.constant 0 : i32
    %c0_i32_0 = arith.constant 0 : i32
    return %arg0, %c0_i32 : i32, i32
  }
  func.func @transform_3(%arg0: i32) -> (i32, i32) {
    %c0_i32 = arith.constant 0 : i32
    %c0_i32_0 = arith.constant 0 : i32
    %c0_i32_1 = arith.constant 0 : i32
    return %c0_i32, %c0_i32_0 : i32, i32
  }
  func.func @transform_4(%arg0: i32) -> (i32, i32) {
    %c0_i32 = arith.constant 0 : i32
    %c0_i32_0 = arith.constant 0 : i32
    %c0_i32_1 = arith.constant 0 : i32
    return %c0_i32, %c0_i32_0 : i32, i32
  }
  func.func @transform_5(%arg0: i32) -> (i32, i32) {
    %c0_i32 = arith.constant 0 : i32
    %c0_i32_0 = arith.constant 0 : i32
    %c0_i32_1 = arith.constant 0 : i32
    return %c0_i32, %c0_i32_0 : i32, i32
  }
  func.func @transform_6(%arg0: i32) -> (i32, i32) {
    %c0_i32 = arith.constant 0 : i32
    %c0_i32_0 = arith.constant 0 : i32
    return %arg0, %c0_i32 : i32, i32
  }
}

</mosaic_0001>

<sc_bundles>
// kernel: kernel.28.cloned.1.call-start
scs
__scs_entry_jumppad:
0x0: {  	(pc) =	sbr.rel $0x88, $3  }
0x1: {  	(tag) =	ssettag $0x0;
	lr =	simm.s32 $0x1  }
0x2: {  	[smem:$0x3F94] =	sst lr;
	_ =	strace $0xD0000000  }
0x3: {  	_ = 	snop  }
0x4: {  	_ = 	snop  }
0x5: {  	_ = 	snop  }
0x6: {  	_ = 	snop  }
0x7: {  	_ = 	snop  }
__scs_overlays_trampoline_lowered:
0x8: {  	[smem:$0x3FA3] =	sst s0  }
0x9: {  	[smem:$0x3FA4] =	sst s1  }
0xa: {  	[smem:$0x3FA5] =	sst s2  }
0xb: {  	[smem:$0x3FA6] =	sst s3  }
0xc: {  	[smem:$0x3FA7] =	sst s4  }
0xd: {  	[smem:$0x3FA8] =	sst s5  }
0xe: {  	[smem:$0x3FA9] =	sst s6  }
0xf: {  	[smem:$0x3FAA] =	sst s7  }
0x10: {  	[smem:$0x3FAB] =	sst s8  }
0x11: {  	[smem:$0x3FAC] =	sst s9;
	s0 =	simm.s32 @!p0 $0x0  }
0x12: {  	s1 =	sld [smem:$0x3F92];
	s0 =	simm.s32 @p0 $0x1  }
0x13: {  	[smem:$0x3FAD] =	sst s0;
	s0 =	simm.s32 @!p1 $0x0  }
0x14: {  	s2 =	sld [smem:$0x3F91];
	s0 =	simm.s32 @p1 $0x1  }
0x15: {  	[smem:$0x3FAE] =	sst s0;
	s0 =	simm.s32 @!p2 $0x0  }
0x16: {  	s3 =	sld [smem:$0x3FDB];
	s0 =	simm.s32 @p2 $0x1  }
0x17: {  	s4 =	simm.s32 $0x1BF5;
	[smem:$0x3FB0] =	sst s0  }
0x18: {  	s0 =	sld [smem:$0x3F93];
	_ =	swait.ge [sflag:s4], $0x0  }
0x19: {  	s7 =	sld [smem:$0x3F94]  }
0x1a: {  	s8 =	sadd.s32 $0xFFFFE003, lr  }
0x1b: {  	s9 =	sadd.s32 $0xFFFFFEF7, lr;
	s5 =	simm.s32 $0xFFFFFFFF;
	p2 =	slt.u32 s8, $0xFFFFF086  }
0x1c: {  	p1 =	slt.u32 s9, $0xF7A;
	s5 =	simm.s32 @!p2 $0x0  }
0x1d: {  	s5 =	simm.s32 @p1 $0x1;
	p0 =	seq.s32 s7, s2  }
0x1e: {  	s7 =	smul.u32 @!p0 $0xF7A, s2;
	p2 =	seq.s32 @!p0 s5, $0x0  }
0x1f: {  	s9 =	smul.u32 $0xF7A, s1;
	s8 =	simm.s32 @!p0 $0x1BF5;
	p2 =	por !p2, p0  }
0x20: {  	[sflag:s8] =	ssyncset.s32 @!p0 $0xFFFFF086;
	s6 =	sadd.s32 @!p0 s3, s7;
	s7 =	simm.s32 @!p0 $0x108  }
0x21: {  	s3 =	sadd.s32 s3, s9;
	s6 =	sadd.s32 @!p0 $0x88, s6;
	s7 =	simm.s32 @p2 $0x1082  }
0x22: {  	[simem:s7], [sflag:s8] =	dma.local @!p0 [hbm:s6], $0xF7A  }
0x23: {  	s9 =	sor.u32 $0xD0000000, s2;
	s6 =	simm.s32 $0x108;
	_ =	swait.ge @!p0 [sflag:s8], $0x0  }
0x24: {  	s3 =	sadd.s32 $0x88, s3;
	s6 =	simm.s32 @!p1 $0x1082;
	[sflag:s4] =	ssyncset.s32 $0xFFFFF086  }
0x25: {  	[simem:s6], [sflag:s4] =	dma.local [hbm:s3], $0xF7A  }
0x26: {  	[smem:$0x3F94] =	sst s1;
	(tag) =	ssettag s2;
	_ =	strace s9  }
0x27: {  	s1 =	sld [smem:$0x3FA4]  }
0x28: {  	s2 =	sld [smem:$0x3FA5]  }
0x29: {  	s4 =	sld [smem:$0x3FA7]  }
0x2a: {  	p0 =	seq.s32 s5, $0x0;
	s5 =	sld [smem:$0x3FA8]  }
0x2b: {  	s6 =	sld [smem:$0x3FA9]  }
0x2c: {  	s7 =	sld [smem:$0x3FAA]  }
0x2d: {  	s3 =	simm.s32 $0x108;
	s8 =	sld [smem:$0x3FAB]  }
0x2e: {  	s3 =	simm.s32 @!p0 $0x1082;
	s9 =	sld [smem:$0x3FAC]  }
0x2f: {  	lr =	sadd.s32 s0, s3;
	s0 =	sld [smem:$0x3FA3]  }
0x30: {  	s3 =	sld [smem:$0x3FA6]  }
0x31: {  	[smem:$0x3FAF] =	sst s10  }
0x32: {  	s10 =	sld [smem:$0x3FAD];
	_ =	sdelay $0x3  }
0x33: {  	p0 =	seq.s32 s10, $0x1;
	s10 =	sld [smem:$0x3FAF];
	_ =	sdelay $0x3  }
0x34: {  	[smem:$0x3FAF] =	sst s10  }
0x35: {  	s10 =	sld [smem:$0x3FAE];
	_ =	sdelay $0x3  }
0x36: {  	p1 =	seq.s32 s10, $0x1;
	s10 =	sld [smem:$0x3FAF];
	_ =	sdelay $0x3  }
0x37: {  	[smem:$0x3FAF] =	sst s10  }
0x38: {  	s10 =	sld [smem:$0x3FB0]  }
0x39: {  	_ = 	snop;
	(pc) =	sbr.ind lr, $3  }
0x3a: {  	_ = 	snop  }
0x3b: {  	_ = 	snop  }
0x3c: {  	p2 =	seq.s32 s10, $0x1;
	s10 =	sld [smem:$0x3FAF]  }
0x3d: {  	_ =	shalt  }
0x3e: {  	_ =	shalt  }
0x3f: {  	_ =	shalt  }
0x40: {  	_ =	shalt  }
0x41: {  	_ =	shalt  }
0x42: {  	_ =	shalt  }
0x43: {  	_ =	shalt  }
0x44: {  	_ =	shalt  }
0x45: {  	_ =	shalt  }
0x46: {  	_ =	shalt  }
0x47: {  	_ =	shalt  }
0x48: {  	_ =	shalt  }
0x49: {  	_ =	shalt  }
0x4a: {  	_ =	shalt  }
0x4b: {  	_ =	shalt  }
0x4c: {  	_ =	shalt  }
0x4d: {  	_ =	shalt  }
0x4e: {  	_ =	shalt  }
0x4f: {  	_ =	shalt  }
0x50: {  	_ =	shalt  }
0x51: {  	_ =	shalt  }
0x52: {  	_ =	shalt  }
0x53: {  	_ =	shalt  }
0x54: {  	_ =	shalt  }
0x55: {  	_ =	shalt  }
0x56: {  	_ =	shalt  }
0x57: {  	_ =	shalt  }
0x58: {  	_ =	shalt  }
0x59: {  	_ =	shalt  }
0x5a: {  	_ =	shalt  }
0x5b: {  	_ =	shalt  }
0x5c: {  	_ =	shalt  }
0x5d: {  	_ =	shalt  }
0x5e: {  	_ =	shalt  }
0x5f: {  	_ =	shalt  }
0x60: {  	_ =	shalt  }
0x61: {  	_ =	shalt  }
0x62: {  	_ =	shalt  }
0x63: {  	_ =	shalt  }
0x64: {  	_ =	shalt  }
0x65: {  	_ =	shalt  }
0x66: {  	_ =	shalt  }
0x67: {  	_ =	shalt  }
0x68: {  	_ =	shalt  }
0x69: {  	_ =	shalt  }
0x6a: {  	_ =	shalt  }
0x6b: {  	_ =	shalt  }
0x6c: {  	_ =	shalt  }
0x6d: {  	_ =	shalt  }
0x6e: {  	_ =	shalt  }
0x6f: {  	_ =	shalt  }
0x70: {  	_ =	shalt  }
0x71: {  	_ =	shalt  }
0x72: {  	_ =	shalt  }
0x73: {  	_ =	shalt  }
0x74: {  	_ =	shalt  }
0x75: {  	_ =	shalt  }
0x76: {  	_ =	shalt  }
0x77: {  	_ =	shalt  }
0x78: {  	_ =	shalt  }
0x79: {  	_ =	shalt  }
0x7a: {  	_ =	shalt  }
0x7b: {  	_ =	shalt  }
0x7c: {  	_ =	shalt  }
0x7d: {  	_ =	shalt  }
0x7e: {  	_ =	shalt  }
0x7f: {  	_ =	shalt  }
0x80: {  	_ =	shalt  }
0x81: {  	_ =	shalt  }
0x82: {  	_ =	shalt  }
0x83: {  	_ =	shalt  }
0x84: {  	_ =	shalt  }
0x85: {  	_ =	shalt  }
0x86: {  	_ =	shalt  }
0x87: {  	_ =	shalt  }
.Lfunc_end0:
.L_simem_size_0:
called_computation_lowered:
.L_overlay_start_0:
0x88: {  	s2 =	sld [smem:$0x3FD9]  }
0x89: {  	s3 =	sld [smem:$0x3FFE];
	_ =	sdelay $0x1  }
0x8a: {  	s1 =	srdreg.scid  }
0x8b: {  	s0 =	sand.u32 $0x1, s1  }
0x8c: {  	s16 =	sshll.u32 s0, $0xA;
	s2 =	sadd.s32 s3, s2  }
0x8d: {  	s2 =	sadd.s32 s2, s16  }
0x8e: {  	[smem:$0x3FBB] =	sst s2  }
0x8f: {  	_ = 	snop  }
0x90: {  	(tm) =	ssettm $0x1  }
0x91: {  	s17 =	sld [smem:$0x3FFB];
	_ =	sdelay $0x3  }
0x92: {  	_ =	strace s17  }
0x93: {  	s2 =	sld [smem:$0x3FFC];
	_ =	sdelay $0x3  }
0x94: {  	_ =	strace s2  }
0x95: {  	s2 =	sld [smem:$0x3FFD];
	_ =	sdelay $0x3  }
0x96: {  	_ =	strace s2  }
0x97: {  	_ =	strace $0x8FFFFFFF  }
0x98: {  	s18 =	sld [smem:$0x3FDB];
	_ =	sdelay $0x1  }
0x99: {  	s19 =	simm.s32 $_scs_section_size  }
0x9a: {  	s4 =	simm.s32 $_size__tile_overlayer_lowered;
	s5 =	simm.s32 $_tile_overlayer_lowered  }
0x9b: {  	s22 =	simm.s32 $0x1BFF;
	s21 =	sshll.u32 s5, $0x1;
	s2 =	sadd.s32 s19, s18  }
0x9c: {  	s6 =	simm.s32 $0x0;
	s20 =	sshll.u32 s4, $0x1;
	s4 =	sadd.s32 s21, s2  }
0x9d: {  	[timem:s6], [sflag:s22] =	dma.local [hbm:s4], s20  }
0x9e: {  	_ =	swait.ge [sflag:s22], s20  }
0x9f: {  	s3 =	ssub.s32 $0x0, s20;
	[sflag:s22] =	ssyncset.done $0x0  }
0xa0: {  	[sflag:s22] =	ssyncadd.s32 s3;
	_ =	sdelay $0x1  }
0xa1: {  	s23 =	simm.s32 $0x1B8B  }
0xa2: {  	_ =	swait.ge [sflag:s23], $0x1  }
0xa3: {  	[sflag:s23] =	ssyncset.done $0x0  }
0xa4: {  	s25 =	simm.s32 $0x1B8E;
	s24 =	sld [smem:$0x3FFE];
	[sflag:s23] =	ssyncadd.s32 $0xFFFFFFFF  }
0xa5: {  	s26 =	simm.s32 $execute0_lowered;
	[smem:$0x3FD2] =	sst s25  }
0xa6: {  	s4 =	sshll.u32 s26, $0x1;
	_ =	strace $0x80000046;
	[dreg:$0x1] =	wrdreg $0xFFFFFFFF  }
0xa7: {  	s28 =	simm.s32 $_size_execute0_lowered;
	s2 =	sadd.s32 s2, s4;
	[dreg:$0x0] =	wrdreg $0x0  }
0xa8: {  	s4 =	sshll.u32 s28, $0x1;
	[dreg:$0x2] =	wrdreg s2  }
0xa9: {  	[dreg:$0x3] =	wrdreg s4  }
0xaa: {  	[dreg:$0x4] =	wrdreg $0xC0  }
0xab: {  	_ =	task [dreg:s6], $0x5FFFF  }
0xac: {  	[dreg:$0x1] =	wrdreg $0xFFFFFFFF  }
0xad: {  	[dreg:$0x0] =	wrdreg $0x60  }
0xae: {  	[dreg:$0x2] =	wrdreg s24  }
0xaf: {  	[dreg:$0x3] =	wrdreg $0x9  }
0xb0: {  	_ =	task.clear_ibuf [dreg:s6], $0x4FFFF;
	_ =	strace $0x90000046  }
0xb1: {  	s29 =	simm.s32 $0x9;
	_ =	strace $0x80000048  }
0xb2: {  	_ =	swait.ge [sflag:s29], $0x1  }
0xb3: {  	[sflag:s29] =	ssyncadd.s32 $0xFFFFFFFF  }
0xb4: {  	_ =	strace $0x90000048  }
0xb5: {  	_ =	sfence  }
0xb6: {  	s30 =	sld [smem:$0x0];
	_ =	sdelay $0x2  }
0xb7: {  	s31 =	sshll.u32 s1, $0xD;
	s1 =	sshrl.u32 s1, $0x2  }
0xb8: {  	s3 =	sand.u32 $0x4000, s31;
	s1 =	sadd.s32 s1, s30  }
0xb9: {  	s0 =	sor.u32 s3, s0;
	s1 =	sshll.u32 s1, $0x11  }
0xba: {  	s0 =	sor.u32 s1, s0  }
0xbb: {  	s0 =	sadd.s32 $0x8F2B, s0  }
0xbc: {  	[sflag:s0] =	ssyncadd.remote.s32 $0x1  }
0xbd: {  	_ =	sfence.sel $0xFFFF  }
0xbe: {  	[dreg:$0x0] =	wrdreg $0xFFFFFFFF;
	(pc) =	sbr.abs _section_cstart, $3  }
0xbf: {  	[dreg:$0x1] =	wrdreg $0xFFFFFFFF  }
0xc0: {  	_ =	task.clear_ibuf [dreg:s6], $0x2FFFF;
	_ =	strace $0x9FFFFFFF  }
0xc1: {  	(tm) =	ssettm $0x7FFFFFFF  }
tec
execute0_lowered:
.L_overlay_start_1:
0x0: {  	(tag) =	ssettag $0x1  }
0x1: {  	s1 =	srdreg.scid  }
0x2: {  	s0 =	stileid.u32;
	s6 =	sand.u32 $0x1, s1  }
0x3: {  	s8 =	rddreg [dreg:$0x0];
	s30 =	sshll.u32 s0, $0xD;
	s2 =	sshll.u32 s6, $0xC  }
0x4: {  	s7 =	simm.s32 $0x1;
	s1 =	rddreg [dreg:$0x1];
	s9 =	sor.u32 s2, s30  }
0x5: {  	s5 =	sadd.s32 $0xA9C00, s8;
	s2 =	simm.s32 $0x0;
	s3 =	sshrl.u32 s9, $0x3  }
0x6: {  	s10 =	ssub.s32 $0x2, s6;
	[smem:$0x7FF] =	sst s2;
	s3 =	sadd.s32 s3, s8  }
0x7: {  	_ =	strace $0x80000047;
	s4 =	sadd.s32 $0x45C00, s3;
	s3 =	simm.s32 $0x2  }
0x8: {  	[tilespmem:s2], [sflag:$0x2] =	stream.linear.gather [hbm4b:s4+s2], $0x1000, $0x38;
	[tilespmem:$0x11000] =	vst v63  }
0x9: {  	s6 =	simm.s32 $0x1000;
	s11 =	sshrl.u32 s10, $0x1;
	_ =	swait.ge [sflag:s3], $0x1000  }
0xa: {  	s9 =	sshll.u32 s9, $0x1;
	s31 =	ssub.s32 s10, s11;
	[sflag:s3] =	ssyncset.done $0x0  }
0xb: {  	s8 =	sadd.s32 s9, s8;
	s9 =	smax.u32 s31, $0x1;
	[sflag:s3] =	ssyncadd.s32 $0xFFFFF000  }
0xc: {  	[tilespmem:s6], [sflag:$0x1] =	stream.indirect.gather [hbm4b:s5+s6], $0x10, s2, s6, $0xb8;
	[tilespmem:$0x11000] =	vst v63  }
0xd: {  	p0 =	sne.s32 s9, $0x1;
	_ =	swait.ge [sflag:s7], $0x10000  }
.Ltmp0:
0xe: {  	[sflag:s7] =	ssyncset.done $0x0;
	(pc) =	sbr.rel @!p0 .LBB2_2-.Ltmp0, $4  }
0xf: {  	s8 =	sadd.s32 $0xADC00, s8;
	[sflag:s7] =	ssyncadd.s32 $0xFFFF0000  }
0x10: {  	[hbm4b:s8+s2] =	stream.linear.scatter [tilespmem:s6], [sflag:$0x2], $0x10000, $0x38;
	[tilespmem:$0x11000] =	vst v63  }
0x11: {  	_ =	swait.ge [sflag:s3], $0x10000  }
0x12: {  	s9 =	sadd.s32 $0xFFFFFFFF, s9;
	[sflag:s3] =	ssyncset.done $0x0  }
.LBB2_1:
0x13: {  	p0 =	sne.s32 s9, $0x1;
	s9 =	sadd.s32 $0xFFFFFFFF, s9;
	[sflag:s3] =	ssyncadd.s32 $0xFFFF0000  }
0x14: {  	[tilespmem:s2], [sflag:$0x2] =	stream.linear.gather [hbm4b:s4+s2], $0x1000, $0x38;
	[tilespmem:$0x11000] =	vst v63  }
0x15: {  	_ =	swait.ge [sflag:s3], $0x1000  }
0x16: {  	[sflag:s3] =	ssyncset.done $0x0  }
0x17: {  	[sflag:s3] =	ssyncadd.s32 $0xFFFFF000  }
0x18: {  	[tilespmem:s6], [sflag:$0x1] =	stream.indirect.gather [hbm4b:s5+s6], $0x10, s2, s6, $0xb8;
	[tilespmem:$0x11000] =	vst v63  }
0x19: {  	_ =	swait.ge [sflag:s7], $0x10000  }
.Ltmp1:
0x1a: {  	[sflag:s7] =	ssyncset.done $0x0;
	(pc) =	sbr.rel @p0 .LBB2_1-.Ltmp1, $4  }
0x1b: {  	[sflag:s7] =	ssyncadd.s32 $0xFFFF0000  }
0x1c: {  	[hbm4b:s8+s2] =	stream.linear.scatter [tilespmem:s6], [sflag:$0x2], $0x10000, $0x38;
	[tilespmem:$0x11000] =	vst v63  }
0x1d: {  	_ =	swait.ge [sflag:s3], $0x10000  }
0x1e: {  	[sflag:s3] =	ssyncset.done $0x0  }
.LBB2_2:
0x1f: {  	[sflag:s3] =	ssyncadd.s32 $0xFFFF0000  }
0x20: {  	_ =	sfence.sel $0x180000  }
0x21: {  	[bflag:$0x0] =	sbarrier.arrive $0xFFFF  }
0x22: {  	p0 =	sne.s32 s0, $0x0;
	_ =	strace $0x90000047  }
0x23: {  	s0 =	sadd.s32 @!p0 $0x100000, s1;
	[bflag:$0x2] =	sbarrier.arrive $0xFFFF  }
0x24: {  	[sflag:s0] =	ssyncadd.tile.s32 @!p0 $0x1;
	_ =	shalt  }
.Lfunc_end2:
_tile_overlayer_lowered:
.L_overlay_start_2:
0x25: {  	(tag) =	ssettag $0x2  }
0x26: {  	s0 =	rddreg [dreg:$0x0];
	s2 =	stileid.u32  }
0x27: {  	s1 =	rddreg [dreg:$0x1];
	p0 =	sne.s32 s2, $0x0  }
0x28: {  	s3 =	rddreg [dreg:$0x2];
	[bflag:$0x3] =	sbarrier.arrive $0xFFFF;
	s2 =	simm.s32 @!p0 $0x1C02  }
0x29: {  	[timem:s3], [sflag:s2] =	dma.local @!p0 [hbm:s0], s1  }
0x2a: {  	s0 =	simm.s32 @!p0 $0x2  }
0x2b: {  	_ =	swait.ge @!p0 [sflag:s0], s1  }
0x2c: {  	s1 =	ssub.s32 @!p0 $0x0, s1;
	[sflag:s0] =	ssyncset.done @!p0 $0x0  }
0x2d: {  	[sflag:s0] =	ssyncadd.s32 @!p0 s1  }
0x2e: {  	[bflag:$0x3] =	sbarrier.arrive $0xFFFF  }
0x2f: {  	_ =	shalt  }

// kernel: kernel.31.cloned.1.call-start
scs
__scs_entry_jumppad:
0x0: {  	(pc) =	sbr.rel $0x88, $3  }
0x1: {  	(tag) =	ssettag $0x0;
	lr =	simm.s32 $0x1  }
0x2: {  	[smem:$0x3F94] =	sst lr;
	_ =	strace $0xD0000000  }
0x3: {  	_ = 	snop  }
0x4: {  	_ = 	snop  }
0x5: {  	_ = 	snop  }
0x6: {  	_ = 	snop  }
0x7: {  	_ = 	snop  }
__scs_overlays_trampoline_lowered:
0x8: {  	[smem:$0x3FA3] =	sst s0  }
0x9: {  	[smem:$0x3FA4] =	sst s1  }
0xa: {  	[smem:$0x3FA5] =	sst s2  }
0xb: {  	[smem:$0x3FA6] =	sst s3  }
0xc: {  	[smem:$0x3FA7] =	sst s4  }
0xd: {  	[smem:$0x3FA8] =	sst s5  }
0xe: {  	[smem:$0x3FA9] =	sst s6  }
0xf: {  	[smem:$0x3FAA] =	sst s7  }
0x10: {  	[smem:$0x3FAB] =	sst s8  }
0x11: {  	[smem:$0x3FAC] =	sst s9;
	s0 =	simm.s32 @!p0 $0x0  }
0x12: {  	s1 =	sld [smem:$0x3F92];
	s0 =	simm.s32 @p0 $0x1  }
0x13: {  	[smem:$0x3FAD] =	sst s0;
	s0 =	simm.s32 @!p1 $0x0  }
0x14: {  	s2 =	sld [smem:$0x3F91];
	s0 =	simm.s32 @p1 $0x1  }
0x15: {  	[smem:$0x3FAE] =	sst s0;
	s0 =	simm.s32 @!p2 $0x0  }
0x16: {  	s3 =	sld [smem:$0x3FDB];
	s0 =	simm.s32 @p2 $0x1  }
0x17: {  	s4 =	simm.s32 $0x1BF5;
	[smem:$0x3FB0] =	sst s0  }
0x18: {  	s0 =	sld [smem:$0x3F93];
	_ =	swait.ge [sflag:s4], $0x0  }
0x19: {  	s7 =	sld [smem:$0x3F94]  }
0x1a: {  	s8 =	sadd.s32 $0xFFFFE003, lr  }
0x1b: {  	s9 =	sadd.s32 $0xFFFFFEF7, lr;
	s5 =	simm.s32 $0xFFFFFFFF;
	p2 =	slt.u32 s8, $0xFFFFF086  }
0x1c: {  	p1 =	slt.u32 s9, $0xF7A;
	s5 =	simm.s32 @!p2 $0x0  }
0x1d: {  	s5 =	simm.s32 @p1 $0x1;
	p0 =	seq.s32 s7, s2  }
0x1e: {  	s7 =	smul.u32 @!p0 $0xF7A, s2;
	p2 =	seq.s32 @!p0 s5, $0x0  }
0x1f: {  	s9 =	smul.u32 $0xF7A, s1;
	s8 =	simm.s32 @!p0 $0x1BF5;
	p2 =	por !p2, p0  }
0x20: {  	[sflag:s8] =	ssyncset.s32 @!p0 $0xFFFFF086;
	s6 =	sadd.s32 @!p0 s3, s7;
	s7 =	simm.s32 @!p0 $0x108  }
0x21: {  	s3 =	sadd.s32 s3, s9;
	s6 =	sadd.s32 @!p0 $0x88, s6;
	s7 =	simm.s32 @p2 $0x1082  }
0x22: {  	[simem:s7], [sflag:s8] =	dma.local @!p0 [hbm:s6], $0xF7A  }
0x23: {  	s9 =	sor.u32 $0xD0000000, s2;
	s6 =	simm.s32 $0x108;
	_ =	swait.ge @!p0 [sflag:s8], $0x0  }
0x24: {  	s3 =	sadd.s32 $0x88, s3;
	s6 =	simm.s32 @!p1 $0x1082;
	[sflag:s4] =	ssyncset.s32 $0xFFFFF086  }
0x25: {  	[simem:s6], [sflag:s4] =	dma.local [hbm:s3], $0xF7A  }
0x26: {  	[smem:$0x3F94] =	sst s1;
	(tag) =	ssettag s2;
	_ =	strace s9  }
0x27: {  	s1 =	sld [smem:$0x3FA4]  }
0x28: {  	s2 =	sld [smem:$0x3FA5]  }
0x29: {  	s4 =	sld [smem:$0x3FA7]  }
0x2a: {  	p0 =	seq.s32 s5, $0x0;
	s5 =	sld [smem:$0x3FA8]  }
0x2b: {  	s6 =	sld [smem:$0x3FA9]  }
0x2c: {  	s7 =	sld [smem:$0x3FAA]  }
0x2d: {  	s3 =	simm.s32 $0x108;
	s8 =	sld [smem:$0x3FAB]  }
0x2e: {  	s3 =	simm.s32 @!p0 $0x1082;
	s9 =	sld [smem:$0x3FAC]  }
0x2f: {  	lr =	sadd.s32 s0, s3;
	s0 =	sld [smem:$0x3FA3]  }
0x30: {  	s3 =	sld [smem:$0x3FA6]  }
0x31: {  	[smem:$0x3FAF] =	sst s10  }
0x32: {  	s10 =	sld [smem:$0x3FAD];
	_ =	sdelay $0x3  }
0x33: {  	p0 =	seq.s32 s10, $0x1;
	s10 =	sld [smem:$0x3FAF];
	_ =	sdelay $0x3  }
0x34: {  	[smem:$0x3FAF] =	sst s10  }
0x35: {  	s10 =	sld [smem:$0x3FAE];
	_ =	sdelay $0x3  }
0x36: {  	p1 =	seq.s32 s10, $0x1;
	s10 =	sld [smem:$0x3FAF];
	_ =	sdelay $0x3  }
0x37: {  	[smem:$0x3FAF] =	sst s10  }
0x38: {  	s10 =	sld [smem:$0x3FB0]  }
0x39: {  	_ = 	snop;
	(pc) =	sbr.ind lr, $3  }
0x3a: {  	_ = 	snop  }
0x3b: {  	_ = 	snop  }
0x3c: {  	p2 =	seq.s32 s10, $0x1;
	s10 =	sld [smem:$0x3FAF]  }
0x3d: {  	_ =	shalt  }
0x3e: {  	_ =	shalt  }
0x3f: {  	_ =	shalt  }
0x40: {  	_ =	shalt  }
0x41: {  	_ =	shalt  }
0x42: {  	_ =	shalt  }
0x43: {  	_ =	shalt  }
0x44: {  	_ =	shalt  }
0x45: {  	_ =	shalt  }
0x46: {  	_ =	shalt  }
0x47: {  	_ =	shalt  }
0x48: {  	_ =	shalt  }
0x49: {  	_ =	shalt  }
0x4a: {  	_ =	shalt  }
0x4b: {  	_ =	shalt  }
0x4c: {  	_ =	shalt  }
0x4d: {  	_ =	shalt  }
0x4e: {  	_ =	shalt  }
0x4f: {  	_ =	shalt  }
0x50: {  	_ =	shalt  }
0x51: {  	_ =	shalt  }
0x52: {  	_ =	shalt  }
0x53: {  	_ =	shalt  }
0x54: {  	_ =	shalt  }
0x55: {  	_ =	shalt  }
0x56: {  	_ =	shalt  }
0x57: {  	_ =	shalt  }
0x58: {  	_ =	shalt  }
0x59: {  	_ =	shalt  }
0x5a: {  	_ =	shalt  }
0x5b: {  	_ =	shalt  }
0x5c: {  	_ =	shalt  }
0x5d: {  	_ =	shalt  }
0x5e: {  	_ =	shalt  }
0x5f: {  	_ =	shalt  }
0x60: {  	_ =	shalt  }
0x61: {  	_ =	shalt  }
0x62: {  	_ =	shalt  }
0x63: {  	_ =	shalt  }
0x64: {  	_ =	shalt  }
0x65: {  	_ =	shalt  }
0x66: {  	_ =	shalt  }
0x67: {  	_ =	shalt  }
0x68: {  	_ =	shalt  }
0x69: {  	_ =	shalt  }
0x6a: {  	_ =	shalt  }
0x6b: {  	_ =	shalt  }
0x6c: {  	_ =	shalt  }
0x6d: {  	_ =	shalt  }
0x6e: {  	_ =	shalt  }
0x6f: {  	_ =	shalt  }
0x70: {  	_ =	shalt  }
0x71: {  	_ =	shalt  }
0x72: {  	_ =	shalt  }
0x73: {  	_ =	shalt  }
0x74: {  	_ =	shalt  }
0x75: {  	_ =	shalt  }
0x76: {  	_ =	shalt  }
0x77: {  	_ =	shalt  }
0x78: {  	_ =	shalt  }
0x79: {  	_ =	shalt  }
0x7a: {  	_ =	shalt  }
0x7b: {  	_ =	shalt  }
0x7c: {  	_ =	shalt  }
0x7d: {  	_ =	shalt  }
0x7e: {  	_ =	shalt  }
0x7f: {  	_ =	shalt  }
0x80: {  	_ =	shalt  }
0x81: {  	_ =	shalt  }
0x82: {  	_ =	shalt  }
0x83: {  	_ =	shalt  }
0x84: {  	_ =	shalt  }
0x85: {  	_ =	shalt  }
0x86: {  	_ =	shalt  }
0x87: {  	_ =	shalt  }
.Lfunc_end0:
.L_simem_size_0:
called_computation.1_lowered:
.L_overlay_start_0:
0x88: {  	s2 =	sld [smem:$0x3FD9]  }
0x89: {  	s3 =	sld [smem:$0x3FFE];
	_ =	sdelay $0x1  }
0x8a: {  	s1 =	srdreg.scid  }
0x8b: {  	s0 =	sand.u32 $0x1, s1  }
0x8c: {  	s17 =	sshll.u32 s0, $0xA;
	s2 =	sadd.s32 s3, s2  }
0x8d: {  	s2 =	sadd.s32 s2, s17  }
0x8e: {  	[smem:$0x3FBB] =	sst s2  }
0x8f: {  	_ = 	snop  }
0x90: {  	(tm) =	ssettm $0x1  }
0x91: {  	s18 =	sld [smem:$0x3FFB];
	_ =	sdelay $0x3  }
0x92: {  	_ =	strace s18  }
0x93: {  	s2 =	sld [smem:$0x3FFC];
	_ =	sdelay $0x3  }
0x94: {  	_ =	strace s2  }
0x95: {  	s2 =	sld [smem:$0x3FFD];
	_ =	sdelay $0x3  }
0x96: {  	_ =	strace s2  }
0x97: {  	_ =	strace $0x8FFFFFFF  }
0x98: {  	s19 =	sld [smem:$0x3FDB];
	_ =	sdelay $0x1  }
0x99: {  	s20 =	simm.s32 $_scs_section_size  }
0x9a: {  	s4 =	simm.s32 $_size__tile_overlayer_lowered;
	s5 =	simm.s32 $_tile_overlayer_lowered  }
0x9b: {  	s6 =	simm.s32 $0x1BFF;
	s21 =	sshll.u32 s5, $0x1;
	s3 =	sadd.s32 s20, s19  }
0x9c: {  	s22 =	simm.s32 $0x0;
	s4 =	sshll.u32 s4, $0x1;
	s5 =	sadd.s32 s21, s3  }
0x9d: {  	[timem:s22], [sflag:s6] =	dma.local [hbm:s5], s4  }
0x9e: {  	_ =	swait.ge [sflag:s6], s4  }
0x9f: {  	s4 =	ssub.s32 $0x0, s4;
	[sflag:s6] =	ssyncset.done $0x0  }
0xa0: {  	[sflag:s6] =	ssyncadd.s32 s4;
	_ =	sdelay $0x1  }
0xa1: {  	s23 =	simm.s32 $0x1B8B  }
0xa2: {  	_ =	swait.ge [sflag:s23], $0x1  }
0xa3: {  	[sflag:s23] =	ssyncset.done $0x0  }
0xa4: {  	[sflag:s23] =	ssyncadd.s32 $0xFFFFFFFF  }
0xa5: {  	s4 =	sld [smem:$0x0]  }
0xa6: {  	s5 =	sand.u32 $0xFFFFFFFE, s1  }
0xa7: {  	p0 =	sne.s32 s1, s5  }
0xa8: {  	s5 =	sshll.u32 @p0 s5, $0xE  }
0xa9: {  	s5 =	sadd.s32 @p0 $0x11B8D, s5;
	s6 =	sshll.u32 @p0 s4, $0x11  }
0xaa: {  	s5 =	sor.u32 @p0 s6, s5  }
0xab: {  	[sflag:s5] =	ssyncadd.remote.s32 @p0 $0x1;
	_ =	sdelay $0x1  }
0xac: {  	s5 =	simm.s32 @p0 $0x1B8D  }
0xad: {  	_ =	swait.eq @p0 [sflag:s5], $0x1  }
0xae: {  	[sflag:s5] =	ssyncadd.s32 @p0 $0xFFFFFFFF  }
0xaf: {  	s6 =	sshll.u32 @!p0 s1, $0xE  }
0xb0: {  	s6 =	sor.u32 @!p0 $0x4000, s6;
	s5 =	simm.s32 @!p0 $0x1B8D  }
0xb1: {  	s4 =	sshll.u32 @!p0 s4, $0x11;
	s6 =	sadd.s32 @!p0 $0x11B8D, s6;
	_ =	swait.eq @!p0 [sflag:s5], $0x1  }
0xb2: {  	s4 =	sor.u32 @!p0 s4, s6;
	[sflag:s5] =	ssyncadd.s32 @!p0 $0xFFFFFFFF  }
0xb3: {  	s25 =	simm.s32 $0x1B8E;
	s24 =	sld [smem:$0x3FFE];
	[sflag:s4] =	ssyncadd.remote.s32 @!p0 $0x1  }
0xb4: {  	s26 =	simm.s32 $execute0_lowered;
	[smem:$0x3FD2] =	sst s25  }
0xb5: {  	s5 =	sshll.u32 s26, $0x1;
	_ =	strace $0x80000049;
	[dreg:$0x1] =	wrdreg $0xFFFFFFFF  }
0xb6: {  	s28 =	simm.s32 $_size_execute0_lowered;
	s3 =	sadd.s32 s3, s5;
	[dreg:$0x0] =	wrdreg $0x0  }
0xb7: {  	s5 =	sshll.u32 s28, $0x1;
	[dreg:$0x2] =	wrdreg s3  }
0xb8: {  	[dreg:$0x3] =	wrdreg s5  }
0xb9: {  	[dreg:$0x4] =	wrdreg $0xC0  }
0xba: {  	_ =	task [dreg:s22], $0x5FFFF  }
0xbb: {  	[dreg:$0x1] =	wrdreg $0xFFFFFFFF  }
0xbc: {  	[dreg:$0x0] =	wrdreg $0x60  }
0xbd: {  	[dreg:$0x2] =	wrdreg s24  }
0xbe: {  	[dreg:$0x3] =	wrdreg $0xA  }
0xbf: {  	_ =	task.clear_ibuf [dreg:s22], $0x4FFFF;
	_ =	strace $0x90000049  }
0xc0: {  	s29 =	simm.s32 $0xA;
	_ =	strace $0x8000004B  }
0xc1: {  	_ =	swait.ge [sflag:s29], $0x1  }
0xc2: {  	[sflag:s29] =	ssyncadd.s32 $0xFFFFFFFF  }
0xc3: {  	_ =	strace $0x9000004B  }
0xc4: {  	_ =	sfence  }
0xc5: {  	s30 =	sld [smem:$0x0];
	_ =	sdelay $0x2  }
0xc6: {  	s31 =	sshll.u32 s1, $0xD;
	s1 =	sshrl.u32 s1, $0x2  }
0xc7: {  	s4 =	sand.u32 $0x4000, s31;
	s1 =	sadd.s32 s1, s30  }
0xc8: {  	s0 =	sor.u32 s4, s0;
	s1 =	sshll.u32 s1, $0x11  }
0xc9: {  	s0 =	sor.u32 s1, s0  }
0xca: {  	s0 =	sadd.s32 $0x8F2B, s0  }
0xcb: {  	[sflag:s0] =	ssyncadd.remote.s32 $0x1  }
0xcc: {  	_ =	sfence.sel $0xFFFF  }
0xcd: {  	[dreg:$0x0] =	wrdreg $0xFFFFFFFF;
	(pc) =	sbr.abs _section_cstart, $3  }
0xce: {  	[dreg:$0x1] =	wrdreg $0xFFFFFFFF  }
0xcf: {  	_ =	task.clear_ibuf [dreg:s22], $0x2FFFF;
	_ =	strace $0x9FFFFFFF  }
0xd0: {  	(tm) =	ssettm $0x7FFFFFFF  }
0xd1: {  	_ =	shalt  }
tec
execute0_lowered:
.L_overlay_start_1:
0x0: {  	(tag) =	ssettag $0x1  }
0x1: {  	s1 =	srdreg.scid  }
0x2: {  	s0 =	stileid.u32;
	s6 =	sand.u32 $0x1, s1  }
0x3: {  	s8 =	rddreg [dreg:$0x0];
	s30 =	sshll.u32 s0, $0xD;
	s2 =	sshll.u32 s6, $0xC  }
0x4: {  	s7 =	simm.s32 $0x1;
	s1 =	rddreg [dreg:$0x1];
	s9 =	sor.u32 s2, s30  }
0x5: {  	s5 =	sadd.s32 $0x8DC00, s8;
	s2 =	simm.s32 $0x0;
	s3 =	sshrl.u32 s9, $0x3  }
0x6: {  	s10 =	ssub.s32 $0x2, s6;
	[smem:$0x7FF] =	sst s2;
	s3 =	sadd.s32 s3, s8  }
0x7: {  	_ =	strace $0x8000004A;
	s4 =	sadd.s32 $0x89C00, s3;
	s3 =	simm.s32 $0x2  }
0x8: {  	[tilespmem:s2], [sflag:$0x2] =	stream.linear.gather [hbm4b:s4+s2], $0x1000, $0x38;
	[tilespmem:$0x11000] =	vst v63  }
0x9: {  	s6 =	simm.s32 $0x1000;
	s11 =	sshrl.u32 s10, $0x1;
	_ =	swait.ge [sflag:s3], $0x1000  }
0xa: {  	s9 =	sshll.u32 s9, $0x1;
	s31 =	ssub.s32 s10, s11;
	[sflag:s3] =	ssyncset.done $0x0  }
0xb: {  	s8 =	sadd.s32 s9, s8;
	s9 =	smax.u32 s31, $0x1;
	[sflag:s3] =	ssyncadd.s32 $0xFFFFF000  }
0xc: {  	[tilespmem:s6], [sflag:$0x1] =	stream.indirect.gather [hbm4b:s5+s6], $0x10, s2, s6, $0xb8;
	[tilespmem:$0x11000] =	vst v63  }
0xd: {  	p0 =	sne.s32 s9, $0x1;
	_ =	swait.ge [sflag:s7], $0x10000  }
.Ltmp0:
0xe: {  	[sflag:s7] =	ssyncset.done $0x0;
	(pc) =	sbr.rel @!p0 .LBB2_2-.Ltmp0, $4  }
0xf: {  	s8 =	sadd.s32 $0xEDC00, s8;
	[sflag:s7] =	ssyncadd.s32 $0xFFFF0000  }
0x10: {  	[hbm4b:s8+s2] =	stream.linear.scatter [tilespmem:s6], [sflag:$0x2], $0x10000, $0x38;
	[tilespmem:$0x11000] =	vst v63  }
0x11: {  	_ =	swait.ge [sflag:s3], $0x10000  }
0x12: {  	s9 =	sadd.s32 $0xFFFFFFFF, s9;
	[sflag:s3] =	ssyncset.done $0x0  }
.LBB2_1:
0x13: {  	p0 =	sne.s32 s9, $0x1;
	s9 =	sadd.s32 $0xFFFFFFFF, s9;
	[sflag:s3] =	ssyncadd.s32 $0xFFFF0000  }
0x14: {  	[tilespmem:s2], [sflag:$0x2] =	stream.linear.gather [hbm4b:s4+s2], $0x1000, $0x38;
	[tilespmem:$0x11000] =	vst v63  }
0x15: {  	_ =	swait.ge [sflag:s3], $0x1000  }
0x16: {  	[sflag:s3] =	ssyncset.done $0x0  }
0x17: {  	[sflag:s3] =	ssyncadd.s32 $0xFFFFF000  }
0x18: {  	[tilespmem:s6], [sflag:$0x1] =	stream.indirect.gather [hbm4b:s5+s6], $0x10, s2, s6, $0xb8;
	[tilespmem:$0x11000] =	vst v63  }
0x19: {  	_ =	swait.ge [sflag:s7], $0x10000  }
.Ltmp1:
0x1a: {  	[sflag:s7] =	ssyncset.done $0x0;
	(pc) =	sbr.rel @p0 .LBB2_1-.Ltmp1, $4  }
0x1b: {  	[sflag:s7] =	ssyncadd.s32 $0xFFFF0000  }
0x1c: {  	[hbm4b:s8+s2] =	stream.linear.scatter [tilespmem:s6], [sflag:$0x2], $0x10000, $0x38;
	[tilespmem:$0x11000] =	vst v63  }
0x1d: {  	_ =	swait.ge [sflag:s3], $0x10000  }
0x1e: {  	[sflag:s3] =	ssyncset.done $0x0  }
.LBB2_2:
0x1f: {  	[sflag:s3] =	ssyncadd.s32 $0xFFFF0000  }
0x20: {  	_ =	sfence.sel $0x180000  }
0x21: {  	[bflag:$0x0] =	sbarrier.arrive $0xFFFF  }
0x22: {  	p0 =	sne.s32 s0, $0x0;
	_ =	strace $0x9000004A  }
0x23: {  	s0 =	sadd.s32 @!p0 $0x100000, s1;
	[bflag:$0x2] =	sbarrier.arrive $0xFFFF  }
0x24: {  	[sflag:s0] =	ssyncadd.tile.s32 @!p0 $0x1;
	_ =	shalt  }
.Lfunc_end2:
_tile_overlayer_lowered:
.L_overlay_start_2:
0x25: {  	(tag) =	ssettag $0x2  }
0x26: {  	s0 =	rddreg [dreg:$0x0];
	s2 =	stileid.u32  }
0x27: {  	s1 =	rddreg [dreg:$0x1];
	p0 =	sne.s32 s2, $0x0  }
0x28: {  	s3 =	rddreg [dreg:$0x2];
	[bflag:$0x3] =	sbarrier.arrive $0xFFFF;
	s2 =	simm.s32 @!p0 $0x1C02  }
0x29: {  	[timem:s3], [sflag:s2] =	dma.local @!p0 [hbm:s0], s1  }
0x2a: {  	s0 =	simm.s32 @!p0 $0x2  }
0x2b: {  	_ =	swait.ge @!p0 [sflag:s0], s1  }
0x2c: {  	s1 =	ssub.s32 @!p0 $0x0, s1;
	[sflag:s0] =	ssyncset.done @!p0 $0x0  }
0x2d: {  	[sflag:s0] =	ssyncadd.s32 @!p0 s1  }
0x2e: {  	[bflag:$0x3] =	sbarrier.arrive $0xFFFF  }
0x2f: {  	_ =	shalt  }

// kernel: kernel.34.cloned.1.call-start
scs
__scs_entry_jumppad:
0x0: {  	(pc) =	sbr.rel $0x88, $3  }
0x1: {  	(tag) =	ssettag $0x0;
	lr =	simm.s32 $0x1  }
0x2: {  	[smem:$0x3F94] =	sst lr;
	_ =	strace $0xD0000000  }
0x3: {  	_ = 	snop  }
0x4: {  	_ = 	snop  }
0x5: {  	_ = 	snop  }
0x6: {  	_ = 	snop  }
0x7: {  	_ = 	snop  }
__scs_overlays_trampoline_lowered:
0x8: {  	[smem:$0x3FA3] =	sst s0  }
0x9: {  	[smem:$0x3FA4] =	sst s1  }
0xa: {  	[smem:$0x3FA5] =	sst s2  }
0xb: {  	[smem:$0x3FA6] =	sst s3  }
0xc: {  	[smem:$0x3FA7] =	sst s4  }
0xd: {  	[smem:$0x3FA8] =	sst s5  }
0xe: {  	[smem:$0x3FA9] =	sst s6  }
0xf: {  	[smem:$0x3FAA] =	sst s7  }
0x10: {  	[smem:$0x3FAB] =	sst s8  }
0x11: {  	[smem:$0x3FAC] =	sst s9;
	s0 =	simm.s32 @!p0 $0x0  }
0x12: {  	s1 =	sld [smem:$0x3F92];
	s0 =	simm.s32 @p0 $0x1  }
0x13: {  	[smem:$0x3FAD] =	sst s0;
	s0 =	simm.s32 @!p1 $0x0  }
0x14: {  	s2 =	sld [smem:$0x3F91];
	s0 =	simm.s32 @p1 $0x1  }
0x15: {  	[smem:$0x3FAE] =	sst s0;
	s0 =	simm.s32 @!p2 $0x0  }
0x16: {  	s3 =	sld [smem:$0x3FDB];
	s0 =	simm.s32 @p2 $0x1  }
0x17: {  	s4 =	simm.s32 $0x1BF5;
	[smem:$0x3FB0] =	sst s0  }
0x18: {  	s0 =	sld [smem:$0x3F93];
	_ =	swait.ge [sflag:s4], $0x0  }
0x19: {  	s7 =	sld [smem:$0x3F94]  }
0x1a: {  	s8 =	sadd.s32 $0xFFFFE003, lr  }
0x1b: {  	s9 =	sadd.s32 $0xFFFFFEF7, lr;
	s5 =	simm.s32 $0xFFFFFFFF;
	p2 =	slt.u32 s8, $0xFFFFF086  }
0x1c: {  	p1 =	slt.u32 s9, $0xF7A;
	s5 =	simm.s32 @!p2 $0x0  }
0x1d: {  	s5 =	simm.s32 @p1 $0x1;
	p0 =	seq.s32 s7, s2  }
0x1e: {  	s7 =	smul.u32 @!p0 $0xF7A, s2;
	p2 =	seq.s32 @!p0 s5, $0x0  }
0x1f: {  	s9 =	smul.u32 $0xF7A, s1;
	s8 =	simm.s32 @!p0 $0x1BF5;
	p2 =	por !p2, p0  }
0x20: {  	[sflag:s8] =	ssyncset.s32 @!p0 $0xFFFFF086;
	s6 =	sadd.s32 @!p0 s3, s7;
	s7 =	simm.s32 @!p0 $0x108  }
0x21: {  	s3 =	sadd.s32 s3, s9;
	s6 =	sadd.s32 @!p0 $0x88, s6;
	s7 =	simm.s32 @p2 $0x1082  }
0x22: {  	[simem:s7], [sflag:s8] =	dma.local @!p0 [hbm:s6], $0xF7A  }
0x23: {  	s9 =	sor.u32 $0xD0000000, s2;
	s6 =	simm.s32 $0x108;
	_ =	swait.ge @!p0 [sflag:s8], $0x0  }
0x24: {  	s3 =	sadd.s32 $0x88, s3;
	s6 =	simm.s32 @!p1 $0x1082;
	[sflag:s4] =	ssyncset.s32 $0xFFFFF086  }
0x25: {  	[simem:s6], [sflag:s4] =	dma.local [hbm:s3], $0xF7A  }
0x26: {  	[smem:$0x3F94] =	sst s1;
	(tag) =	ssettag s2;
	_ =	strace s9  }
0x27: {  	s1 =	sld [smem:$0x3FA4]  }
0x28: {  	s2 =	sld [smem:$0x3FA5]  }
0x29: {  	s4 =	sld [smem:$0x3FA7]  }
0x2a: {  	p0 =	seq.s32 s5, $0x0;
	s5 =	sld [smem:$0x3FA8]  }
0x2b: {  	s6 =	sld [smem:$0x3FA9]  }
0x2c: {  	s7 =	sld [smem:$0x3FAA]  }
0x2d: {  	s3 =	simm.s32 $0x108;
	s8 =	sld [smem:$0x3FAB]  }
0x2e: {  	s3 =	simm.s32 @!p0 $0x1082;
	s9 =	sld [smem:$0x3FAC]  }
0x2f: {  	lr =	sadd.s32 s0, s3;
	s0 =	sld [smem:$0x3FA3]  }
0x30: {  	s3 =	sld [smem:$0x3FA6]  }
0x31: {  	[smem:$0x3FAF] =	sst s10  }
0x32: {  	s10 =	sld [smem:$0x3FAD];
	_ =	sdelay $0x3  }
0x33: {  	p0 =	seq.s32 s10, $0x1;
	s10 =	sld [smem:$0x3FAF];
	_ =	sdelay $0x3  }
0x34: {  	[smem:$0x3FAF] =	sst s10  }
0x35: {  	s10 =	sld [smem:$0x3FAE];
	_ =	sdelay $0x3  }
0x36: {  	p1 =	seq.s32 s10, $0x1;
	s10 =	sld [smem:$0x3FAF];
	_ =	sdelay $0x3  }
0x37: {  	[smem:$0x3FAF] =	sst s10  }
0x38: {  	s10 =	sld [smem:$0x3FB0]  }
0x39: {  	_ = 	snop;
	(pc) =	sbr.ind lr, $3  }
0x3a: {  	_ = 	snop  }
0x3b: {  	_ = 	snop  }
0x3c: {  	p2 =	seq.s32 s10, $0x1;
	s10 =	sld [smem:$0x3FAF]  }
0x3d: {  	_ =	shalt  }
0x3e: {  	_ =	shalt  }
0x3f: {  	_ =	shalt  }
0x40: {  	_ =	shalt  }
0x41: {  	_ =	shalt  }
0x42: {  	_ =	shalt  }
0x43: {  	_ =	shalt  }
0x44: {  	_ =	shalt  }
0x45: {  	_ =	shalt  }
0x46: {  	_ =	shalt  }
0x47: {  	_ =	shalt  }
0x48: {  	_ =	shalt  }
0x49: {  	_ =	shalt  }
0x4a: {  	_ =	shalt  }
0x4b: {  	_ =	shalt  }
0x4c: {  	_ =	shalt  }
0x4d: {  	_ =	shalt  }
0x4e: {  	_ =	shalt  }
0x4f: {  	_ =	shalt  }
0x50: {  	_ =	shalt  }
0x51: {  	_ =	shalt  }
0x52: {  	_ =	shalt  }
0x53: {  	_ =	shalt  }
0x54: {  	_ =	shalt  }
0x55: {  	_ =	shalt  }
0x56: {  	_ =	shalt  }
0x57: {  	_ =	shalt  }
0x58: {  	_ =	shalt  }
0x59: {  	_ =	shalt  }
0x5a: {  	_ =	shalt  }
0x5b: {  	_ =	shalt  }
0x5c: {  	_ =	shalt  }
0x5d: {  	_ =	shalt  }
0x5e: {  	_ =	shalt  }
0x5f: {  	_ =	shalt  }
0x60: {  	_ =	shalt  }
0x61: {  	_ =	shalt  }
0x62: {  	_ =	shalt  }
0x63: {  	_ =	shalt  }
0x64: {  	_ =	shalt  }
0x65: {  	_ =	shalt  }
0x66: {  	_ =	shalt  }
0x67: {  	_ =	shalt  }
0x68: {  	_ =	shalt  }
0x69: {  	_ =	shalt  }
0x6a: {  	_ =	shalt  }
0x6b: {  	_ =	shalt  }
0x6c: {  	_ =	shalt  }
0x6d: {  	_ =	shalt  }
0x6e: {  	_ =	shalt  }
0x6f: {  	_ =	shalt  }
0x70: {  	_ =	shalt  }
0x71: {  	_ =	shalt  }
0x72: {  	_ =	shalt  }
0x73: {  	_ =	shalt  }
0x74: {  	_ =	shalt  }
0x75: {  	_ =	shalt  }
0x76: {  	_ =	shalt  }
0x77: {  	_ =	shalt  }
0x78: {  	_ =	shalt  }
0x79: {  	_ =	shalt  }
0x7a: {  	_ =	shalt  }
0x7b: {  	_ =	shalt  }
0x7c: {  	_ =	shalt  }
0x7d: {  	_ =	shalt  }
0x7e: {  	_ =	shalt  }
0x7f: {  	_ =	shalt  }
0x80: {  	_ =	shalt  }
0x81: {  	_ =	shalt  }
0x82: {  	_ =	shalt  }
0x83: {  	_ =	shalt  }
0x84: {  	_ =	shalt  }
0x85: {  	_ =	shalt  }
0x86: {  	_ =	shalt  }
0x87: {  	_ =	shalt  }
.Lfunc_end0:
.L_simem_size_0:
called_computation.2_lowered:
.L_overlay_start_0:
0x88: {  	s2 =	sld [smem:$0x3FD9]  }
0x89: {  	s3 =	sld [smem:$0x3FFE];
	_ =	sdelay $0x1  }
0x8a: {  	s1 =	srdreg.scid  }
0x8b: {  	s0 =	sand.u32 $0x1, s1  }
0x8c: {  	s14 =	sshll.u32 s0, $0xA;
	s2 =	sadd.s32 s3, s2  }
0x8d: {  	s2 =	sadd.s32 s2, s14  }
0x8e: {  	[smem:$0x3FBB] =	sst s2  }
0x8f: {  	_ = 	snop  }
0x90: {  	s2 =	sld [smem:$0x3FD0];
	_ =	sdelay $0x2  }
0x91: {  	s15 =	simm.s32 $0xB;
	s4 =	simm.s32 $0x10  }
0x92: {  	[smem:s4], [sflag:s15] =	dma.local [hbm:s2], $0x1  }
0x93: {  	_ =	swait.eq [sflag:s15], $0x1  }
0x94: {  	[sflag:s15] =	ssyncset.done $0x0  }
0x95: {  	[sflag:s15] =	ssyncadd.s32 $0xFFFFFFFF  }
0x96: {  	s16 =	sld [smem:$0x10];
	(tm) =	ssettm $0x1  }
0x97: {  	s17 =	sld [smem:$0x3FFB];
	_ =	sdelay $0x3  }
0x98: {  	_ =	strace s17  }
0x99: {  	s3 =	sld [smem:$0x3FFC];
	_ =	sdelay $0x3  }
0x9a: {  	_ =	strace s3  }
0x9b: {  	s3 =	sld [smem:$0x3FFD];
	_ =	sdelay $0x3  }
0x9c: {  	_ =	strace s3  }
0x9d: {  	_ =	strace $0x8FFFFFFF  }
0x9e: {  	s18 =	sld [smem:$0x3FDB];
	_ =	sdelay $0x1  }
0x9f: {  	s19 =	simm.s32 $_scs_section_size  }
0xa0: {  	s5 =	simm.s32 $_size__tile_overlayer_lowered;
	s6 =	simm.s32 $_tile_overlayer_lowered  }
0xa1: {  	s22 =	simm.s32 $0x1BFF;
	s21 =	sshll.u32 s6, $0x1;
	s3 =	sadd.s32 s19, s18  }
0xa2: {  	s7 =	simm.s32 $0x0;
	s20 =	sshll.u32 s5, $0x1;
	s5 =	sadd.s32 s21, s3  }
0xa3: {  	[timem:s7], [sflag:s22] =	dma.local [hbm:s5], s20  }
0xa4: {  	_ =	swait.ge [sflag:s22], s20  }
0xa5: {  	s4 =	ssub.s32 $0x0, s20;
	[sflag:s22] =	ssyncset.done $0x0  }
0xa6: {  	[sflag:s22] =	ssyncadd.s32 s4;
	_ =	sdelay $0x1  }
0xa7: {  	s23 =	simm.s32 $0x1B8B  }
0xa8: {  	_ =	swait.ge [sflag:s23], $0x1  }
0xa9: {  	[sflag:s23] =	ssyncset.done $0x0  }
0xaa: {  	s25 =	simm.s32 $0x1B8E;
	s24 =	sld [smem:$0x3FFE];
	[sflag:s23] =	ssyncadd.s32 $0xFFFFFFFF  }
0xab: {  	s26 =	simm.s32 $execute0_lowered;
	[smem:$0x3FD2] =	sst s25  }
0xac: {  	s5 =	sshll.u32 s26, $0x1;
	_ =	strace $0x8000004C;
	[dreg:$0x1] =	wrdreg $0xFFFFFFFF  }
0xad: {  	s28 =	simm.s32 $_size_execute0_lowered;
	s3 =	sadd.s32 s3, s5;
	[dreg:$0x0] =	wrdreg $0x0  }
0xae: {  	s5 =	sshll.u32 s28, $0x1;
	[dreg:$0x2] =	wrdreg s3  }
0xaf: {  	[dreg:$0x3] =	wrdreg s5  }
0xb0: {  	[dreg:$0x4] =	wrdreg $0xC0  }
0xb1: {  	_ =	task [dreg:s7], $0x5FFFF  }
0xb2: {  	[dreg:$0x1] =	wrdreg $0xFFFFFFFF  }
0xb3: {  	[dreg:$0x0] =	wrdreg $0x60  }
0xb4: {  	[dreg:$0x2] =	wrdreg s24  }
0xb5: {  	[dreg:$0x3] =	wrdreg s16  }
0xb6: {  	[dreg:$0x4] =	wrdreg $0x9  }
0xb7: {  	_ =	task.clear_ibuf [dreg:s7], $0x5FFFF;
	_ =	strace $0x9000004C  }
0xb8: {  	s29 =	simm.s32 $0x9;
	_ =	strace $0x8000004E  }
0xb9: {  	_ =	swait.ge [sflag:s29], $0x1  }
0xba: {  	[sflag:s29] =	ssyncadd.s32 $0xFFFFFFFF  }
0xbb: {  	_ =	strace $0x9000004E  }
0xbc: {  	_ =	sfence  }
0xbd: {  	s30 =	sld [smem:$0x0];
	_ =	sdelay $0x2  }
0xbe: {  	s31 =	sshll.u32 s1, $0xD;
	s1 =	sshrl.u32 s1, $0x2  }
0xbf: {  	s3 =	sand.u32 $0x4000, s31;
	s1 =	sadd.s32 s1, s30  }
0xc0: {  	s0 =	sor.u32 s3, s0;
	s1 =	sshll.u32 s1, $0x11  }
0xc1: {  	s0 =	sor.u32 s1, s0  }
0xc2: {  	s0 =	sadd.s32 $0x8F2B, s0  }
0xc3: {  	[sflag:s0] =	ssyncadd.remote.s32 $0x1  }
0xc4: {  	_ =	sfence.sel $0xFFFF  }
0xc5: {  	[dreg:$0x0] =	wrdreg $0xFFFFFFFF;
	(pc) =	sbr.abs _section_cstart, $3  }
0xc6: {  	[dreg:$0x1] =	wrdreg $0xFFFFFFFF  }
0xc7: {  	_ =	task.clear_ibuf [dreg:s7], $0x2FFFF;
	_ =	strace $0x9FFFFFFF  }
0xc8: {  	(tm) =	ssettm $0x7FFFFFFF  }
0xc9: {  	_ =	shalt  }
tec
execute0_lowered:
.L_overlay_start_1:
0x0: {  	(tag) =	ssettag $0x1  }
0x1: {  	s1 =	srdreg.scid  }
0x2: {  	s8 =	rddreg [dreg:$0x0];
	s0 =	stileid.u32  }
0x3: {  	s3 =	rddreg [dreg:$0x1];
	s2 =	simm.s32 $0x0;
	s6 =	sand.u32 $0x1, s1  }
0x4: {  	s4 =	sshll.u32 s0, $0xB;
	[smem:$0x7FF] =	sst s2;
	s5 =	sshll.u32 s6, $0xA  }
0x5: {  	s1 =	rddreg [dreg:$0x2];
	_ =	strace $0x8000004D;
	s7 =	sor.u32 s5, s4  }
0x6: {  	s10 =	ssub.s32 $0x2, s6;
	s6 =	simm.s32 $0x400;
	s4 =	sshrl.u32 s7, $0x3  }
0x7: {  	s5 =	sadd.s32 $0x89C00, s8;
	s4 =	sadd.s32 s3, s4;
	s3 =	simm.s32 $0x2  }
0x8: {  	[tilespmem:s2], [sflag:$0x2] =	stream.linear.gather [hbm4b:s4+s2], $0x400, $0x38;
	[tilespmem:$0xC400] =	vst v63  }
0x9: {  	s11 =	sshrl.u32 s10, $0x1;
	s9 =	smul.u32 $0x6, s7;
	_ =	swait.ge [sflag:s3], $0x400  }
0xa: {  	s7 =	simm.s32 $0x1;
	s31 =	ssub.s32 s10, s11;
	[sflag:s3] =	ssyncset.done $0x0  }
0xb: {  	s8 =	sadd.s32 s9, s8;
	s9 =	smax.u32 s31, $0x1;
	[sflag:s3] =	ssyncadd.s32 $0xFFFFFC00  }
0xc: {  	[tilespmem:s6], [sflag:$0x1] =	stream.indirect.gather [hbm4b:s5+s6], $0x30, s2, s6, $0xb8;
	[tilespmem:$0xC400] =	vst v63  }
0xd: {  	p0 =	sne.s32 s9, $0x1;
	_ =	swait.ge [sflag:s7], $0xC000  }
.Ltmp0:
0xe: {  	[sflag:s7] =	ssyncset.done $0x0;
	(pc) =	sbr.rel @!p0 .LBB2_2-.Ltmp0, $4  }
0xf: {  	s8 =	sadd.s32 $0x92400, s8;
	[sflag:s7] =	ssyncadd.s32 $0xFFFF4000  }
0x10: {  	[hbm4b:s8+s2] =	stream.linear.scatter [tilespmem:s6], [sflag:$0x2], $0xC000, $0x38;
	[tilespmem:$0xC400] =	vst v63  }
0x11: {  	_ =	swait.ge [sflag:s3], $0xC000  }
0x12: {  	s9 =	sadd.s32 $0xFFFFFFFF, s9;
	[sflag:s3] =	ssyncset.done $0x0  }
.LBB2_1:
0x13: {  	p0 =	sne.s32 s9, $0x1;
	s9 =	sadd.s32 $0xFFFFFFFF, s9;
	[sflag:s3] =	ssyncadd.s32 $0xFFFF4000  }
0x14: {  	[tilespmem:s2], [sflag:$0x2] =	stream.linear.gather [hbm4b:s4+s2], $0x400, $0x38;
	[tilespmem:$0xC400] =	vst v63  }
0x15: {  	_ =	swait.ge [sflag:s3], $0x400  }
0x16: {  	[sflag:s3] =	ssyncset.done $0x0  }
0x17: {  	[sflag:s3] =	ssyncadd.s32 $0xFFFFFC00  }
0x18: {  	[tilespmem:s6], [sflag:$0x1] =	stream.indirect.gather [hbm4b:s5+s6], $0x30, s2, s6, $0xb8;
	[tilespmem:$0xC400] =	vst v63  }
0x19: {  	_ =	swait.ge [sflag:s7], $0xC000  }
.Ltmp1:
0x1a: {  	[sflag:s7] =	ssyncset.done $0x0;
	(pc) =	sbr.rel @p0 .LBB2_1-.Ltmp1, $4  }
0x1b: {  	[sflag:s7] =	ssyncadd.s32 $0xFFFF4000  }
0x1c: {  	[hbm4b:s8+s2] =	stream.linear.scatter [tilespmem:s6], [sflag:$0x2], $0xC000, $0x38;
	[tilespmem:$0xC400] =	vst v63  }
0x1d: {  	_ =	swait.ge [sflag:s3], $0xC000  }
0x1e: {  	[sflag:s3] =	ssyncset.done $0x0  }
.LBB2_2:
0x1f: {  	[sflag:s3] =	ssyncadd.s32 $0xFFFF4000  }
0x20: {  	_ =	sfence.sel $0x180000  }
0x21: {  	[bflag:$0x0] =	sbarrier.arrive $0xFFFF  }
0x22: {  	p0 =	sne.s32 s0, $0x0;
	_ =	strace $0x9000004D  }
0x23: {  	s0 =	sadd.s32 @!p0 $0x100000, s1;
	[bflag:$0x2] =	sbarrier.arrive $0xFFFF  }
0x24: {  	[sflag:s0] =	ssyncadd.tile.s32 @!p0 $0x1;
	_ =	shalt  }
.Lfunc_end2:
_tile_overlayer_lowered:
.L_overlay_start_2:
0x25: {  	(tag) =	ssettag $0x2  }
0x26: {  	s0 =	rddreg [dreg:$0x0];
	s2 =	stileid.u32  }
0x27: {  	s1 =	rddreg [dreg:$0x1];
	p0 =	sne.s32 s2, $0x0  }
0x28: {  	s3 =	rddreg [dreg:$0x2];
	[bflag:$0x3] =	sbarrier.arrive $0xFFFF;
	s2 =	simm.s32 @!p0 $0x1C02  }
0x29: {  	[timem:s3], [sflag:s2] =	dma.local @!p0 [hbm:s0], s1  }
0x2a: {  	s0 =	simm.s32 @!p0 $0x2  }
0x2b: {  	_ =	swait.ge @!p0 [sflag:s0], s1  }
0x2c: {  	s1 =	ssub.s32 @!p0 $0x0, s1;
	[sflag:s0] =	ssyncset.done @!p0 $0x0  }
0x2d: {  	[sflag:s0] =	ssyncadd.s32 @!p0 s1  }
0x2e: {  	[bflag:$0x3] =	sbarrier.arrive $0xFFFF  }
0x2f: {  	_ =	shalt  }

// kernel: kernel.37.cloned.1.call-start
scs
__scs_entry_jumppad:
0x0: {  	(pc) =	sbr.rel $0x88, $3  }
0x1: {  	(tag) =	ssettag $0x0;
	lr =	simm.s32 $0x1  }
0x2: {  	[smem:$0x3F94] =	sst lr;
	_ =	strace $0xD0000000  }
0x3: {  	_ = 	snop  }
0x4: {  	_ = 	snop  }
0x5: {  	_ = 	snop  }
0x6: {  	_ = 	snop  }
0x7: {  	_ = 	snop  }
__scs_overlays_trampoline_lowered:
0x8: {  	[smem:$0x3FA3] =	sst s0  }
0x9: {  	[smem:$0x3FA4] =	sst s1  }
0xa: {  	[smem:$0x3FA5] =	sst s2  }
0xb: {  	[smem:$0x3FA6] =	sst s3  }
0xc: {  	[smem:$0x3FA7] =	sst s4  }
0xd: {  	[smem:$0x3FA8] =	sst s5  }
0xe: {  	[smem:$0x3FA9] =	sst s6  }
0xf: {  	[smem:$0x3FAA] =	sst s7  }
0x10: {  	[smem:$0x3FAB] =	sst s8  }
0x11: {  	[smem:$0x3FAC] =	sst s9;
	s0 =	simm.s32 @!p0 $0x0  }
0x12: {  	s1 =	sld [smem:$0x3F92];
	s0 =	simm.s32 @p0 $0x1  }
0x13: {  	[smem:$0x3FAD] =	sst s0;
	s0 =	simm.s32 @!p1 $0x0  }
0x14: {  	s2 =	sld [smem:$0x3F91];
	s0 =	simm.s32 @p1 $0x1  }
0x15: {  	[smem:$0x3FAE] =	sst s0;
	s0 =	simm.s32 @!p2 $0x0  }
0x16: {  	s3 =	sld [smem:$0x3FDB];
	s0 =	simm.s32 @p2 $0x1  }
0x17: {  	s4 =	simm.s32 $0x1BF5;
	[smem:$0x3FB0] =	sst s0  }
0x18: {  	s0 =	sld [smem:$0x3F93];
	_ =	swait.ge [sflag:s4], $0x0  }
0x19: {  	s7 =	sld [smem:$0x3F94]  }
0x1a: {  	s8 =	sadd.s32 $0xFFFFE003, lr  }
0x1b: {  	s9 =	sadd.s32 $0xFFFFFEF7, lr;
	s5 =	simm.s32 $0xFFFFFFFF;
	p2 =	slt.u32 s8, $0xFFFFF086  }
0x1c: {  	p1 =	slt.u32 s9, $0xF7A;
	s5 =	simm.s32 @!p2 $0x0  }
0x1d: {  	s5 =	simm.s32 @p1 $0x1;
	p0 =	seq.s32 s7, s2  }
0x1e: {  	s7 =	smul.u32 @!p0 $0xF7A, s2;
	p2 =	seq.s32 @!p0 s5, $0x0  }
0x1f: {  	s9 =	smul.u32 $0xF7A, s1;
	s8 =	simm.s32 @!p0 $0x1BF5;
	p2 =	por !p2, p0  }
0x20: {  	[sflag:s8] =	ssyncset.s32 @!p0 $0xFFFFF086;
	s6 =	sadd.s32 @!p0 s3, s7;
	s7 =	simm.s32 @!p0 $0x108  }
0x21: {  	s3 =	sadd.s32 s3, s9;
	s6 =	sadd.s32 @!p0 $0x88, s6;
	s7 =	simm.s32 @p2 $0x1082  }
0x22: {  	[simem:s7], [sflag:s8] =	dma.local @!p0 [hbm:s6], $0xF7A  }
0x23: {  	s9 =	sor.u32 $0xD0000000, s2;
	s6 =	simm.s32 $0x108;
	_ =	swait.ge @!p0 [sflag:s8], $0x0  }
0x24: {  	s3 =	sadd.s32 $0x88, s3;
	s6 =	simm.s32 @!p1 $0x1082;
	[sflag:s4] =	ssyncset.s32 $0xFFFFF086  }
0x25: {  	[simem:s6], [sflag:s4] =	dma.local [hbm:s3], $0xF7A  }
0x26: {  	[smem:$0x3F94] =	sst s1;
	(tag) =	ssettag s2;
	_ =	strace s9  }
0x27: {  	s1 =	sld [smem:$0x3FA4]  }
0x28: {  	s2 =	sld [smem:$0x3FA5]  }
0x29: {  	s4 =	sld [smem:$0x3FA7]  }
0x2a: {  	p0 =	seq.s32 s5, $0x0;
	s5 =	sld [smem:$0x3FA8]  }
0x2b: {  	s6 =	sld [smem:$0x3FA9]  }
0x2c: {  	s7 =	sld [smem:$0x3FAA]  }
0x2d: {  	s3 =	simm.s32 $0x108;
	s8 =	sld [smem:$0x3FAB]  }
0x2e: {  	s3 =	simm.s32 @!p0 $0x1082;
	s9 =	sld [smem:$0x3FAC]  }
0x2f: {  	lr =	sadd.s32 s0, s3;
	s0 =	sld [smem:$0x3FA3]  }
0x30: {  	s3 =	sld [smem:$0x3FA6]  }
0x31: {  	[smem:$0x3FAF] =	sst s10  }
0x32: {  	s10 =	sld [smem:$0x3FAD];
	_ =	sdelay $0x3  }
0x33: {  	p0 =	seq.s32 s10, $0x1;
	s10 =	sld [smem:$0x3FAF];
	_ =	sdelay $0x3  }
0x34: {  	[smem:$0x3FAF] =	sst s10  }
0x35: {  	s10 =	sld [smem:$0x3FAE];
	_ =	sdelay $0x3  }
0x36: {  	p1 =	seq.s32 s10, $0x1;
	s10 =	sld [smem:$0x3FAF];
	_ =	sdelay $0x3  }
0x37: {  	[smem:$0x3FAF] =	sst s10  }
0x38: {  	s10 =	sld [smem:$0x3FB0]  }
0x39: {  	_ = 	snop;
	(pc) =	sbr.ind lr, $3  }
0x3a: {  	_ = 	snop  }
0x3b: {  	_ = 	snop  }
0x3c: {  	p2 =	seq.s32 s10, $0x1;
	s10 =	sld [smem:$0x3FAF]  }
0x3d: {  	_ =	shalt  }
0x3e: {  	_ =	shalt  }
0x3f: {  	_ =	shalt  }
0x40: {  	_ =	shalt  }
0x41: {  	_ =	shalt  }
0x42: {  	_ =	shalt  }
0x43: {  	_ =	shalt  }
0x44: {  	_ =	shalt  }
0x45: {  	_ =	shalt  }
0x46: {  	_ =	shalt  }
0x47: {  	_ =	shalt  }
0x48: {  	_ =	shalt  }
0x49: {  	_ =	shalt  }
0x4a: {  	_ =	shalt  }
0x4b: {  	_ =	shalt  }
0x4c: {  	_ =	shalt  }
0x4d: {  	_ =	shalt  }
0x4e: {  	_ =	shalt  }
0x4f: {  	_ =	shalt  }
0x50: {  	_ =	shalt  }
0x51: {  	_ =	shalt  }
0x52: {  	_ =	shalt  }
0x53: {  	_ =	shalt  }
0x54: {  	_ =	shalt  }
0x55: {  	_ =	shalt  }
0x56: {  	_ =	shalt  }
0x57: {  	_ =	shalt  }
0x58: {  	_ =	shalt  }
0x59: {  	_ =	shalt  }
0x5a: {  	_ =	shalt  }
0x5b: {  	_ =	shalt  }
0x5c: {  	_ =	shalt  }
0x5d: {  	_ =	shalt  }
0x5e: {  	_ =	shalt  }
0x5f: {  	_ =	shalt  }
0x60: {  	_ =	shalt  }
0x61: {  	_ =	shalt  }
0x62: {  	_ =	shalt  }
0x63: {  	_ =	shalt  }
0x64: {  	_ =	shalt  }
0x65: {  	_ =	shalt  }
0x66: {  	_ =	shalt  }
0x67: {  	_ =	shalt  }
0x68: {  	_ =	shalt  }
0x69: {  	_ =	shalt  }
0x6a: {  	_ =	shalt  }
0x6b: {  	_ =	shalt  }
0x6c: {  	_ =	shalt  }
0x6d: {  	_ =	shalt  }
0x6e: {  	_ =	shalt  }
0x6f: {  	_ =	shalt  }
0x70: {  	_ =	shalt  }
0x71: {  	_ =	shalt  }
0x72: {  	_ =	shalt  }
0x73: {  	_ =	shalt  }
0x74: {  	_ =	shalt  }
0x75: {  	_ =	shalt  }
0x76: {  	_ =	shalt  }
0x77: {  	_ =	shalt  }
0x78: {  	_ =	shalt  }
0x79: {  	_ =	shalt  }
0x7a: {  	_ =	shalt  }
0x7b: {  	_ =	shalt  }
0x7c: {  	_ =	shalt  }
0x7d: {  	_ =	shalt  }
0x7e: {  	_ =	shalt  }
0x7f: {  	_ =	shalt  }
0x80: {  	_ =	shalt  }
0x81: {  	_ =	shalt  }
0x82: {  	_ =	shalt  }
0x83: {  	_ =	shalt  }
0x84: {  	_ =	shalt  }
0x85: {  	_ =	shalt  }
0x86: {  	_ =	shalt  }
0x87: {  	_ =	shalt  }
.Lfunc_end0:
.L_simem_size_0:
called_computation.3_lowered:
.L_overlay_start_0:
0x88: {  	s2 =	sld [smem:$0x3FD9]  }
0x89: {  	s3 =	sld [smem:$0x3FFE];
	_ =	sdelay $0x1  }
0x8a: {  	s1 =	srdreg.scid  }
0x8b: {  	s0 =	sand.u32 $0x1, s1  }
0x8c: {  	s15 =	sshll.u32 s0, $0xA;
	s2 =	sadd.s32 s3, s2  }
0x8d: {  	s2 =	sadd.s32 s2, s15  }
0x8e: {  	[smem:$0x3FBB] =	sst s2  }
0x8f: {  	_ = 	snop  }
0x90: {  	s2 =	sld [smem:$0x3FD0];
	_ =	sdelay $0x2  }
0x91: {  	s16 =	simm.s32 $0xB;
	s4 =	simm.s32 $0x10  }
0x92: {  	[smem:s4], [sflag:s16] =	dma.local [hbm:s2], $0x1  }
0x93: {  	_ =	swait.eq [sflag:s16], $0x1  }
0x94: {  	[sflag:s16] =	ssyncset.done $0x0  }
0x95: {  	[sflag:s16] =	ssyncadd.s32 $0xFFFFFFFF  }
0x96: {  	s17 =	sld [smem:$0x11];
	(tm) =	ssettm $0x1  }
0x97: {  	s18 =	sld [smem:$0x3FFB];
	_ =	sdelay $0x3  }
0x98: {  	_ =	strace s18  }
0x99: {  	s2 =	sld [smem:$0x3FFC];
	_ =	sdelay $0x3  }
0x9a: {  	_ =	strace s2  }
0x9b: {  	s2 =	sld [smem:$0x3FFD];
	_ =	sdelay $0x3  }
0x9c: {  	_ =	strace s2  }
0x9d: {  	_ =	strace $0x8FFFFFFF  }
0x9e: {  	s19 =	sld [smem:$0x3FDB];
	_ =	sdelay $0x1  }
0x9f: {  	s20 =	simm.s32 $_scs_section_size  }
0xa0: {  	s5 =	simm.s32 $_size__tile_overlayer_lowered;
	s6 =	simm.s32 $_tile_overlayer_lowered  }
0xa1: {  	s7 =	simm.s32 $0x1BFF;
	s21 =	sshll.u32 s6, $0x1;
	s4 =	sadd.s32 s20, s19  }
0xa2: {  	s22 =	simm.s32 $0x0;
	s5 =	sshll.u32 s5, $0x1;
	s6 =	sadd.s32 s21, s4  }
0xa3: {  	[timem:s22], [sflag:s7] =	dma.local [hbm:s6], s5  }
0xa4: {  	_ =	swait.ge [sflag:s7], s5  }
0xa5: {  	s5 =	ssub.s32 $0x0, s5;
	[sflag:s7] =	ssyncset.done $0x0  }
0xa6: {  	[sflag:s7] =	ssyncadd.s32 s5;
	_ =	sdelay $0x1  }
0xa7: {  	s23 =	simm.s32 $0x1B8B  }
0xa8: {  	_ =	swait.ge [sflag:s23], $0x1  }
0xa9: {  	[sflag:s23] =	ssyncset.done $0x0  }
0xaa: {  	[sflag:s23] =	ssyncadd.s32 $0xFFFFFFFF  }
0xab: {  	s5 =	sld [smem:$0x0]  }
0xac: {  	s6 =	sand.u32 $0xFFFFFFFE, s1  }
0xad: {  	p0 =	sne.s32 s1, s6  }
0xae: {  	s6 =	sshll.u32 @p0 s6, $0xE  }
0xaf: {  	s6 =	sadd.s32 @p0 $0x11B8D, s6;
	s7 =	sshll.u32 @p0 s5, $0x11  }
0xb0: {  	s6 =	sor.u32 @p0 s7, s6  }
0xb1: {  	[sflag:s6] =	ssyncadd.remote.s32 @p0 $0x1;
	_ =	sdelay $0x1  }
0xb2: {  	s6 =	simm.s32 @p0 $0x1B8D  }
0xb3: {  	_ =	swait.eq @p0 [sflag:s6], $0x1  }
0xb4: {  	[sflag:s6] =	ssyncadd.s32 @p0 $0xFFFFFFFF  }
0xb5: {  	s7 =	sshll.u32 @!p0 s1, $0xE  }
0xb6: {  	s7 =	sor.u32 @!p0 $0x4000, s7;
	s6 =	simm.s32 @!p0 $0x1B8D  }
0xb7: {  	s5 =	sshll.u32 @!p0 s5, $0x11;
	s7 =	sadd.s32 @!p0 $0x11B8D, s7;
	_ =	swait.eq @!p0 [sflag:s6], $0x1  }
0xb8: {  	s5 =	sor.u32 @!p0 s5, s7;
	[sflag:s6] =	ssyncadd.s32 @!p0 $0xFFFFFFFF  }
0xb9: {  	s25 =	simm.s32 $0x1B8E;
	s24 =	sld [smem:$0x3FFE];
	[sflag:s5] =	ssyncadd.remote.s32 @!p0 $0x1  }
0xba: {  	s26 =	simm.s32 $execute0_lowered;
	[smem:$0x3FD2] =	sst s25  }
0xbb: {  	s6 =	sshll.u32 s26, $0x1;
	_ =	strace $0x80000055;
	[dreg:$0x1] =	wrdreg $0xFFFFFFFF  }
0xbc: {  	s28 =	simm.s32 $_size_execute0_lowered;
	s4 =	sadd.s32 s4, s6;
	[dreg:$0x0] =	wrdreg $0x0  }
0xbd: {  	s6 =	sshll.u32 s28, $0x1;
	[dreg:$0x2] =	wrdreg s4  }
0xbe: {  	[dreg:$0x3] =	wrdreg s6  }
0xbf: {  	[dreg:$0x4] =	wrdreg $0xC0  }
0xc0: {  	_ =	task [dreg:s22], $0x5FFFF  }
0xc1: {  	[dreg:$0x1] =	wrdreg $0xFFFFFFFF  }
0xc2: {  	[dreg:$0x0] =	wrdreg $0x60  }
0xc3: {  	[dreg:$0x2] =	wrdreg s17  }
0xc4: {  	[dreg:$0x3] =	wrdreg s24  }
0xc5: {  	[dreg:$0x4] =	wrdreg $0x9  }
0xc6: {  	_ =	task.clear_ibuf [dreg:s22], $0x5FFFF;
	_ =	strace $0x90000055  }
0xc7: {  	s29 =	simm.s32 $0x9;
	_ =	strace $0x80000057  }
0xc8: {  	_ =	swait.ge [sflag:s29], $0x1  }
0xc9: {  	[sflag:s29] =	ssyncadd.s32 $0xFFFFFFFF  }
0xca: {  	_ =	strace $0x90000057  }
0xcb: {  	_ =	sfence  }
0xcc: {  	s30 =	sld [smem:$0x0];
	_ =	sdelay $0x2  }
0xcd: {  	s31 =	sshll.u32 s1, $0xD;
	s1 =	sshrl.u32 s1, $0x2  }
0xce: {  	s4 =	sand.u32 $0x4000, s31;
	s1 =	sadd.s32 s1, s30  }
0xcf: {  	s0 =	sor.u32 s4, s0;
	s1 =	sshll.u32 s1, $0x11  }
0xd0: {  	s0 =	sor.u32 s1, s0  }
0xd1: {  	s0 =	sadd.s32 $0x8F2B, s0  }
0xd2: {  	[sflag:s0] =	ssyncadd.remote.s32 $0x1  }
0xd3: {  	_ =	sfence.sel $0xFFFF  }
0xd4: {  	[dreg:$0x0] =	wrdreg $0xFFFFFFFF;
	(pc) =	sbr.abs _section_cstart, $3  }
0xd5: {  	[dreg:$0x1] =	wrdreg $0xFFFFFFFF  }
0xd6: {  	_ =	task.clear_ibuf [dreg:s22], $0x2FFFF;
	_ =	strace $0x9FFFFFFF  }
0xd7: {  	(tm) =	ssettm $0x7FFFFFFF  }
tec
execute0_lowered:
.L_overlay_start_1:
0x0: {  	(tag) =	ssettag $0x1  }
0x1: {  	s1 =	srdreg.scid  }
0x2: {  	s0 =	stileid.u32;
	s2 =	rddreg [dreg:$0x0];
	s6 =	sand.u32 $0x1, s1  }
0x3: {  	s8 =	rddreg [dreg:$0x1];
	s30 =	sshll.u32 s0, $0xB;
	s3 =	sshll.u32 s6, $0xA  }
0x4: {  	s1 =	rddreg [dreg:$0x2];
	s7 =	sor.u32 s3, s30  }
0x5: {  	s10 =	ssub.s32 $0x2, s6;
	s3 =	simm.s32 $0x0;
	s4 =	sshrl.u32 s7, $0x3  }
0x6: {  	s6 =	simm.s32 $0x400;
	[smem:$0x7FF] =	sst s3;
	s4 =	sadd.s32 s4, s8  }
0x7: {  	_ =	strace $0x80000056;
	s5 =	sadd.s32 $0x90C00, s4;
	s4 =	simm.s32 $0x2  }
0x8: {  	[tilespmem:s3], [sflag:$0x2] =	stream.linear.gather [hbm4b:s5+s3], $0x400, $0x38;
	[tilespmem:$0x14400] =	vst v63  }
0x9: {  	s11 =	sshrl.u32 s10, $0x1;
	s9 =	smul.u32 $0xA, s7;
	_ =	swait.ge [sflag:s4], $0x400  }
0xa: {  	s7 =	simm.s32 $0x1;
	s31 =	ssub.s32 s10, s11;
	[sflag:s4] =	ssyncset.done $0x0  }
0xb: {  	s8 =	sadd.s32 s9, s8;
	s9 =	smax.u32 s31, $0x1;
	[sflag:s4] =	ssyncadd.s32 $0xFFFFFC00  }
0xc: {  	[tilespmem:s6], [sflag:$0x1] =	stream.indirect.gather [hbm4b:s2+s6], $0x50, s3, s6, $0xb8;
	[tilespmem:$0x14400] =	vst v63  }
0xd: {  	p0 =	sne.s32 s9, $0x1;
	_ =	swait.ge [sflag:s7], $0x14000  }
.Ltmp0:
0xe: {  	[sflag:s7] =	ssyncset.done $0x0;
	(pc) =	sbr.rel @!p0 .LBB2_2-.Ltmp0, $4  }
0xf: {  	s8 =	sadd.s32 $0xE2400, s8;
	[sflag:s7] =	ssyncadd.s32 $0xFFFEC000  }
0x10: {  	[hbm4b:s8+s3] =	stream.linear.scatter [tilespmem:s6], [sflag:$0x2], $0x14000, $0x38;
	[tilespmem:$0x14400] =	vst v63  }
0x11: {  	_ =	swait.ge [sflag:s4], $0x14000  }
0x12: {  	s9 =	sadd.s32 $0xFFFFFFFF, s9;
	[sflag:s4] =	ssyncset.done $0x0  }
.LBB2_1:
0x13: {  	p0 =	sne.s32 s9, $0x1;
	s9 =	sadd.s32 $0xFFFFFFFF, s9;
	[sflag:s4] =	ssyncadd.s32 $0xFFFEC000  }
0x14: {  	[tilespmem:s3], [sflag:$0x2] =	stream.linear.gather [hbm4b:s5+s3], $0x400, $0x38;
	[tilespmem:$0x14400] =	vst v63  }
0x15: {  	_ =	swait.ge [sflag:s4], $0x400  }
0x16: {  	[sflag:s4] =	ssyncset.done $0x0  }
0x17: {  	[sflag:s4] =	ssyncadd.s32 $0xFFFFFC00  }
0x18: {  	[tilespmem:s6], [sflag:$0x1] =	stream.indirect.gather [hbm4b:s2+s6], $0x50, s3, s6, $0xb8;
	[tilespmem:$0x14400] =	vst v63  }
0x19: {  	_ =	swait.ge [sflag:s7], $0x14000  }
.Ltmp1:
0x1a: {  	[sflag:s7] =	ssyncset.done $0x0;
	(pc) =	sbr.rel @p0 .LBB2_1-.Ltmp1, $4  }
0x1b: {  	[sflag:s7] =	ssyncadd.s32 $0xFFFEC000  }
0x1c: {  	[hbm4b:s8+s3] =	stream.linear.scatter [tilespmem:s6], [sflag:$0x2], $0x14000, $0x38;
	[tilespmem:$0x14400] =	vst v63  }
0x1d: {  	_ =	swait.ge [sflag:s4], $0x14000  }
0x1e: {  	[sflag:s4] =	ssyncset.done $0x0  }
.LBB2_2:
0x1f: {  	[sflag:s4] =	ssyncadd.s32 $0xFFFEC000  }
0x20: {  	_ =	sfence.sel $0x180000  }
0x21: {  	[bflag:$0x0] =	sbarrier.arrive $0xFFFF  }
0x22: {  	p0 =	sne.s32 s0, $0x0;
	_ =	strace $0x90000056  }
0x23: {  	s0 =	sadd.s32 @!p0 $0x100000, s1;
	[bflag:$0x2] =	sbarrier.arrive $0xFFFF  }
0x24: {  	[sflag:s0] =	ssyncadd.tile.s32 @!p0 $0x1;
	_ =	shalt  }
.Lfunc_end2:
_tile_overlayer_lowered:
.L_overlay_start_2:
0x25: {  	(tag) =	ssettag $0x2  }
0x26: {  	s0 =	rddreg [dreg:$0x0];
	s2 =	stileid.u32  }
0x27: {  	s1 =	rddreg [dreg:$0x1];
	p0 =	sne.s32 s2, $0x0  }
0x28: {  	s3 =	rddreg [dreg:$0x2];
	[bflag:$0x3] =	sbarrier.arrive $0xFFFF;
	s2 =	simm.s32 @!p0 $0x1C02  }
0x29: {  	[timem:s3], [sflag:s2] =	dma.local @!p0 [hbm:s0], s1  }
0x2a: {  	s0 =	simm.s32 @!p0 $0x2  }
0x2b: {  	_ =	swait.ge @!p0 [sflag:s0], s1  }
0x2c: {  	s1 =	ssub.s32 @!p0 $0x0, s1;
	[sflag:s0] =	ssyncset.done @!p0 $0x0  }
0x2d: {  	[sflag:s0] =	ssyncadd.s32 @!p0 s1  }
0x2e: {  	[bflag:$0x3] =	sbarrier.arrive $0xFFFF  }
0x2f: {  	_ =	shalt  }

// kernel: kernel.40.cloned.1.call-start
scs
__scs_entry_jumppad:
0x0: {  	(pc) =	sbr.rel $0x88, $3  }
0x1: {  	(tag) =	ssettag $0x0;
	lr =	simm.s32 $0x1  }
0x2: {  	[smem:$0x3F94] =	sst lr;
	_ =	strace $0xD0000000  }
0x3: {  	_ = 	snop  }
0x4: {  	_ = 	snop  }
0x5: {  	_ = 	snop  }
0x6: {  	_ = 	snop  }
0x7: {  	_ = 	snop  }
__scs_overlays_trampoline_lowered:
0x8: {  	[smem:$0x3FA3] =	sst s0  }
0x9: {  	[smem:$0x3FA4] =	sst s1  }
0xa: {  	[smem:$0x3FA5] =	sst s2  }
0xb: {  	[smem:$0x3FA6] =	sst s3  }
0xc: {  	[smem:$0x3FA7] =	sst s4  }
0xd: {  	[smem:$0x3FA8] =	sst s5  }
0xe: {  	[smem:$0x3FA9] =	sst s6  }
0xf: {  	[smem:$0x3FAA] =	sst s7  }
0x10: {  	[smem:$0x3FAB] =	sst s8  }
0x11: {  	[smem:$0x3FAC] =	sst s9;
	s0 =	simm.s32 @!p0 $0x0  }
0x12: {  	s1 =	sld [smem:$0x3F92];
	s0 =	simm.s32 @p0 $0x1  }
0x13: {  	[smem:$0x3FAD] =	sst s0;
	s0 =	simm.s32 @!p1 $0x0  }
0x14: {  	s2 =	sld [smem:$0x3F91];
	s0 =	simm.s32 @p1 $0x1  }
0x15: {  	[smem:$0x3FAE] =	sst s0;
	s0 =	simm.s32 @!p2 $0x0  }
0x16: {  	s3 =	sld [smem:$0x3FDB];
	s0 =	simm.s32 @p2 $0x1  }
0x17: {  	s4 =	simm.s32 $0x1BF5;
	[smem:$0x3FB0] =	sst s0  }
0x18: {  	s0 =	sld [smem:$0x3F93];
	_ =	swait.ge [sflag:s4], $0x0  }
0x19: {  	s7 =	sld [smem:$0x3F94]  }
0x1a: {  	s8 =	sadd.s32 $0xFFFFE003, lr  }
0x1b: {  	s9 =	sadd.s32 $0xFFFFFEF7, lr;
	s5 =	simm.s32 $0xFFFFFFFF;
	p2 =	slt.u32 s8, $0xFFFFF086  }
0x1c: {  	p1 =	slt.u32 s9, $0xF7A;
	s5 =	simm.s32 @!p2 $0x0  }
0x1d: {  	s5 =	simm.s32 @p1 $0x1;
	p0 =	seq.s32 s7, s2  }
0x1e: {  	s7 =	smul.u32 @!p0 $0xF7A, s2;
	p2 =	seq.s32 @!p0 s5, $0x0  }
0x1f: {  	s9 =	smul.u32 $0xF7A, s1;
	s8 =	simm.s32 @!p0 $0x1BF5;
	p2 =	por !p2, p0  }
0x20: {  	[sflag:s8] =	ssyncset.s32 @!p0 $0xFFFFF086;
	s6 =	sadd.s32 @!p0 s3, s7;
	s7 =	simm.s32 @!p0 $0x108  }
0x21: {  	s3 =	sadd.s32 s3, s9;
	s6 =	sadd.s32 @!p0 $0x88, s6;
	s7 =	simm.s32 @p2 $0x1082  }
0x22: {  	[simem:s7], [sflag:s8] =	dma.local @!p0 [hbm:s6], $0xF7A  }
0x23: {  	s9 =	sor.u32 $0xD0000000, s2;
	s6 =	simm.s32 $0x108;
	_ =	swait.ge @!p0 [sflag:s8], $0x0  }
0x24: {  	s3 =	sadd.s32 $0x88, s3;
	s6 =	simm.s32 @!p1 $0x1082;
	[sflag:s4] =	ssyncset.s32 $0xFFFFF086  }
0x25: {  	[simem:s6], [sflag:s4] =	dma.local [hbm:s3], $0xF7A  }
0x26: {  	[smem:$0x3F94] =	sst s1;
	(tag) =	ssettag s2;
	_ =	strace s9  }
0x27: {  	s1 =	sld [smem:$0x3FA4]  }
0x28: {  	s2 =	sld [smem:$0x3FA5]  }
0x29: {  	s4 =	sld [smem:$0x3FA7]  }
0x2a: {  	p0 =	seq.s32 s5, $0x0;
	s5 =	sld [smem:$0x3FA8]  }
0x2b: {  	s6 =	sld [smem:$0x3FA9]  }
0x2c: {  	s7 =	sld [smem:$0x3FAA]  }
0x2d: {  	s3 =	simm.s32 $0x108;
	s8 =	sld [smem:$0x3FAB]  }
0x2e: {  	s3 =	simm.s32 @!p0 $0x1082;
	s9 =	sld [smem:$0x3FAC]  }
0x2f: {  	lr =	sadd.s32 s0, s3;
	s0 =	sld [smem:$0x3FA3]  }
0x30: {  	s3 =	sld [smem:$0x3FA6]  }
0x31: {  	[smem:$0x3FAF] =	sst s10  }
0x32: {  	s10 =	sld [smem:$0x3FAD];
	_ =	sdelay $0x3  }
0x33: {  	p0 =	seq.s32 s10, $0x1;
	s10 =	sld [smem:$0x3FAF];
	_ =	sdelay $0x3  }
0x34: {  	[smem:$0x3FAF] =	sst s10  }
0x35: {  	s10 =	sld [smem:$0x3FAE];
	_ =	sdelay $0x3  }
0x36: {  	p1 =	seq.s32 s10, $0x1;
	s10 =	sld [smem:$0x3FAF];
	_ =	sdelay $0x3  }
0x37: {  	[smem:$0x3FAF] =	sst s10  }
0x38: {  	s10 =	sld [smem:$0x3FB0]  }
0x39: {  	_ = 	snop;
	(pc) =	sbr.ind lr, $3  }
0x3a: {  	_ = 	snop  }
0x3b: {  	_ = 	snop  }
0x3c: {  	p2 =	seq.s32 s10, $0x1;
	s10 =	sld [smem:$0x3FAF]  }
0x3d: {  	_ =	shalt  }
0x3e: {  	_ =	shalt  }
0x3f: {  	_ =	shalt  }
0x40: {  	_ =	shalt  }
0x41: {  	_ =	shalt  }
0x42: {  	_ =	shalt  }
0x43: {  	_ =	shalt  }
0x44: {  	_ =	shalt  }
0x45: {  	_ =	shalt  }
0x46: {  	_ =	shalt  }
0x47: {  	_ =	shalt  }
0x48: {  	_ =	shalt  }
0x49: {  	_ =	shalt  }
0x4a: {  	_ =	shalt  }
0x4b: {  	_ =	shalt  }
0x4c: {  	_ =	shalt  }
0x4d: {  	_ =	shalt  }
0x4e: {  	_ =	shalt  }
0x4f: {  	_ =	shalt  }
0x50: {  	_ =	shalt  }
0x51: {  	_ =	shalt  }
0x52: {  	_ =	shalt  }
0x53: {  	_ =	shalt  }
0x54: {  	_ =	shalt  }
0x55: {  	_ =	shalt  }
0x56: {  	_ =	shalt  }
0x57: {  	_ =	shalt  }
0x58: {  	_ =	shalt  }
0x59: {  	_ =	shalt  }
0x5a: {  	_ =	shalt  }
0x5b: {  	_ =	shalt  }
0x5c: {  	_ =	shalt  }
0x5d: {  	_ =	shalt  }
0x5e: {  	_ =	shalt  }
0x5f: {  	_ =	shalt  }
0x60: {  	_ =	shalt  }
0x61: {  	_ =	shalt  }
0x62: {  	_ =	shalt  }
0x63: {  	_ =	shalt  }
0x64: {  	_ =	shalt  }
0x65: {  	_ =	shalt  }
0x66: {  	_ =	shalt  }
0x67: {  	_ =	shalt  }
0x68: {  	_ =	shalt  }
0x69: {  	_ =	shalt  }
0x6a: {  	_ =	shalt  }
0x6b: {  	_ =	shalt  }
0x6c: {  	_ =	shalt  }
0x6d: {  	_ =	shalt  }
0x6e: {  	_ =	shalt  }
0x6f: {  	_ =	shalt  }
0x70: {  	_ =	shalt  }
0x71: {  	_ =	shalt  }
0x72: {  	_ =	shalt  }
0x73: {  	_ =	shalt  }
0x74: {  	_ =	shalt  }
0x75: {  	_ =	shalt  }
0x76: {  	_ =	shalt  }
0x77: {  	_ =	shalt  }
0x78: {  	_ =	shalt  }
0x79: {  	_ =	shalt  }
0x7a: {  	_ =	shalt  }
0x7b: {  	_ =	shalt  }
0x7c: {  	_ =	shalt  }
0x7d: {  	_ =	shalt  }
0x7e: {  	_ =	shalt  }
0x7f: {  	_ =	shalt  }
0x80: {  	_ =	shalt  }
0x81: {  	_ =	shalt  }
0x82: {  	_ =	shalt  }
0x83: {  	_ =	shalt  }
0x84: {  	_ =	shalt  }
0x85: {  	_ =	shalt  }
0x86: {  	_ =	shalt  }
0x87: {  	_ =	shalt  }
.Lfunc_end0:
.L_simem_size_0:
called_computation.4_lowered:
.L_overlay_start_0:
0x88: {  	s2 =	sld [smem:$0x3FD9]  }
0x89: {  	s3 =	sld [smem:$0x3FFE];
	_ =	sdelay $0x1  }
0x8a: {  	s1 =	srdreg.scid  }
0x8b: {  	s0 =	sand.u32 $0x1, s1  }
0x8c: {  	s15 =	sshll.u32 s0, $0xA;
	s2 =	sadd.s32 s3, s2  }
0x8d: {  	s2 =	sadd.s32 s2, s15  }
0x8e: {  	[smem:$0x3FBB] =	sst s2  }
0x8f: {  	_ = 	snop  }
0x90: {  	s2 =	sld [smem:$0x3FD0];
	_ =	sdelay $0x2  }
0x91: {  	s16 =	simm.s32 $0xB;
	s4 =	simm.s32 $0x10  }
0x92: {  	[smem:s4], [sflag:s16] =	dma.local [hbm:s2], $0x1  }
0x93: {  	_ =	swait.eq [sflag:s16], $0x1  }
0x94: {  	[sflag:s16] =	ssyncset.done $0x0  }
0x95: {  	[sflag:s16] =	ssyncadd.s32 $0xFFFFFFFF  }
0x96: {  	s17 =	sld [smem:$0x10];
	(tm) =	ssettm $0x1  }
0x97: {  	s18 =	sld [smem:$0x3FFB];
	_ =	sdelay $0x3  }
0x98: {  	_ =	strace s18  }
0x99: {  	s2 =	sld [smem:$0x3FFC];
	_ =	sdelay $0x3  }
0x9a: {  	_ =	strace s2  }
0x9b: {  	s2 =	sld [smem:$0x3FFD];
	_ =	sdelay $0x3  }
0x9c: {  	_ =	strace s2  }
0x9d: {  	_ =	strace $0x8FFFFFFF  }
0x9e: {  	s19 =	sld [smem:$0x3FDB];
	_ =	sdelay $0x1  }
0x9f: {  	s20 =	simm.s32 $_scs_section_size  }
0xa0: {  	s5 =	simm.s32 $_size__tile_overlayer_lowered;
	s6 =	simm.s32 $_tile_overlayer_lowered  }
0xa1: {  	s7 =	simm.s32 $0x1BFF;
	s21 =	sshll.u32 s6, $0x1;
	s4 =	sadd.s32 s20, s19  }
0xa2: {  	s22 =	simm.s32 $0x0;
	s5 =	sshll.u32 s5, $0x1;
	s6 =	sadd.s32 s21, s4  }
0xa3: {  	[timem:s22], [sflag:s7] =	dma.local [hbm:s6], s5  }
0xa4: {  	_ =	swait.ge [sflag:s7], s5  }
0xa5: {  	s5 =	ssub.s32 $0x0, s5;
	[sflag:s7] =	ssyncset.done $0x0  }
0xa6: {  	[sflag:s7] =	ssyncadd.s32 s5;
	_ =	sdelay $0x1  }
0xa7: {  	s23 =	simm.s32 $0x1B8B  }
0xa8: {  	_ =	swait.ge [sflag:s23], $0x1  }
0xa9: {  	[sflag:s23] =	ssyncset.done $0x0  }
0xaa: {  	[sflag:s23] =	ssyncadd.s32 $0xFFFFFFFF  }
0xab: {  	s5 =	sld [smem:$0x0]  }
0xac: {  	s6 =	sand.u32 $0xFFFFFFFE, s1  }
0xad: {  	p0 =	sne.s32 s1, s6  }
0xae: {  	s6 =	sshll.u32 @p0 s6, $0xE  }
0xaf: {  	s6 =	sadd.s32 @p0 $0x11B8D, s6;
	s7 =	sshll.u32 @p0 s5, $0x11  }
0xb0: {  	s6 =	sor.u32 @p0 s7, s6  }
0xb1: {  	[sflag:s6] =	ssyncadd.remote.s32 @p0 $0x1;
	_ =	sdelay $0x1  }
0xb2: {  	s6 =	simm.s32 @p0 $0x1B8D  }
0xb3: {  	_ =	swait.eq @p0 [sflag:s6], $0x1  }
0xb4: {  	[sflag:s6] =	ssyncadd.s32 @p0 $0xFFFFFFFF  }
0xb5: {  	s7 =	sshll.u32 @!p0 s1, $0xE  }
0xb6: {  	s7 =	sor.u32 @!p0 $0x4000, s7;
	s6 =	simm.s32 @!p0 $0x1B8D  }
0xb7: {  	s5 =	sshll.u32 @!p0 s5, $0x11;
	s7 =	sadd.s32 @!p0 $0x11B8D, s7;
	_ =	swait.eq @!p0 [sflag:s6], $0x1  }
0xb8: {  	s5 =	sor.u32 @!p0 s5, s7;
	[sflag:s6] =	ssyncadd.s32 @!p0 $0xFFFFFFFF  }
0xb9: {  	s25 =	simm.s32 $0x1B8E;
	s24 =	sld [smem:$0x3FFE];
	[sflag:s5] =	ssyncadd.remote.s32 @!p0 $0x1  }
0xba: {  	s26 =	simm.s32 $execute0_lowered;
	[smem:$0x3FD2] =	sst s25  }
0xbb: {  	s6 =	sshll.u32 s26, $0x1;
	_ =	strace $0x8000005B;
	[dreg:$0x1] =	wrdreg $0xFFFFFFFF  }
0xbc: {  	s28 =	simm.s32 $_size_execute0_lowered;
	s4 =	sadd.s32 s4, s6;
	[dreg:$0x0] =	wrdreg $0x0  }
0xbd: {  	s6 =	sshll.u32 s28, $0x1;
	[dreg:$0x2] =	wrdreg s4  }
0xbe: {  	[dreg:$0x3] =	wrdreg s6  }
0xbf: {  	[dreg:$0x4] =	wrdreg $0xC0  }
0xc0: {  	_ =	task [dreg:s22], $0x5FFFF  }
0xc1: {  	[dreg:$0x1] =	wrdreg $0xFFFFFFFF  }
0xc2: {  	[dreg:$0x0] =	wrdreg $0x60  }
0xc3: {  	[dreg:$0x2] =	wrdreg s24  }
0xc4: {  	[dreg:$0x3] =	wrdreg s17  }
0xc5: {  	[dreg:$0x4] =	wrdreg $0x9  }
0xc6: {  	_ =	task.clear_ibuf [dreg:s22], $0x5FFFF;
	_ =	strace $0x9000005B  }
0xc7: {  	s29 =	simm.s32 $0x9;
	_ =	strace $0x8000005D  }
0xc8: {  	_ =	swait.ge [sflag:s29], $0x1  }
0xc9: {  	[sflag:s29] =	ssyncadd.s32 $0xFFFFFFFF  }
0xca: {  	_ =	strace $0x9000005D  }
0xcb: {  	_ =	sfence  }
0xcc: {  	s30 =	sld [smem:$0x0];
	_ =	sdelay $0x2  }
0xcd: {  	s31 =	sshll.u32 s1, $0xD;
	s1 =	sshrl.u32 s1, $0x2  }
0xce: {  	s4 =	sand.u32 $0x4000, s31;
	s1 =	sadd.s32 s1, s30  }
0xcf: {  	s0 =	sor.u32 s4, s0;
	s1 =	sshll.u32 s1, $0x11  }
0xd0: {  	s0 =	sor.u32 s1, s0  }
0xd1: {  	s0 =	sadd.s32 $0x8F2B, s0  }
0xd2: {  	[sflag:s0] =	ssyncadd.remote.s32 $0x1  }
0xd3: {  	_ =	sfence.sel $0xFFFF  }
0xd4: {  	[dreg:$0x0] =	wrdreg $0xFFFFFFFF;
	(pc) =	sbr.abs _section_cstart, $3  }
0xd5: {  	[dreg:$0x1] =	wrdreg $0xFFFFFFFF  }
0xd6: {  	_ =	task.clear_ibuf [dreg:s22], $0x2FFFF;
	_ =	strace $0x9FFFFFFF  }
0xd7: {  	(tm) =	ssettm $0x7FFFFFFF  }
tec
execute0_lowered:
.L_overlay_start_1:
0x0: {  	(tag) =	ssettag $0x1  }
0x1: {  	s1 =	srdreg.scid  }
0x2: {  	s0 =	stileid.u32;
	s8 =	rddreg [dreg:$0x0]  }
0x3: {  	s3 =	rddreg [dreg:$0x1];
	s6 =	sand.u32 $0x1, s1;
	s30 =	sshll.u32 s0, $0x1  }
0x4: {  	s2 =	simm.s32 $0x0;
	s1 =	rddreg [dreg:$0x2];
	s7 =	sor.u32 s6, s30  }
0x5: {  	[smem:$0x7FF] =	sst s2;
	s4 =	smul.u32 $0x60, s7  }
0x6: {  	s5 =	sadd.s32 $0x8DC00, s8;
	_ =	strace $0x8000005C;
	s10 =	ssub.s32 $0x2, s6  }
0x7: {  	s6 =	simm.s32 $0x300;
	s4 =	sadd.s32 s3, s4;
	s3 =	simm.s32 $0x2  }
0x8: {  	[tilespmem:s2], [sflag:$0x2] =	stream.linear.gather [hbm4b:s4+s2], $0x300, $0x38;
	[tilespmem:$0x6300] =	vst v63  }
0x9: {  	s9 =	smul.u32 $0xC00, s7;
	s11 =	sshrl.u32 s10, $0x1;
	_ =	swait.ge [sflag:s3], $0x300  }
0xa: {  	s7 =	simm.s32 $0x1;
	s31 =	ssub.s32 s10, s11;
	[sflag:s3] =	ssyncset.done $0x0  }
0xb: {  	s8 =	sadd.s32 s9, s8;
	s9 =	smax.u32 s31, $0x1;
	[sflag:s3] =	ssyncadd.s32 $0xFFFFFD00  }
0xc: {  	[tilespmem:s6], [sflag:$0x1] =	stream.indirect.gather [hbm4b:s5+s6], $0x20, s2, s6, $0xb8;
	[tilespmem:$0x6300] =	vst v63  }
0xd: {  	p0 =	sne.s32 s9, $0x1;
	_ =	swait.ge [sflag:s7], $0x6000  }
.Ltmp0:
0xe: {  	[sflag:s7] =	ssyncset.done $0x0;
	(pc) =	sbr.rel @!p0 .LBB2_2-.Ltmp0, $4  }
0xf: {  	s8 =	sadd.s32 $0x5C00, s8;
	[sflag:s7] =	ssyncadd.s32 $0xFFFFA000  }
0x10: {  	[hbm4b:s8+s2] =	stream.linear.scatter [tilespmem:s6], [sflag:$0x2], $0x6000, $0x38;
	[tilespmem:$0x6300] =	vst v63  }
0x11: {  	_ =	swait.ge [sflag:s3], $0x6000  }
0x12: {  	s9 =	sadd.s32 $0xFFFFFFFF, s9;
	[sflag:s3] =	ssyncset.done $0x0  }
.LBB2_1:
0x13: {  	p0 =	sne.s32 s9, $0x1;
	s9 =	sadd.s32 $0xFFFFFFFF, s9;
	[sflag:s3] =	ssyncadd.s32 $0xFFFFA000  }
0x14: {  	[tilespmem:s2], [sflag:$0x2] =	stream.linear.gather [hbm4b:s4+s2], $0x300, $0x38;
	[tilespmem:$0x6300] =	vst v63  }
0x15: {  	_ =	swait.ge [sflag:s3], $0x300  }
0x16: {  	[sflag:s3] =	ssyncset.done $0x0  }
0x17: {  	[sflag:s3] =	ssyncadd.s32 $0xFFFFFD00  }
0x18: {  	[tilespmem:s6], [sflag:$0x1] =	stream.indirect.gather [hbm4b:s5+s6], $0x20, s2, s6, $0xb8;
	[tilespmem:$0x6300] =	vst v63  }
0x19: {  	_ =	swait.ge [sflag:s7], $0x6000  }
.Ltmp1:
0x1a: {  	[sflag:s7] =	ssyncset.done $0x0;
	(pc) =	sbr.rel @p0 .LBB2_1-.Ltmp1, $4  }
0x1b: {  	[sflag:s7] =	ssyncadd.s32 $0xFFFFA000  }
0x1c: {  	[hbm4b:s8+s2] =	stream.linear.scatter [tilespmem:s6], [sflag:$0x2], $0x6000, $0x38;
	[tilespmem:$0x6300] =	vst v63  }
0x1d: {  	_ =	swait.ge [sflag:s3], $0x6000  }
0x1e: {  	[sflag:s3] =	ssyncset.done $0x0  }
.LBB2_2:
0x1f: {  	[sflag:s3] =	ssyncadd.s32 $0xFFFFA000  }
0x20: {  	_ =	sfence.sel $0x180000  }
0x21: {  	[bflag:$0x0] =	sbarrier.arrive $0xFFFF  }
0x22: {  	p0 =	sne.s32 s0, $0x0;
	_ =	strace $0x9000005C  }
0x23: {  	s0 =	sadd.s32 @!p0 $0x100000, s1;
	[bflag:$0x2] =	sbarrier.arrive $0xFFFF  }
0x24: {  	[sflag:s0] =	ssyncadd.tile.s32 @!p0 $0x1;
	_ =	shalt  }
.Lfunc_end2:
_tile_overlayer_lowered:
.L_overlay_start_2:
0x25: {  	(tag) =	ssettag $0x2  }
0x26: {  	s0 =	rddreg [dreg:$0x0];
	s2 =	stileid.u32  }
0x27: {  	s1 =	rddreg [dreg:$0x1];
	p0 =	sne.s32 s2, $0x0  }
0x28: {  	s3 =	rddreg [dreg:$0x2];
	[bflag:$0x3] =	sbarrier.arrive $0xFFFF;
	s2 =	simm.s32 @!p0 $0x1C02  }
0x29: {  	[timem:s3], [sflag:s2] =	dma.local @!p0 [hbm:s0], s1  }
0x2a: {  	s0 =	simm.s32 @!p0 $0x2  }
0x2b: {  	_ =	swait.ge @!p0 [sflag:s0], s1  }
0x2c: {  	s1 =	ssub.s32 @!p0 $0x0, s1;
	[sflag:s0] =	ssyncset.done @!p0 $0x0  }
0x2d: {  	[sflag:s0] =	ssyncadd.s32 @!p0 s1  }
0x2e: {  	[bflag:$0x3] =	sbarrier.arrive $0xFFFF  }
0x2f: {  	_ =	shalt  }

// kernel: kernel.43.cloned.1.call-start
scs
__scs_entry_jumppad:
0x0: {  	(pc) =	sbr.rel $0x88, $3  }
0x1: {  	(tag) =	ssettag $0x0;
	lr =	simm.s32 $0x1  }
0x2: {  	[smem:$0x3F94] =	sst lr;
	_ =	strace $0xD0000000  }
0x3: {  	_ = 	snop  }
0x4: {  	_ = 	snop  }
0x5: {  	_ = 	snop  }
0x6: {  	_ = 	snop  }
0x7: {  	_ = 	snop  }
__scs_overlays_trampoline_lowered:
0x8: {  	[smem:$0x3FA3] =	sst s0  }
0x9: {  	[smem:$0x3FA4] =	sst s1  }
0xa: {  	[smem:$0x3FA5] =	sst s2  }
0xb: {  	[smem:$0x3FA6] =	sst s3  }
0xc: {  	[smem:$0x3FA7] =	sst s4  }
0xd: {  	[smem:$0x3FA8] =	sst s5  }
0xe: {  	[smem:$0x3FA9] =	sst s6  }
0xf: {  	[smem:$0x3FAA] =	sst s7  }
0x10: {  	[smem:$0x3FAB] =	sst s8  }
0x11: {  	[smem:$0x3FAC] =	sst s9;
	s0 =	simm.s32 @!p0 $0x0  }
0x12: {  	s1 =	sld [smem:$0x3F92];
	s0 =	simm.s32 @p0 $0x1  }
0x13: {  	[smem:$0x3FAD] =	sst s0;
	s0 =	simm.s32 @!p1 $0x0  }
0x14: {  	s2 =	sld [smem:$0x3F91];
	s0 =	simm.s32 @p1 $0x1  }
0x15: {  	[smem:$0x3FAE] =	sst s0;
	s0 =	simm.s32 @!p2 $0x0  }
0x16: {  	s3 =	sld [smem:$0x3FDB];
	s0 =	simm.s32 @p2 $0x1  }
0x17: {  	s4 =	simm.s32 $0x1BF5;
	[smem:$0x3FB0] =	sst s0  }
0x18: {  	s0 =	sld [smem:$0x3F93];
	_ =	swait.ge [sflag:s4], $0x0  }
0x19: {  	s7 =	sld [smem:$0x3F94]  }
0x1a: {  	s8 =	sadd.s32 $0xFFFFE003, lr  }
0x1b: {  	s9 =	sadd.s32 $0xFFFFFEF7, lr;
	s5 =	simm.s32 $0xFFFFFFFF;
	p2 =	slt.u32 s8, $0xFFFFF086  }
0x1c: {  	p1 =	slt.u32 s9, $0xF7A;
	s5 =	simm.s32 @!p2 $0x0  }
0x1d: {  	s5 =	simm.s32 @p1 $0x1;
	p0 =	seq.s32 s7, s2  }
0x1e: {  	s7 =	smul.u32 @!p0 $0xF7A, s2;
	p2 =	seq.s32 @!p0 s5, $0x0  }
0x1f: {  	s9 =	smul.u32 $0xF7A, s1;
	s8 =	simm.s32 @!p0 $0x1BF5;
	p2 =	por !p2, p0  }
0x20: {  	[sflag:s8] =	ssyncset.s32 @!p0 $0xFFFFF086;
	s6 =	sadd.s32 @!p0 s3, s7;
	s7 =	simm.s32 @!p0 $0x108  }
0x21: {  	s3 =	sadd.s32 s3, s9;
	s6 =	sadd.s32 @!p0 $0x88, s6;
	s7 =	simm.s32 @p2 $0x1082  }
0x22: {  	[simem:s7], [sflag:s8] =	dma.local @!p0 [hbm:s6], $0xF7A  }
0x23: {  	s9 =	sor.u32 $0xD0000000, s2;
	s6 =	simm.s32 $0x108;
	_ =	swait.ge @!p0 [sflag:s8], $0x0  }
0x24: {  	s3 =	sadd.s32 $0x88, s3;
	s6 =	simm.s32 @!p1 $0x1082;
	[sflag:s4] =	ssyncset.s32 $0xFFFFF086  }
0x25: {  	[simem:s6], [sflag:s4] =	dma.local [hbm:s3], $0xF7A  }
0x26: {  	[smem:$0x3F94] =	sst s1;
	(tag) =	ssettag s2;
	_ =	strace s9  }
0x27: {  	s1 =	sld [smem:$0x3FA4]  }
0x28: {  	s2 =	sld [smem:$0x3FA5]  }
0x29: {  	s4 =	sld [smem:$0x3FA7]  }
0x2a: {  	p0 =	seq.s32 s5, $0x0;
	s5 =	sld [smem:$0x3FA8]  }
0x2b: {  	s6 =	sld [smem:$0x3FA9]  }
0x2c: {  	s7 =	sld [smem:$0x3FAA]  }
0x2d: {  	s3 =	simm.s32 $0x108;
	s8 =	sld [smem:$0x3FAB]  }
0x2e: {  	s3 =	simm.s32 @!p0 $0x1082;
	s9 =	sld [smem:$0x3FAC]  }
0x2f: {  	lr =	sadd.s32 s0, s3;
	s0 =	sld [smem:$0x3FA3]  }
0x30: {  	s3 =	sld [smem:$0x3FA6]  }
0x31: {  	[smem:$0x3FAF] =	sst s10  }
0x32: {  	s10 =	sld [smem:$0x3FAD];
	_ =	sdelay $0x3  }
0x33: {  	p0 =	seq.s32 s10, $0x1;
	s10 =	sld [smem:$0x3FAF];
	_ =	sdelay $0x3  }
0x34: {  	[smem:$0x3FAF] =	sst s10  }
0x35: {  	s10 =	sld [smem:$0x3FAE];
	_ =	sdelay $0x3  }
0x36: {  	p1 =	seq.s32 s10, $0x1;
	s10 =	sld [smem:$0x3FAF];
	_ =	sdelay $0x3  }
0x37: {  	[smem:$0x3FAF] =	sst s10  }
0x38: {  	s10 =	sld [smem:$0x3FB0]  }
0x39: {  	_ = 	snop;
	(pc) =	sbr.ind lr, $3  }
0x3a: {  	_ = 	snop  }
0x3b: {  	_ = 	snop  }
0x3c: {  	p2 =	seq.s32 s10, $0x1;
	s10 =	sld [smem:$0x3FAF]  }
0x3d: {  	_ =	shalt  }
0x3e: {  	_ =	shalt  }
0x3f: {  	_ =	shalt  }
0x40: {  	_ =	shalt  }
0x41: {  	_ =	shalt  }
0x42: {  	_ =	shalt  }
0x43: {  	_ =	shalt  }
0x44: {  	_ =	shalt  }
0x45: {  	_ =	shalt  }
0x46: {  	_ =	shalt  }
0x47: {  	_ =	shalt  }
0x48: {  	_ =	shalt  }
0x49: {  	_ =	shalt  }
0x4a: {  	_ =	shalt  }
0x4b: {  	_ =	shalt  }
0x4c: {  	_ =	shalt  }
0x4d: {  	_ =	shalt  }
0x4e: {  	_ =	shalt  }
0x4f: {  	_ =	shalt  }
0x50: {  	_ =	shalt  }
0x51: {  	_ =	shalt  }
0x52: {  	_ =	shalt  }
0x53: {  	_ =	shalt  }
0x54: {  	_ =	shalt  }
0x55: {  	_ =	shalt  }
0x56: {  	_ =	shalt  }
0x57: {  	_ =	shalt  }
0x58: {  	_ =	shalt  }
0x59: {  	_ =	shalt  }
0x5a: {  	_ =	shalt  }
0x5b: {  	_ =	shalt  }
0x5c: {  	_ =	shalt  }
0x5d: {  	_ =	shalt  }
0x5e: {  	_ =	shalt  }
0x5f: {  	_ =	shalt  }
0x60: {  	_ =	shalt  }
0x61: {  	_ =	shalt  }
0x62: {  	_ =	shalt  }
0x63: {  	_ =	shalt  }
0x64: {  	_ =	shalt  }
0x65: {  	_ =	shalt  }
0x66: {  	_ =	shalt  }
0x67: {  	_ =	shalt  }
0x68: {  	_ =	shalt  }
0x69: {  	_ =	shalt  }
0x6a: {  	_ =	shalt  }
0x6b: {  	_ =	shalt  }
0x6c: {  	_ =	shalt  }
0x6d: {  	_ =	shalt  }
0x6e: {  	_ =	shalt  }
0x6f: {  	_ =	shalt  }
0x70: {  	_ =	shalt  }
0x71: {  	_ =	shalt  }
0x72: {  	_ =	shalt  }
0x73: {  	_ =	shalt  }
0x74: {  	_ =	shalt  }
0x75: {  	_ =	shalt  }
0x76: {  	_ =	shalt  }
0x77: {  	_ =	shalt  }
0x78: {  	_ =	shalt  }
0x79: {  	_ =	shalt  }
0x7a: {  	_ =	shalt  }
0x7b: {  	_ =	shalt  }
0x7c: {  	_ =	shalt  }
0x7d: {  	_ =	shalt  }
0x7e: {  	_ =	shalt  }
0x7f: {  	_ =	shalt  }
0x80: {  	_ =	shalt  }
0x81: {  	_ =	shalt  }
0x82: {  	_ =	shalt  }
0x83: {  	_ =	shalt  }
0x84: {  	_ =	shalt  }
0x85: {  	_ =	shalt  }
0x86: {  	_ =	shalt  }
0x87: {  	_ =	shalt  }
.Lfunc_end0:
.L_simem_size_0:
called_computation.5_lowered:
.L_overlay_start_0:
0x88: {  	s2 =	sld [smem:$0x3FD9]  }
0x89: {  	s3 =	sld [smem:$0x3FFE];
	_ =	sdelay $0x1  }
0x8a: {  	s1 =	srdreg.scid  }
0x8b: {  	s0 =	sand.u32 $0x1, s1  }
0x8c: {  	s15 =	sshll.u32 s0, $0xA;
	s2 =	sadd.s32 s3, s2  }
0x8d: {  	s2 =	sadd.s32 s2, s15  }
0x8e: {  	[smem:$0x3FBB] =	sst s2  }
0x8f: {  	_ = 	snop  }
0x90: {  	s2 =	sld [smem:$0x3FD0];
	_ =	sdelay $0x2  }
0x91: {  	s16 =	simm.s32 $0xB;
	s4 =	simm.s32 $0x10  }
0x92: {  	[smem:s4], [sflag:s16] =	dma.local [hbm:s2], $0x1  }
0x93: {  	_ =	swait.eq [sflag:s16], $0x1  }
0x94: {  	[sflag:s16] =	ssyncset.done $0x0  }
0x95: {  	[sflag:s16] =	ssyncadd.s32 $0xFFFFFFFF  }
0x96: {  	s17 =	sld [smem:$0x11];
	(tm) =	ssettm $0x1  }
0x97: {  	s18 =	sld [smem:$0x3FFB];
	_ =	sdelay $0x3  }
0x98: {  	_ =	strace s18  }
0x99: {  	s2 =	sld [smem:$0x3FFC];
	_ =	sdelay $0x3  }
0x9a: {  	_ =	strace s2  }
0x9b: {  	s2 =	sld [smem:$0x3FFD];
	_ =	sdelay $0x3  }
0x9c: {  	_ =	strace s2  }
0x9d: {  	_ =	strace $0x8FFFFFFF  }
0x9e: {  	s19 =	sld [smem:$0x3FDB];
	_ =	sdelay $0x1  }
0x9f: {  	s20 =	simm.s32 $_scs_section_size  }
0xa0: {  	s5 =	simm.s32 $_size__tile_overlayer_lowered;
	s6 =	simm.s32 $_tile_overlayer_lowered  }
0xa1: {  	s7 =	simm.s32 $0x1BFF;
	s21 =	sshll.u32 s6, $0x1;
	s4 =	sadd.s32 s20, s19  }
0xa2: {  	s22 =	simm.s32 $0x0;
	s5 =	sshll.u32 s5, $0x1;
	s6 =	sadd.s32 s21, s4  }
0xa3: {  	[timem:s22], [sflag:s7] =	dma.local [hbm:s6], s5  }
0xa4: {  	_ =	swait.ge [sflag:s7], s5  }
0xa5: {  	s5 =	ssub.s32 $0x0, s5;
	[sflag:s7] =	ssyncset.done $0x0  }
0xa6: {  	[sflag:s7] =	ssyncadd.s32 s5;
	_ =	sdelay $0x1  }
0xa7: {  	s23 =	simm.s32 $0x1B8B  }
0xa8: {  	_ =	swait.ge [sflag:s23], $0x1  }
0xa9: {  	[sflag:s23] =	ssyncset.done $0x0  }
0xaa: {  	[sflag:s23] =	ssyncadd.s32 $0xFFFFFFFF  }
0xab: {  	s5 =	sld [smem:$0x0]  }
0xac: {  	s6 =	sand.u32 $0xFFFFFFFE, s1  }
0xad: {  	p0 =	sne.s32 s1, s6  }
0xae: {  	s6 =	sshll.u32 @p0 s6, $0xE  }
0xaf: {  	s6 =	sadd.s32 @p0 $0x11B8D, s6;
	s7 =	sshll.u32 @p0 s5, $0x11  }
0xb0: {  	s6 =	sor.u32 @p0 s7, s6  }
0xb1: {  	[sflag:s6] =	ssyncadd.remote.s32 @p0 $0x1;
	_ =	sdelay $0x1  }
0xb2: {  	s6 =	simm.s32 @p0 $0x1B8D  }
0xb3: {  	_ =	swait.eq @p0 [sflag:s6], $0x1  }
0xb4: {  	[sflag:s6] =	ssyncadd.s32 @p0 $0xFFFFFFFF  }
0xb5: {  	s7 =	sshll.u32 @!p0 s1, $0xE  }
0xb6: {  	s7 =	sor.u32 @!p0 $0x4000, s7;
	s6 =	simm.s32 @!p0 $0x1B8D  }
0xb7: {  	s5 =	sshll.u32 @!p0 s5, $0x11;
	s7 =	sadd.s32 @!p0 $0x11B8D, s7;
	_ =	swait.eq @!p0 [sflag:s6], $0x1  }
0xb8: {  	s5 =	sor.u32 @!p0 s5, s7;
	[sflag:s6] =	ssyncadd.s32 @!p0 $0xFFFFFFFF  }
0xb9: {  	s25 =	simm.s32 $0x1B8E;
	s24 =	sld [smem:$0x3FFE];
	[sflag:s5] =	ssyncadd.remote.s32 @!p0 $0x1  }
0xba: {  	s26 =	simm.s32 $execute0_lowered;
	[smem:$0x3FD2] =	sst s25  }
0xbb: {  	s6 =	sshll.u32 s26, $0x1;
	_ =	strace $0x8000004F;
	[dreg:$0x1] =	wrdreg $0xFFFFFFFF  }
0xbc: {  	s28 =	simm.s32 $_size_execute0_lowered;
	s4 =	sadd.s32 s4, s6;
	[dreg:$0x0] =	wrdreg $0x0  }
0xbd: {  	s6 =	sshll.u32 s28, $0x1;
	[dreg:$0x2] =	wrdreg s4  }
0xbe: {  	[dreg:$0x3] =	wrdreg s6  }
0xbf: {  	[dreg:$0x4] =	wrdreg $0xC0  }
0xc0: {  	_ =	task [dreg:s22], $0x5FFFF  }
0xc1: {  	[dreg:$0x1] =	wrdreg $0xFFFFFFFF  }
0xc2: {  	[dreg:$0x0] =	wrdreg $0x60  }
0xc3: {  	[dreg:$0x2] =	wrdreg s24  }
0xc4: {  	[dreg:$0x3] =	wrdreg s17  }
0xc5: {  	[dreg:$0x4] =	wrdreg $0xA  }
0xc6: {  	_ =	task.clear_ibuf [dreg:s22], $0x5FFFF;
	_ =	strace $0x9000004F  }
0xc7: {  	s29 =	simm.s32 $0xA;
	_ =	strace $0x80000051  }
0xc8: {  	_ =	swait.ge [sflag:s29], $0x1  }
0xc9: {  	[sflag:s29] =	ssyncadd.s32 $0xFFFFFFFF  }
0xca: {  	_ =	strace $0x90000051  }
0xcb: {  	_ =	sfence  }
0xcc: {  	s30 =	sld [smem:$0x0];
	_ =	sdelay $0x2  }
0xcd: {  	s31 =	sshll.u32 s1, $0xD;
	s1 =	sshrl.u32 s1, $0x2  }
0xce: {  	s4 =	sand.u32 $0x4000, s31;
	s1 =	sadd.s32 s1, s30  }
0xcf: {  	s0 =	sor.u32 s4, s0;
	s1 =	sshll.u32 s1, $0x11  }
0xd0: {  	s0 =	sor.u32 s1, s0  }
0xd1: {  	s0 =	sadd.s32 $0x8F2B, s0  }
0xd2: {  	[sflag:s0] =	ssyncadd.remote.s32 $0x1  }
0xd3: {  	_ =	sfence.sel $0xFFFF  }
0xd4: {  	[dreg:$0x0] =	wrdreg $0xFFFFFFFF;
	(pc) =	sbr.abs _section_cstart, $3  }
0xd5: {  	[dreg:$0x1] =	wrdreg $0xFFFFFFFF  }
0xd6: {  	_ =	task.clear_ibuf [dreg:s22], $0x2FFFF;
	_ =	strace $0x9FFFFFFF  }
0xd7: {  	(tm) =	ssettm $0x7FFFFFFF  }
tec
execute0_lowered:
.L_overlay_start_1:
0x0: {  	(tag) =	ssettag $0x1  }
0x1: {  	s1 =	srdreg.scid  }
0x2: {  	s8 =	rddreg [dreg:$0x0];
	s0 =	stileid.u32  }
0x3: {  	s3 =	rddreg [dreg:$0x1];
	s2 =	simm.s32 $0x0;
	s6 =	sand.u32 $0x1, s1  }
0x4: {  	s4 =	sshll.u32 s0, $0xB;
	[smem:$0x7FF] =	sst s2;
	s5 =	sshll.u32 s6, $0xA  }
0x5: {  	s1 =	rddreg [dreg:$0x2];
	_ =	strace $0x80000050;
	s7 =	sor.u32 s5, s4  }
0x6: {  	s10 =	ssub.s32 $0x2, s6;
	s6 =	simm.s32 $0x400;
	s4 =	sshrl.u32 s7, $0x3  }
0x7: {  	s5 =	sadd.s32 $0xC2400, s8;
	s4 =	sadd.s32 s3, s4;
	s3 =	simm.s32 $0x2  }
0x8: {  	[tilespmem:s2], [sflag:$0x2] =	stream.linear.gather [hbm4b:s4+s2], $0x400, $0x38;
	[tilespmem:$0xC400] =	vst v63  }
0x9: {  	s11 =	sshrl.u32 s10, $0x1;
	s9 =	smul.u32 $0x6, s7;
	_ =	swait.ge [sflag:s3], $0x400  }
0xa: {  	s7 =	simm.s32 $0x1;
	s31 =	ssub.s32 s10, s11;
	[sflag:s3] =	ssyncset.done $0x0  }
0xb: {  	s8 =	sadd.s32 s9, s8;
	s9 =	smax.u32 s31, $0x1;
	[sflag:s3] =	ssyncadd.s32 $0xFFFFFC00  }
0xc: {  	[tilespmem:s6], [sflag:$0x1] =	stream.indirect.gather [hbm4b:s5+s6], $0x30, s2, s6, $0xb8;
	[tilespmem:$0xC400] =	vst v63  }
0xd: {  	p0 =	sne.s32 s9, $0x1;
	_ =	swait.ge [sflag:s7], $0xC000  }
.Ltmp0:
0xe: {  	[sflag:s7] =	ssyncset.done $0x0;
	(pc) =	sbr.rel @!p0 .LBB2_2-.Ltmp0, $4  }
0xf: {  	s8 =	sadd.s32 $0xC8400, s8;
	[sflag:s7] =	ssyncadd.s32 $0xFFFF4000  }
0x10: {  	[hbm4b:s8+s2] =	stream.linear.scatter [tilespmem:s6], [sflag:$0x2], $0xC000, $0x38;
	[tilespmem:$0xC400] =	vst v63  }
0x11: {  	_ =	swait.ge [sflag:s3], $0xC000  }
0x12: {  	s9 =	sadd.s32 $0xFFFFFFFF, s9;
	[sflag:s3] =	ssyncset.done $0x0  }
.LBB2_1:
0x13: {  	p0 =	sne.s32 s9, $0x1;
	s9 =	sadd.s32 $0xFFFFFFFF, s9;
	[sflag:s3] =	ssyncadd.s32 $0xFFFF4000  }
0x14: {  	[tilespmem:s2], [sflag:$0x2] =	stream.linear.gather [hbm4b:s4+s2], $0x400, $0x38;
	[tilespmem:$0xC400] =	vst v63  }
0x15: {  	_ =	swait.ge [sflag:s3], $0x400  }
0x16: {  	[sflag:s3] =	ssyncset.done $0x0  }
0x17: {  	[sflag:s3] =	ssyncadd.s32 $0xFFFFFC00  }
0x18: {  	[tilespmem:s6], [sflag:$0x1] =	stream.indirect.gather [hbm4b:s5+s6], $0x30, s2, s6, $0xb8;
	[tilespmem:$0xC400] =	vst v63  }
0x19: {  	_ =	swait.ge [sflag:s7], $0xC000  }
.Ltmp1:
0x1a: {  	[sflag:s7] =	ssyncset.done $0x0;
	(pc) =	sbr.rel @p0 .LBB2_1-.Ltmp1, $4  }
0x1b: {  	[sflag:s7] =	ssyncadd.s32 $0xFFFF4000  }
0x1c: {  	[hbm4b:s8+s2] =	stream.linear.scatter [tilespmem:s6], [sflag:$0x2], $0xC000, $0x38;
	[tilespmem:$0xC400] =	vst v63  }
0x1d: {  	_ =	swait.ge [sflag:s3], $0xC000  }
0x1e: {  	[sflag:s3] =	ssyncset.done $0x0  }
.LBB2_2:
0x1f: {  	[sflag:s3] =	ssyncadd.s32 $0xFFFF4000  }
0x20: {  	_ =	sfence.sel $0x180000  }
0x21: {  	[bflag:$0x0] =	sbarrier.arrive $0xFFFF  }
0x22: {  	p0 =	sne.s32 s0, $0x0;
	_ =	strace $0x90000050  }
0x23: {  	s0 =	sadd.s32 @!p0 $0x100000, s1;
	[bflag:$0x2] =	sbarrier.arrive $0xFFFF  }
0x24: {  	[sflag:s0] =	ssyncadd.tile.s32 @!p0 $0x1;
	_ =	shalt  }
.Lfunc_end2:
_tile_overlayer_lowered:
.L_overlay_start_2:
0x25: {  	(tag) =	ssettag $0x2  }
0x26: {  	s0 =	rddreg [dreg:$0x0];
	s2 =	stileid.u32  }
0x27: {  	s1 =	rddreg [dreg:$0x1];
	p0 =	sne.s32 s2, $0x0  }
0x28: {  	s3 =	rddreg [dreg:$0x2];
	[bflag:$0x3] =	sbarrier.arrive $0xFFFF;
	s2 =	simm.s32 @!p0 $0x1C02  }
0x29: {  	[timem:s3], [sflag:s2] =	dma.local @!p0 [hbm:s0], s1  }
0x2a: {  	s0 =	simm.s32 @!p0 $0x2  }
0x2b: {  	_ =	swait.ge @!p0 [sflag:s0], s1  }
0x2c: {  	s1 =	ssub.s32 @!p0 $0x0, s1;
	[sflag:s0] =	ssyncset.done @!p0 $0x0  }
0x2d: {  	[sflag:s0] =	ssyncadd.s32 @!p0 s1  }
0x2e: {  	[bflag:$0x3] =	sbarrier.arrive $0xFFFF  }
0x2f: {  	_ =	shalt  }

// kernel: kernel.46.cloned.1.call-start
scs
__scs_entry_jumppad:
0x0: {  	(pc) =	sbr.rel $0x88, $3  }
0x1: {  	(tag) =	ssettag $0x0;
	lr =	simm.s32 $0x1  }
0x2: {  	[smem:$0x3F94] =	sst lr;
	_ =	strace $0xD0000000  }
0x3: {  	_ = 	snop  }
0x4: {  	_ = 	snop  }
0x5: {  	_ = 	snop  }
0x6: {  	_ = 	snop  }
0x7: {  	_ = 	snop  }
__scs_overlays_trampoline_lowered:
0x8: {  	[smem:$0x3FA3] =	sst s0  }
0x9: {  	[smem:$0x3FA4] =	sst s1  }
0xa: {  	[smem:$0x3FA5] =	sst s2  }
0xb: {  	[smem:$0x3FA6] =	sst s3  }
0xc: {  	[smem:$0x3FA7] =	sst s4  }
0xd: {  	[smem:$0x3FA8] =	sst s5  }
0xe: {  	[smem:$0x3FA9] =	sst s6  }
0xf: {  	[smem:$0x3FAA] =	sst s7  }
0x10: {  	[smem:$0x3FAB] =	sst s8  }
0x11: {  	[smem:$0x3FAC] =	sst s9;
	s0 =	simm.s32 @!p0 $0x0  }
0x12: {  	s1 =	sld [smem:$0x3F92];
	s0 =	simm.s32 @p0 $0x1  }
0x13: {  	[smem:$0x3FAD] =	sst s0;
	s0 =	simm.s32 @!p1 $0x0  }
0x14: {  	s2 =	sld [smem:$0x3F91];
	s0 =	simm.s32 @p1 $0x1  }
0x15: {  	[smem:$0x3FAE] =	sst s0;
	s0 =	simm.s32 @!p2 $0x0  }
0x16: {  	s3 =	sld [smem:$0x3FDB];
	s0 =	simm.s32 @p2 $0x1  }
0x17: {  	s4 =	simm.s32 $0x1BF5;
	[smem:$0x3FB0] =	sst s0  }
0x18: {  	s0 =	sld [smem:$0x3F93];
	_ =	swait.ge [sflag:s4], $0x0  }
0x19: {  	s7 =	sld [smem:$0x3F94]  }
0x1a: {  	s8 =	sadd.s32 $0xFFFFE003, lr  }
0x1b: {  	s9 =	sadd.s32 $0xFFFFFEF7, lr;
	s5 =	simm.s32 $0xFFFFFFFF;
	p2 =	slt.u32 s8, $0xFFFFF086  }
0x1c: {  	p1 =	slt.u32 s9, $0xF7A;
	s5 =	simm.s32 @!p2 $0x0  }
0x1d: {  	s5 =	simm.s32 @p1 $0x1;
	p0 =	seq.s32 s7, s2  }
0x1e: {  	s7 =	smul.u32 @!p0 $0xF7A, s2;
	p2 =	seq.s32 @!p0 s5, $0x0  }
0x1f: {  	s9 =	smul.u32 $0xF7A, s1;
	s8 =	simm.s32 @!p0 $0x1BF5;
	p2 =	por !p2, p0  }
0x20: {  	[sflag:s8] =	ssyncset.s32 @!p0 $0xFFFFF086;
	s6 =	sadd.s32 @!p0 s3, s7;
	s7 =	simm.s32 @!p0 $0x108  }
0x21: {  	s3 =	sadd.s32 s3, s9;
	s6 =	sadd.s32 @!p0 $0x88, s6;
	s7 =	simm.s32 @p2 $0x1082  }
0x22: {  	[simem:s7], [sflag:s8] =	dma.local @!p0 [hbm:s6], $0xF7A  }
0x23: {  	s9 =	sor.u32 $0xD0000000, s2;
	s6 =	simm.s32 $0x108;
	_ =	swait.ge @!p0 [sflag:s8], $0x0  }
0x24: {  	s3 =	sadd.s32 $0x88, s3;
	s6 =	simm.s32 @!p1 $0x1082;
	[sflag:s4] =	ssyncset.s32 $0xFFFFF086  }
0x25: {  	[simem:s6], [sflag:s4] =	dma.local [hbm:s3], $0xF7A  }
0x26: {  	[smem:$0x3F94] =	sst s1;
	(tag) =	ssettag s2;
	_ =	strace s9  }
0x27: {  	s1 =	sld [smem:$0x3FA4]  }
0x28: {  	s2 =	sld [smem:$0x3FA5]  }
0x29: {  	s4 =	sld [smem:$0x3FA7]  }
0x2a: {  	p0 =	seq.s32 s5, $0x0;
	s5 =	sld [smem:$0x3FA8]  }
0x2b: {  	s6 =	sld [smem:$0x3FA9]  }
0x2c: {  	s7 =	sld [smem:$0x3FAA]  }
0x2d: {  	s3 =	simm.s32 $0x108;
	s8 =	sld [smem:$0x3FAB]  }
0x2e: {  	s3 =	simm.s32 @!p0 $0x1082;
	s9 =	sld [smem:$0x3FAC]  }
0x2f: {  	lr =	sadd.s32 s0, s3;
	s0 =	sld [smem:$0x3FA3]  }
0x30: {  	s3 =	sld [smem:$0x3FA6]  }
0x31: {  	[smem:$0x3FAF] =	sst s10  }
0x32: {  	s10 =	sld [smem:$0x3FAD];
	_ =	sdelay $0x3  }
0x33: {  	p0 =	seq.s32 s10, $0x1;
	s10 =	sld [smem:$0x3FAF];
	_ =	sdelay $0x3  }
0x34: {  	[smem:$0x3FAF] =	sst s10  }
0x35: {  	s10 =	sld [smem:$0x3FAE];
	_ =	sdelay $0x3  }
0x36: {  	p1 =	seq.s32 s10, $0x1;
	s10 =	sld [smem:$0x3FAF];
	_ =	sdelay $0x3  }
0x37: {  	[smem:$0x3FAF] =	sst s10  }
0x38: {  	s10 =	sld [smem:$0x3FB0]  }
0x39: {  	_ = 	snop;
	(pc) =	sbr.ind lr, $3  }
0x3a: {  	_ = 	snop  }
0x3b: {  	_ = 	snop  }
0x3c: {  	p2 =	seq.s32 s10, $0x1;
	s10 =	sld [smem:$0x3FAF]  }
0x3d: {  	_ =	shalt  }
0x3e: {  	_ =	shalt  }
0x3f: {  	_ =	shalt  }
0x40: {  	_ =	shalt  }
0x41: {  	_ =	shalt  }
0x42: {  	_ =	shalt  }
0x43: {  	_ =	shalt  }
0x44: {  	_ =	shalt  }
0x45: {  	_ =	shalt  }
0x46: {  	_ =	shalt  }
0x47: {  	_ =	shalt  }
0x48: {  	_ =	shalt  }
0x49: {  	_ =	shalt  }
0x4a: {  	_ =	shalt  }
0x4b: {  	_ =	shalt  }
0x4c: {  	_ =	shalt  }
0x4d: {  	_ =	shalt  }
0x4e: {  	_ =	shalt  }
0x4f: {  	_ =	shalt  }
0x50: {  	_ =	shalt  }
0x51: {  	_ =	shalt  }
0x52: {  	_ =	shalt  }
0x53: {  	_ =	shalt  }
0x54: {  	_ =	shalt  }
0x55: {  	_ =	shalt  }
0x56: {  	_ =	shalt  }
0x57: {  	_ =	shalt  }
0x58: {  	_ =	shalt  }
0x59: {  	_ =	shalt  }
0x5a: {  	_ =	shalt  }
0x5b: {  	_ =	shalt  }
0x5c: {  	_ =	shalt  }
0x5d: {  	_ =	shalt  }
0x5e: {  	_ =	shalt  }
0x5f: {  	_ =	shalt  }
0x60: {  	_ =	shalt  }
0x61: {  	_ =	shalt  }
0x62: {  	_ =	shalt  }
0x63: {  	_ =	shalt  }
0x64: {  	_ =	shalt  }
0x65: {  	_ =	shalt  }
0x66: {  	_ =	shalt  }
0x67: {  	_ =	shalt  }
0x68: {  	_ =	shalt  }
0x69: {  	_ =	shalt  }
0x6a: {  	_ =	shalt  }
0x6b: {  	_ =	shalt  }
0x6c: {  	_ =	shalt  }
0x6d: {  	_ =	shalt  }
0x6e: {  	_ =	shalt  }
0x6f: {  	_ =	shalt  }
0x70: {  	_ =	shalt  }
0x71: {  	_ =	shalt  }
0x72: {  	_ =	shalt  }
0x73: {  	_ =	shalt  }
0x74: {  	_ =	shalt  }
0x75: {  	_ =	shalt  }
0x76: {  	_ =	shalt  }
0x77: {  	_ =	shalt  }
0x78: {  	_ =	shalt  }
0x79: {  	_ =	shalt  }
0x7a: {  	_ =	shalt  }
0x7b: {  	_ =	shalt  }
0x7c: {  	_ =	shalt  }
0x7d: {  	_ =	shalt  }
0x7e: {  	_ =	shalt  }
0x7f: {  	_ =	shalt  }
0x80: {  	_ =	shalt  }
0x81: {  	_ =	shalt  }
0x82: {  	_ =	shalt  }
0x83: {  	_ =	shalt  }
0x84: {  	_ =	shalt  }
0x85: {  	_ =	shalt  }
0x86: {  	_ =	shalt  }
0x87: {  	_ =	shalt  }
.Lfunc_end0:
.L_simem_size_0:
called_computation.6_lowered:
.L_overlay_start_0:
0x88: {  	s2 =	sld [smem:$0x3FD9]  }
0x89: {  	s3 =	sld [smem:$0x3FFE];
	_ =	sdelay $0x1  }
0x8a: {  	s1 =	srdreg.scid  }
0x8b: {  	s0 =	sand.u32 $0x1, s1  }
0x8c: {  	s14 =	sshll.u32 s0, $0xA;
	s2 =	sadd.s32 s3, s2  }
0x8d: {  	s2 =	sadd.s32 s2, s14  }
0x8e: {  	[smem:$0x3FBB] =	sst s2  }
0x8f: {  	_ = 	snop  }
0x90: {  	s2 =	sld [smem:$0x3FD0];
	_ =	sdelay $0x2  }
0x91: {  	s15 =	simm.s32 $0xB;
	s4 =	simm.s32 $0x10  }
0x92: {  	[smem:s4], [sflag:s15] =	dma.local [hbm:s2], $0x1  }
0x93: {  	_ =	swait.eq [sflag:s15], $0x1  }
0x94: {  	[sflag:s15] =	ssyncset.done $0x0  }
0x95: {  	[sflag:s15] =	ssyncadd.s32 $0xFFFFFFFF  }
0x96: {  	s16 =	sld [smem:$0x10];
	(tm) =	ssettm $0x1  }
0x97: {  	s17 =	sld [smem:$0x3FFB];
	_ =	sdelay $0x3  }
0x98: {  	_ =	strace s17  }
0x99: {  	s3 =	sld [smem:$0x3FFC];
	_ =	sdelay $0x3  }
0x9a: {  	_ =	strace s3  }
0x9b: {  	s3 =	sld [smem:$0x3FFD];
	_ =	sdelay $0x3  }
0x9c: {  	_ =	strace s3  }
0x9d: {  	_ =	strace $0x8FFFFFFF  }
0x9e: {  	s18 =	sld [smem:$0x3FDB];
	_ =	sdelay $0x1  }
0x9f: {  	s19 =	simm.s32 $_scs_section_size  }
0xa0: {  	s5 =	simm.s32 $_size__tile_overlayer_lowered;
	s6 =	simm.s32 $_tile_overlayer_lowered  }
0xa1: {  	s22 =	simm.s32 $0x1BFF;
	s21 =	sshll.u32 s6, $0x1;
	s3 =	sadd.s32 s19, s18  }
0xa2: {  	s7 =	simm.s32 $0x0;
	s20 =	sshll.u32 s5, $0x1;
	s5 =	sadd.s32 s21, s3  }
0xa3: {  	[timem:s7], [sflag:s22] =	dma.local [hbm:s5], s20  }
0xa4: {  	_ =	swait.ge [sflag:s22], s20  }
0xa5: {  	s4 =	ssub.s32 $0x0, s20;
	[sflag:s22] =	ssyncset.done $0x0  }
0xa6: {  	[sflag:s22] =	ssyncadd.s32 s4;
	_ =	sdelay $0x1  }
0xa7: {  	s23 =	simm.s32 $0x1B8B  }
0xa8: {  	_ =	swait.ge [sflag:s23], $0x1  }
0xa9: {  	[sflag:s23] =	ssyncset.done $0x0  }
0xaa: {  	s25 =	simm.s32 $0x1B8E;
	s24 =	sld [smem:$0x3FFE];
	[sflag:s23] =	ssyncadd.s32 $0xFFFFFFFF  }
0xab: {  	s26 =	simm.s32 $execute0_lowered;
	[smem:$0x3FD2] =	sst s25  }
0xac: {  	s5 =	sshll.u32 s26, $0x1;
	_ =	strace $0x80000052;
	[dreg:$0x1] =	wrdreg $0xFFFFFFFF  }
0xad: {  	s28 =	simm.s32 $_size_execute0_lowered;
	s3 =	sadd.s32 s3, s5;
	[dreg:$0x0] =	wrdreg $0x0  }
0xae: {  	s5 =	sshll.u32 s28, $0x1;
	[dreg:$0x2] =	wrdreg s3  }
0xaf: {  	[dreg:$0x3] =	wrdreg s5  }
0xb0: {  	[dreg:$0x4] =	wrdreg $0xC0  }
0xb1: {  	_ =	task [dreg:s7], $0x5FFFF  }
0xb2: {  	[dreg:$0x1] =	wrdreg $0xFFFFFFFF  }
0xb3: {  	[dreg:$0x0] =	wrdreg $0x60  }
0xb4: {  	[dreg:$0x2] =	wrdreg s16  }
0xb5: {  	[dreg:$0x3] =	wrdreg s24  }
0xb6: {  	[dreg:$0x4] =	wrdreg $0xA  }
0xb7: {  	_ =	task.clear_ibuf [dreg:s7], $0x5FFFF;
	_ =	strace $0x90000052  }
0xb8: {  	s29 =	simm.s32 $0xA;
	_ =	strace $0x80000054  }
0xb9: {  	_ =	swait.ge [sflag:s29], $0x1  }
0xba: {  	[sflag:s29] =	ssyncadd.s32 $0xFFFFFFFF  }
0xbb: {  	_ =	strace $0x90000054  }
0xbc: {  	_ =	sfence  }
0xbd: {  	s30 =	sld [smem:$0x0];
	_ =	sdelay $0x2  }
0xbe: {  	s31 =	sshll.u32 s1, $0xD;
	s1 =	sshrl.u32 s1, $0x2  }
0xbf: {  	s3 =	sand.u32 $0x4000, s31;
	s1 =	sadd.s32 s1, s30  }
0xc0: {  	s0 =	sor.u32 s3, s0;
	s1 =	sshll.u32 s1, $0x11  }
0xc1: {  	s0 =	sor.u32 s1, s0  }
0xc2: {  	s0 =	sadd.s32 $0x8F2B, s0  }
0xc3: {  	[sflag:s0] =	ssyncadd.remote.s32 $0x1  }
0xc4: {  	_ =	sfence.sel $0xFFFF  }
0xc5: {  	[dreg:$0x0] =	wrdreg $0xFFFFFFFF;
	(pc) =	sbr.abs _section_cstart, $3  }
0xc6: {  	[dreg:$0x1] =	wrdreg $0xFFFFFFFF  }
0xc7: {  	_ =	task.clear_ibuf [dreg:s7], $0x2FFFF;
	_ =	strace $0x9FFFFFFF  }
0xc8: {  	(tm) =	ssettm $0x7FFFFFFF  }
0xc9: {  	_ =	shalt  }
tec
execute0_lowered:
.L_overlay_start_1:
0x0: {  	(tag) =	ssettag $0x1  }
0x1: {  	s1 =	srdreg.scid  }
0x2: {  	s0 =	stileid.u32;
	s2 =	rddreg [dreg:$0x0];
	s6 =	sand.u32 $0x1, s1  }
0x3: {  	s8 =	rddreg [dreg:$0x1];
	s30 =	sshll.u32 s0, $0xB;
	s3 =	sshll.u32 s6, $0xA  }
0x4: {  	s1 =	rddreg [dreg:$0x2];
	s7 =	sor.u32 s3, s30  }
0x5: {  	s10 =	ssub.s32 $0x2, s6;
	s3 =	simm.s32 $0x0;
	s4 =	sshrl.u32 s7, $0x3  }
0x6: {  	s6 =	simm.s32 $0x400;
	[smem:$0x7FF] =	sst s3;
	s4 =	sadd.s32 s4, s8  }
0x7: {  	_ =	strace $0x80000053;
	s5 =	sadd.s32 $0x8FC00, s4;
	s4 =	simm.s32 $0x2  }
0x8: {  	[tilespmem:s3], [sflag:$0x2] =	stream.linear.gather [hbm4b:s5+s3], $0x400, $0x38;
	[tilespmem:$0x14400] =	vst v63  }
0x9: {  	s11 =	sshrl.u32 s10, $0x1;
	s9 =	smul.u32 $0xA, s7;
	_ =	swait.ge [sflag:s4], $0x400  }
0xa: {  	s7 =	simm.s32 $0x1;
	s31 =	ssub.s32 s10, s11;
	[sflag:s4] =	ssyncset.done $0x0  }
0xb: {  	s8 =	sadd.s32 s9, s8;
	s9 =	smax.u32 s31, $0x1;
	[sflag:s4] =	ssyncadd.s32 $0xFFFFFC00  }
0xc: {  	[tilespmem:s6], [sflag:$0x1] =	stream.indirect.gather [hbm4b:s2+s6], $0x50, s3, s6, $0xb8;
	[tilespmem:$0x14400] =	vst v63  }
0xd: {  	p0 =	sne.s32 s9, $0x1;
	_ =	swait.ge [sflag:s7], $0x14000  }
.Ltmp0:
0xe: {  	[sflag:s7] =	ssyncset.done $0x0;
	(pc) =	sbr.rel @!p0 .LBB2_2-.Ltmp0, $4  }
0xf: {  	s8 =	sadd.s32 $0x92400, s8;
	[sflag:s7] =	ssyncadd.s32 $0xFFFEC000  }
0x10: {  	[hbm4b:s8+s3] =	stream.linear.scatter [tilespmem:s6], [sflag:$0x2], $0x14000, $0x38;
	[tilespmem:$0x14400] =	vst v63  }
0x11: {  	_ =	swait.ge [sflag:s4], $0x14000  }
0x12: {  	s9 =	sadd.s32 $0xFFFFFFFF, s9;
	[sflag:s4] =	ssyncset.done $0x0  }
.LBB2_1:
0x13: {  	p0 =	sne.s32 s9, $0x1;
	s9 =	sadd.s32 $0xFFFFFFFF, s9;
	[sflag:s4] =	ssyncadd.s32 $0xFFFEC000  }
0x14: {  	[tilespmem:s3], [sflag:$0x2] =	stream.linear.gather [hbm4b:s5+s3], $0x400, $0x38;
	[tilespmem:$0x14400] =	vst v63  }
0x15: {  	_ =	swait.ge [sflag:s4], $0x400  }
0x16: {  	[sflag:s4] =	ssyncset.done $0x0  }
0x17: {  	[sflag:s4] =	ssyncadd.s32 $0xFFFFFC00  }
0x18: {  	[tilespmem:s6], [sflag:$0x1] =	stream.indirect.gather [hbm4b:s2+s6], $0x50, s3, s6, $0xb8;
	[tilespmem:$0x14400] =	vst v63  }
0x19: {  	_ =	swait.ge [sflag:s7], $0x14000  }
.Ltmp1:
0x1a: {  	[sflag:s7] =	ssyncset.done $0x0;
	(pc) =	sbr.rel @p0 .LBB2_1-.Ltmp1, $4  }
0x1b: {  	[sflag:s7] =	ssyncadd.s32 $0xFFFEC000  }
0x1c: {  	[hbm4b:s8+s3] =	stream.linear.scatter [tilespmem:s6], [sflag:$0x2], $0x14000, $0x38;
	[tilespmem:$0x14400] =	vst v63  }
0x1d: {  	_ =	swait.ge [sflag:s4], $0x14000  }
0x1e: {  	[sflag:s4] =	ssyncset.done $0x0  }
.LBB2_2:
0x1f: {  	[sflag:s4] =	ssyncadd.s32 $0xFFFEC000  }
0x20: {  	_ =	sfence.sel $0x180000  }
0x21: {  	[bflag:$0x0] =	sbarrier.arrive $0xFFFF  }
0x22: {  	p0 =	sne.s32 s0, $0x0;
	_ =	strace $0x90000053  }
0x23: {  	s0 =	sadd.s32 @!p0 $0x100000, s1;
	[bflag:$0x2] =	sbarrier.arrive $0xFFFF  }
0x24: {  	[sflag:s0] =	ssyncadd.tile.s32 @!p0 $0x1;
	_ =	shalt  }
.Lfunc_end2:
_tile_overlayer_lowered:
.L_overlay_start_2:
0x25: {  	(tag) =	ssettag $0x2  }
0x26: {  	s0 =	rddreg [dreg:$0x0];
	s2 =	stileid.u32  }
0x27: {  	s1 =	rddreg [dreg:$0x1];
	p0 =	sne.s32 s2, $0x0  }
0x28: {  	s3 =	rddreg [dreg:$0x2];
	[bflag:$0x3] =	sbarrier.arrive $0xFFFF;
	s2 =	simm.s32 @!p0 $0x1C02  }
0x29: {  	[timem:s3], [sflag:s2] =	dma.local @!p0 [hbm:s0], s1  }
0x2a: {  	s0 =	simm.s32 @!p0 $0x2  }
0x2b: {  	_ =	swait.ge @!p0 [sflag:s0], s1  }
0x2c: {  	s1 =	ssub.s32 @!p0 $0x0, s1;
	[sflag:s0] =	ssyncset.done @!p0 $0x0  }
0x2d: {  	[sflag:s0] =	ssyncadd.s32 @!p0 s1  }
0x2e: {  	[bflag:$0x3] =	sbarrier.arrive $0xFFFF  }
0x2f: {  	_ =	shalt  }

// kernel: kernel.49.cloned.1.call-start
scs
__scs_entry_jumppad:
0x0: {  	(pc) =	sbr.rel $0x88, $3  }
0x1: {  	(tag) =	ssettag $0x0;
	lr =	simm.s32 $0x1  }
0x2: {  	[smem:$0x3F94] =	sst lr;
	_ =	strace $0xD0000000  }
0x3: {  	_ = 	snop  }
0x4: {  	_ = 	snop  }
0x5: {  	_ = 	snop  }
0x6: {  	_ = 	snop  }
0x7: {  	_ = 	snop  }
__scs_overlays_trampoline_lowered:
0x8: {  	[smem:$0x3FA3] =	sst s0  }
0x9: {  	[smem:$0x3FA4] =	sst s1  }
0xa: {  	[smem:$0x3FA5] =	sst s2  }
0xb: {  	[smem:$0x3FA6] =	sst s3  }
0xc: {  	[smem:$0x3FA7] =	sst s4  }
0xd: {  	[smem:$0x3FA8] =	sst s5  }
0xe: {  	[smem:$0x3FA9] =	sst s6  }
0xf: {  	[smem:$0x3FAA] =	sst s7  }
0x10: {  	[smem:$0x3FAB] =	sst s8  }
0x11: {  	[smem:$0x3FAC] =	sst s9;
	s0 =	simm.s32 @!p0 $0x0  }
0x12: {  	s1 =	sld [smem:$0x3F92];
	s0 =	simm.s32 @p0 $0x1  }
0x13: {  	[smem:$0x3FAD] =	sst s0;
	s0 =	simm.s32 @!p1 $0x0  }
0x14: {  	s2 =	sld [smem:$0x3F91];
	s0 =	simm.s32 @p1 $0x1  }
0x15: {  	[smem:$0x3FAE] =	sst s0;
	s0 =	simm.s32 @!p2 $0x0  }
0x16: {  	s3 =	sld [smem:$0x3FDB];
	s0 =	simm.s32 @p2 $0x1  }
0x17: {  	s4 =	simm.s32 $0x1BF5;
	[smem:$0x3FB0] =	sst s0  }
0x18: {  	s0 =	sld [smem:$0x3F93];
	_ =	swait.ge [sflag:s4], $0x0  }
0x19: {  	s7 =	sld [smem:$0x3F94]  }
0x1a: {  	s8 =	sadd.s32 $0xFFFFE003, lr  }
0x1b: {  	s9 =	sadd.s32 $0xFFFFFEF7, lr;
	s5 =	simm.s32 $0xFFFFFFFF;
	p2 =	slt.u32 s8, $0xFFFFF086  }
0x1c: {  	p1 =	slt.u32 s9, $0xF7A;
	s5 =	simm.s32 @!p2 $0x0  }
0x1d: {  	s5 =	simm.s32 @p1 $0x1;
	p0 =	seq.s32 s7, s2  }
0x1e: {  	s7 =	smul.u32 @!p0 $0xF7A, s2;
	p2 =	seq.s32 @!p0 s5, $0x0  }
0x1f: {  	s9 =	smul.u32 $0xF7A, s1;
	s8 =	simm.s32 @!p0 $0x1BF5;
	p2 =	por !p2, p0  }
0x20: {  	[sflag:s8] =	ssyncset.s32 @!p0 $0xFFFFF086;
	s6 =	sadd.s32 @!p0 s3, s7;
	s7 =	simm.s32 @!p0 $0x108  }
0x21: {  	s3 =	sadd.s32 s3, s9;
	s6 =	sadd.s32 @!p0 $0x88, s6;
	s7 =	simm.s32 @p2 $0x1082  }
0x22: {  	[simem:s7], [sflag:s8] =	dma.local @!p0 [hbm:s6], $0xF7A  }
0x23: {  	s9 =	sor.u32 $0xD0000000, s2;
	s6 =	simm.s32 $0x108;
	_ =	swait.ge @!p0 [sflag:s8], $0x0  }
0x24: {  	s3 =	sadd.s32 $0x88, s3;
	s6 =	simm.s32 @!p1 $0x1082;
	[sflag:s4] =	ssyncset.s32 $0xFFFFF086  }
0x25: {  	[simem:s6], [sflag:s4] =	dma.local [hbm:s3], $0xF7A  }
0x26: {  	[smem:$0x3F94] =	sst s1;
	(tag) =	ssettag s2;
	_ =	strace s9  }
0x27: {  	s1 =	sld [smem:$0x3FA4]  }
0x28: {  	s2 =	sld [smem:$0x3FA5]  }
0x29: {  	s4 =	sld [smem:$0x3FA7]  }
0x2a: {  	p0 =	seq.s32 s5, $0x0;
	s5 =	sld [smem:$0x3FA8]  }
0x2b: {  	s6 =	sld [smem:$0x3FA9]  }
0x2c: {  	s7 =	sld [smem:$0x3FAA]  }
0x2d: {  	s3 =	simm.s32 $0x108;
	s8 =	sld [smem:$0x3FAB]  }
0x2e: {  	s3 =	simm.s32 @!p0 $0x1082;
	s9 =	sld [smem:$0x3FAC]  }
0x2f: {  	lr =	sadd.s32 s0, s3;
	s0 =	sld [smem:$0x3FA3]  }
0x30: {  	s3 =	sld [smem:$0x3FA6]  }
0x31: {  	[smem:$0x3FAF] =	sst s10  }
0x32: {  	s10 =	sld [smem:$0x3FAD];
	_ =	sdelay $0x3  }
0x33: {  	p0 =	seq.s32 s10, $0x1;
	s10 =	sld [smem:$0x3FAF];
	_ =	sdelay $0x3  }
0x34: {  	[smem:$0x3FAF] =	sst s10  }
0x35: {  	s10 =	sld [smem:$0x3FAE];
	_ =	sdelay $0x3  }
0x36: {  	p1 =	seq.s32 s10, $0x1;
	s10 =	sld [smem:$0x3FAF];
	_ =	sdelay $0x3  }
0x37: {  	[smem:$0x3FAF] =	sst s10  }
0x38: {  	s10 =	sld [smem:$0x3FB0]  }
0x39: {  	_ = 	snop;
	(pc) =	sbr.ind lr, $3  }
0x3a: {  	_ = 	snop  }
0x3b: {  	_ = 	snop  }
0x3c: {  	p2 =	seq.s32 s10, $0x1;
	s10 =	sld [smem:$0x3FAF]  }
0x3d: {  	_ =	shalt  }
0x3e: {  	_ =	shalt  }
0x3f: {  	_ =	shalt  }
0x40: {  	_ =	shalt  }
0x41: {  	_ =	shalt  }
0x42: {  	_ =	shalt  }
0x43: {  	_ =	shalt  }
0x44: {  	_ =	shalt  }
0x45: {  	_ =	shalt  }
0x46: {  	_ =	shalt  }
0x47: {  	_ =	shalt  }
0x48: {  	_ =	shalt  }
0x49: {  	_ =	shalt  }
0x4a: {  	_ =	shalt  }
0x4b: {  	_ =	shalt  }
0x4c: {  	_ =	shalt  }
0x4d: {  	_ =	shalt  }
0x4e: {  	_ =	shalt  }
0x4f: {  	_ =	shalt  }
0x50: {  	_ =	shalt  }
0x51: {  	_ =	shalt  }
0x52: {  	_ =	shalt  }
0x53: {  	_ =	shalt  }
0x54: {  	_ =	shalt  }
0x55: {  	_ =	shalt  }
0x56: {  	_ =	shalt  }
0x57: {  	_ =	shalt  }
0x58: {  	_ =	shalt  }
0x59: {  	_ =	shalt  }
0x5a: {  	_ =	shalt  }
0x5b: {  	_ =	shalt  }
0x5c: {  	_ =	shalt  }
0x5d: {  	_ =	shalt  }
0x5e: {  	_ =	shalt  }
0x5f: {  	_ =	shalt  }
0x60: {  	_ =	shalt  }
0x61: {  	_ =	shalt  }
0x62: {  	_ =	shalt  }
0x63: {  	_ =	shalt  }
0x64: {  	_ =	shalt  }
0x65: {  	_ =	shalt  }
0x66: {  	_ =	shalt  }
0x67: {  	_ =	shalt  }
0x68: {  	_ =	shalt  }
0x69: {  	_ =	shalt  }
0x6a: {  	_ =	shalt  }
0x6b: {  	_ =	shalt  }
0x6c: {  	_ =	shalt  }
0x6d: {  	_ =	shalt  }
0x6e: {  	_ =	shalt  }
0x6f: {  	_ =	shalt  }
0x70: {  	_ =	shalt  }
0x71: {  	_ =	shalt  }
0x72: {  	_ =	shalt  }
0x73: {  	_ =	shalt  }
0x74: {  	_ =	shalt  }
0x75: {  	_ =	shalt  }
0x76: {  	_ =	shalt  }
0x77: {  	_ =	shalt  }
0x78: {  	_ =	shalt  }
0x79: {  	_ =	shalt  }
0x7a: {  	_ =	shalt  }
0x7b: {  	_ =	shalt  }
0x7c: {  	_ =	shalt  }
0x7d: {  	_ =	shalt  }
0x7e: {  	_ =	shalt  }
0x7f: {  	_ =	shalt  }
0x80: {  	_ =	shalt  }
0x81: {  	_ =	shalt  }
0x82: {  	_ =	shalt  }
0x83: {  	_ =	shalt  }
0x84: {  	_ =	shalt  }
0x85: {  	_ =	shalt  }
0x86: {  	_ =	shalt  }
0x87: {  	_ =	shalt  }
.Lfunc_end0:
.L_simem_size_0:
called_computation.7_lowered:
.L_overlay_start_0:
0x88: {  	s2 =	sld [smem:$0x3FD9]  }
0x89: {  	s3 =	sld [smem:$0x3FFE];
	_ =	sdelay $0x1  }
0x8a: {  	s1 =	srdreg.scid  }
0x8b: {  	s0 =	sand.u32 $0x1, s1  }
0x8c: {  	s17 =	sshll.u32 s0, $0xA;
	s2 =	sadd.s32 s3, s2  }
0x8d: {  	s2 =	sadd.s32 s2, s17  }
0x8e: {  	[smem:$0x3FBB] =	sst s2  }
0x8f: {  	_ = 	snop  }
0x90: {  	(tm) =	ssettm $0x1  }
0x91: {  	s18 =	sld [smem:$0x3FFB];
	_ =	sdelay $0x3  }
0x92: {  	_ =	strace s18  }
0x93: {  	s2 =	sld [smem:$0x3FFC];
	_ =	sdelay $0x3  }
0x94: {  	_ =	strace s2  }
0x95: {  	s2 =	sld [smem:$0x3FFD];
	_ =	sdelay $0x3  }
0x96: {  	_ =	strace s2  }
0x97: {  	_ =	strace $0x8FFFFFFF  }
0x98: {  	s19 =	sld [smem:$0x3FDB];
	_ =	sdelay $0x1  }
0x99: {  	s20 =	simm.s32 $_scs_section_size  }
0x9a: {  	s4 =	simm.s32 $_size__tile_overlayer_lowered;
	s5 =	simm.s32 $_tile_overlayer_lowered  }
0x9b: {  	s6 =	simm.s32 $0x1BFF;
	s21 =	sshll.u32 s5, $0x1;
	s3 =	sadd.s32 s20, s19  }
0x9c: {  	s22 =	simm.s32 $0x0;
	s4 =	sshll.u32 s4, $0x1;
	s5 =	sadd.s32 s21, s3  }
0x9d: {  	[timem:s22], [sflag:s6] =	dma.local [hbm:s5], s4  }
0x9e: {  	_ =	swait.ge [sflag:s6], s4  }
0x9f: {  	s4 =	ssub.s32 $0x0, s4;
	[sflag:s6] =	ssyncset.done $0x0  }
0xa0: {  	[sflag:s6] =	ssyncadd.s32 s4;
	_ =	sdelay $0x1  }
0xa1: {  	s23 =	simm.s32 $0x1B8B  }
0xa2: {  	_ =	swait.ge [sflag:s23], $0x1  }
0xa3: {  	[sflag:s23] =	ssyncset.done $0x0  }
0xa4: {  	[sflag:s23] =	ssyncadd.s32 $0xFFFFFFFF  }
0xa5: {  	s4 =	sld [smem:$0x0]  }
0xa6: {  	s5 =	sand.u32 $0xFFFFFFFE, s1  }
0xa7: {  	p0 =	sne.s32 s1, s5  }
0xa8: {  	s5 =	sshll.u32 @p0 s5, $0xE  }
0xa9: {  	s5 =	sadd.s32 @p0 $0x11B8D, s5;
	s6 =	sshll.u32 @p0 s4, $0x11  }
0xaa: {  	s5 =	sor.u32 @p0 s6, s5  }
0xab: {  	[sflag:s5] =	ssyncadd.remote.s32 @p0 $0x1;
	_ =	sdelay $0x1  }
0xac: {  	s5 =	simm.s32 @p0 $0x1B8D  }
0xad: {  	_ =	swait.eq @p0 [sflag:s5], $0x1  }
0xae: {  	[sflag:s5] =	ssyncadd.s32 @p0 $0xFFFFFFFF  }
0xaf: {  	s6 =	sshll.u32 @!p0 s1, $0xE  }
0xb0: {  	s6 =	sor.u32 @!p0 $0x4000, s6;
	s5 =	simm.s32 @!p0 $0x1B8D  }
0xb1: {  	s4 =	sshll.u32 @!p0 s4, $0x11;
	s6 =	sadd.s32 @!p0 $0x11B8D, s6;
	_ =	swait.eq @!p0 [sflag:s5], $0x1  }
0xb2: {  	s4 =	sor.u32 @!p0 s4, s6;
	[sflag:s5] =	ssyncadd.s32 @!p0 $0xFFFFFFFF  }
0xb3: {  	s25 =	simm.s32 $0x1B8E;
	s24 =	sld [smem:$0x3FFE];
	[sflag:s4] =	ssyncadd.remote.s32 @!p0 $0x1  }
0xb4: {  	s26 =	simm.s32 $execute0_lowered;
	[smem:$0x3FD2] =	sst s25  }
0xb5: {  	s5 =	sshll.u32 s26, $0x1;
	_ =	strace $0x80000058;
	[dreg:$0x1] =	wrdreg $0xFFFFFFFF  }
0xb6: {  	s28 =	simm.s32 $_size_execute0_lowered;
	s3 =	sadd.s32 s3, s5;
	[dreg:$0x0] =	wrdreg $0x0  }
0xb7: {  	s5 =	sshll.u32 s28, $0x1;
	[dreg:$0x2] =	wrdreg s3  }
0xb8: {  	[dreg:$0x3] =	wrdreg s5  }
0xb9: {  	[dreg:$0x4] =	wrdreg $0xC0  }
0xba: {  	_ =	task [dreg:s22], $0x5FFFF  }
0xbb: {  	[dreg:$0x1] =	wrdreg $0xFFFFFFFF  }
0xbc: {  	[dreg:$0x0] =	wrdreg $0x60  }
0xbd: {  	[dreg:$0x2] =	wrdreg s24  }
0xbe: {  	[dreg:$0x3] =	wrdreg $0xA  }
0xbf: {  	_ =	task.clear_ibuf [dreg:s22], $0x4FFFF;
	_ =	strace $0x90000058  }
0xc0: {  	s29 =	simm.s32 $0xA;
	_ =	strace $0x8000005A  }
0xc1: {  	_ =	swait.ge [sflag:s29], $0x1  }
0xc2: {  	[sflag:s29] =	ssyncadd.s32 $0xFFFFFFFF  }
0xc3: {  	_ =	strace $0x9000005A  }
0xc4: {  	_ =	sfence  }
0xc5: {  	s30 =	sld [smem:$0x0];
	_ =	sdelay $0x2  }
0xc6: {  	s31 =	sshll.u32 s1, $0xD;
	s1 =	sshrl.u32 s1, $0x2  }
0xc7: {  	s4 =	sand.u32 $0x4000, s31;
	s1 =	sadd.s32 s1, s30  }
0xc8: {  	s0 =	sor.u32 s4, s0;
	s1 =	sshll.u32 s1, $0x11  }
0xc9: {  	s0 =	sor.u32 s1, s0  }
0xca: {  	s0 =	sadd.s32 $0x8F2B, s0  }
0xcb: {  	[sflag:s0] =	ssyncadd.remote.s32 $0x1  }
0xcc: {  	_ =	sfence.sel $0xFFFF  }
0xcd: {  	[dreg:$0x0] =	wrdreg $0xFFFFFFFF;
	(pc) =	sbr.abs _section_cstart, $3  }
0xce: {  	[dreg:$0x1] =	wrdreg $0xFFFFFFFF  }
0xcf: {  	_ =	task.clear_ibuf [dreg:s22], $0x2FFFF;
	_ =	strace $0x9FFFFFFF  }
0xd0: {  	(tm) =	ssettm $0x7FFFFFFF  }
0xd1: {  	_ =	shalt  }
tec
execute0_lowered:
.L_overlay_start_1:
0x0: {  	(tag) =	ssettag $0x1  }
0x1: {  	s1 =	srdreg.scid;
	s0 =	stileid.u32  }
0x2: {  	s6 =	sand.u32 $0x1, s1;
	s30 =	sshll.u32 s0, $0x1  }
0x3: {  	s8 =	rddreg [dreg:$0x0];
	s7 =	sor.u32 s6, s30  }
0x4: {  	s2 =	simm.s32 $0x0;
	s1 =	rddreg [dreg:$0x1];
	s3 =	smul.u32 $0x60, s7  }
0x5: {  	[smem:$0x7FF] =	sst s2;
	s5 =	sadd.s32 $0x89C00, s8  }
0x6: {  	_ =	strace $0x80000059;
	s10 =	ssub.s32 $0x2, s6;
	s3 =	sadd.s32 s3, s8  }
0x7: {  	s6 =	simm.s32 $0x300;
	s4 =	sadd.s32 $0x45C00, s3;
	s3 =	simm.s32 $0x2  }
0x8: {  	[tilespmem:s2], [sflag:$0x2] =	stream.linear.gather [hbm4b:s4+s2], $0x300, $0x38;
	[tilespmem:$0x6300] =	vst v63  }
0x9: {  	s9 =	smul.u32 $0xC00, s7;
	s11 =	sshrl.u32 s10, $0x1;
	_ =	swait.ge [sflag:s3], $0x300  }
0xa: {  	s7 =	simm.s32 $0x1;
	s31 =	ssub.s32 s10, s11;
	[sflag:s3] =	ssyncset.done $0x0  }
0xb: {  	s8 =	sadd.s32 s9, s8;
	s9 =	smax.u32 s31, $0x1;
	[sflag:s3] =	ssyncadd.s32 $0xFFFFFD00  }
0xc: {  	[tilespmem:s6], [sflag:$0x1] =	stream.indirect.gather [hbm4b:s5+s6], $0x20, s2, s6, $0xb8;
	[tilespmem:$0x6300] =	vst v63  }
0xd: {  	p0 =	sne.s32 s9, $0x1;
	_ =	swait.ge [sflag:s7], $0x6000  }
.Ltmp0:
0xe: {  	[sflag:s7] =	ssyncset.done $0x0;
	(pc) =	sbr.rel @!p0 .LBB2_2-.Ltmp0, $4  }
0xf: {  	s8 =	sadd.s32 $0x92400, s8;
	[sflag:s7] =	ssyncadd.s32 $0xFFFFA000  }
0x10: {  	[hbm4b:s8+s2] =	stream.linear.scatter [tilespmem:s6], [sflag:$0x2], $0x6000, $0x38;
	[tilespmem:$0x6300] =	vst v63  }
0x11: {  	_ =	swait.ge [sflag:s3], $0x6000  }
0x12: {  	s9 =	sadd.s32 $0xFFFFFFFF, s9;
	[sflag:s3] =	ssyncset.done $0x0  }
.LBB2_1:
0x13: {  	p0 =	sne.s32 s9, $0x1;
	s9 =	sadd.s32 $0xFFFFFFFF, s9;
	[sflag:s3] =	ssyncadd.s32 $0xFFFFA000  }
0x14: {  	[tilespmem:s2], [sflag:$0x2] =	stream.linear.gather [hbm4b:s4+s2], $0x300, $0x38;
	[tilespmem:$0x6300] =	vst v63  }
0x15: {  	_ =	swait.ge [sflag:s3], $0x300  }
0x16: {  	[sflag:s3] =	ssyncset.done $0x0  }
0x17: {  	[sflag:s3] =	ssyncadd.s32 $0xFFFFFD00  }
0x18: {  	[tilespmem:s6], [sflag:$0x1] =	stream.indirect.gather [hbm4b:s5+s6], $0x20, s2, s6, $0xb8;
	[tilespmem:$0x6300] =	vst v63  }
0x19: {  	_ =	swait.ge [sflag:s7], $0x6000  }
.Ltmp1:
0x1a: {  	[sflag:s7] =	ssyncset.done $0x0;
	(pc) =	sbr.rel @p0 .LBB2_1-.Ltmp1, $4  }
0x1b: {  	[sflag:s7] =	ssyncadd.s32 $0xFFFFA000  }
0x1c: {  	[hbm4b:s8+s2] =	stream.linear.scatter [tilespmem:s6], [sflag:$0x2], $0x6000, $0x38;
	[tilespmem:$0x6300] =	vst v63  }
0x1d: {  	_ =	swait.ge [sflag:s3], $0x6000  }
0x1e: {  	[sflag:s3] =	ssyncset.done $0x0  }
.LBB2_2:
0x1f: {  	[sflag:s3] =	ssyncadd.s32 $0xFFFFA000  }
0x20: {  	_ =	sfence.sel $0x180000  }
0x21: {  	[bflag:$0x0] =	sbarrier.arrive $0xFFFF  }
0x22: {  	p0 =	sne.s32 s0, $0x0;
	_ =	strace $0x90000059  }
0x23: {  	s0 =	sadd.s32 @!p0 $0x100000, s1;
	[bflag:$0x2] =	sbarrier.arrive $0xFFFF  }
0x24: {  	[sflag:s0] =	ssyncadd.tile.s32 @!p0 $0x1;
	_ =	shalt  }
.Lfunc_end2:
_tile_overlayer_lowered:
.L_overlay_start_2:
0x25: {  	(tag) =	ssettag $0x2  }
0x26: {  	s0 =	rddreg [dreg:$0x0];
	s2 =	stileid.u32  }
0x27: {  	s1 =	rddreg [dreg:$0x1];
	p0 =	sne.s32 s2, $0x0  }
0x28: {  	s3 =	rddreg [dreg:$0x2];
	[bflag:$0x3] =	sbarrier.arrive $0xFFFF;
	s2 =	simm.s32 @!p0 $0x1C02  }
0x29: {  	[timem:s3], [sflag:s2] =	dma.local @!p0 [hbm:s0], s1  }
0x2a: {  	s0 =	simm.s32 @!p0 $0x2  }
0x2b: {  	_ =	swait.ge @!p0 [sflag:s0], s1  }
0x2c: {  	s1 =	ssub.s32 @!p0 $0x0, s1;
	[sflag:s0] =	ssyncset.done @!p0 $0x0  }
0x2d: {  	[sflag:s0] =	ssyncadd.s32 @!p0 s1  }
0x2e: {  	[bflag:$0x3] =	sbarrier.arrive $0xFFFF  }
0x2f: {  	_ =	shalt  }

</sc_bundles>
